<compile_context>
chip_gen: v7x
topology: tpu7x:2x2x1
jax: 0.10.2.dev20260603
libtpu: 0.0.44.dev20260713+nightly
codegen_flags: <defaults>
</compile_context>

<pallas_src>
import jax
import jax.numpy as jnp
from jax import lax
from jax.experimental import pallas as pl
from jax.experimental.pallas import tpu as pltpu
from jax.experimental.pallas import tpu_sc as plsc

B, T, E = 32, 2048, 64
V = 1000000
NC, NS, L = 2, 16, 16
NW = NC * NS
NTOK = B * T
NBLK = (V + 127) // 128
LASTB = NBLK - 1
W = 8
CH = 2048
NCH = NTOK // CH
NDUMMY = 512
NOUT = NTOK + NDUMMY
STAGE = 144
TRA = CH + 128

_i32 = jnp.int32


def _iota():
    return lax.iota(_i32, L)


def _sc_body(idx_hbm, tokT_hbm, tail_hbm, out_hbm, wlj_hbm, wlv_hbm,
             icb, wvb, wlj, wlv, dj, dv, slab, stage, jb, jbf,
             sem_slab, sem_sc):
    cid = lax.axis_index("c")
    sid = lax.axis_index("s")
    w = sid * NC + cid
    lo = (w * NBLK) >> 5
    hi = ((w + 1) * NBLK) >> 5
    is_last = w == NW - 1
    iota = _iota()
    dummy = NTOK + w * 16 + iota

    def chunk_a(c, carry):
        cnt, nfl = carry
        pltpu.sync_copy(idx_hbm.at[pl.ds(pl.multiple_of(c * CH, CH), CH)], icb)

        def sgroup_a(sg, carry):
            cnt, nfl = carry
            for u in range(8):
                g = sg * 8 + u
                vv = icb[pl.ds(g * L, L)]
                b = lax.shift_right_logical(vv, 7)
                m = (b >= lo) & (b < hi)
                jv = (c * CH + g * L) + iota
                pc = plsc.cumsum(m.astype(_i32))
                offs = jnp.where(m, cnt + pc - 1, TRA + iota)
                plsc.store_scatter(wlj, [offs], jv)
                plsc.store_scatter(wlv, [offs], vv)
                cnt = cnt + plsc.all_reduce_population_count(m)
            full = cnt[0] >= CH

            @pl.when(full)
            def _flush():
                nf = nfl[0]
                pltpu.sync_copy(wlj.at[pl.ds(0, CH)],
                                wlj_hbm.at[w, pl.ds(pl.multiple_of(nf * CH, CH), CH)])
                pltpu.sync_copy(wlv.at[pl.ds(0, CH)],
                                wlv_hbm.at[w, pl.ds(pl.multiple_of(nf * CH, CH), CH)])
                for q in range(8):
                    wlj[pl.ds(q * L, L)] = wlj[pl.ds(CH + q * L, L)]
                    wlv[pl.ds(q * L, L)] = wlv[pl.ds(CH + q * L, L)]

            cnt = jnp.where(full, cnt - CH, cnt)
            nfl = jnp.where(full, nfl + 1, nfl)
            return cnt, nfl

        return lax.fori_loop(0, CH // L // 8, sgroup_a, (cnt, nfl))

    zero = jnp.zeros((L,), _i32)
    cnt, nfl = lax.fori_loop(0, NCH, chunk_a, (zero, zero))

    @pl.when(cnt[0] > 0)
    def _final_flush():
        nf = nfl[0]
        pltpu.sync_copy(wlj.at[pl.ds(0, CH)],
                        wlj_hbm.at[w, pl.ds(pl.multiple_of(nf * CH, CH), CH)])
        pltpu.sync_copy(wlv.at[pl.ds(0, CH)],
                        wlv_hbm.at[w, pl.ds(pl.multiple_of(nf * CH, CH), CH)])

    nwl = nfl * CH + cnt
    nwl_s = nwl[0]
    nwin = ((hi - lo) + (W - 1)) >> 3
    nchw = (nwl_s + (CH - 1)) >> 11
    pltpu.sync_copy(wlj_hbm.at[w, pl.ds(0, CH)], icb)
    pltpu.sync_copy(wlv_hbm.at[w, pl.ds(0, CH)], wvb)

    def window_b(t, scnt):
        wlo = lo + t * W
        for s in range(W):
            bb = wlo + s

            @pl.when((bb < hi) & (bb != LASTB))
            def _go(bb=bb, s=s):
                colstart = pl.multiple_of(bb * 128, 128)
                pltpu.async_copy(
                    tokT_hbm.at[:, pl.ds(colstart, 128)],
                    slab.at[pl.ds(64 * s, 64)],
                    sem_slab,
                )

            @pl.when(bb == LASTB)
            def _go_tail(s=s):
                pltpu.async_copy(
                    tail_hbm, slab.at[pl.ds(64 * s, 64)], sem_slab
                )

        for s in range(W):
            bb = wlo + s

            @pl.when(bb < hi)
            def _wait(s=s):
                pltpu.make_async_copy(
                    tokT_hbm.at[:, pl.ds(0, 128)],
                    slab.at[pl.ds(64 * s, 64)],
                    sem_slab,
                ).wait()

        def chunk_b(ch, scnt):
            @pl.when((ch > 0) | (nchw > 1))
            def _load():
                pltpu.sync_copy(
                    wlj_hbm.at[w, pl.ds(pl.multiple_of(ch * CH, CH), CH)], icb)
                pltpu.sync_copy(
                    wlv_hbm.at[w, pl.ds(pl.multiple_of(ch * CH, CH), CH)], wvb)

            def group_b(g, dcnt):
                jv = icb[pl.ds(g * L, L)]
                vv = wvb[pl.ds(g * L, L)]
                b = lax.shift_right_logical(vv, 7)
                pos_ok = ((ch * CH + g * L) + iota) < nwl_s
                m = (b >= wlo) & (b < wlo + W) & pos_ok
                pc = plsc.cumsum(m.astype(_i32))
                offs = jnp.where(m, dcnt + pc - 1, CH + L + iota)
                plsc.store_scatter(dj, [offs], jv)
                plsc.store_scatter(dv, [offs], vv)
                return dcnt + plsc.all_reduce_population_count(m)

            dcnt = lax.fori_loop(0, CH // L, group_b, zero)
            dcnt_s = dcnt[0]

            def extract(k, scnt):
                jvec = dj[pl.ds(k * L, L)]
                vvec = dv[pl.ds(k * L, L)]
                valid = (k * L + iota) < dcnt_s
                bvec = lax.shift_right_logical(vvec, 7)
                slot = jnp.where(valid, bvec - wlo, 0)
                col = vvec & 127
                jout = jnp.where(valid, jvec, dummy)
                rowbase = slot * 64
                scnt_s = scnt[0]
                srow = scnt_s + iota

                def elem(ei, carry):
                    for q in range(4):
                        e = ei * 4 + q
                        rowv = rowbase + e
                        val = plsc.load_gather(slab, [rowv, col])
                        esplat = jnp.full((L,), 0, _i32) + e
                        plsc.store_scatter(stage, [srow, esplat], val)
                    return carry

                lax.fori_loop(0, E // 4, elem, 0)
                jb[pl.ds(scnt_s, L)] = jout
                scnt = scnt + L
                fire = scnt[0] >= 128

                @pl.when(fire)
                def _fire():
                    for q in range(8):
                        jbf[0, pl.ds(q * L, L)] = jb[pl.ds(q * L, L)]
                    pltpu.async_copy(
                        stage.at[pl.ds(0, 128)],
                        out_hbm.at[jbf.at[0]],
                        sem_sc,
                    ).wait()
                    rem = scnt[0] - 128

                    def shift(r, carry):
                        for q in range(8):
                            stage[r, pl.ds(q * L, L)] = (
                                stage[128 + r, pl.ds(q * L, L)]
                            )
                        return carry

                    lax.fori_loop(0, rem, shift, 0)
                    jb[pl.ds(0, L)] = jb[pl.ds(128, L)]

                return jnp.where(fire, scnt - 128, scnt)

            ngr = (dcnt_s + (L - 1)) >> 4
            return lax.fori_loop(0, ngr, extract, scnt)

        return lax.fori_loop(0, nchw, chunk_b, scnt)

    scnt = lax.fori_loop(0, nwin, window_b, zero)

    @pl.when(scnt[0] > 0)
    def _drain():
        npad = (128 - scnt[0]) >> 4

        def pad(p, carry):
            jb[pl.ds(scnt[0] + p * L, L)] = dummy
            return carry

        lax.fori_loop(0, npad, pad, 0)
        for q in range(8):
            jbf[0, pl.ds(q * L, L)] = jb[pl.ds(q * L, L)]
        pltpu.async_copy(
            stage.at[pl.ds(0, 128)], out_hbm.at[jbf.at[0]], sem_sc
        ).wait()


@jax.jit
def _emb_gather(idx_flat, tokT, tail_pad):
    mesh = plsc.VectorSubcoreMesh(
        core_axis_name="c", subcore_axis_name="s", num_cores=NC, num_subcores=NS
    )
    f = pl.kernel(
        _sc_body,
        out_type=(
            jax.ShapeDtypeStruct((NOUT, 128), jnp.float32),
            jax.ShapeDtypeStruct((NW, NTOK), _i32),
            jax.ShapeDtypeStruct((NW, NTOK), _i32),
        ),
        mesh=mesh,
        scratch_types=[
            pltpu.VMEM((CH,), _i32),
            pltpu.VMEM((CH,), _i32),
            pltpu.VMEM((TRA + L,), _i32),
            pltpu.VMEM((TRA + L,), _i32),
            pltpu.VMEM((CH + 2 * L,), _i32),
            pltpu.VMEM((CH + 2 * L,), _i32),
            pltpu.VMEM((W * 64, 128), jnp.float32),
            pltpu.VMEM((STAGE, 128), jnp.float32),
            pltpu.VMEM((STAGE,), _i32),
            pltpu.VMEM((1, 128), _i32),
            pltpu.SemaphoreType.DMA,
            pltpu.SemaphoreType.DMA,
        ],
        compiler_params=pltpu.CompilerParams(needs_layout_passes=False),
    )
    out, _, _ = f(idx_flat, tokT, tail_pad)
    return out


def _tc_body(g_ref, p_ref, o_ref):
    o_ref[0] = g_ref[:, :E] + p_ref[...]


@jax.jit
def _pos_add(g1, pos_table):
    return pl.pallas_call(
        _tc_body,
        grid=(B, T // 256),
        in_specs=[
            pl.BlockSpec((256, 128), lambda b, t: (b * (T // 256) + t, 0)),
            pl.BlockSpec((256, E), lambda b, t: (t, 0)),
        ],
        out_specs=pl.BlockSpec((1, 256, E), lambda b, t: (b, t, 0)),
        out_shape=jax.ShapeDtypeStruct((B, T, E), jnp.float32),
    )(g1, pos_table)


def kernel(idx, token_table, pos_table):
    idx_flat = idx.astype(_i32).reshape(-1)
    tokT = token_table.T
    tail_pad = jnp.concatenate(
        [token_table[LASTB * 128:, :].T,
         jnp.zeros((E, 128 - (V - LASTB * 128)), jnp.float32)], axis=1)
    g1 = _emb_gather(idx_flat, tokT, tail_pad)
    return _pos_add(g1, pos_table)

# --- scband reference (transcript-rebuilt; emitter-appended) ---
"""Pipeline reference for scband-input-embedding-18580028523168 (READ-ONLY COPY).

The authoritative reference and input builder live on the scoring server;
editing this copy changes nothing except your own understanding.
"""

import jax, jax.numpy as jnp
import numpy as np

VOCAB = 1000000
EMBED = 64
BLOCK = 2048
B, T = 32, 2048

def setup_inputs(seed: int = 0) -> dict:
    key = jax.random.key(seed)
    k1, k2, k3 = jax.random.split(key, 3)
    idx = jax.random.randint(k1, (B, T), 0, VOCAB, dtype=jnp.int64 if jax.config.jax_enable_x64 else jnp.int32)
    token_table = jax.random.normal(k2, (VOCAB, EMBED), dtype=jnp.float32)
    pos_table = jax.random.normal(k3, (BLOCK, EMBED), dtype=jnp.float32)
    return {"idx": idx, "token_table": token_table, "pos_table": pos_table}

def reference(idx, token_table, pos_table):
    # token embedding gather: (B, T, C)
    tok_emb = jnp.take(token_table, idx, axis=0)
    # learned positional embedding: (T, C), broadcast over batch
    t = idx.shape[1]
    pos = jnp.arange(t)
    pos_emb = jnp.take(pos_table, pos, axis=0)
    return tok_emb + pos_emb[None, :, :]

if __name__ == "__main__":
    import jax
    _d = setup_inputs()
    print(jax.jit(kernel)(*tuple(_d.values())))

</pallas_src>

<mosaic_0001>
#map = affine_map<(d0, d1) -> (0)>
#map1 = affine_map<(d0, d1) -> (0, 0)>
module attributes {stable_mosaic.version = 14 : i64} {
  func.func @_sc_body(%arg0: i32, %arg1: i32, %arg2: memref<65536xi32, #tpu.memory_space<hbm>>, %arg3: memref<64x1000000xf32, #tpu.memory_space<hbm>>, %arg4: memref<64x128xf32, #tpu.memory_space<hbm>>, %arg5: memref<66048x128xf32, #tpu.memory_space<hbm>>, %arg6: memref<32x65536xi32, #tpu.memory_space<hbm>>, %arg7: memref<32x65536xi32, #tpu.memory_space<hbm>>, %arg8: memref<2048xi32, #tpu.memory_space<vmem>>, %arg9: memref<2048xi32, #tpu.memory_space<vmem>>, %arg10: memref<2192xi32, #tpu.memory_space<vmem>>, %arg11: memref<2192xi32, #tpu.memory_space<vmem>>, %arg12: memref<2080xi32, #tpu.memory_space<vmem>>, %arg13: memref<2080xi32, #tpu.memory_space<vmem>>, %arg14: memref<512x128xf32, #tpu.memory_space<vmem>>, %arg15: memref<144x128xf32, #tpu.memory_space<vmem>>, %arg16: memref<144xi32, #tpu.memory_space<vmem>>, %arg17: memref<1x128xi32, #tpu.memory_space<vmem>>, %arg18: memref<!tpu.dma_semaphore, #tpu.memory_space<semaphore_mem>>, %arg19: memref<!tpu.dma_semaphore, #tpu.memory_space<semaphore_mem>>) attributes {dimension_semantics = [#tpu.dimension_semantics<core_parallel>, #tpu.dimension_semantics<subcore_parallel>], iteration_bounds = array<i64: 2, 16>, scalar_prefetch = 0 : i64, scratch_operands = 12 : i64, tpu.core_type = #tpu.core_type<sc_vector_subcore>, window_params = [{transform_indices = #map}, {transform_indices = #map1}, {transform_indices = #map1}, {transform_indices = #map1}, {transform_indices = #map1}, {transform_indices = #map1}]} {
    %mul3A = arith.constant 2 : i32
    %mul3A_0 = arith.muli %arg1, %mul3A : i32
    %add3A = arith.addi %mul3A_0, %arg0 : i32
    %mul3A_1 = arith.constant 7813 : i32
    %mul3A_2 = arith.muli %add3A, %mul3A_1 : i32
    %shift_right_arithmetic3A = arith.constant 5 : i32
    %shift_right_arithmetic3A_3 = arith.shrsi %mul3A_2, %shift_right_arithmetic3A : i32
    %add3A_4 = arith.constant 1 : i32
    %add3A_5 = arith.addi %add3A, %add3A_4 : i32
    %mul3A_6 = arith.constant 7813 : i32
    %mul3A_7 = arith.muli %add3A_5, %mul3A_6 : i32
    %shift_right_arithmetic3A_8 = arith.constant 5 : i32
    %shift_right_arithmetic3A_9 = arith.shrsi %mul3A_7, %shift_right_arithmetic3A_8 : i32
    %eq3A = arith.constant 31 : i32
    %eq3A_10 = arith.cmpi eq, %add3A, %eq3A : i32
    %iota3A = tpu.iota {dimensions = array<i32: 0>} : vector<16xi32>
    %mul3A_11 = arith.constant 16 : i32
    %mul3A_12 = arith.muli %add3A, %mul3A_11 : i32
    %add3A_13 = arith.constant 65536 : i32
    %add3A_14 = arith.addi %add3A_13, %mul3A_12 : i32
    %add3A_15 = vector.broadcast %add3A_14 : i32 to vector<16xi32>
    %add3A_16 = arith.addi %add3A_15, %iota3A : vector<16xi32>
    %broadcast_in_dim3A = arith.constant 0 : i32
    %broadcast_in_dim3A_17 = vector.broadcast %broadcast_in_dim3A : i32 to vector<16xi32>
    %scan3A = arith.constant 0 : i32
    %scan3A_18 = arith.constant 32 : i32
    %scan3A_19 = arith.addi %scan3A, %scan3A_18 : i32
    %scan3A_20 = arith.constant 1 : i32
    %scan3A_21:2 = scf.for %scan3A_56 = %scan3A to %scan3A_19 step %scan3A_20 iter_args(%scan3A_57 = %broadcast_in_dim3A_17, %scan3A_58 = %broadcast_in_dim3A_17) -> (vector<16xi32>, vector<16xi32>)  : i32 {
      %mul3A_59 = arith.constant 2048 : i32
      %mul3A_60 = arith.muli %scan3A_56, %mul3A_59 : i32
      %multiple_of3A = tpu.assume_multiple %mul3A_60, 2048 : i32
      "tpu.region"() ({
        %run_scoped3A = tpu.sem_alloc : memref<!tpu.dma_semaphore, #tpu.memory_space<semaphore_mem>>
        %dma_start3A = tpu.memref_slice %arg2[%multiple_of3A] : memref<65536xi32, #tpu.memory_space<hbm>> -> memref<2048xi32, #tpu.memory_space<hbm>>
        %dma_start3A_67 = tpu.memref_slice %arg2[%multiple_of3A] : memref<65536xi32, #tpu.memory_space<hbm>> -> memref<2048xi32, #tpu.memory_space<hbm>>
        tpu.enqueue_dma source(%dma_start3A_67 : memref<2048xi32, #tpu.memory_space<hbm>>) target(%arg8 : memref<2048xi32, #tpu.memory_space<vmem>>) target_semaphore(%run_scoped3A : memref<!tpu.dma_semaphore, #tpu.memory_space<semaphore_mem>>)
        %dma_wait3A = tpu.memref_slice %arg2[%multiple_of3A] : memref<65536xi32, #tpu.memory_space<hbm>> -> memref<2048xi32, #tpu.memory_space<hbm>>
        %dma_wait3A_68 = tpu.memref_slice %arg2[%multiple_of3A] : memref<65536xi32, #tpu.memory_space<hbm>> -> memref<2048xi32, #tpu.memory_space<hbm>>
        tpu.wait_dma2 semaphore(%run_scoped3A : memref<!tpu.dma_semaphore, #tpu.memory_space<semaphore_mem>>) src(%dma_wait3A_68 : memref<2048xi32, #tpu.memory_space<hbm>>) dst(%arg8 : memref<2048xi32, #tpu.memory_space<vmem>>)
        tpu.yield
      }) : () -> ()
      %scan3A_61 = arith.constant 0 : i32
      %scan3A_62 = arith.constant 16 : i32
      %scan3A_63 = arith.addi %scan3A_61, %scan3A_62 : i32
      %scan3A_64 = arith.constant 1 : i32
      %scan3A_65:2 = scf.for %scan3A_67 = %scan3A_61 to %scan3A_63 step %scan3A_64 iter_args(%scan3A_68 = %scan3A_57, %scan3A_69 = %scan3A_58) -> (vector<16xi32>, vector<16xi32>)  : i32 {
        %mul3A_70 = arith.constant 8 : i32
        %mul3A_71 = arith.muli %scan3A_67, %mul3A_70 : i32
        %add3A_72 = arith.constant 0 : i32
        %add3A_73 = arith.addi %mul3A_71, %add3A_72 : i32
        %mul3A_74 = arith.constant 16 : i32
        %mul3A_75 = arith.muli %add3A_73, %mul3A_74 : i32
        %get3A = arith.index_cast %mul3A_75 : i32 to index
        %get3A_76 = tpu.vector_load %arg8[%get3A] {strides = array<i32>} : memref<2048xi32, #tpu.memory_space<vmem>>, vector<16xi32>,
        %shift_right_logical3A = arith.constant 7 : i32
        %shift_right_logical3A_77 = vector.broadcast %shift_right_logical3A : i32 to vector<16xi32>
        %shift_right_logical3A_78 = arith.shrui %get3A_76, %shift_right_logical3A_77 : vector<16xi32>
        %ge3A = vector.broadcast %shift_right_arithmetic3A_3 : i32 to vector<16xi32>
        %ge3A_79 = arith.cmpi sge, %shift_right_logical3A_78, %ge3A : vector<16xi32>
        %lt3A = vector.broadcast %shift_right_arithmetic3A_9 : i32 to vector<16xi32>
        %lt3A_80 = arith.cmpi slt, %shift_right_logical3A_78, %lt3A : vector<16xi32>
        %and3A = arith.andi %ge3A_79, %lt3A_80 : vector<16xi1>
        %mul3A_81 = arith.constant 2048 : i32
        %mul3A_82 = arith.muli %scan3A_56, %mul3A_81 : i32
        %mul3A_83 = arith.constant 16 : i32
        %mul3A_84 = arith.muli %add3A_73, %mul3A_83 : i32
        %add3A_85 = arith.addi %mul3A_82, %mul3A_84 : i32
        %add3A_86 = vector.broadcast %add3A_85 : i32 to vector<16xi32>
        %add3A_87 = arith.addi %add3A_86, %iota3A : vector<16xi32>
        %convert_element_type3A_88 = arith.extui %and3A : vector<16xi1> to vector<16xi32>
        %broadcast_in_dim3A_89 = arith.constant true
        %broadcast_in_dim3A_90 = vector.broadcast %broadcast_in_dim3A_89 : i1 to vector<16xi1>
        %masked_cumsum3A = tpu.scan <sum>, %convert_element_type3A_88 masked %broadcast_in_dim3A_90 : vector<16xi32>, vector<16xi1> -> vector<16xi32>
        %add3A_91 = arith.addi %scan3A_68, %masked_cumsum3A : vector<16xi32>
        %sub3A_92 = arith.constant 1 : i32
        %sub3A_93 = vector.broadcast %sub3A_92 : i32 to vector<16xi32>
        %sub3A_94 = arith.subi %add3A_91, %sub3A_93 : vector<16xi32>
        %add3A_95 = arith.constant 2176 : i32
        %add3A_96 = vector.broadcast %add3A_95 : i32 to vector<16xi32>
        %add3A_97 = arith.addi %add3A_96, %iota3A : vector<16xi32>
        %select_n3A = arith.select %and3A, %sub3A_94, %add3A_97 : vector<16xi1>, vector<16xi32>
        tpu.vector_store_idx %arg10[%select_n3A], %add3A_87 : memref<2192xi32, #tpu.memory_space<vmem>>[vector<16xi32>], vector<16xi32>,
        tpu.vector_store_idx %arg11[%select_n3A], %get3A_76 : memref<2192xi32, #tpu.memory_space<vmem>>[vector<16xi32>], vector<16xi32>,
        %all_reduce_population_count3A = tpu.all_reduce %and3A {dim = 0 : i64, kind = #tpu.reduction_kind<sum>} : vector<16xi1> -> vector<16xi32>
        %add3A_98 = arith.addi %scan3A_68, %all_reduce_population_count3A : vector<16xi32>
        %mul3A_99 = arith.constant 8 : i32
        %mul3A_100 = arith.muli %scan3A_67, %mul3A_99 : i32
        %add3A_101 = arith.constant 1 : i32
        %add3A_102 = arith.addi %mul3A_100, %add3A_101 : i32
        %mul3A_103 = arith.constant 16 : i32
        %mul3A_104 = arith.muli %add3A_102, %mul3A_103 : i32
        %get3A_105 = arith.index_cast %mul3A_104 : i32 to index
        %get3A_106 = tpu.vector_load %arg8[%get3A_105] {strides = array<i32>} : memref<2048xi32, #tpu.memory_space<vmem>>, vector<16xi32>,
        %shift_right_logical3A_107 = arith.constant 7 : i32
        %shift_right_logical3A_108 = vector.broadcast %shift_right_logical3A_107 : i32 to vector<16xi32>
        %shift_right_logical3A_109 = arith.shrui %get3A_106, %shift_right_logical3A_108 : vector<16xi32>
        %ge3A_110 = vector.broadcast %shift_right_arithmetic3A_3 : i32 to vector<16xi32>
        %ge3A_111 = arith.cmpi sge, %shift_right_logical3A_109, %ge3A_110 : vector<16xi32>
        %lt3A_112 = vector.broadcast %shift_right_arithmetic3A_9 : i32 to vector<16xi32>
        %lt3A_113 = arith.cmpi slt, %shift_right_logical3A_109, %lt3A_112 : vector<16xi32>
        %and3A_114 = arith.andi %ge3A_111, %lt3A_113 : vector<16xi1>
        %mul3A_115 = arith.constant 2048 : i32
        %mul3A_116 = arith.muli %scan3A_56, %mul3A_115 : i32
        %mul3A_117 = arith.constant 16 : i32
        %mul3A_118 = arith.muli %add3A_102, %mul3A_117 : i32
        %add3A_119 = arith.addi %mul3A_116, %mul3A_118 : i32
        %add3A_120 = vector.broadcast %add3A_119 : i32 to vector<16xi32>
        %add3A_121 = arith.addi %add3A_120, %iota3A : vector<16xi32>
        %convert_element_type3A_122 = arith.extui %and3A_114 : vector<16xi1> to vector<16xi32>
        %broadcast_in_dim3A_123 = arith.constant true
        %broadcast_in_dim3A_124 = vector.broadcast %broadcast_in_dim3A_123 : i1 to vector<16xi1>
        %masked_cumsum3A_125 = tpu.scan <sum>, %convert_element_type3A_122 masked %broadcast_in_dim3A_124 : vector<16xi32>, vector<16xi1> -> vector<16xi32>
        %add3A_126 = arith.addi %add3A_98, %masked_cumsum3A_125 : vector<16xi32>
        %sub3A_127 = arith.constant 1 : i32
        %sub3A_128 = vector.broadcast %sub3A_127 : i32 to vector<16xi32>
        %sub3A_129 = arith.subi %add3A_126, %sub3A_128 : vector<16xi32>
        %add3A_130 = arith.constant 2176 : i32
        %add3A_131 = vector.broadcast %add3A_130 : i32 to vector<16xi32>
        %add3A_132 = arith.addi %add3A_131, %iota3A : vector<16xi32>
        %select_n3A_133 = arith.select %and3A_114, %sub3A_129, %add3A_132 : vector<16xi1>, vector<16xi32>
        tpu.vector_store_idx %arg10[%select_n3A_133], %add3A_121 : memref<2192xi32, #tpu.memory_space<vmem>>[vector<16xi32>], vector<16xi32>,
        tpu.vector_store_idx %arg11[%select_n3A_133], %get3A_106 : memref<2192xi32, #tpu.memory_space<vmem>>[vector<16xi32>], vector<16xi32>,
        %all_reduce_population_count3A_134 = tpu.all_reduce %and3A_114 {dim = 0 : i64, kind = #tpu.reduction_kind<sum>} : vector<16xi1> -> vector<16xi32>
        %add3A_135 = arith.addi %add3A_98, %all_reduce_population_count3A_134 : vector<16xi32>
        %mul3A_136 = arith.constant 8 : i32
        %mul3A_137 = arith.muli %scan3A_67, %mul3A_136 : i32
        %add3A_138 = arith.constant 2 : i32
        %add3A_139 = arith.addi %mul3A_137, %add3A_138 : i32
        %mul3A_140 = arith.constant 16 : i32
        %mul3A_141 = arith.muli %add3A_139, %mul3A_140 : i32
        %get3A_142 = arith.index_cast %mul3A_141 : i32 to index
        %get3A_143 = tpu.vector_load %arg8[%get3A_142] {strides = array<i32>} : memref<2048xi32, #tpu.memory_space<vmem>>, vector<16xi32>,
        %shift_right_logical3A_144 = arith.constant 7 : i32
        %shift_right_logical3A_145 = vector.broadcast %shift_right_logical3A_144 : i32 to vector<16xi32>
        %shift_right_logical3A_146 = arith.shrui %get3A_143, %shift_right_logical3A_145 : vector<16xi32>
        %ge3A_147 = vector.broadcast %shift_right_arithmetic3A_3 : i32 to vector<16xi32>
        %ge3A_148 = arith.cmpi sge, %shift_right_logical3A_146, %ge3A_147 : vector<16xi32>
        %lt3A_149 = vector.broadcast %shift_right_arithmetic3A_9 : i32 to vector<16xi32>
        %lt3A_150 = arith.cmpi slt, %shift_right_logical3A_146, %lt3A_149 : vector<16xi32>
        %and3A_151 = arith.andi %ge3A_148, %lt3A_150 : vector<16xi1>
        %mul3A_152 = arith.constant 2048 : i32
        %mul3A_153 = arith.muli %scan3A_56, %mul3A_152 : i32
        %mul3A_154 = arith.constant 16 : i32
        %mul3A_155 = arith.muli %add3A_139, %mul3A_154 : i32
        %add3A_156 = arith.addi %mul3A_153, %mul3A_155 : i32
        %add3A_157 = vector.broadcast %add3A_156 : i32 to vector<16xi32>
        %add3A_158 = arith.addi %add3A_157, %iota3A : vector<16xi32>
        %convert_element_type3A_159 = arith.extui %and3A_151 : vector<16xi1> to vector<16xi32>
        %broadcast_in_dim3A_160 = arith.constant true
        %broadcast_in_dim3A_161 = vector.broadcast %broadcast_in_dim3A_160 : i1 to vector<16xi1>
        %masked_cumsum3A_162 = tpu.scan <sum>, %convert_element_type3A_159 masked %broadcast_in_dim3A_161 : vector<16xi32>, vector<16xi1> -> vector<16xi32>
        %add3A_163 = arith.addi %add3A_135, %masked_cumsum3A_162 : vector<16xi32>
        %sub3A_164 = arith.constant 1 : i32
        %sub3A_165 = vector.broadcast %sub3A_164 : i32 to vector<16xi32>
        %sub3A_166 = arith.subi %add3A_163, %sub3A_165 : vector<16xi32>
        %add3A_167 = arith.constant 2176 : i32
        %add3A_168 = vector.broadcast %add3A_167 : i32 to vector<16xi32>
        %add3A_169 = arith.addi %add3A_168, %iota3A : vector<16xi32>
        %select_n3A_170 = arith.select %and3A_151, %sub3A_166, %add3A_169 : vector<16xi1>, vector<16xi32>
        tpu.vector_store_idx %arg10[%select_n3A_170], %add3A_158 : memref<2192xi32, #tpu.memory_space<vmem>>[vector<16xi32>], vector<16xi32>,
        tpu.vector_store_idx %arg11[%select_n3A_170], %get3A_143 : memref<2192xi32, #tpu.memory_space<vmem>>[vector<16xi32>], vector<16xi32>,
        %all_reduce_population_count3A_171 = tpu.all_reduce %and3A_151 {dim = 0 : i64, kind = #tpu.reduction_kind<sum>} : vector<16xi1> -> vector<16xi32>
        %add3A_172 = arith.addi %add3A_135, %all_reduce_population_count3A_171 : vector<16xi32>
        %mul3A_173 = arith.constant 8 : i32
        %mul3A_174 = arith.muli %scan3A_67, %mul3A_173 : i32
        %add3A_175 = arith.constant 3 : i32
        %add3A_176 = arith.addi %mul3A_174, %add3A_175 : i32
        %mul3A_177 = arith.constant 16 : i32
        %mul3A_178 = arith.muli %add3A_176, %mul3A_177 : i32
        %get3A_179 = arith.index_cast %mul3A_178 : i32 to index
        %get3A_180 = tpu.vector_load %arg8[%get3A_179] {strides = array<i32>} : memref<2048xi32, #tpu.memory_space<vmem>>, vector<16xi32>,
        %shift_right_logical3A_181 = arith.constant 7 : i32
        %shift_right_logical3A_182 = vector.broadcast %shift_right_logical3A_181 : i32 to vector<16xi32>
        %shift_right_logical3A_183 = arith.shrui %get3A_180, %shift_right_logical3A_182 : vector<16xi32>
        %ge3A_184 = vector.broadcast %shift_right_arithmetic3A_3 : i32 to vector<16xi32>
        %ge3A_185 = arith.cmpi sge, %shift_right_logical3A_183, %ge3A_184 : vector<16xi32>
        %lt3A_186 = vector.broadcast %shift_right_arithmetic3A_9 : i32 to vector<16xi32>
        %lt3A_187 = arith.cmpi slt, %shift_right_logical3A_183, %lt3A_186 : vector<16xi32>
        %and3A_188 = arith.andi %ge3A_185, %lt3A_187 : vector<16xi1>
        %mul3A_189 = arith.constant 2048 : i32
        %mul3A_190 = arith.muli %scan3A_56, %mul3A_189 : i32
        %mul3A_191 = arith.constant 16 : i32
        %mul3A_192 = arith.muli %add3A_176, %mul3A_191 : i32
        %add3A_193 = arith.addi %mul3A_190, %mul3A_192 : i32
        %add3A_194 = vector.broadcast %add3A_193 : i32 to vector<16xi32>
        %add3A_195 = arith.addi %add3A_194, %iota3A : vector<16xi32>
        %convert_element_type3A_196 = arith.extui %and3A_188 : vector<16xi1> to vector<16xi32>
        %broadcast_in_dim3A_197 = arith.constant true
        %broadcast_in_dim3A_198 = vector.broadcast %broadcast_in_dim3A_197 : i1 to vector<16xi1>
        %masked_cumsum3A_199 = tpu.scan <sum>, %convert_element_type3A_196 masked %broadcast_in_dim3A_198 : vector<16xi32>, vector<16xi1> -> vector<16xi32>
        %add3A_200 = arith.addi %add3A_172, %masked_cumsum3A_199 : vector<16xi32>
        %sub3A_201 = arith.constant 1 : i32
        %sub3A_202 = vector.broadcast %sub3A_201 : i32 to vector<16xi32>
        %sub3A_203 = arith.subi %add3A_200, %sub3A_202 : vector<16xi32>
        %add3A_204 = arith.constant 2176 : i32
        %add3A_205 = vector.broadcast %add3A_204 : i32 to vector<16xi32>
        %add3A_206 = arith.addi %add3A_205, %iota3A : vector<16xi32>
        %select_n3A_207 = arith.select %and3A_188, %sub3A_203, %add3A_206 : vector<16xi1>, vector<16xi32>
        tpu.vector_store_idx %arg10[%select_n3A_207], %add3A_195 : memref<2192xi32, #tpu.memory_space<vmem>>[vector<16xi32>], vector<16xi32>,
        tpu.vector_store_idx %arg11[%select_n3A_207], %get3A_180 : memref<2192xi32, #tpu.memory_space<vmem>>[vector<16xi32>], vector<16xi32>,
        %all_reduce_population_count3A_208 = tpu.all_reduce %and3A_188 {dim = 0 : i64, kind = #tpu.reduction_kind<sum>} : vector<16xi1> -> vector<16xi32>
        %add3A_209 = arith.addi %add3A_172, %all_reduce_population_count3A_208 : vector<16xi32>
        %mul3A_210 = arith.constant 8 : i32
        %mul3A_211 = arith.muli %scan3A_67, %mul3A_210 : i32
        %add3A_212 = arith.constant 4 : i32
        %add3A_213 = arith.addi %mul3A_211, %add3A_212 : i32
        %mul3A_214 = arith.constant 16 : i32
        %mul3A_215 = arith.muli %add3A_213, %mul3A_214 : i32
        %get3A_216 = arith.index_cast %mul3A_215 : i32 to index
        %get3A_217 = tpu.vector_load %arg8[%get3A_216] {strides = array<i32>} : memref<2048xi32, #tpu.memory_space<vmem>>, vector<16xi32>,
        %shift_right_logical3A_218 = arith.constant 7 : i32
        %shift_right_logical3A_219 = vector.broadcast %shift_right_logical3A_218 : i32 to vector<16xi32>
        %shift_right_logical3A_220 = arith.shrui %get3A_217, %shift_right_logical3A_219 : vector<16xi32>
        %ge3A_221 = vector.broadcast %shift_right_arithmetic3A_3 : i32 to vector<16xi32>
        %ge3A_222 = arith.cmpi sge, %shift_right_logical3A_220, %ge3A_221 : vector<16xi32>
        %lt3A_223 = vector.broadcast %shift_right_arithmetic3A_9 : i32 to vector<16xi32>
        %lt3A_224 = arith.cmpi slt, %shift_right_logical3A_220, %lt3A_223 : vector<16xi32>
        %and3A_225 = arith.andi %ge3A_222, %lt3A_224 : vector<16xi1>
        %mul3A_226 = arith.constant 2048 : i32
        %mul3A_227 = arith.muli %scan3A_56, %mul3A_226 : i32
        %mul3A_228 = arith.constant 16 : i32
        %mul3A_229 = arith.muli %add3A_213, %mul3A_228 : i32
        %add3A_230 = arith.addi %mul3A_227, %mul3A_229 : i32
        %add3A_231 = vector.broadcast %add3A_230 : i32 to vector<16xi32>
        %add3A_232 = arith.addi %add3A_231, %iota3A : vector<16xi32>
        %convert_element_type3A_233 = arith.extui %and3A_225 : vector<16xi1> to vector<16xi32>
        %broadcast_in_dim3A_234 = arith.constant true
        %broadcast_in_dim3A_235 = vector.broadcast %broadcast_in_dim3A_234 : i1 to vector<16xi1>
        %masked_cumsum3A_236 = tpu.scan <sum>, %convert_element_type3A_233 masked %broadcast_in_dim3A_235 : vector<16xi32>, vector<16xi1> -> vector<16xi32>
        %add3A_237 = arith.addi %add3A_209, %masked_cumsum3A_236 : vector<16xi32>
        %sub3A_238 = arith.constant 1 : i32
        %sub3A_239 = vector.broadcast %sub3A_238 : i32 to vector<16xi32>
        %sub3A_240 = arith.subi %add3A_237, %sub3A_239 : vector<16xi32>
        %add3A_241 = arith.constant 2176 : i32
        %add3A_242 = vector.broadcast %add3A_241 : i32 to vector<16xi32>
        %add3A_243 = arith.addi %add3A_242, %iota3A : vector<16xi32>
        %select_n3A_244 = arith.select %and3A_225, %sub3A_240, %add3A_243 : vector<16xi1>, vector<16xi32>
        tpu.vector_store_idx %arg10[%select_n3A_244], %add3A_232 : memref<2192xi32, #tpu.memory_space<vmem>>[vector<16xi32>], vector<16xi32>,
        tpu.vector_store_idx %arg11[%select_n3A_244], %get3A_217 : memref<2192xi32, #tpu.memory_space<vmem>>[vector<16xi32>], vector<16xi32>,
        %all_reduce_population_count3A_245 = tpu.all_reduce %and3A_225 {dim = 0 : i64, kind = #tpu.reduction_kind<sum>} : vector<16xi1> -> vector<16xi32>
        %add3A_246 = arith.addi %add3A_209, %all_reduce_population_count3A_245 : vector<16xi32>
        %mul3A_247 = arith.constant 8 : i32
        %mul3A_248 = arith.muli %scan3A_67, %mul3A_247 : i32
        %add3A_249 = arith.constant 5 : i32
        %add3A_250 = arith.addi %mul3A_248, %add3A_249 : i32
        %mul3A_251 = arith.constant 16 : i32
        %mul3A_252 = arith.muli %add3A_250, %mul3A_251 : i32
        %get3A_253 = arith.index_cast %mul3A_252 : i32 to index
        %get3A_254 = tpu.vector_load %arg8[%get3A_253] {strides = array<i32>} : memref<2048xi32, #tpu.memory_space<vmem>>, vector<16xi32>,
        %shift_right_logical3A_255 = arith.constant 7 : i32
        %shift_right_logical3A_256 = vector.broadcast %shift_right_logical3A_255 : i32 to vector<16xi32>
        %shift_right_logical3A_257 = arith.shrui %get3A_254, %shift_right_logical3A_256 : vector<16xi32>
        %ge3A_258 = vector.broadcast %shift_right_arithmetic3A_3 : i32 to vector<16xi32>
        %ge3A_259 = arith.cmpi sge, %shift_right_logical3A_257, %ge3A_258 : vector<16xi32>
        %lt3A_260 = vector.broadcast %shift_right_arithmetic3A_9 : i32 to vector<16xi32>
        %lt3A_261 = arith.cmpi slt, %shift_right_logical3A_257, %lt3A_260 : vector<16xi32>
        %and3A_262 = arith.andi %ge3A_259, %lt3A_261 : vector<16xi1>
        %mul3A_263 = arith.constant 2048 : i32
        %mul3A_264 = arith.muli %scan3A_56, %mul3A_263 : i32
        %mul3A_265 = arith.constant 16 : i32
        %mul3A_266 = arith.muli %add3A_250, %mul3A_265 : i32
        %add3A_267 = arith.addi %mul3A_264, %mul3A_266 : i32
        %add3A_268 = vector.broadcast %add3A_267 : i32 to vector<16xi32>
        %add3A_269 = arith.addi %add3A_268, %iota3A : vector<16xi32>
        %convert_element_type3A_270 = arith.extui %and3A_262 : vector<16xi1> to vector<16xi32>
        %broadcast_in_dim3A_271 = arith.constant true
        %broadcast_in_dim3A_272 = vector.broadcast %broadcast_in_dim3A_271 : i1 to vector<16xi1>
        %masked_cumsum3A_273 = tpu.scan <sum>, %convert_element_type3A_270 masked %broadcast_in_dim3A_272 : vector<16xi32>, vector<16xi1> -> vector<16xi32>
        %add3A_274 = arith.addi %add3A_246, %masked_cumsum3A_273 : vector<16xi32>
        %sub3A_275 = arith.constant 1 : i32
        %sub3A_276 = vector.broadcast %sub3A_275 : i32 to vector<16xi32>
        %sub3A_277 = arith.subi %add3A_274, %sub3A_276 : vector<16xi32>
        %add3A_278 = arith.constant 2176 : i32
        %add3A_279 = vector.broadcast %add3A_278 : i32 to vector<16xi32>
        %add3A_280 = arith.addi %add3A_279, %iota3A : vector<16xi32>
        %select_n3A_281 = arith.select %and3A_262, %sub3A_277, %add3A_280 : vector<16xi1>, vector<16xi32>
        tpu.vector_store_idx %arg10[%select_n3A_281], %add3A_269 : memref<2192xi32, #tpu.memory_space<vmem>>[vector<16xi32>], vector<16xi32>,
        tpu.vector_store_idx %arg11[%select_n3A_281], %get3A_254 : memref<2192xi32, #tpu.memory_space<vmem>>[vector<16xi32>], vector<16xi32>,
        %all_reduce_population_count3A_282 = tpu.all_reduce %and3A_262 {dim = 0 : i64, kind = #tpu.reduction_kind<sum>} : vector<16xi1> -> vector<16xi32>
        %add3A_283 = arith.addi %add3A_246, %all_reduce_population_count3A_282 : vector<16xi32>
        %mul3A_284 = arith.constant 8 : i32
        %mul3A_285 = arith.muli %scan3A_67, %mul3A_284 : i32
        %add3A_286 = arith.constant 6 : i32
        %add3A_287 = arith.addi %mul3A_285, %add3A_286 : i32
        %mul3A_288 = arith.constant 16 : i32
        %mul3A_289 = arith.muli %add3A_287, %mul3A_288 : i32
        %get3A_290 = arith.index_cast %mul3A_289 : i32 to index
        %get3A_291 = tpu.vector_load %arg8[%get3A_290] {strides = array<i32>} : memref<2048xi32, #tpu.memory_space<vmem>>, vector<16xi32>,
        %shift_right_logical3A_292 = arith.constant 7 : i32
        %shift_right_logical3A_293 = vector.broadcast %shift_right_logical3A_292 : i32 to vector<16xi32>
        %shift_right_logical3A_294 = arith.shrui %get3A_291, %shift_right_logical3A_293 : vector<16xi32>
        %ge3A_295 = vector.broadcast %shift_right_arithmetic3A_3 : i32 to vector<16xi32>
        %ge3A_296 = arith.cmpi sge, %shift_right_logical3A_294, %ge3A_295 : vector<16xi32>
        %lt3A_297 = vector.broadcast %shift_right_arithmetic3A_9 : i32 to vector<16xi32>
        %lt3A_298 = arith.cmpi slt, %shift_right_logical3A_294, %lt3A_297 : vector<16xi32>
        %and3A_299 = arith.andi %ge3A_296, %lt3A_298 : vector<16xi1>
        %mul3A_300 = arith.constant 2048 : i32
        %mul3A_301 = arith.muli %scan3A_56, %mul3A_300 : i32
        %mul3A_302 = arith.constant 16 : i32
        %mul3A_303 = arith.muli %add3A_287, %mul3A_302 : i32
        %add3A_304 = arith.addi %mul3A_301, %mul3A_303 : i32
        %add3A_305 = vector.broadcast %add3A_304 : i32 to vector<16xi32>
        %add3A_306 = arith.addi %add3A_305, %iota3A : vector<16xi32>
        %convert_element_type3A_307 = arith.extui %and3A_299 : vector<16xi1> to vector<16xi32>
        %broadcast_in_dim3A_308 = arith.constant true
        %broadcast_in_dim3A_309 = vector.broadcast %broadcast_in_dim3A_308 : i1 to vector<16xi1>
        %masked_cumsum3A_310 = tpu.scan <sum>, %convert_element_type3A_307 masked %broadcast_in_dim3A_309 : vector<16xi32>, vector<16xi1> -> vector<16xi32>
        %add3A_311 = arith.addi %add3A_283, %masked_cumsum3A_310 : vector<16xi32>
        %sub3A_312 = arith.constant 1 : i32
        %sub3A_313 = vector.broadcast %sub3A_312 : i32 to vector<16xi32>
        %sub3A_314 = arith.subi %add3A_311, %sub3A_313 : vector<16xi32>
        %add3A_315 = arith.constant 2176 : i32
        %add3A_316 = vector.broadcast %add3A_315 : i32 to vector<16xi32>
        %add3A_317 = arith.addi %add3A_316, %iota3A : vector<16xi32>
        %select_n3A_318 = arith.select %and3A_299, %sub3A_314, %add3A_317 : vector<16xi1>, vector<16xi32>
        tpu.vector_store_idx %arg10[%select_n3A_318], %add3A_306 : memref<2192xi32, #tpu.memory_space<vmem>>[vector<16xi32>], vector<16xi32>,
        tpu.vector_store_idx %arg11[%select_n3A_318], %get3A_291 : memref<2192xi32, #tpu.memory_space<vmem>>[vector<16xi32>], vector<16xi32>,
        %all_reduce_population_count3A_319 = tpu.all_reduce %and3A_299 {dim = 0 : i64, kind = #tpu.reduction_kind<sum>} : vector<16xi1> -> vector<16xi32>
        %add3A_320 = arith.addi %add3A_283, %all_reduce_population_count3A_319 : vector<16xi32>
        %mul3A_321 = arith.constant 8 : i32
        %mul3A_322 = arith.muli %scan3A_67, %mul3A_321 : i32
        %add3A_323 = arith.constant 7 : i32
        %add3A_324 = arith.addi %mul3A_322, %add3A_323 : i32
        %mul3A_325 = arith.constant 16 : i32
        %mul3A_326 = arith.muli %add3A_324, %mul3A_325 : i32
        %get3A_327 = arith.index_cast %mul3A_326 : i32 to index
        %get3A_328 = tpu.vector_load %arg8[%get3A_327] {strides = array<i32>} : memref<2048xi32, #tpu.memory_space<vmem>>, vector<16xi32>,
        %shift_right_logical3A_329 = arith.constant 7 : i32
        %shift_right_logical3A_330 = vector.broadcast %shift_right_logical3A_329 : i32 to vector<16xi32>
        %shift_right_logical3A_331 = arith.shrui %get3A_328, %shift_right_logical3A_330 : vector<16xi32>
        %ge3A_332 = vector.broadcast %shift_right_arithmetic3A_3 : i32 to vector<16xi32>
        %ge3A_333 = arith.cmpi sge, %shift_right_logical3A_331, %ge3A_332 : vector<16xi32>
        %lt3A_334 = vector.broadcast %shift_right_arithmetic3A_9 : i32 to vector<16xi32>
        %lt3A_335 = arith.cmpi slt, %shift_right_logical3A_331, %lt3A_334 : vector<16xi32>
        %and3A_336 = arith.andi %ge3A_333, %lt3A_335 : vector<16xi1>
        %mul3A_337 = arith.constant 2048 : i32
        %mul3A_338 = arith.muli %scan3A_56, %mul3A_337 : i32
        %mul3A_339 = arith.constant 16 : i32
        %mul3A_340 = arith.muli %add3A_324, %mul3A_339 : i32
        %add3A_341 = arith.addi %mul3A_338, %mul3A_340 : i32
        %add3A_342 = vector.broadcast %add3A_341 : i32 to vector<16xi32>
        %add3A_343 = arith.addi %add3A_342, %iota3A : vector<16xi32>
        %convert_element_type3A_344 = arith.extui %and3A_336 : vector<16xi1> to vector<16xi32>
        %broadcast_in_dim3A_345 = arith.constant true
        %broadcast_in_dim3A_346 = vector.broadcast %broadcast_in_dim3A_345 : i1 to vector<16xi1>
        %masked_cumsum3A_347 = tpu.scan <sum>, %convert_element_type3A_344 masked %broadcast_in_dim3A_346 : vector<16xi32>, vector<16xi1> -> vector<16xi32>
        %add3A_348 = arith.addi %add3A_320, %masked_cumsum3A_347 : vector<16xi32>
        %sub3A_349 = arith.constant 1 : i32
        %sub3A_350 = vector.broadcast %sub3A_349 : i32 to vector<16xi32>
        %sub3A_351 = arith.subi %add3A_348, %sub3A_350 : vector<16xi32>
        %add3A_352 = arith.constant 2176 : i32
        %add3A_353 = vector.broadcast %add3A_352 : i32 to vector<16xi32>
        %add3A_354 = arith.addi %add3A_353, %iota3A : vector<16xi32>
        %select_n3A_355 = arith.select %and3A_336, %sub3A_351, %add3A_354 : vector<16xi1>, vector<16xi32>
        tpu.vector_store_idx %arg10[%select_n3A_355], %add3A_343 : memref<2192xi32, #tpu.memory_space<vmem>>[vector<16xi32>], vector<16xi32>,
        tpu.vector_store_idx %arg11[%select_n3A_355], %get3A_328 : memref<2192xi32, #tpu.memory_space<vmem>>[vector<16xi32>], vector<16xi32>,
        %all_reduce_population_count3A_356 = tpu.all_reduce %and3A_336 {dim = 0 : i64, kind = #tpu.reduction_kind<sum>} : vector<16xi1> -> vector<16xi32>
        %add3A_357 = arith.addi %add3A_320, %all_reduce_population_count3A_356 : vector<16xi32>
        %slice3A_358 = vector.extract_strided_slice %add3A_357 {offsets = [0], sizes = [1], strides = [1]} : vector<16xi32> to vector<1xi32>
        %squeeze3A_359 = vector.extract %slice3A_358[0] : i32 from vector<1xi32>
        %ge3A_360 = arith.constant 2048 : i32
        %ge3A_361 = arith.cmpi sge, %squeeze3A_359, %ge3A_360 : i32
        %convert_element_type3A_362 = arith.extui %ge3A_361 : i1 to i32
        %cond3A_363 = arith.constant 0 : i32
        %cond3A_364 = arith.cmpi ne, %convert_element_type3A_362, %cond3A_363 : i32
        scf.if %cond3A_364 {
          %slice3A_373 = vector.extract_strided_slice %scan3A_69 {offsets = [0], sizes = [1], strides = [1]} : vector<16xi32> to vector<1xi32>
          %squeeze3A_374 = vector.extract %slice3A_373[0] : i32 from vector<1xi32>
          %mul3A_375 = arith.constant 2048 : i32
          %mul3A_376 = arith.muli %squeeze3A_374, %mul3A_375 : i32
          %multiple_of3A_377 = tpu.assume_multiple %mul3A_376, 2048 : i32
          "tpu.region"() ({
            %run_scoped3A = tpu.sem_alloc : memref<!tpu.dma_semaphore, #tpu.memory_space<semaphore_mem>>
            %dma_start3A = arith.constant 0 : i32
            %dma_start3A_444 = tpu.memref_slice %arg10[%dma_start3A] : memref<2192xi32, #tpu.memory_space<vmem>> -> memref<2048xi32, #tpu.memory_space<vmem>>
            %dma_start3A_445 = tpu.memref_slice %arg6[%add3A, %multiple_of3A_377] : memref<32x65536xi32, #tpu.memory_space<hbm>> -> memref<1x2048xi32, #tpu.memory_space<hbm>>
            %dma_start3A_446 = tpu.memref_squeeze %dma_start3A_445 : memref<1x2048xi32, #tpu.memory_space<hbm>> -> memref<2048xi32, #tpu.memory_space<hbm>>
            %dma_start3A_447 = tpu.memref_slice %arg6[%add3A, %multiple_of3A_377] : memref<32x65536xi32, #tpu.memory_space<hbm>> -> memref<1x2048xi32, #tpu.memory_space<hbm>>
            %dma_start3A_448 = tpu.memref_squeeze %dma_start3A_447 : memref<1x2048xi32, #tpu.memory_space<hbm>> -> memref<2048xi32, #tpu.memory_space<hbm>>
            %dma_start3A_449 = arith.constant 0 : i32
            %dma_start3A_450 = tpu.memref_slice %arg10[%dma_start3A_449] : memref<2192xi32, #tpu.memory_space<vmem>> -> memref<2048xi32, #tpu.memory_space<vmem>>
            tpu.enqueue_dma source(%dma_start3A_450 : memref<2048xi32, #tpu.memory_space<vmem>>) target(%dma_start3A_448 : memref<2048xi32, #tpu.memory_space<hbm>>) target_semaphore(%run_scoped3A : memref<!tpu.dma_semaphore, #tpu.memory_space<semaphore_mem>>)
            %dma_wait3A = arith.constant 0 : i32
            %dma_wait3A_451 = tpu.memref_slice %arg10[%dma_wait3A] : memref<2192xi32, #tpu.memory_space<vmem>> -> memref<2048xi32, #tpu.memory_space<vmem>>
            %dma_wait3A_452 = tpu.memref_slice %arg6[%add3A, %multiple_of3A_377] : memref<32x65536xi32, #tpu.memory_space<hbm>> -> memref<1x2048xi32, #tpu.memory_space<hbm>>
            %dma_wait3A_453 = tpu.memref_squeeze %dma_wait3A_452 : memref<1x2048xi32, #tpu.memory_space<hbm>> -> memref<2048xi32, #tpu.memory_space<hbm>>
            %dma_wait3A_454 = tpu.memref_slice %arg6[%add3A, %multiple_of3A_377] : memref<32x65536xi32, #tpu.memory_space<hbm>> -> memref<1x2048xi32, #tpu.memory_space<hbm>>
            %dma_wait3A_455 = tpu.memref_squeeze %dma_wait3A_454 : memref<1x2048xi32, #tpu.memory_space<hbm>> -> memref<2048xi32, #tpu.memory_space<hbm>>
            %dma_wait3A_456 = arith.constant 0 : i32
            %dma_wait3A_457 = tpu.memref_slice %arg10[%dma_wait3A_456] : memref<2192xi32, #tpu.memory_space<vmem>> -> memref<2048xi32, #tpu.memory_space<vmem>>
            tpu.wait_dma2 semaphore(%run_scoped3A : memref<!tpu.dma_semaphore, #tpu.memory_space<semaphore_mem>>) src(%dma_wait3A_457 : memref<2048xi32, #tpu.memory_space<vmem>>) dst(%dma_wait3A_455 : memref<2048xi32, #tpu.memory_space<hbm>>)
            tpu.yield
          }) : () -> ()
          %mul3A_378 = arith.constant 2048 : i32
          %mul3A_379 = arith.muli %squeeze3A_374, %mul3A_378 : i32
          %multiple_of3A_380 = tpu.assume_multiple %mul3A_379, 2048 : i32
          "tpu.region"() ({
            %run_scoped3A = tpu.sem_alloc : memref<!tpu.dma_semaphore, #tpu.memory_space<semaphore_mem>>
            %dma_start3A = arith.constant 0 : i32
            %dma_start3A_444 = tpu.memref_slice %arg11[%dma_start3A] : memref<2192xi32, #tpu.memory_space<vmem>> -> memref<2048xi32, #tpu.memory_space<vmem>>
            %dma_start3A_445 = tpu.memref_slice %arg7[%add3A, %multiple_of3A_380] : memref<32x65536xi32, #tpu.memory_space<hbm>> -> memref<1x2048xi32, #tpu.memory_space<hbm>>
            %dma_start3A_446 = tpu.memref_squeeze %dma_start3A_445 : memref<1x2048xi32, #tpu.memory_space<hbm>> -> memref<2048xi32, #tpu.memory_space<hbm>>
            %dma_start3A_447 = tpu.memref_slice %arg7[%add3A, %multiple_of3A_380] : memref<32x65536xi32, #tpu.memory_space<hbm>> -> memref<1x2048xi32, #tpu.memory_space<hbm>>
            %dma_start3A_448 = tpu.memref_squeeze %dma_start3A_447 : memref<1x2048xi32, #tpu.memory_space<hbm>> -> memref<2048xi32, #tpu.memory_space<hbm>>
            %dma_start3A_449 = arith.constant 0 : i32
            %dma_start3A_450 = tpu.memref_slice %arg11[%dma_start3A_449] : memref<2192xi32, #tpu.memory_space<vmem>> -> memref<2048xi32, #tpu.memory_space<vmem>>
            tpu.enqueue_dma source(%dma_start3A_450 : memref<2048xi32, #tpu.memory_space<vmem>>) target(%dma_start3A_448 : memref<2048xi32, #tpu.memory_space<hbm>>) target_semaphore(%run_scoped3A : memref<!tpu.dma_semaphore, #tpu.memory_space<semaphore_mem>>)
            %dma_wait3A = arith.constant 0 : i32
            %dma_wait3A_451 = tpu.memref_slice %arg11[%dma_wait3A] : memref<2192xi32, #tpu.memory_space<vmem>> -> memref<2048xi32, #tpu.memory_space<vmem>>
            %dma_wait3A_452 = tpu.memref_slice %arg7[%add3A, %multiple_of3A_380] : memref<32x65536xi32, #tpu.memory_space<hbm>> -> memref<1x2048xi32, #tpu.memory_space<hbm>>
            %dma_wait3A_453 = tpu.memref_squeeze %dma_wait3A_452 : memref<1x2048xi32, #tpu.memory_space<hbm>> -> memref<2048xi32, #tpu.memory_space<hbm>>
            %dma_wait3A_454 = tpu.memref_slice %arg7[%add3A, %multiple_of3A_380] : memref<32x65536xi32, #tpu.memory_space<hbm>> -> memref<1x2048xi32, #tpu.memory_space<hbm>>
            %dma_wait3A_455 = tpu.memref_squeeze %dma_wait3A_454 : memref<1x2048xi32, #tpu.memory_space<hbm>> -> memref<2048xi32, #tpu.memory_space<hbm>>
            %dma_wait3A_456 = arith.constant 0 : i32
            %dma_wait3A_457 = tpu.memref_slice %arg11[%dma_wait3A_456] : memref<2192xi32, #tpu.memory_space<vmem>> -> memref<2048xi32, #tpu.memory_space<vmem>>
            tpu.wait_dma2 semaphore(%run_scoped3A : memref<!tpu.dma_semaphore, #tpu.memory_space<semaphore_mem>>) src(%dma_wait3A_457 : memref<2048xi32, #tpu.memory_space<vmem>>) dst(%dma_wait3A_455 : memref<2048xi32, #tpu.memory_space<hbm>>)
            tpu.yield
          }) : () -> ()
          %get3A_381 = arith.constant 2048 : index
          %get3A_382 = tpu.vector_load %arg10[%get3A_381] {strides = array<i32>} : memref<2192xi32, #tpu.memory_space<vmem>>, vector<16xi32>,
          %swap3A = arith.constant 0 : index
          %swap3A_383 = tpu.vector_load %arg10[%swap3A] {strides = array<i32>} : memref<2192xi32, #tpu.memory_space<vmem>>, vector<16xi32>,
          tpu.vector_store %arg10[%swap3A], %get3A_382 {strides = array<i32>} : memref<2192xi32, #tpu.memory_space<vmem>>, vector<16xi32>,
          %get3A_384 = arith.constant 2048 : index
          %get3A_385 = tpu.vector_load %arg11[%get3A_384] {strides = array<i32>} : memref<2192xi32, #tpu.memory_space<vmem>>, vector<16xi32>,
          %swap3A_386 = arith.constant 0 : index
          %swap3A_387 = tpu.vector_load %arg11[%swap3A_386] {strides = array<i32>} : memref<2192xi32, #tpu.memory_space<vmem>>, vector<16xi32>,
          tpu.vector_store %arg11[%swap3A_386], %get3A_385 {strides = array<i32>} : memref<2192xi32, #tpu.memory_space<vmem>>, vector<16xi32>,
          %get3A_388 = arith.constant 2064 : index
          %get3A_389 = tpu.vector_load %arg10[%get3A_388] {strides = array<i32>} : memref<2192xi32, #tpu.memory_space<vmem>>, vector<16xi32>,
          %swap3A_390 = arith.constant 16 : index
          %swap3A_391 = tpu.vector_load %arg10[%swap3A_390] {strides = array<i32>} : memref<2192xi32, #tpu.memory_space<vmem>>, vector<16xi32>,
          tpu.vector_store %arg10[%swap3A_390], %get3A_389 {strides = array<i32>} : memref<2192xi32, #tpu.memory_space<vmem>>, vector<16xi32>,
          %get3A_392 = arith.constant 2064 : index
          %get3A_393 = tpu.vector_load %arg11[%get3A_392] {strides = array<i32>} : memref<2192xi32, #tpu.memory_space<vmem>>, vector<16xi32>,
          %swap3A_394 = arith.constant 16 : index
          %swap3A_395 = tpu.vector_load %arg11[%swap3A_394] {strides = array<i32>} : memref<2192xi32, #tpu.memory_space<vmem>>, vector<16xi32>,
          tpu.vector_store %arg11[%swap3A_394], %get3A_393 {strides = array<i32>} : memref<2192xi32, #tpu.memory_space<vmem>>, vector<16xi32>,
          %get3A_396 = arith.constant 2080 : index
          %get3A_397 = tpu.vector_load %arg10[%get3A_396] {strides = array<i32>} : memref<2192xi32, #tpu.memory_space<vmem>>, vector<16xi32>,
          %swap3A_398 = arith.constant 32 : index
          %swap3A_399 = tpu.vector_load %arg10[%swap3A_398] {strides = array<i32>} : memref<2192xi32, #tpu.memory_space<vmem>>, vector<16xi32>,
          tpu.vector_store %arg10[%swap3A_398], %get3A_397 {strides = array<i32>} : memref<2192xi32, #tpu.memory_space<vmem>>, vector<16xi32>,
          %get3A_400 = arith.constant 2080 : index
          %get3A_401 = tpu.vector_load %arg11[%get3A_400] {strides = array<i32>} : memref<2192xi32, #tpu.memory_space<vmem>>, vector<16xi32>,
          %swap3A_402 = arith.constant 32 : index
          %swap3A_403 = tpu.vector_load %arg11[%swap3A_402] {strides = array<i32>} : memref<2192xi32, #tpu.memory_space<vmem>>, vector<16xi32>,
          tpu.vector_store %arg11[%swap3A_402], %get3A_401 {strides = array<i32>} : memref<2192xi32, #tpu.memory_space<vmem>>, vector<16xi32>,
          %get3A_404 = arith.constant 2096 : index
          %get3A_405 = tpu.vector_load %arg10[%get3A_404] {strides = array<i32>} : memref<2192xi32, #tpu.memory_space<vmem>>, vector<16xi32>,
          %swap3A_406 = arith.constant 48 : index
          %swap3A_407 = tpu.vector_load %arg10[%swap3A_406] {strides = array<i32>} : memref<2192xi32, #tpu.memory_space<vmem>>, vector<16xi32>,
          tpu.vector_store %arg10[%swap3A_406], %get3A_405 {strides = array<i32>} : memref<2192xi32, #tpu.memory_space<vmem>>, vector<16xi32>,
          %get3A_408 = arith.constant 2096 : index
          %get3A_409 = tpu.vector_load %arg11[%get3A_408] {strides = array<i32>} : memref<2192xi32, #tpu.memory_space<vmem>>, vector<16xi32>,
          %swap3A_410 = arith.constant 48 : index
          %swap3A_411 = tpu.vector_load %arg11[%swap3A_410] {strides = array<i32>} : memref<2192xi32, #tpu.memory_space<vmem>>, vector<16xi32>,
          tpu.vector_store %arg11[%swap3A_410], %get3A_409 {strides = array<i32>} : memref<2192xi32, #tpu.memory_space<vmem>>, vector<16xi32>,
          %get3A_412 = arith.constant 2112 : index
          %get3A_413 = tpu.vector_load %arg10[%get3A_412] {strides = array<i32>} : memref<2192xi32, #tpu.memory_space<vmem>>, vector<16xi32>,
          %swap3A_414 = arith.constant 64 : index
          %swap3A_415 = tpu.vector_load %arg10[%swap3A_414] {strides = array<i32>} : memref<2192xi32, #tpu.memory_space<vmem>>, vector<16xi32>,
          tpu.vector_store %arg10[%swap3A_414], %get3A_413 {strides = array<i32>} : memref<2192xi32, #tpu.memory_space<vmem>>, vector<16xi32>,
          %get3A_416 = arith.constant 2112 : index
          %get3A_417 = tpu.vector_load %arg11[%get3A_416] {strides = array<i32>} : memref<2192xi32, #tpu.memory_space<vmem>>, vector<16xi32>,
          %swap3A_418 = arith.constant 64 : index
          %swap3A_419 = tpu.vector_load %arg11[%swap3A_418] {strides = array<i32>} : memref<2192xi32, #tpu.memory_space<vmem>>, vector<16xi32>,
          tpu.vector_store %arg11[%swap3A_418], %get3A_417 {strides = array<i32>} : memref<2192xi32, #tpu.memory_space<vmem>>, vector<16xi32>,
          %get3A_420 = arith.constant 2128 : index
          %get3A_421 = tpu.vector_load %arg10[%get3A_420] {strides = array<i32>} : memref<2192xi32, #tpu.memory_space<vmem>>, vector<16xi32>,
          %swap3A_422 = arith.constant 80 : index
          %swap3A_423 = tpu.vector_load %arg10[%swap3A_422] {strides = array<i32>} : memref<2192xi32, #tpu.memory_space<vmem>>, vector<16xi32>,
          tpu.vector_store %arg10[%swap3A_422], %get3A_421 {strides = array<i32>} : memref<2192xi32, #tpu.memory_space<vmem>>, vector<16xi32>,
          %get3A_424 = arith.constant 2128 : index
          %get3A_425 = tpu.vector_load %arg11[%get3A_424] {strides = array<i32>} : memref<2192xi32, #tpu.memory_space<vmem>>, vector<16xi32>,
          %swap3A_426 = arith.constant 80 : index
          %swap3A_427 = tpu.vector_load %arg11[%swap3A_426] {strides = array<i32>} : memref<2192xi32, #tpu.memory_space<vmem>>, vector<16xi32>,
          tpu.vector_store %arg11[%swap3A_426], %get3A_425 {strides = array<i32>} : memref<2192xi32, #tpu.memory_space<vmem>>, vector<16xi32>,
          %get3A_428 = arith.constant 2144 : index
          %get3A_429 = tpu.vector_load %arg10[%get3A_428] {strides = array<i32>} : memref<2192xi32, #tpu.memory_space<vmem>>, vector<16xi32>,
          %swap3A_430 = arith.constant 96 : index
          %swap3A_431 = tpu.vector_load %arg10[%swap3A_430] {strides = array<i32>} : memref<2192xi32, #tpu.memory_space<vmem>>, vector<16xi32>,
          tpu.vector_store %arg10[%swap3A_430], %get3A_429 {strides = array<i32>} : memref<2192xi32, #tpu.memory_space<vmem>>, vector<16xi32>,
          %get3A_432 = arith.constant 2144 : index
          %get3A_433 = tpu.vector_load %arg11[%get3A_432] {strides = array<i32>} : memref<2192xi32, #tpu.memory_space<vmem>>, vector<16xi32>,
          %swap3A_434 = arith.constant 96 : index
          %swap3A_435 = tpu.vector_load %arg11[%swap3A_434] {strides = array<i32>} : memref<2192xi32, #tpu.memory_space<vmem>>, vector<16xi32>,
          tpu.vector_store %arg11[%swap3A_434], %get3A_433 {strides = array<i32>} : memref<2192xi32, #tpu.memory_space<vmem>>, vector<16xi32>,
          %get3A_436 = arith.constant 2160 : index
          %get3A_437 = tpu.vector_load %arg10[%get3A_436] {strides = array<i32>} : memref<2192xi32, #tpu.memory_space<vmem>>, vector<16xi32>,
          %swap3A_438 = arith.constant 112 : index
          %swap3A_439 = tpu.vector_load %arg10[%swap3A_438] {strides = array<i32>} : memref<2192xi32, #tpu.memory_space<vmem>>, vector<16xi32>,
          tpu.vector_store %arg10[%swap3A_438], %get3A_437 {strides = array<i32>} : memref<2192xi32, #tpu.memory_space<vmem>>, vector<16xi32>,
          %get3A_440 = arith.constant 2160 : index
          %get3A_441 = tpu.vector_load %arg11[%get3A_440] {strides = array<i32>} : memref<2192xi32, #tpu.memory_space<vmem>>, vector<16xi32>,
          %swap3A_442 = arith.constant 112 : index
          %swap3A_443 = tpu.vector_load %arg11[%swap3A_442] {strides = array<i32>} : memref<2192xi32, #tpu.memory_space<vmem>>, vector<16xi32>,
          tpu.vector_store %arg11[%swap3A_442], %get3A_441 {strides = array<i32>} : memref<2192xi32, #tpu.memory_space<vmem>>, vector<16xi32>,
        } else {
        }
        %sub3A_365 = arith.constant 2048 : i32
        %sub3A_366 = vector.broadcast %sub3A_365 : i32 to vector<16xi32>
        %sub3A_367 = arith.subi %add3A_357, %sub3A_366 : vector<16xi32>
        %select_n3A_368 = arith.select %ge3A_361, %sub3A_367, %add3A_357 : vector<16xi32>
        %add3A_369 = arith.constant 1 : i32
        %add3A_370 = vector.broadcast %add3A_369 : i32 to vector<16xi32>
        %add3A_371 = arith.addi %scan3A_69, %add3A_370 : vector<16xi32>
        %select_n3A_372 = arith.select %ge3A_361, %add3A_371, %scan3A_69 : vector<16xi32>
        scf.yield %select_n3A_368, %select_n3A_372 : vector<16xi32>, vector<16xi32>
      }
      %scan3A_66 = arith.constant 16 : i32
      scf.yield %scan3A_65#0, %scan3A_65#1 : vector<16xi32>, vector<16xi32>
    }
    %scan3A_22 = arith.constant 32 : i32
    %slice3A = vector.extract_strided_slice %scan3A_21#0 {offsets = [0], sizes = [1], strides = [1]} : vector<16xi32> to vector<1xi32>
    %squeeze3A = vector.extract %slice3A[0] : i32 from vector<1xi32>
    %gt3A = arith.constant 0 : i32
    %gt3A_23 = arith.cmpi sgt, %squeeze3A, %gt3A : i32
    %convert_element_type3A = arith.extui %gt3A_23 : i1 to i32
    %cond3A = arith.constant 0 : i32
    %cond3A_24 = arith.cmpi ne, %convert_element_type3A, %cond3A : i32
    scf.if %cond3A_24 {
      %slice3A_56 = vector.extract_strided_slice %scan3A_21#1 {offsets = [0], sizes = [1], strides = [1]} : vector<16xi32> to vector<1xi32>
      %squeeze3A_57 = vector.extract %slice3A_56[0] : i32 from vector<1xi32>
      %mul3A_58 = arith.constant 2048 : i32
      %mul3A_59 = arith.muli %squeeze3A_57, %mul3A_58 : i32
      %multiple_of3A = tpu.assume_multiple %mul3A_59, 2048 : i32
      "tpu.region"() ({
        %run_scoped3A = tpu.sem_alloc : memref<!tpu.dma_semaphore, #tpu.memory_space<semaphore_mem>>
        %dma_start3A = arith.constant 0 : i32
        %dma_start3A_63 = tpu.memref_slice %arg10[%dma_start3A] : memref<2192xi32, #tpu.memory_space<vmem>> -> memref<2048xi32, #tpu.memory_space<vmem>>
        %dma_start3A_64 = tpu.memref_slice %arg6[%add3A, %multiple_of3A] : memref<32x65536xi32, #tpu.memory_space<hbm>> -> memref<1x2048xi32, #tpu.memory_space<hbm>>
        %dma_start3A_65 = tpu.memref_squeeze %dma_start3A_64 : memref<1x2048xi32, #tpu.memory_space<hbm>> -> memref<2048xi32, #tpu.memory_space<hbm>>
        %dma_start3A_66 = tpu.memref_slice %arg6[%add3A, %multiple_of3A] : memref<32x65536xi32, #tpu.memory_space<hbm>> -> memref<1x2048xi32, #tpu.memory_space<hbm>>
        %dma_start3A_67 = tpu.memref_squeeze %dma_start3A_66 : memref<1x2048xi32, #tpu.memory_space<hbm>> -> memref<2048xi32, #tpu.memory_space<hbm>>
        %dma_start3A_68 = arith.constant 0 : i32
        %dma_start3A_69 = tpu.memref_slice %arg10[%dma_start3A_68] : memref<2192xi32, #tpu.memory_space<vmem>> -> memref<2048xi32, #tpu.memory_space<vmem>>
        tpu.enqueue_dma source(%dma_start3A_69 : memref<2048xi32, #tpu.memory_space<vmem>>) target(%dma_start3A_67 : memref<2048xi32, #tpu.memory_space<hbm>>) target_semaphore(%run_scoped3A : memref<!tpu.dma_semaphore, #tpu.memory_space<semaphore_mem>>)
        %dma_wait3A = arith.constant 0 : i32
        %dma_wait3A_70 = tpu.memref_slice %arg10[%dma_wait3A] : memref<2192xi32, #tpu.memory_space<vmem>> -> memref<2048xi32, #tpu.memory_space<vmem>>
        %dma_wait3A_71 = tpu.memref_slice %arg6[%add3A, %multiple_of3A] : memref<32x65536xi32, #tpu.memory_space<hbm>> -> memref<1x2048xi32, #tpu.memory_space<hbm>>
        %dma_wait3A_72 = tpu.memref_squeeze %dma_wait3A_71 : memref<1x2048xi32, #tpu.memory_space<hbm>> -> memref<2048xi32, #tpu.memory_space<hbm>>
        %dma_wait3A_73 = tpu.memref_slice %arg6[%add3A, %multiple_of3A] : memref<32x65536xi32, #tpu.memory_space<hbm>> -> memref<1x2048xi32, #tpu.memory_space<hbm>>
        %dma_wait3A_74 = tpu.memref_squeeze %dma_wait3A_73 : memref<1x2048xi32, #tpu.memory_space<hbm>> -> memref<2048xi32, #tpu.memory_space<hbm>>
        %dma_wait3A_75 = arith.constant 0 : i32
        %dma_wait3A_76 = tpu.memref_slice %arg10[%dma_wait3A_75] : memref<2192xi32, #tpu.memory_space<vmem>> -> memref<2048xi32, #tpu.memory_space<vmem>>
        tpu.wait_dma2 semaphore(%run_scoped3A : memref<!tpu.dma_semaphore, #tpu.memory_space<semaphore_mem>>) src(%dma_wait3A_76 : memref<2048xi32, #tpu.memory_space<vmem>>) dst(%dma_wait3A_74 : memref<2048xi32, #tpu.memory_space<hbm>>)
        tpu.yield
      }) : () -> ()
      %mul3A_60 = arith.constant 2048 : i32
      %mul3A_61 = arith.muli %squeeze3A_57, %mul3A_60 : i32
      %multiple_of3A_62 = tpu.assume_multiple %mul3A_61, 2048 : i32
      "tpu.region"() ({
        %run_scoped3A = tpu.sem_alloc : memref<!tpu.dma_semaphore, #tpu.memory_space<semaphore_mem>>
        %dma_start3A = arith.constant 0 : i32
        %dma_start3A_63 = tpu.memref_slice %arg11[%dma_start3A] : memref<2192xi32, #tpu.memory_space<vmem>> -> memref<2048xi32, #tpu.memory_space<vmem>>
        %dma_start3A_64 = tpu.memref_slice %arg7[%add3A, %multiple_of3A_62] : memref<32x65536xi32, #tpu.memory_space<hbm>> -> memref<1x2048xi32, #tpu.memory_space<hbm>>
        %dma_start3A_65 = tpu.memref_squeeze %dma_start3A_64 : memref<1x2048xi32, #tpu.memory_space<hbm>> -> memref<2048xi32, #tpu.memory_space<hbm>>
        %dma_start3A_66 = tpu.memref_slice %arg7[%add3A, %multiple_of3A_62] : memref<32x65536xi32, #tpu.memory_space<hbm>> -> memref<1x2048xi32, #tpu.memory_space<hbm>>
        %dma_start3A_67 = tpu.memref_squeeze %dma_start3A_66 : memref<1x2048xi32, #tpu.memory_space<hbm>> -> memref<2048xi32, #tpu.memory_space<hbm>>
        %dma_start3A_68 = arith.constant 0 : i32
        %dma_start3A_69 = tpu.memref_slice %arg11[%dma_start3A_68] : memref<2192xi32, #tpu.memory_space<vmem>> -> memref<2048xi32, #tpu.memory_space<vmem>>
        tpu.enqueue_dma source(%dma_start3A_69 : memref<2048xi32, #tpu.memory_space<vmem>>) target(%dma_start3A_67 : memref<2048xi32, #tpu.memory_space<hbm>>) target_semaphore(%run_scoped3A : memref<!tpu.dma_semaphore, #tpu.memory_space<semaphore_mem>>)
        %dma_wait3A = arith.constant 0 : i32
        %dma_wait3A_70 = tpu.memref_slice %arg11[%dma_wait3A] : memref<2192xi32, #tpu.memory_space<vmem>> -> memref<2048xi32, #tpu.memory_space<vmem>>
        %dma_wait3A_71 = tpu.memref_slice %arg7[%add3A, %multiple_of3A_62] : memref<32x65536xi32, #tpu.memory_space<hbm>> -> memref<1x2048xi32, #tpu.memory_space<hbm>>
        %dma_wait3A_72 = tpu.memref_squeeze %dma_wait3A_71 : memref<1x2048xi32, #tpu.memory_space<hbm>> -> memref<2048xi32, #tpu.memory_space<hbm>>
        %dma_wait3A_73 = tpu.memref_slice %arg7[%add3A, %multiple_of3A_62] : memref<32x65536xi32, #tpu.memory_space<hbm>> -> memref<1x2048xi32, #tpu.memory_space<hbm>>
        %dma_wait3A_74 = tpu.memref_squeeze %dma_wait3A_73 : memref<1x2048xi32, #tpu.memory_space<hbm>> -> memref<2048xi32, #tpu.memory_space<hbm>>
        %dma_wait3A_75 = arith.constant 0 : i32
        %dma_wait3A_76 = tpu.memref_slice %arg11[%dma_wait3A_75] : memref<2192xi32, #tpu.memory_space<vmem>> -> memref<2048xi32, #tpu.memory_space<vmem>>
        tpu.wait_dma2 semaphore(%run_scoped3A : memref<!tpu.dma_semaphore, #tpu.memory_space<semaphore_mem>>) src(%dma_wait3A_76 : memref<2048xi32, #tpu.memory_space<vmem>>) dst(%dma_wait3A_74 : memref<2048xi32, #tpu.memory_space<hbm>>)
        tpu.yield
      }) : () -> ()
    } else {
    }
    %mul3A_25 = arith.constant 2048 : i32
    %mul3A_26 = vector.broadcast %mul3A_25 : i32 to vector<16xi32>
    %mul3A_27 = arith.muli %scan3A_21#1, %mul3A_26 : vector<16xi32>
    %add3A_28 = arith.addi %mul3A_27, %scan3A_21#0 : vector<16xi32>
    %slice3A_29 = vector.extract_strided_slice %add3A_28 {offsets = [0], sizes = [1], strides = [1]} : vector<16xi32> to vector<1xi32>
    %squeeze3A_30 = vector.extract %slice3A_29[0] : i32 from vector<1xi32>
    %sub3A = arith.subi %shift_right_arithmetic3A_9, %shift_right_arithmetic3A_3 : i32
    %add3A_31 = arith.constant 7 : i32
    %add3A_32 = arith.addi %sub3A, %add3A_31 : i32
    %shift_right_arithmetic3A_33 = arith.constant 3 : i32
    %shift_right_arithmetic3A_34 = arith.shrsi %add3A_32, %shift_right_arithmetic3A_33 : i32
    %add3A_35 = arith.constant 2047 : i32
    %add3A_36 = arith.addi %squeeze3A_30, %add3A_35 : i32
    %shift_right_arithmetic3A_37 = arith.constant 11 : i32
    %shift_right_arithmetic3A_38 = arith.shrsi %add3A_36, %shift_right_arithmetic3A_37 : i32
    "tpu.region"() ({
      %run_scoped3A = tpu.sem_alloc : memref<!tpu.dma_semaphore, #tpu.memory_space<semaphore_mem>>
      %dma_start3A = arith.constant 0 : i32
      %dma_start3A_56 = tpu.memref_slice %arg6[%add3A, %dma_start3A] : memref<32x65536xi32, #tpu.memory_space<hbm>> -> memref<1x2048xi32, #tpu.memory_space<hbm>>
      %dma_start3A_57 = tpu.memref_squeeze %dma_start3A_56 : memref<1x2048xi32, #tpu.memory_space<hbm>> -> memref<2048xi32, #tpu.memory_space<hbm>>
      %dma_start3A_58 = arith.constant 0 : i32
      %dma_start3A_59 = tpu.memref_slice %arg6[%add3A, %dma_start3A_58] : memref<32x65536xi32, #tpu.memory_space<hbm>> -> memref<1x2048xi32, #tpu.memory_space<hbm>>
      %dma_start3A_60 = tpu.memref_squeeze %dma_start3A_59 : memref<1x2048xi32, #tpu.memory_space<hbm>> -> memref<2048xi32, #tpu.memory_space<hbm>>
      tpu.enqueue_dma source(%dma_start3A_60 : memref<2048xi32, #tpu.memory_space<hbm>>) target(%arg8 : memref<2048xi32, #tpu.memory_space<vmem>>) target_semaphore(%run_scoped3A : memref<!tpu.dma_semaphore, #tpu.memory_space<semaphore_mem>>)
      %dma_wait3A = arith.constant 0 : i32
      %dma_wait3A_61 = tpu.memref_slice %arg6[%add3A, %dma_wait3A] : memref<32x65536xi32, #tpu.memory_space<hbm>> -> memref<1x2048xi32, #tpu.memory_space<hbm>>
      %dma_wait3A_62 = tpu.memref_squeeze %dma_wait3A_61 : memref<1x2048xi32, #tpu.memory_space<hbm>> -> memref<2048xi32, #tpu.memory_space<hbm>>
      %dma_wait3A_63 = arith.constant 0 : i32
      %dma_wait3A_64 = tpu.memref_slice %arg6[%add3A, %dma_wait3A_63] : memref<32x65536xi32, #tpu.memory_space<hbm>> -> memref<1x2048xi32, #tpu.memory_space<hbm>>
      %dma_wait3A_65 = tpu.memref_squeeze %dma_wait3A_64 : memref<1x2048xi32, #tpu.memory_space<hbm>> -> memref<2048xi32, #tpu.memory_space<hbm>>
      tpu.wait_dma2 semaphore(%run_scoped3A : memref<!tpu.dma_semaphore, #tpu.memory_space<semaphore_mem>>) src(%dma_wait3A_65 : memref<2048xi32, #tpu.memory_space<hbm>>) dst(%arg8 : memref<2048xi32, #tpu.memory_space<vmem>>)
      tpu.yield
    }) : () -> ()
    "tpu.region"() ({
      %run_scoped3A = tpu.sem_alloc : memref<!tpu.dma_semaphore, #tpu.memory_space<semaphore_mem>>
      %dma_start3A = arith.constant 0 : i32
      %dma_start3A_56 = tpu.memref_slice %arg7[%add3A, %dma_start3A] : memref<32x65536xi32, #tpu.memory_space<hbm>> -> memref<1x2048xi32, #tpu.memory_space<hbm>>
      %dma_start3A_57 = tpu.memref_squeeze %dma_start3A_56 : memref<1x2048xi32, #tpu.memory_space<hbm>> -> memref<2048xi32, #tpu.memory_space<hbm>>
      %dma_start3A_58 = arith.constant 0 : i32
      %dma_start3A_59 = tpu.memref_slice %arg7[%add3A, %dma_start3A_58] : memref<32x65536xi32, #tpu.memory_space<hbm>> -> memref<1x2048xi32, #tpu.memory_space<hbm>>
      %dma_start3A_60 = tpu.memref_squeeze %dma_start3A_59 : memref<1x2048xi32, #tpu.memory_space<hbm>> -> memref<2048xi32, #tpu.memory_space<hbm>>
      tpu.enqueue_dma source(%dma_start3A_60 : memref<2048xi32, #tpu.memory_space<hbm>>) target(%arg9 : memref<2048xi32, #tpu.memory_space<vmem>>) target_semaphore(%run_scoped3A : memref<!tpu.dma_semaphore, #tpu.memory_space<semaphore_mem>>)
      %dma_wait3A = arith.constant 0 : i32
      %dma_wait3A_61 = tpu.memref_slice %arg7[%add3A, %dma_wait3A] : memref<32x65536xi32, #tpu.memory_space<hbm>> -> memref<1x2048xi32, #tpu.memory_space<hbm>>
      %dma_wait3A_62 = tpu.memref_squeeze %dma_wait3A_61 : memref<1x2048xi32, #tpu.memory_space<hbm>> -> memref<2048xi32, #tpu.memory_space<hbm>>
      %dma_wait3A_63 = arith.constant 0 : i32
      %dma_wait3A_64 = tpu.memref_slice %arg7[%add3A, %dma_wait3A_63] : memref<32x65536xi32, #tpu.memory_space<hbm>> -> memref<1x2048xi32, #tpu.memory_space<hbm>>
      %dma_wait3A_65 = tpu.memref_squeeze %dma_wait3A_64 : memref<1x2048xi32, #tpu.memory_space<hbm>> -> memref<2048xi32, #tpu.memory_space<hbm>>
      tpu.wait_dma2 semaphore(%run_scoped3A : memref<!tpu.dma_semaphore, #tpu.memory_space<semaphore_mem>>) src(%dma_wait3A_65 : memref<2048xi32, #tpu.memory_space<hbm>>) dst(%arg9 : memref<2048xi32, #tpu.memory_space<vmem>>)
      tpu.yield
    }) : () -> ()
    %while3A = arith.constant 0 : i32
    %while3A_39 = arith.subi %shift_right_arithmetic3A_34, %while3A : i32
    %while3A_40 = arith.addi %while3A, %while3A_39 : i32
    %while3A_41 = arith.constant 1 : i32
    %while3A_42 = arith.divsi %while3A_39, %while3A_41 : i32
    %while3A_43 = arith.muli %while3A_42, %while3A_41 : i32
    %while3A_44 = arith.addi %while3A, %while3A_43 : i32
    %while3A_45 = arith.constant 1 : i32
    %while3A_46 = scf.for %while3A_56 = %while3A to %while3A_44 step %while3A_45 iter_args(%while3A_57 = %broadcast_in_dim3A_17) -> (vector<16xi32>)  : i32 {
      %mul3A_58 = arith.constant 8 : i32
      %mul3A_59 = arith.muli %while3A_56, %mul3A_58 : i32
      %add3A_60 = arith.addi %shift_right_arithmetic3A_3, %mul3A_59 : i32
      %add3A_61 = arith.constant 0 : i32
      %add3A_62 = arith.addi %add3A_60, %add3A_61 : i32
      %lt3A = arith.cmpi slt, %add3A_62, %shift_right_arithmetic3A_9 : i32
      %ne3A = arith.constant 7812 : i32
      %ne3A_63 = arith.cmpi ne, %add3A_62, %ne3A : i32
      %and3A = arith.andi %lt3A, %ne3A_63 : i1
      %convert_element_type3A_64 = arith.extui %and3A : i1 to i32
      %cond3A_65 = arith.constant 0 : i32
      %cond3A_66 = arith.cmpi ne, %convert_element_type3A_64, %cond3A_65 : i32
      scf.if %cond3A_66 {
        %mul3A_229 = arith.constant 128 : i32
        %mul3A_230 = arith.muli %add3A_62, %mul3A_229 : i32
        %multiple_of3A = tpu.assume_multiple %mul3A_230, 128 : i32
        %dma_start3A = arith.constant 0 : i32
        %dma_start3A_231 = arith.constant 0 : i32
        %dma_start3A_232 = tpu.memref_slice %arg14[%dma_start3A, %dma_start3A_231] : memref<512x128xf32, #tpu.memory_space<vmem>> -> memref<64x128xf32, #tpu.memory_space<vmem>>
        %dma_start3A_233 = arith.constant 0 : i32
        %dma_start3A_234 = tpu.memref_slice %arg3[%dma_start3A_233, %multiple_of3A] : memref<64x1000000xf32, #tpu.memory_space<hbm>> -> memref<64x128xf32, #tpu.memory_space<hbm>>
        %dma_start3A_235 = arith.constant 0 : i32
        %dma_start3A_236 = arith.constant 0 : i32
        %dma_start3A_237 = tpu.memref_slice %arg14[%dma_start3A_235, %dma_start3A_236] : memref<512x128xf32, #tpu.memory_space<vmem>> -> memref<64x128xf32, #tpu.memory_space<vmem>>
        %dma_start3A_238 = arith.constant 0 : i32
        %dma_start3A_239 = tpu.memref_slice %arg3[%dma_start3A_238, %multiple_of3A] : memref<64x1000000xf32, #tpu.memory_space<hbm>> -> memref<64x128xf32, #tpu.memory_space<hbm>>
        tpu.enqueue_dma source(%dma_start3A_239 : memref<64x128xf32, #tpu.memory_space<hbm>>) target(%dma_start3A_237 : memref<64x128xf32, #tpu.memory_space<vmem>>) target_semaphore(%arg18 : memref<!tpu.dma_semaphore, #tpu.memory_space<semaphore_mem>>)
      } else {
      }
      %eq3A_67 = arith.constant 7812 : i32
      %eq3A_68 = arith.cmpi eq, %add3A_62, %eq3A_67 : i32
      %convert_element_type3A_69 = arith.extui %eq3A_68 : i1 to i32
      %cond3A_70 = arith.constant 0 : i32
      %cond3A_71 = arith.cmpi ne, %convert_element_type3A_69, %cond3A_70 : i32
      scf.if %cond3A_71 {
        %dma_start3A = arith.constant 0 : i32
        %dma_start3A_229 = arith.constant 0 : i32
        %dma_start3A_230 = tpu.memref_slice %arg14[%dma_start3A, %dma_start3A_229] : memref<512x128xf32, #tpu.memory_space<vmem>> -> memref<64x128xf32, #tpu.memory_space<vmem>>
        %dma_start3A_231 = arith.constant 0 : i32
        %dma_start3A_232 = arith.constant 0 : i32
        %dma_start3A_233 = tpu.memref_slice %arg14[%dma_start3A_231, %dma_start3A_232] : memref<512x128xf32, #tpu.memory_space<vmem>> -> memref<64x128xf32, #tpu.memory_space<vmem>>
        tpu.enqueue_dma source(%arg4 : memref<64x128xf32, #tpu.memory_space<hbm>>) target(%dma_start3A_233 : memref<64x128xf32, #tpu.memory_space<vmem>>) target_semaphore(%arg18 : memref<!tpu.dma_semaphore, #tpu.memory_space<semaphore_mem>>)
      } else {
      }
      %add3A_72 = arith.constant 1 : i32
      %add3A_73 = arith.addi %add3A_60, %add3A_72 : i32
      %lt3A_74 = arith.cmpi slt, %add3A_73, %shift_right_arithmetic3A_9 : i32
      %ne3A_75 = arith.constant 7812 : i32
      %ne3A_76 = arith.cmpi ne, %add3A_73, %ne3A_75 : i32
      %and3A_77 = arith.andi %lt3A_74, %ne3A_76 : i1
      %convert_element_type3A_78 = arith.extui %and3A_77 : i1 to i32
      %cond3A_79 = arith.constant 0 : i32
      %cond3A_80 = arith.cmpi ne, %convert_element_type3A_78, %cond3A_79 : i32
      scf.if %cond3A_80 {
        %mul3A_229 = arith.constant 128 : i32
        %mul3A_230 = arith.muli %add3A_73, %mul3A_229 : i32
        %multiple_of3A = tpu.assume_multiple %mul3A_230, 128 : i32
        %dma_start3A = arith.constant 64 : i32
        %dma_start3A_231 = arith.constant 0 : i32
        %dma_start3A_232 = tpu.memref_slice %arg14[%dma_start3A, %dma_start3A_231] : memref<512x128xf32, #tpu.memory_space<vmem>> -> memref<64x128xf32, #tpu.memory_space<vmem>>
        %dma_start3A_233 = arith.constant 0 : i32
        %dma_start3A_234 = tpu.memref_slice %arg3[%dma_start3A_233, %multiple_of3A] : memref<64x1000000xf32, #tpu.memory_space<hbm>> -> memref<64x128xf32, #tpu.memory_space<hbm>>
        %dma_start3A_235 = arith.constant 64 : i32
        %dma_start3A_236 = arith.constant 0 : i32
        %dma_start3A_237 = tpu.memref_slice %arg14[%dma_start3A_235, %dma_start3A_236] : memref<512x128xf32, #tpu.memory_space<vmem>> -> memref<64x128xf32, #tpu.memory_space<vmem>>
        %dma_start3A_238 = arith.constant 0 : i32
        %dma_start3A_239 = tpu.memref_slice %arg3[%dma_start3A_238, %multiple_of3A] : memref<64x1000000xf32, #tpu.memory_space<hbm>> -> memref<64x128xf32, #tpu.memory_space<hbm>>
        tpu.enqueue_dma source(%dma_start3A_239 : memref<64x128xf32, #tpu.memory_space<hbm>>) target(%dma_start3A_237 : memref<64x128xf32, #tpu.memory_space<vmem>>) target_semaphore(%arg18 : memref<!tpu.dma_semaphore, #tpu.memory_space<semaphore_mem>>)
      } else {
      }
      %eq3A_81 = arith.constant 7812 : i32
      %eq3A_82 = arith.cmpi eq, %add3A_73, %eq3A_81 : i32
      %convert_element_type3A_83 = arith.extui %eq3A_82 : i1 to i32
      %cond3A_84 = arith.constant 0 : i32
      %cond3A_85 = arith.cmpi ne, %convert_element_type3A_83, %cond3A_84 : i32
      scf.if %cond3A_85 {
        %dma_start3A = arith.constant 64 : i32
        %dma_start3A_229 = arith.constant 0 : i32
        %dma_start3A_230 = tpu.memref_slice %arg14[%dma_start3A, %dma_start3A_229] : memref<512x128xf32, #tpu.memory_space<vmem>> -> memref<64x128xf32, #tpu.memory_space<vmem>>
        %dma_start3A_231 = arith.constant 64 : i32
        %dma_start3A_232 = arith.constant 0 : i32
        %dma_start3A_233 = tpu.memref_slice %arg14[%dma_start3A_231, %dma_start3A_232] : memref<512x128xf32, #tpu.memory_space<vmem>> -> memref<64x128xf32, #tpu.memory_space<vmem>>
        tpu.enqueue_dma source(%arg4 : memref<64x128xf32, #tpu.memory_space<hbm>>) target(%dma_start3A_233 : memref<64x128xf32, #tpu.memory_space<vmem>>) target_semaphore(%arg18 : memref<!tpu.dma_semaphore, #tpu.memory_space<semaphore_mem>>)
      } else {
      }
      %add3A_86 = arith.constant 2 : i32
      %add3A_87 = arith.addi %add3A_60, %add3A_86 : i32
      %lt3A_88 = arith.cmpi slt, %add3A_87, %shift_right_arithmetic3A_9 : i32
      %ne3A_89 = arith.constant 7812 : i32
      %ne3A_90 = arith.cmpi ne, %add3A_87, %ne3A_89 : i32
      %and3A_91 = arith.andi %lt3A_88, %ne3A_90 : i1
      %convert_element_type3A_92 = arith.extui %and3A_91 : i1 to i32
      %cond3A_93 = arith.constant 0 : i32
      %cond3A_94 = arith.cmpi ne, %convert_element_type3A_92, %cond3A_93 : i32
      scf.if %cond3A_94 {
        %mul3A_229 = arith.constant 128 : i32
        %mul3A_230 = arith.muli %add3A_87, %mul3A_229 : i32
        %multiple_of3A = tpu.assume_multiple %mul3A_230, 128 : i32
        %dma_start3A = arith.constant 128 : i32
        %dma_start3A_231 = arith.constant 0 : i32
        %dma_start3A_232 = tpu.memref_slice %arg14[%dma_start3A, %dma_start3A_231] : memref<512x128xf32, #tpu.memory_space<vmem>> -> memref<64x128xf32, #tpu.memory_space<vmem>>
        %dma_start3A_233 = arith.constant 0 : i32
        %dma_start3A_234 = tpu.memref_slice %arg3[%dma_start3A_233, %multiple_of3A] : memref<64x1000000xf32, #tpu.memory_space<hbm>> -> memref<64x128xf32, #tpu.memory_space<hbm>>
        %dma_start3A_235 = arith.constant 128 : i32
        %dma_start3A_236 = arith.constant 0 : i32
        %dma_start3A_237 = tpu.memref_slice %arg14[%dma_start3A_235, %dma_start3A_236] : memref<512x128xf32, #tpu.memory_space<vmem>> -> memref<64x128xf32, #tpu.memory_space<vmem>>
        %dma_start3A_238 = arith.constant 0 : i32
        %dma_start3A_239 = tpu.memref_slice %arg3[%dma_start3A_238, %multiple_of3A] : memref<64x1000000xf32, #tpu.memory_space<hbm>> -> memref<64x128xf32, #tpu.memory_space<hbm>>
        tpu.enqueue_dma source(%dma_start3A_239 : memref<64x128xf32, #tpu.memory_space<hbm>>) target(%dma_start3A_237 : memref<64x128xf32, #tpu.memory_space<vmem>>) target_semaphore(%arg18 : memref<!tpu.dma_semaphore, #tpu.memory_space<semaphore_mem>>)
      } else {
      }
      %eq3A_95 = arith.constant 7812 : i32
      %eq3A_96 = arith.cmpi eq, %add3A_87, %eq3A_95 : i32
      %convert_element_type3A_97 = arith.extui %eq3A_96 : i1 to i32
      %cond3A_98 = arith.constant 0 : i32
      %cond3A_99 = arith.cmpi ne, %convert_element_type3A_97, %cond3A_98 : i32
      scf.if %cond3A_99 {
        %dma_start3A = arith.constant 128 : i32
        %dma_start3A_229 = arith.constant 0 : i32
        %dma_start3A_230 = tpu.memref_slice %arg14[%dma_start3A, %dma_start3A_229] : memref<512x128xf32, #tpu.memory_space<vmem>> -> memref<64x128xf32, #tpu.memory_space<vmem>>
        %dma_start3A_231 = arith.constant 128 : i32
        %dma_start3A_232 = arith.constant 0 : i32
        %dma_start3A_233 = tpu.memref_slice %arg14[%dma_start3A_231, %dma_start3A_232] : memref<512x128xf32, #tpu.memory_space<vmem>> -> memref<64x128xf32, #tpu.memory_space<vmem>>
        tpu.enqueue_dma source(%arg4 : memref<64x128xf32, #tpu.memory_space<hbm>>) target(%dma_start3A_233 : memref<64x128xf32, #tpu.memory_space<vmem>>) target_semaphore(%arg18 : memref<!tpu.dma_semaphore, #tpu.memory_space<semaphore_mem>>)
      } else {
      }
      %add3A_100 = arith.constant 3 : i32
      %add3A_101 = arith.addi %add3A_60, %add3A_100 : i32
      %lt3A_102 = arith.cmpi slt, %add3A_101, %shift_right_arithmetic3A_9 : i32
      %ne3A_103 = arith.constant 7812 : i32
      %ne3A_104 = arith.cmpi ne, %add3A_101, %ne3A_103 : i32
      %and3A_105 = arith.andi %lt3A_102, %ne3A_104 : i1
      %convert_element_type3A_106 = arith.extui %and3A_105 : i1 to i32
      %cond3A_107 = arith.constant 0 : i32
      %cond3A_108 = arith.cmpi ne, %convert_element_type3A_106, %cond3A_107 : i32
      scf.if %cond3A_108 {
        %mul3A_229 = arith.constant 128 : i32
        %mul3A_230 = arith.muli %add3A_101, %mul3A_229 : i32
        %multiple_of3A = tpu.assume_multiple %mul3A_230, 128 : i32
        %dma_start3A = arith.constant 192 : i32
        %dma_start3A_231 = arith.constant 0 : i32
        %dma_start3A_232 = tpu.memref_slice %arg14[%dma_start3A, %dma_start3A_231] : memref<512x128xf32, #tpu.memory_space<vmem>> -> memref<64x128xf32, #tpu.memory_space<vmem>>
        %dma_start3A_233 = arith.constant 0 : i32
        %dma_start3A_234 = tpu.memref_slice %arg3[%dma_start3A_233, %multiple_of3A] : memref<64x1000000xf32, #tpu.memory_space<hbm>> -> memref<64x128xf32, #tpu.memory_space<hbm>>
        %dma_start3A_235 = arith.constant 192 : i32
        %dma_start3A_236 = arith.constant 0 : i32
        %dma_start3A_237 = tpu.memref_slice %arg14[%dma_start3A_235, %dma_start3A_236] : memref<512x128xf32, #tpu.memory_space<vmem>> -> memref<64x128xf32, #tpu.memory_space<vmem>>
        %dma_start3A_238 = arith.constant 0 : i32
        %dma_start3A_239 = tpu.memref_slice %arg3[%dma_start3A_238, %multiple_of3A] : memref<64x1000000xf32, #tpu.memory_space<hbm>> -> memref<64x128xf32, #tpu.memory_space<hbm>>
        tpu.enqueue_dma source(%dma_start3A_239 : memref<64x128xf32, #tpu.memory_space<hbm>>) target(%dma_start3A_237 : memref<64x128xf32, #tpu.memory_space<vmem>>) target_semaphore(%arg18 : memref<!tpu.dma_semaphore, #tpu.memory_space<semaphore_mem>>)
      } else {
      }
      %eq3A_109 = arith.constant 7812 : i32
      %eq3A_110 = arith.cmpi eq, %add3A_101, %eq3A_109 : i32
      %convert_element_type3A_111 = arith.extui %eq3A_110 : i1 to i32
      %cond3A_112 = arith.constant 0 : i32
      %cond3A_113 = arith.cmpi ne, %convert_element_type3A_111, %cond3A_112 : i32
      scf.if %cond3A_113 {
        %dma_start3A = arith.constant 192 : i32
        %dma_start3A_229 = arith.constant 0 : i32
        %dma_start3A_230 = tpu.memref_slice %arg14[%dma_start3A, %dma_start3A_229] : memref<512x128xf32, #tpu.memory_space<vmem>> -> memref<64x128xf32, #tpu.memory_space<vmem>>
        %dma_start3A_231 = arith.constant 192 : i32
        %dma_start3A_232 = arith.constant 0 : i32
        %dma_start3A_233 = tpu.memref_slice %arg14[%dma_start3A_231, %dma_start3A_232] : memref<512x128xf32, #tpu.memory_space<vmem>> -> memref<64x128xf32, #tpu.memory_space<vmem>>
        tpu.enqueue_dma source(%arg4 : memref<64x128xf32, #tpu.memory_space<hbm>>) target(%dma_start3A_233 : memref<64x128xf32, #tpu.memory_space<vmem>>) target_semaphore(%arg18 : memref<!tpu.dma_semaphore, #tpu.memory_space<semaphore_mem>>)
      } else {
      }
      %add3A_114 = arith.constant 4 : i32
      %add3A_115 = arith.addi %add3A_60, %add3A_114 : i32
      %lt3A_116 = arith.cmpi slt, %add3A_115, %shift_right_arithmetic3A_9 : i32
      %ne3A_117 = arith.constant 7812 : i32
      %ne3A_118 = arith.cmpi ne, %add3A_115, %ne3A_117 : i32
      %and3A_119 = arith.andi %lt3A_116, %ne3A_118 : i1
      %convert_element_type3A_120 = arith.extui %and3A_119 : i1 to i32
      %cond3A_121 = arith.constant 0 : i32
      %cond3A_122 = arith.cmpi ne, %convert_element_type3A_120, %cond3A_121 : i32
      scf.if %cond3A_122 {
        %mul3A_229 = arith.constant 128 : i32
        %mul3A_230 = arith.muli %add3A_115, %mul3A_229 : i32
        %multiple_of3A = tpu.assume_multiple %mul3A_230, 128 : i32
        %dma_start3A = arith.constant 256 : i32
        %dma_start3A_231 = arith.constant 0 : i32
        %dma_start3A_232 = tpu.memref_slice %arg14[%dma_start3A, %dma_start3A_231] : memref<512x128xf32, #tpu.memory_space<vmem>> -> memref<64x128xf32, #tpu.memory_space<vmem>>
        %dma_start3A_233 = arith.constant 0 : i32
        %dma_start3A_234 = tpu.memref_slice %arg3[%dma_start3A_233, %multiple_of3A] : memref<64x1000000xf32, #tpu.memory_space<hbm>> -> memref<64x128xf32, #tpu.memory_space<hbm>>
        %dma_start3A_235 = arith.constant 256 : i32
        %dma_start3A_236 = arith.constant 0 : i32
        %dma_start3A_237 = tpu.memref_slice %arg14[%dma_start3A_235, %dma_start3A_236] : memref<512x128xf32, #tpu.memory_space<vmem>> -> memref<64x128xf32, #tpu.memory_space<vmem>>
        %dma_start3A_238 = arith.constant 0 : i32
        %dma_start3A_239 = tpu.memref_slice %arg3[%dma_start3A_238, %multiple_of3A] : memref<64x1000000xf32, #tpu.memory_space<hbm>> -> memref<64x128xf32, #tpu.memory_space<hbm>>
        tpu.enqueue_dma source(%dma_start3A_239 : memref<64x128xf32, #tpu.memory_space<hbm>>) target(%dma_start3A_237 : memref<64x128xf32, #tpu.memory_space<vmem>>) target_semaphore(%arg18 : memref<!tpu.dma_semaphore, #tpu.memory_space<semaphore_mem>>)
      } else {
      }
      %eq3A_123 = arith.constant 7812 : i32
      %eq3A_124 = arith.cmpi eq, %add3A_115, %eq3A_123 : i32
      %convert_element_type3A_125 = arith.extui %eq3A_124 : i1 to i32
      %cond3A_126 = arith.constant 0 : i32
      %cond3A_127 = arith.cmpi ne, %convert_element_type3A_125, %cond3A_126 : i32
      scf.if %cond3A_127 {
        %dma_start3A = arith.constant 256 : i32
        %dma_start3A_229 = arith.constant 0 : i32
        %dma_start3A_230 = tpu.memref_slice %arg14[%dma_start3A, %dma_start3A_229] : memref<512x128xf32, #tpu.memory_space<vmem>> -> memref<64x128xf32, #tpu.memory_space<vmem>>
        %dma_start3A_231 = arith.constant 256 : i32
        %dma_start3A_232 = arith.constant 0 : i32
        %dma_start3A_233 = tpu.memref_slice %arg14[%dma_start3A_231, %dma_start3A_232] : memref<512x128xf32, #tpu.memory_space<vmem>> -> memref<64x128xf32, #tpu.memory_space<vmem>>
        tpu.enqueue_dma source(%arg4 : memref<64x128xf32, #tpu.memory_space<hbm>>) target(%dma_start3A_233 : memref<64x128xf32, #tpu.memory_space<vmem>>) target_semaphore(%arg18 : memref<!tpu.dma_semaphore, #tpu.memory_space<semaphore_mem>>)
      } else {
      }
      %add3A_128 = arith.constant 5 : i32
      %add3A_129 = arith.addi %add3A_60, %add3A_128 : i32
      %lt3A_130 = arith.cmpi slt, %add3A_129, %shift_right_arithmetic3A_9 : i32
      %ne3A_131 = arith.constant 7812 : i32
      %ne3A_132 = arith.cmpi ne, %add3A_129, %ne3A_131 : i32
      %and3A_133 = arith.andi %lt3A_130, %ne3A_132 : i1
      %convert_element_type3A_134 = arith.extui %and3A_133 : i1 to i32
      %cond3A_135 = arith.constant 0 : i32
      %cond3A_136 = arith.cmpi ne, %convert_element_type3A_134, %cond3A_135 : i32
      scf.if %cond3A_136 {
        %mul3A_229 = arith.constant 128 : i32
        %mul3A_230 = arith.muli %add3A_129, %mul3A_229 : i32
        %multiple_of3A = tpu.assume_multiple %mul3A_230, 128 : i32
        %dma_start3A = arith.constant 320 : i32
        %dma_start3A_231 = arith.constant 0 : i32
        %dma_start3A_232 = tpu.memref_slice %arg14[%dma_start3A, %dma_start3A_231] : memref<512x128xf32, #tpu.memory_space<vmem>> -> memref<64x128xf32, #tpu.memory_space<vmem>>
        %dma_start3A_233 = arith.constant 0 : i32
        %dma_start3A_234 = tpu.memref_slice %arg3[%dma_start3A_233, %multiple_of3A] : memref<64x1000000xf32, #tpu.memory_space<hbm>> -> memref<64x128xf32, #tpu.memory_space<hbm>>
        %dma_start3A_235 = arith.constant 320 : i32
        %dma_start3A_236 = arith.constant 0 : i32
        %dma_start3A_237 = tpu.memref_slice %arg14[%dma_start3A_235, %dma_start3A_236] : memref<512x128xf32, #tpu.memory_space<vmem>> -> memref<64x128xf32, #tpu.memory_space<vmem>>
        %dma_start3A_238 = arith.constant 0 : i32
        %dma_start3A_239 = tpu.memref_slice %arg3[%dma_start3A_238, %multiple_of3A] : memref<64x1000000xf32, #tpu.memory_space<hbm>> -> memref<64x128xf32, #tpu.memory_space<hbm>>
        tpu.enqueue_dma source(%dma_start3A_239 : memref<64x128xf32, #tpu.memory_space<hbm>>) target(%dma_start3A_237 : memref<64x128xf32, #tpu.memory_space<vmem>>) target_semaphore(%arg18 : memref<!tpu.dma_semaphore, #tpu.memory_space<semaphore_mem>>)
      } else {
      }
      %eq3A_137 = arith.constant 7812 : i32
      %eq3A_138 = arith.cmpi eq, %add3A_129, %eq3A_137 : i32
      %convert_element_type3A_139 = arith.extui %eq3A_138 : i1 to i32
      %cond3A_140 = arith.constant 0 : i32
      %cond3A_141 = arith.cmpi ne, %convert_element_type3A_139, %cond3A_140 : i32
      scf.if %cond3A_141 {
        %dma_start3A = arith.constant 320 : i32
        %dma_start3A_229 = arith.constant 0 : i32
        %dma_start3A_230 = tpu.memref_slice %arg14[%dma_start3A, %dma_start3A_229] : memref<512x128xf32, #tpu.memory_space<vmem>> -> memref<64x128xf32, #tpu.memory_space<vmem>>
        %dma_start3A_231 = arith.constant 320 : i32
        %dma_start3A_232 = arith.constant 0 : i32
        %dma_start3A_233 = tpu.memref_slice %arg14[%dma_start3A_231, %dma_start3A_232] : memref<512x128xf32, #tpu.memory_space<vmem>> -> memref<64x128xf32, #tpu.memory_space<vmem>>
        tpu.enqueue_dma source(%arg4 : memref<64x128xf32, #tpu.memory_space<hbm>>) target(%dma_start3A_233 : memref<64x128xf32, #tpu.memory_space<vmem>>) target_semaphore(%arg18 : memref<!tpu.dma_semaphore, #tpu.memory_space<semaphore_mem>>)
      } else {
      }
      %add3A_142 = arith.constant 6 : i32
      %add3A_143 = arith.addi %add3A_60, %add3A_142 : i32
      %lt3A_144 = arith.cmpi slt, %add3A_143, %shift_right_arithmetic3A_9 : i32
      %ne3A_145 = arith.constant 7812 : i32
      %ne3A_146 = arith.cmpi ne, %add3A_143, %ne3A_145 : i32
      %and3A_147 = arith.andi %lt3A_144, %ne3A_146 : i1
      %convert_element_type3A_148 = arith.extui %and3A_147 : i1 to i32
      %cond3A_149 = arith.constant 0 : i32
      %cond3A_150 = arith.cmpi ne, %convert_element_type3A_148, %cond3A_149 : i32
      scf.if %cond3A_150 {
        %mul3A_229 = arith.constant 128 : i32
        %mul3A_230 = arith.muli %add3A_143, %mul3A_229 : i32
        %multiple_of3A = tpu.assume_multiple %mul3A_230, 128 : i32
        %dma_start3A = arith.constant 384 : i32
        %dma_start3A_231 = arith.constant 0 : i32
        %dma_start3A_232 = tpu.memref_slice %arg14[%dma_start3A, %dma_start3A_231] : memref<512x128xf32, #tpu.memory_space<vmem>> -> memref<64x128xf32, #tpu.memory_space<vmem>>
        %dma_start3A_233 = arith.constant 0 : i32
        %dma_start3A_234 = tpu.memref_slice %arg3[%dma_start3A_233, %multiple_of3A] : memref<64x1000000xf32, #tpu.memory_space<hbm>> -> memref<64x128xf32, #tpu.memory_space<hbm>>
        %dma_start3A_235 = arith.constant 384 : i32
        %dma_start3A_236 = arith.constant 0 : i32
        %dma_start3A_237 = tpu.memref_slice %arg14[%dma_start3A_235, %dma_start3A_236] : memref<512x128xf32, #tpu.memory_space<vmem>> -> memref<64x128xf32, #tpu.memory_space<vmem>>
        %dma_start3A_238 = arith.constant 0 : i32
        %dma_start3A_239 = tpu.memref_slice %arg3[%dma_start3A_238, %multiple_of3A] : memref<64x1000000xf32, #tpu.memory_space<hbm>> -> memref<64x128xf32, #tpu.memory_space<hbm>>
        tpu.enqueue_dma source(%dma_start3A_239 : memref<64x128xf32, #tpu.memory_space<hbm>>) target(%dma_start3A_237 : memref<64x128xf32, #tpu.memory_space<vmem>>) target_semaphore(%arg18 : memref<!tpu.dma_semaphore, #tpu.memory_space<semaphore_mem>>)
      } else {
      }
      %eq3A_151 = arith.constant 7812 : i32
      %eq3A_152 = arith.cmpi eq, %add3A_143, %eq3A_151 : i32
      %convert_element_type3A_153 = arith.extui %eq3A_152 : i1 to i32
      %cond3A_154 = arith.constant 0 : i32
      %cond3A_155 = arith.cmpi ne, %convert_element_type3A_153, %cond3A_154 : i32
      scf.if %cond3A_155 {
        %dma_start3A = arith.constant 384 : i32
        %dma_start3A_229 = arith.constant 0 : i32
        %dma_start3A_230 = tpu.memref_slice %arg14[%dma_start3A, %dma_start3A_229] : memref<512x128xf32, #tpu.memory_space<vmem>> -> memref<64x128xf32, #tpu.memory_space<vmem>>
        %dma_start3A_231 = arith.constant 384 : i32
        %dma_start3A_232 = arith.constant 0 : i32
        %dma_start3A_233 = tpu.memref_slice %arg14[%dma_start3A_231, %dma_start3A_232] : memref<512x128xf32, #tpu.memory_space<vmem>> -> memref<64x128xf32, #tpu.memory_space<vmem>>
        tpu.enqueue_dma source(%arg4 : memref<64x128xf32, #tpu.memory_space<hbm>>) target(%dma_start3A_233 : memref<64x128xf32, #tpu.memory_space<vmem>>) target_semaphore(%arg18 : memref<!tpu.dma_semaphore, #tpu.memory_space<semaphore_mem>>)
      } else {
      }
      %add3A_156 = arith.constant 7 : i32
      %add3A_157 = arith.addi %add3A_60, %add3A_156 : i32
      %lt3A_158 = arith.cmpi slt, %add3A_157, %shift_right_arithmetic3A_9 : i32
      %ne3A_159 = arith.constant 7812 : i32
      %ne3A_160 = arith.cmpi ne, %add3A_157, %ne3A_159 : i32
      %and3A_161 = arith.andi %lt3A_158, %ne3A_160 : i1
      %convert_element_type3A_162 = arith.extui %and3A_161 : i1 to i32
      %cond3A_163 = arith.constant 0 : i32
      %cond3A_164 = arith.cmpi ne, %convert_element_type3A_162, %cond3A_163 : i32
      scf.if %cond3A_164 {
        %mul3A_229 = arith.constant 128 : i32
        %mul3A_230 = arith.muli %add3A_157, %mul3A_229 : i32
        %multiple_of3A = tpu.assume_multiple %mul3A_230, 128 : i32
        %dma_start3A = arith.constant 448 : i32
        %dma_start3A_231 = arith.constant 0 : i32
        %dma_start3A_232 = tpu.memref_slice %arg14[%dma_start3A, %dma_start3A_231] : memref<512x128xf32, #tpu.memory_space<vmem>> -> memref<64x128xf32, #tpu.memory_space<vmem>>
        %dma_start3A_233 = arith.constant 0 : i32
        %dma_start3A_234 = tpu.memref_slice %arg3[%dma_start3A_233, %multiple_of3A] : memref<64x1000000xf32, #tpu.memory_space<hbm>> -> memref<64x128xf32, #tpu.memory_space<hbm>>
        %dma_start3A_235 = arith.constant 448 : i32
        %dma_start3A_236 = arith.constant 0 : i32
        %dma_start3A_237 = tpu.memref_slice %arg14[%dma_start3A_235, %dma_start3A_236] : memref<512x128xf32, #tpu.memory_space<vmem>> -> memref<64x128xf32, #tpu.memory_space<vmem>>
        %dma_start3A_238 = arith.constant 0 : i32
        %dma_start3A_239 = tpu.memref_slice %arg3[%dma_start3A_238, %multiple_of3A] : memref<64x1000000xf32, #tpu.memory_space<hbm>> -> memref<64x128xf32, #tpu.memory_space<hbm>>
        tpu.enqueue_dma source(%dma_start3A_239 : memref<64x128xf32, #tpu.memory_space<hbm>>) target(%dma_start3A_237 : memref<64x128xf32, #tpu.memory_space<vmem>>) target_semaphore(%arg18 : memref<!tpu.dma_semaphore, #tpu.memory_space<semaphore_mem>>)
      } else {
      }
      %eq3A_165 = arith.constant 7812 : i32
      %eq3A_166 = arith.cmpi eq, %add3A_157, %eq3A_165 : i32
      %convert_element_type3A_167 = arith.extui %eq3A_166 : i1 to i32
      %cond3A_168 = arith.constant 0 : i32
      %cond3A_169 = arith.cmpi ne, %convert_element_type3A_167, %cond3A_168 : i32
      scf.if %cond3A_169 {
        %dma_start3A = arith.constant 448 : i32
        %dma_start3A_229 = arith.constant 0 : i32
        %dma_start3A_230 = tpu.memref_slice %arg14[%dma_start3A, %dma_start3A_229] : memref<512x128xf32, #tpu.memory_space<vmem>> -> memref<64x128xf32, #tpu.memory_space<vmem>>
        %dma_start3A_231 = arith.constant 448 : i32
        %dma_start3A_232 = arith.constant 0 : i32
        %dma_start3A_233 = tpu.memref_slice %arg14[%dma_start3A_231, %dma_start3A_232] : memref<512x128xf32, #tpu.memory_space<vmem>> -> memref<64x128xf32, #tpu.memory_space<vmem>>
        tpu.enqueue_dma source(%arg4 : memref<64x128xf32, #tpu.memory_space<hbm>>) target(%dma_start3A_233 : memref<64x128xf32, #tpu.memory_space<vmem>>) target_semaphore(%arg18 : memref<!tpu.dma_semaphore, #tpu.memory_space<semaphore_mem>>)
      } else {
      }
      %add3A_170 = arith.constant 0 : i32
      %add3A_171 = arith.addi %add3A_60, %add3A_170 : i32
      %lt3A_172 = arith.cmpi slt, %add3A_171, %shift_right_arithmetic3A_9 : i32
      %convert_element_type3A_173 = arith.extui %lt3A_172 : i1 to i32
      %cond3A_174 = arith.constant 0 : i32
      %cond3A_175 = arith.cmpi ne, %convert_element_type3A_173, %cond3A_174 : i32
      scf.if %cond3A_175 {
        %dma_wait3A = arith.constant 0 : i32
        %dma_wait3A_229 = arith.constant 0 : i32
        %dma_wait3A_230 = tpu.memref_slice %arg14[%dma_wait3A, %dma_wait3A_229] : memref<512x128xf32, #tpu.memory_space<vmem>> -> memref<64x128xf32, #tpu.memory_space<vmem>>
        %dma_wait3A_231 = arith.constant 0 : i32
        %dma_wait3A_232 = arith.constant 0 : i32
        %dma_wait3A_233 = tpu.memref_slice %arg3[%dma_wait3A_231, %dma_wait3A_232] : memref<64x1000000xf32, #tpu.memory_space<hbm>> -> memref<64x128xf32, #tpu.memory_space<hbm>>
        %dma_wait3A_234 = arith.constant 0 : i32
        %dma_wait3A_235 = arith.constant 0 : i32
        %dma_wait3A_236 = tpu.memref_slice %arg14[%dma_wait3A_234, %dma_wait3A_235] : memref<512x128xf32, #tpu.memory_space<vmem>> -> memref<64x128xf32, #tpu.memory_space<vmem>>
        %dma_wait3A_237 = arith.constant 0 : i32
        %dma_wait3A_238 = arith.constant 0 : i32
        %dma_wait3A_239 = tpu.memref_slice %arg3[%dma_wait3A_237, %dma_wait3A_238] : memref<64x1000000xf32, #tpu.memory_space<hbm>> -> memref<64x128xf32, #tpu.memory_space<hbm>>
        tpu.wait_dma2 semaphore(%arg18 : memref<!tpu.dma_semaphore, #tpu.memory_space<semaphore_mem>>) src(%dma_wait3A_239 : memref<64x128xf32, #tpu.memory_space<hbm>>) dst(%dma_wait3A_236 : memref<64x128xf32, #tpu.memory_space<vmem>>)
      } else {
      }
      %add3A_176 = arith.constant 1 : i32
      %add3A_177 = arith.addi %add3A_60, %add3A_176 : i32
      %lt3A_178 = arith.cmpi slt, %add3A_177, %shift_right_arithmetic3A_9 : i32
      %convert_element_type3A_179 = arith.extui %lt3A_178 : i1 to i32
      %cond3A_180 = arith.constant 0 : i32
      %cond3A_181 = arith.cmpi ne, %convert_element_type3A_179, %cond3A_180 : i32
      scf.if %cond3A_181 {
        %dma_wait3A = arith.constant 64 : i32
        %dma_wait3A_229 = arith.constant 0 : i32
        %dma_wait3A_230 = tpu.memref_slice %arg14[%dma_wait3A, %dma_wait3A_229] : memref<512x128xf32, #tpu.memory_space<vmem>> -> memref<64x128xf32, #tpu.memory_space<vmem>>
        %dma_wait3A_231 = arith.constant 0 : i32
        %dma_wait3A_232 = arith.constant 0 : i32
        %dma_wait3A_233 = tpu.memref_slice %arg3[%dma_wait3A_231, %dma_wait3A_232] : memref<64x1000000xf32, #tpu.memory_space<hbm>> -> memref<64x128xf32, #tpu.memory_space<hbm>>
        %dma_wait3A_234 = arith.constant 64 : i32
        %dma_wait3A_235 = arith.constant 0 : i32
        %dma_wait3A_236 = tpu.memref_slice %arg14[%dma_wait3A_234, %dma_wait3A_235] : memref<512x128xf32, #tpu.memory_space<vmem>> -> memref<64x128xf32, #tpu.memory_space<vmem>>
        %dma_wait3A_237 = arith.constant 0 : i32
        %dma_wait3A_238 = arith.constant 0 : i32
        %dma_wait3A_239 = tpu.memref_slice %arg3[%dma_wait3A_237, %dma_wait3A_238] : memref<64x1000000xf32, #tpu.memory_space<hbm>> -> memref<64x128xf32, #tpu.memory_space<hbm>>
        tpu.wait_dma2 semaphore(%arg18 : memref<!tpu.dma_semaphore, #tpu.memory_space<semaphore_mem>>) src(%dma_wait3A_239 : memref<64x128xf32, #tpu.memory_space<hbm>>) dst(%dma_wait3A_236 : memref<64x128xf32, #tpu.memory_space<vmem>>)
      } else {
      }
      %add3A_182 = arith.constant 2 : i32
      %add3A_183 = arith.addi %add3A_60, %add3A_182 : i32
      %lt3A_184 = arith.cmpi slt, %add3A_183, %shift_right_arithmetic3A_9 : i32
      %convert_element_type3A_185 = arith.extui %lt3A_184 : i1 to i32
      %cond3A_186 = arith.constant 0 : i32
      %cond3A_187 = arith.cmpi ne, %convert_element_type3A_185, %cond3A_186 : i32
      scf.if %cond3A_187 {
        %dma_wait3A = arith.constant 128 : i32
        %dma_wait3A_229 = arith.constant 0 : i32
        %dma_wait3A_230 = tpu.memref_slice %arg14[%dma_wait3A, %dma_wait3A_229] : memref<512x128xf32, #tpu.memory_space<vmem>> -> memref<64x128xf32, #tpu.memory_space<vmem>>
        %dma_wait3A_231 = arith.constant 0 : i32
        %dma_wait3A_232 = arith.constant 0 : i32
        %dma_wait3A_233 = tpu.memref_slice %arg3[%dma_wait3A_231, %dma_wait3A_232] : memref<64x1000000xf32, #tpu.memory_space<hbm>> -> memref<64x128xf32, #tpu.memory_space<hbm>>
        %dma_wait3A_234 = arith.constant 128 : i32
        %dma_wait3A_235 = arith.constant 0 : i32
        %dma_wait3A_236 = tpu.memref_slice %arg14[%dma_wait3A_234, %dma_wait3A_235] : memref<512x128xf32, #tpu.memory_space<vmem>> -> memref<64x128xf32, #tpu.memory_space<vmem>>
        %dma_wait3A_237 = arith.constant 0 : i32
        %dma_wait3A_238 = arith.constant 0 : i32
        %dma_wait3A_239 = tpu.memref_slice %arg3[%dma_wait3A_237, %dma_wait3A_238] : memref<64x1000000xf32, #tpu.memory_space<hbm>> -> memref<64x128xf32, #tpu.memory_space<hbm>>
        tpu.wait_dma2 semaphore(%arg18 : memref<!tpu.dma_semaphore, #tpu.memory_space<semaphore_mem>>) src(%dma_wait3A_239 : memref<64x128xf32, #tpu.memory_space<hbm>>) dst(%dma_wait3A_236 : memref<64x128xf32, #tpu.memory_space<vmem>>)
      } else {
      }
      %add3A_188 = arith.constant 3 : i32
      %add3A_189 = arith.addi %add3A_60, %add3A_188 : i32
      %lt3A_190 = arith.cmpi slt, %add3A_189, %shift_right_arithmetic3A_9 : i32
      %convert_element_type3A_191 = arith.extui %lt3A_190 : i1 to i32
      %cond3A_192 = arith.constant 0 : i32
      %cond3A_193 = arith.cmpi ne, %convert_element_type3A_191, %cond3A_192 : i32
      scf.if %cond3A_193 {
        %dma_wait3A = arith.constant 192 : i32
        %dma_wait3A_229 = arith.constant 0 : i32
        %dma_wait3A_230 = tpu.memref_slice %arg14[%dma_wait3A, %dma_wait3A_229] : memref<512x128xf32, #tpu.memory_space<vmem>> -> memref<64x128xf32, #tpu.memory_space<vmem>>
        %dma_wait3A_231 = arith.constant 0 : i32
        %dma_wait3A_232 = arith.constant 0 : i32
        %dma_wait3A_233 = tpu.memref_slice %arg3[%dma_wait3A_231, %dma_wait3A_232] : memref<64x1000000xf32, #tpu.memory_space<hbm>> -> memref<64x128xf32, #tpu.memory_space<hbm>>
        %dma_wait3A_234 = arith.constant 192 : i32
        %dma_wait3A_235 = arith.constant 0 : i32
        %dma_wait3A_236 = tpu.memref_slice %arg14[%dma_wait3A_234, %dma_wait3A_235] : memref<512x128xf32, #tpu.memory_space<vmem>> -> memref<64x128xf32, #tpu.memory_space<vmem>>
        %dma_wait3A_237 = arith.constant 0 : i32
        %dma_wait3A_238 = arith.constant 0 : i32
        %dma_wait3A_239 = tpu.memref_slice %arg3[%dma_wait3A_237, %dma_wait3A_238] : memref<64x1000000xf32, #tpu.memory_space<hbm>> -> memref<64x128xf32, #tpu.memory_space<hbm>>
        tpu.wait_dma2 semaphore(%arg18 : memref<!tpu.dma_semaphore, #tpu.memory_space<semaphore_mem>>) src(%dma_wait3A_239 : memref<64x128xf32, #tpu.memory_space<hbm>>) dst(%dma_wait3A_236 : memref<64x128xf32, #tpu.memory_space<vmem>>)
      } else {
      }
      %add3A_194 = arith.constant 4 : i32
      %add3A_195 = arith.addi %add3A_60, %add3A_194 : i32
      %lt3A_196 = arith.cmpi slt, %add3A_195, %shift_right_arithmetic3A_9 : i32
      %convert_element_type3A_197 = arith.extui %lt3A_196 : i1 to i32
      %cond3A_198 = arith.constant 0 : i32
      %cond3A_199 = arith.cmpi ne, %convert_element_type3A_197, %cond3A_198 : i32
      scf.if %cond3A_199 {
        %dma_wait3A = arith.constant 256 : i32
        %dma_wait3A_229 = arith.constant 0 : i32
        %dma_wait3A_230 = tpu.memref_slice %arg14[%dma_wait3A, %dma_wait3A_229] : memref<512x128xf32, #tpu.memory_space<vmem>> -> memref<64x128xf32, #tpu.memory_space<vmem>>
        %dma_wait3A_231 = arith.constant 0 : i32
        %dma_wait3A_232 = arith.constant 0 : i32
        %dma_wait3A_233 = tpu.memref_slice %arg3[%dma_wait3A_231, %dma_wait3A_232] : memref<64x1000000xf32, #tpu.memory_space<hbm>> -> memref<64x128xf32, #tpu.memory_space<hbm>>
        %dma_wait3A_234 = arith.constant 256 : i32
        %dma_wait3A_235 = arith.constant 0 : i32
        %dma_wait3A_236 = tpu.memref_slice %arg14[%dma_wait3A_234, %dma_wait3A_235] : memref<512x128xf32, #tpu.memory_space<vmem>> -> memref<64x128xf32, #tpu.memory_space<vmem>>
        %dma_wait3A_237 = arith.constant 0 : i32
        %dma_wait3A_238 = arith.constant 0 : i32
        %dma_wait3A_239 = tpu.memref_slice %arg3[%dma_wait3A_237, %dma_wait3A_238] : memref<64x1000000xf32, #tpu.memory_space<hbm>> -> memref<64x128xf32, #tpu.memory_space<hbm>>
        tpu.wait_dma2 semaphore(%arg18 : memref<!tpu.dma_semaphore, #tpu.memory_space<semaphore_mem>>) src(%dma_wait3A_239 : memref<64x128xf32, #tpu.memory_space<hbm>>) dst(%dma_wait3A_236 : memref<64x128xf32, #tpu.memory_space<vmem>>)
      } else {
      }
      %add3A_200 = arith.constant 5 : i32
      %add3A_201 = arith.addi %add3A_60, %add3A_200 : i32
      %lt3A_202 = arith.cmpi slt, %add3A_201, %shift_right_arithmetic3A_9 : i32
      %convert_element_type3A_203 = arith.extui %lt3A_202 : i1 to i32
      %cond3A_204 = arith.constant 0 : i32
      %cond3A_205 = arith.cmpi ne, %convert_element_type3A_203, %cond3A_204 : i32
      scf.if %cond3A_205 {
        %dma_wait3A = arith.constant 320 : i32
        %dma_wait3A_229 = arith.constant 0 : i32
        %dma_wait3A_230 = tpu.memref_slice %arg14[%dma_wait3A, %dma_wait3A_229] : memref<512x128xf32, #tpu.memory_space<vmem>> -> memref<64x128xf32, #tpu.memory_space<vmem>>
        %dma_wait3A_231 = arith.constant 0 : i32
        %dma_wait3A_232 = arith.constant 0 : i32
        %dma_wait3A_233 = tpu.memref_slice %arg3[%dma_wait3A_231, %dma_wait3A_232] : memref<64x1000000xf32, #tpu.memory_space<hbm>> -> memref<64x128xf32, #tpu.memory_space<hbm>>
        %dma_wait3A_234 = arith.constant 320 : i32
        %dma_wait3A_235 = arith.constant 0 : i32
        %dma_wait3A_236 = tpu.memref_slice %arg14[%dma_wait3A_234, %dma_wait3A_235] : memref<512x128xf32, #tpu.memory_space<vmem>> -> memref<64x128xf32, #tpu.memory_space<vmem>>
        %dma_wait3A_237 = arith.constant 0 : i32
        %dma_wait3A_238 = arith.constant 0 : i32
        %dma_wait3A_239 = tpu.memref_slice %arg3[%dma_wait3A_237, %dma_wait3A_238] : memref<64x1000000xf32, #tpu.memory_space<hbm>> -> memref<64x128xf32, #tpu.memory_space<hbm>>
        tpu.wait_dma2 semaphore(%arg18 : memref<!tpu.dma_semaphore, #tpu.memory_space<semaphore_mem>>) src(%dma_wait3A_239 : memref<64x128xf32, #tpu.memory_space<hbm>>) dst(%dma_wait3A_236 : memref<64x128xf32, #tpu.memory_space<vmem>>)
      } else {
      }
      %add3A_206 = arith.constant 6 : i32
      %add3A_207 = arith.addi %add3A_60, %add3A_206 : i32
      %lt3A_208 = arith.cmpi slt, %add3A_207, %shift_right_arithmetic3A_9 : i32
      %convert_element_type3A_209 = arith.extui %lt3A_208 : i1 to i32
      %cond3A_210 = arith.constant 0 : i32
      %cond3A_211 = arith.cmpi ne, %convert_element_type3A_209, %cond3A_210 : i32
      scf.if %cond3A_211 {
        %dma_wait3A = arith.constant 384 : i32
        %dma_wait3A_229 = arith.constant 0 : i32
        %dma_wait3A_230 = tpu.memref_slice %arg14[%dma_wait3A, %dma_wait3A_229] : memref<512x128xf32, #tpu.memory_space<vmem>> -> memref<64x128xf32, #tpu.memory_space<vmem>>
        %dma_wait3A_231 = arith.constant 0 : i32
        %dma_wait3A_232 = arith.constant 0 : i32
        %dma_wait3A_233 = tpu.memref_slice %arg3[%dma_wait3A_231, %dma_wait3A_232] : memref<64x1000000xf32, #tpu.memory_space<hbm>> -> memref<64x128xf32, #tpu.memory_space<hbm>>
        %dma_wait3A_234 = arith.constant 384 : i32
        %dma_wait3A_235 = arith.constant 0 : i32
        %dma_wait3A_236 = tpu.memref_slice %arg14[%dma_wait3A_234, %dma_wait3A_235] : memref<512x128xf32, #tpu.memory_space<vmem>> -> memref<64x128xf32, #tpu.memory_space<vmem>>
        %dma_wait3A_237 = arith.constant 0 : i32
        %dma_wait3A_238 = arith.constant 0 : i32
        %dma_wait3A_239 = tpu.memref_slice %arg3[%dma_wait3A_237, %dma_wait3A_238] : memref<64x1000000xf32, #tpu.memory_space<hbm>> -> memref<64x128xf32, #tpu.memory_space<hbm>>
        tpu.wait_dma2 semaphore(%arg18 : memref<!tpu.dma_semaphore, #tpu.memory_space<semaphore_mem>>) src(%dma_wait3A_239 : memref<64x128xf32, #tpu.memory_space<hbm>>) dst(%dma_wait3A_236 : memref<64x128xf32, #tpu.memory_space<vmem>>)
      } else {
      }
      %add3A_212 = arith.constant 7 : i32
      %add3A_213 = arith.addi %add3A_60, %add3A_212 : i32
      %lt3A_214 = arith.cmpi slt, %add3A_213, %shift_right_arithmetic3A_9 : i32
      %convert_element_type3A_215 = arith.extui %lt3A_214 : i1 to i32
      %cond3A_216 = arith.constant 0 : i32
      %cond3A_217 = arith.cmpi ne, %convert_element_type3A_215, %cond3A_216 : i32
      scf.if %cond3A_217 {
        %dma_wait3A = arith.constant 448 : i32
        %dma_wait3A_229 = arith.constant 0 : i32
        %dma_wait3A_230 = tpu.memref_slice %arg14[%dma_wait3A, %dma_wait3A_229] : memref<512x128xf32, #tpu.memory_space<vmem>> -> memref<64x128xf32, #tpu.memory_space<vmem>>
        %dma_wait3A_231 = arith.constant 0 : i32
        %dma_wait3A_232 = arith.constant 0 : i32
        %dma_wait3A_233 = tpu.memref_slice %arg3[%dma_wait3A_231, %dma_wait3A_232] : memref<64x1000000xf32, #tpu.memory_space<hbm>> -> memref<64x128xf32, #tpu.memory_space<hbm>>
        %dma_wait3A_234 = arith.constant 448 : i32
        %dma_wait3A_235 = arith.constant 0 : i32
        %dma_wait3A_236 = tpu.memref_slice %arg14[%dma_wait3A_234, %dma_wait3A_235] : memref<512x128xf32, #tpu.memory_space<vmem>> -> memref<64x128xf32, #tpu.memory_space<vmem>>
        %dma_wait3A_237 = arith.constant 0 : i32
        %dma_wait3A_238 = arith.constant 0 : i32
        %dma_wait3A_239 = tpu.memref_slice %arg3[%dma_wait3A_237, %dma_wait3A_238] : memref<64x1000000xf32, #tpu.memory_space<hbm>> -> memref<64x128xf32, #tpu.memory_space<hbm>>
        tpu.wait_dma2 semaphore(%arg18 : memref<!tpu.dma_semaphore, #tpu.memory_space<semaphore_mem>>) src(%dma_wait3A_239 : memref<64x128xf32, #tpu.memory_space<hbm>>) dst(%dma_wait3A_236 : memref<64x128xf32, #tpu.memory_space<vmem>>)
      } else {
      }
      %while3A_218 = arith.constant 0 : i32
      %while3A_219 = arith.subi %shift_right_arithmetic3A_38, %while3A_218 : i32
      %while3A_220 = arith.addi %while3A_218, %while3A_219 : i32
      %while3A_221 = arith.constant 1 : i32
      %while3A_222 = arith.divsi %while3A_219, %while3A_221 : i32
      %while3A_223 = arith.muli %while3A_222, %while3A_221 : i32
      %while3A_224 = arith.addi %while3A_218, %while3A_223 : i32
      %while3A_225 = arith.constant 1 : i32
      %while3A_226 = scf.for %while3A_229 = %while3A_218 to %while3A_224 step %while3A_225 iter_args(%while3A_230 = %while3A_57) -> (vector<16xi32>)  : i32 {
        %gt3A_231 = arith.constant 0 : i32
        %gt3A_232 = arith.cmpi sgt, %while3A_229, %gt3A_231 : i32
        %gt3A_233 = arith.constant 1 : i32
        %gt3A_234 = arith.cmpi sgt, %shift_right_arithmetic3A_38, %gt3A_233 : i32
        %or3A = arith.ori %gt3A_232, %gt3A_234 : i1
        %convert_element_type3A_235 = arith.extui %or3A : i1 to i32
        %cond3A_236 = arith.constant 0 : i32
        %cond3A_237 = arith.cmpi ne, %convert_element_type3A_235, %cond3A_236 : i32
        scf.if %cond3A_237 {
          %mul3A_261 = arith.constant 2048 : i32
          %mul3A_262 = arith.muli %while3A_229, %mul3A_261 : i32
          %multiple_of3A = tpu.assume_multiple %mul3A_262, 2048 : i32
          "tpu.region"() ({
            %run_scoped3A = tpu.sem_alloc : memref<!tpu.dma_semaphore, #tpu.memory_space<semaphore_mem>>
            %dma_start3A = tpu.memref_slice %arg6[%add3A, %multiple_of3A] : memref<32x65536xi32, #tpu.memory_space<hbm>> -> memref<1x2048xi32, #tpu.memory_space<hbm>>
            %dma_start3A_266 = tpu.memref_squeeze %dma_start3A : memref<1x2048xi32, #tpu.memory_space<hbm>> -> memref<2048xi32, #tpu.memory_space<hbm>>
            %dma_start3A_267 = tpu.memref_slice %arg6[%add3A, %multiple_of3A] : memref<32x65536xi32, #tpu.memory_space<hbm>> -> memref<1x2048xi32, #tpu.memory_space<hbm>>
            %dma_start3A_268 = tpu.memref_squeeze %dma_start3A_267 : memref<1x2048xi32, #tpu.memory_space<hbm>> -> memref<2048xi32, #tpu.memory_space<hbm>>
            tpu.enqueue_dma source(%dma_start3A_268 : memref<2048xi32, #tpu.memory_space<hbm>>) target(%arg8 : memref<2048xi32, #tpu.memory_space<vmem>>) target_semaphore(%run_scoped3A : memref<!tpu.dma_semaphore, #tpu.memory_space<semaphore_mem>>)
            %dma_wait3A = tpu.memref_slice %arg6[%add3A, %multiple_of3A] : memref<32x65536xi32, #tpu.memory_space<hbm>> -> memref<1x2048xi32, #tpu.memory_space<hbm>>
            %dma_wait3A_269 = tpu.memref_squeeze %dma_wait3A : memref<1x2048xi32, #tpu.memory_space<hbm>> -> memref<2048xi32, #tpu.memory_space<hbm>>
            %dma_wait3A_270 = tpu.memref_slice %arg6[%add3A, %multiple_of3A] : memref<32x65536xi32, #tpu.memory_space<hbm>> -> memref<1x2048xi32, #tpu.memory_space<hbm>>
            %dma_wait3A_271 = tpu.memref_squeeze %dma_wait3A_270 : memref<1x2048xi32, #tpu.memory_space<hbm>> -> memref<2048xi32, #tpu.memory_space<hbm>>
            tpu.wait_dma2 semaphore(%run_scoped3A : memref<!tpu.dma_semaphore, #tpu.memory_space<semaphore_mem>>) src(%dma_wait3A_271 : memref<2048xi32, #tpu.memory_space<hbm>>) dst(%arg8 : memref<2048xi32, #tpu.memory_space<vmem>>)
            tpu.yield
          }) : () -> ()
          %mul3A_263 = arith.constant 2048 : i32
          %mul3A_264 = arith.muli %while3A_229, %mul3A_263 : i32
          %multiple_of3A_265 = tpu.assume_multiple %mul3A_264, 2048 : i32
          "tpu.region"() ({
            %run_scoped3A = tpu.sem_alloc : memref<!tpu.dma_semaphore, #tpu.memory_space<semaphore_mem>>
            %dma_start3A = tpu.memref_slice %arg7[%add3A, %multiple_of3A_265] : memref<32x65536xi32, #tpu.memory_space<hbm>> -> memref<1x2048xi32, #tpu.memory_space<hbm>>
            %dma_start3A_266 = tpu.memref_squeeze %dma_start3A : memref<1x2048xi32, #tpu.memory_space<hbm>> -> memref<2048xi32, #tpu.memory_space<hbm>>
            %dma_start3A_267 = tpu.memref_slice %arg7[%add3A, %multiple_of3A_265] : memref<32x65536xi32, #tpu.memory_space<hbm>> -> memref<1x2048xi32, #tpu.memory_space<hbm>>
            %dma_start3A_268 = tpu.memref_squeeze %dma_start3A_267 : memref<1x2048xi32, #tpu.memory_space<hbm>> -> memref<2048xi32, #tpu.memory_space<hbm>>
            tpu.enqueue_dma source(%dma_start3A_268 : memref<2048xi32, #tpu.memory_space<hbm>>) target(%arg9 : memref<2048xi32, #tpu.memory_space<vmem>>) target_semaphore(%run_scoped3A : memref<!tpu.dma_semaphore, #tpu.memory_space<semaphore_mem>>)
            %dma_wait3A = tpu.memref_slice %arg7[%add3A, %multiple_of3A_265] : memref<32x65536xi32, #tpu.memory_space<hbm>> -> memref<1x2048xi32, #tpu.memory_space<hbm>>
            %dma_wait3A_269 = tpu.memref_squeeze %dma_wait3A : memref<1x2048xi32, #tpu.memory_space<hbm>> -> memref<2048xi32, #tpu.memory_space<hbm>>
            %dma_wait3A_270 = tpu.memref_slice %arg7[%add3A, %multiple_of3A_265] : memref<32x65536xi32, #tpu.memory_space<hbm>> -> memref<1x2048xi32, #tpu.memory_space<hbm>>
            %dma_wait3A_271 = tpu.memref_squeeze %dma_wait3A_270 : memref<1x2048xi32, #tpu.memory_space<hbm>> -> memref<2048xi32, #tpu.memory_space<hbm>>
            tpu.wait_dma2 semaphore(%run_scoped3A : memref<!tpu.dma_semaphore, #tpu.memory_space<semaphore_mem>>) src(%dma_wait3A_271 : memref<2048xi32, #tpu.memory_space<hbm>>) dst(%arg9 : memref<2048xi32, #tpu.memory_space<vmem>>)
            tpu.yield
          }) : () -> ()
        } else {
        }
        %scan3A_238 = arith.constant 0 : i32
        %scan3A_239 = arith.constant 128 : i32
        %scan3A_240 = arith.addi %scan3A_238, %scan3A_239 : i32
        %scan3A_241 = arith.constant 1 : i32
        %scan3A_242 = scf.for %scan3A_261 = %scan3A_238 to %scan3A_240 step %scan3A_241 iter_args(%scan3A_262 = %broadcast_in_dim3A_17) -> (vector<16xi32>)  : i32 {
          %mul3A_263 = arith.constant 16 : i32
          %mul3A_264 = arith.muli %scan3A_261, %mul3A_263 : i32
          %get3A = arith.index_cast %mul3A_264 : i32 to index
          %get3A_265 = tpu.vector_load %arg8[%get3A] {strides = array<i32>} : memref<2048xi32, #tpu.memory_space<vmem>>, vector<16xi32>,
          %mul3A_266 = arith.constant 16 : i32
          %mul3A_267 = arith.muli %scan3A_261, %mul3A_266 : i32
          %get3A_268 = arith.index_cast %mul3A_267 : i32 to index
          %get3A_269 = tpu.vector_load %arg9[%get3A_268] {strides = array<i32>} : memref<2048xi32, #tpu.memory_space<vmem>>, vector<16xi32>,
          %shift_right_logical3A = arith.constant 7 : i32
          %shift_right_logical3A_270 = vector.broadcast %shift_right_logical3A : i32 to vector<16xi32>
          %shift_right_logical3A_271 = arith.shrui %get3A_269, %shift_right_logical3A_270 : vector<16xi32>
          %mul3A_272 = arith.constant 2048 : i32
          %mul3A_273 = arith.muli %while3A_229, %mul3A_272 : i32
          %mul3A_274 = arith.constant 16 : i32
          %mul3A_275 = arith.muli %scan3A_261, %mul3A_274 : i32
          %add3A_276 = arith.addi %mul3A_273, %mul3A_275 : i32
          %add3A_277 = vector.broadcast %add3A_276 : i32 to vector<16xi32>
          %add3A_278 = arith.addi %add3A_277, %iota3A : vector<16xi32>
          %lt3A_279 = vector.broadcast %squeeze3A_30 : i32 to vector<16xi32>
          %lt3A_280 = arith.cmpi slt, %add3A_278, %lt3A_279 : vector<16xi32>
          %ge3A = vector.broadcast %add3A_60 : i32 to vector<16xi32>
          %ge3A_281 = arith.cmpi sge, %shift_right_logical3A_271, %ge3A : vector<16xi32>
          %add3A_282 = arith.constant 8 : i32
          %add3A_283 = arith.addi %add3A_60, %add3A_282 : i32
          %lt3A_284 = vector.broadcast %add3A_283 : i32 to vector<16xi32>
          %lt3A_285 = arith.cmpi slt, %shift_right_logical3A_271, %lt3A_284 : vector<16xi32>
          %and3A_286 = arith.andi %ge3A_281, %lt3A_285 : vector<16xi1>
          %and3A_287 = arith.andi %and3A_286, %lt3A_280 : vector<16xi1>
          %convert_element_type3A_288 = arith.extui %and3A_287 : vector<16xi1> to vector<16xi32>
          %broadcast_in_dim3A_289 = arith.constant true
          %broadcast_in_dim3A_290 = vector.broadcast %broadcast_in_dim3A_289 : i1 to vector<16xi1>
          %masked_cumsum3A = tpu.scan <sum>, %convert_element_type3A_288 masked %broadcast_in_dim3A_290 : vector<16xi32>, vector<16xi1> -> vector<16xi32>
          %add3A_291 = arith.addi %scan3A_262, %masked_cumsum3A : vector<16xi32>
          %sub3A_292 = arith.constant 1 : i32
          %sub3A_293 = vector.broadcast %sub3A_292 : i32 to vector<16xi32>
          %sub3A_294 = arith.subi %add3A_291, %sub3A_293 : vector<16xi32>
          %add3A_295 = arith.constant 2064 : i32
          %add3A_296 = vector.broadcast %add3A_295 : i32 to vector<16xi32>
          %add3A_297 = arith.addi %add3A_296, %iota3A : vector<16xi32>
          %select_n3A = arith.select %and3A_287, %sub3A_294, %add3A_297 : vector<16xi1>, vector<16xi32>
          tpu.vector_store_idx %arg12[%select_n3A], %get3A_265 : memref<2080xi32, #tpu.memory_space<vmem>>[vector<16xi32>], vector<16xi32>,
          tpu.vector_store_idx %arg13[%select_n3A], %get3A_269 : memref<2080xi32, #tpu.memory_space<vmem>>[vector<16xi32>], vector<16xi32>,
          %all_reduce_population_count3A = tpu.all_reduce %and3A_287 {dim = 0 : i64, kind = #tpu.reduction_kind<sum>} : vector<16xi1> -> vector<16xi32>
          %add3A_298 = arith.addi %scan3A_262, %all_reduce_population_count3A : vector<16xi32>
          scf.yield %add3A_298 : vector<16xi32>
        }
        %scan3A_243 = arith.constant 128 : i32
        %slice3A_244 = vector.extract_strided_slice %scan3A_242 {offsets = [0], sizes = [1], strides = [1]} : vector<16xi32> to vector<1xi32>
        %squeeze3A_245 = vector.extract %slice3A_244[0] : i32 from vector<1xi32>
        %add3A_246 = arith.constant 15 : i32
        %add3A_247 = arith.addi %squeeze3A_245, %add3A_246 : i32
        %shift_right_arithmetic3A_248 = arith.constant 4 : i32
        %shift_right_arithmetic3A_249 = arith.shrsi %add3A_247, %shift_right_arithmetic3A_248 : i32
        %while3A_250 = arith.constant 0 : i32
        %while3A_251 = arith.subi %shift_right_arithmetic3A_249, %while3A_250 : i32
        %while3A_252 = arith.addi %while3A_250, %while3A_251 : i32
        %while3A_253 = arith.constant 1 : i32
        %while3A_254 = arith.divsi %while3A_251, %while3A_253 : i32
        %while3A_255 = arith.muli %while3A_254, %while3A_253 : i32
        %while3A_256 = arith.addi %while3A_250, %while3A_255 : i32
        %while3A_257 = arith.constant 1 : i32
        %while3A_258 = scf.for %while3A_261 = %while3A_250 to %while3A_256 step %while3A_257 iter_args(%while3A_262 = %while3A_230) -> (vector<16xi32>)  : i32 {
          %mul3A_263 = arith.constant 16 : i32
          %mul3A_264 = arith.muli %while3A_261, %mul3A_263 : i32
          %get3A = arith.index_cast %mul3A_264 : i32 to index
          %get3A_265 = tpu.vector_load %arg12[%get3A] {strides = array<i32>} : memref<2080xi32, #tpu.memory_space<vmem>>, vector<16xi32>,
          %mul3A_266 = arith.constant 16 : i32
          %mul3A_267 = arith.muli %while3A_261, %mul3A_266 : i32
          %get3A_268 = arith.index_cast %mul3A_267 : i32 to index
          %get3A_269 = tpu.vector_load %arg13[%get3A_268] {strides = array<i32>} : memref<2080xi32, #tpu.memory_space<vmem>>, vector<16xi32>,
          %mul3A_270 = arith.constant 16 : i32
          %mul3A_271 = arith.muli %while3A_261, %mul3A_270 : i32
          %add3A_272 = vector.broadcast %mul3A_271 : i32 to vector<16xi32>
          %add3A_273 = arith.addi %add3A_272, %iota3A : vector<16xi32>
          %lt3A_274 = vector.broadcast %squeeze3A_245 : i32 to vector<16xi32>
          %lt3A_275 = arith.cmpi slt, %add3A_273, %lt3A_274 : vector<16xi32>
          %shift_right_logical3A = arith.constant 7 : i32
          %shift_right_logical3A_276 = vector.broadcast %shift_right_logical3A : i32 to vector<16xi32>
          %shift_right_logical3A_277 = arith.shrui %get3A_269, %shift_right_logical3A_276 : vector<16xi32>
          %sub3A_278 = vector.broadcast %add3A_60 : i32 to vector<16xi32>
          %sub3A_279 = arith.subi %shift_right_logical3A_277, %sub3A_278 : vector<16xi32>
          %jit3A = arith.constant 0 : i32
          %broadcast_in_dim3A_280 = vector.broadcast %jit3A : i32 to vector<16xi32>
          %select_n3A = arith.select %lt3A_275, %sub3A_279, %broadcast_in_dim3A_280 : vector<16xi1>, vector<16xi32>
          %and3A_281 = arith.constant 127 : i32
          %and3A_282 = vector.broadcast %and3A_281 : i32 to vector<16xi32>
          %and3A_283 = arith.andi %get3A_269, %and3A_282 : vector<16xi32>
          %select_n3A_284 = arith.select %lt3A_275, %get3A_265, %add3A_16 : vector<16xi1>, vector<16xi32>
          %mul3A_285 = arith.constant 64 : i32
          %mul3A_286 = vector.broadcast %mul3A_285 : i32 to vector<16xi32>
          %mul3A_287 = arith.muli %select_n3A, %mul3A_286 : vector<16xi32>
          %slice3A_288 = vector.extract_strided_slice %while3A_262 {offsets = [0], sizes = [1], strides = [1]} : vector<16xi32> to vector<1xi32>
          %squeeze3A_289 = vector.extract %slice3A_288[0] : i32 from vector<1xi32>
          %add3A_290 = vector.broadcast %squeeze3A_289 : i32 to vector<16xi32>
          %add3A_291 = arith.addi %add3A_290, %iota3A : vector<16xi32>
          %scan3A_292 = arith.constant 0 : i32
          %scan3A_293 = arith.constant 0 : i32
          %scan3A_294 = arith.constant 16 : i32
          %scan3A_295 = arith.addi %scan3A_293, %scan3A_294 : i32
          %scan3A_296 = arith.constant 1 : i32
          scf.for %scan3A_312 = %scan3A_293 to %scan3A_295 step %scan3A_296  : i32 {
            %mul3A_313 = arith.constant 4 : i32
            %mul3A_314 = arith.muli %scan3A_312, %mul3A_313 : i32
            %add3A_315 = arith.constant 0 : i32
            %add3A_316 = arith.addi %mul3A_314, %add3A_315 : i32
            %add3A_317 = vector.broadcast %add3A_316 : i32 to vector<16xi32>
            %add3A_318 = arith.addi %mul3A_287, %add3A_317 : vector<16xi32>
            %gather3A = tpu.vector_load_idx %arg14[%add3A_318, %and3A_283] : memref<512x128xf32, #tpu.memory_space<vmem>>[vector<16xi32>, vector<16xi32>], vector<16xf32>,
            %broadcast_in_dim3A_319 = arith.constant 0 : i32
            %broadcast_in_dim3A_320 = vector.broadcast %broadcast_in_dim3A_319 : i32 to vector<16xi32>
            %add3A_321 = vector.broadcast %add3A_316 : i32 to vector<16xi32>
            %add3A_322 = arith.addi %broadcast_in_dim3A_320, %add3A_321 : vector<16xi32>
            tpu.vector_store_idx %arg15[%add3A_291, %add3A_322], %gather3A : memref<144x128xf32, #tpu.memory_space<vmem>>[vector<16xi32>, vector<16xi32>], vector<16xf32>,
            %mul3A_323 = arith.constant 4 : i32
            %mul3A_324 = arith.muli %scan3A_312, %mul3A_323 : i32
            %add3A_325 = arith.constant 1 : i32
            %add3A_326 = arith.addi %mul3A_324, %add3A_325 : i32
            %add3A_327 = vector.broadcast %add3A_326 : i32 to vector<16xi32>
            %add3A_328 = arith.addi %mul3A_287, %add3A_327 : vector<16xi32>
            %gather3A_329 = tpu.vector_load_idx %arg14[%add3A_328, %and3A_283] : memref<512x128xf32, #tpu.memory_space<vmem>>[vector<16xi32>, vector<16xi32>], vector<16xf32>,
            %broadcast_in_dim3A_330 = arith.constant 0 : i32
            %broadcast_in_dim3A_331 = vector.broadcast %broadcast_in_dim3A_330 : i32 to vector<16xi32>
            %add3A_332 = vector.broadcast %add3A_326 : i32 to vector<16xi32>
            %add3A_333 = arith.addi %broadcast_in_dim3A_331, %add3A_332 : vector<16xi32>
            tpu.vector_store_idx %arg15[%add3A_291, %add3A_333], %gather3A_329 : memref<144x128xf32, #tpu.memory_space<vmem>>[vector<16xi32>, vector<16xi32>], vector<16xf32>,
            %mul3A_334 = arith.constant 4 : i32
            %mul3A_335 = arith.muli %scan3A_312, %mul3A_334 : i32
            %add3A_336 = arith.constant 2 : i32
            %add3A_337 = arith.addi %mul3A_335, %add3A_336 : i32
            %add3A_338 = vector.broadcast %add3A_337 : i32 to vector<16xi32>
            %add3A_339 = arith.addi %mul3A_287, %add3A_338 : vector<16xi32>
            %gather3A_340 = tpu.vector_load_idx %arg14[%add3A_339, %and3A_283] : memref<512x128xf32, #tpu.memory_space<vmem>>[vector<16xi32>, vector<16xi32>], vector<16xf32>,
            %broadcast_in_dim3A_341 = arith.constant 0 : i32
            %broadcast_in_dim3A_342 = vector.broadcast %broadcast_in_dim3A_341 : i32 to vector<16xi32>
            %add3A_343 = vector.broadcast %add3A_337 : i32 to vector<16xi32>
            %add3A_344 = arith.addi %broadcast_in_dim3A_342, %add3A_343 : vector<16xi32>
            tpu.vector_store_idx %arg15[%add3A_291, %add3A_344], %gather3A_340 : memref<144x128xf32, #tpu.memory_space<vmem>>[vector<16xi32>, vector<16xi32>], vector<16xf32>,
            %mul3A_345 = arith.constant 4 : i32
            %mul3A_346 = arith.muli %scan3A_312, %mul3A_345 : i32
            %add3A_347 = arith.constant 3 : i32
            %add3A_348 = arith.addi %mul3A_346, %add3A_347 : i32
            %add3A_349 = vector.broadcast %add3A_348 : i32 to vector<16xi32>
            %add3A_350 = arith.addi %mul3A_287, %add3A_349 : vector<16xi32>
            %gather3A_351 = tpu.vector_load_idx %arg14[%add3A_350, %and3A_283] : memref<512x128xf32, #tpu.memory_space<vmem>>[vector<16xi32>, vector<16xi32>], vector<16xf32>,
            %broadcast_in_dim3A_352 = arith.constant 0 : i32
            %broadcast_in_dim3A_353 = vector.broadcast %broadcast_in_dim3A_352 : i32 to vector<16xi32>
            %add3A_354 = vector.broadcast %add3A_348 : i32 to vector<16xi32>
            %add3A_355 = arith.addi %broadcast_in_dim3A_353, %add3A_354 : vector<16xi32>
            tpu.vector_store_idx %arg15[%add3A_291, %add3A_355], %gather3A_351 : memref<144x128xf32, #tpu.memory_space<vmem>>[vector<16xi32>, vector<16xi32>], vector<16xf32>,
          }
          %scan3A_297 = arith.constant 16 : i32
          %swap3A = arith.index_cast %squeeze3A_289 : i32 to index
          %swap3A_298 = tpu.vector_load %arg16[%swap3A] {strides = array<i32>} : memref<144xi32, #tpu.memory_space<vmem>>, vector<16xi32>,
          tpu.vector_store %arg16[%swap3A], %select_n3A_284 {strides = array<i32>} : memref<144xi32, #tpu.memory_space<vmem>>, vector<16xi32>,
          %add3A_299 = arith.constant 16 : i32
          %add3A_300 = vector.broadcast %add3A_299 : i32 to vector<16xi32>
          %add3A_301 = arith.addi %while3A_262, %add3A_300 : vector<16xi32>
          %slice3A_302 = vector.extract_strided_slice %add3A_301 {offsets = [0], sizes = [1], strides = [1]} : vector<16xi32> to vector<1xi32>
          %squeeze3A_303 = vector.extract %slice3A_302[0] : i32 from vector<1xi32>
          %ge3A = arith.constant 128 : i32
          %ge3A_304 = arith.cmpi sge, %squeeze3A_303, %ge3A : i32
          %convert_element_type3A_305 = arith.extui %ge3A_304 : i1 to i32
          %cond3A_306 = arith.constant 0 : i32
          %cond3A_307 = arith.cmpi ne, %convert_element_type3A_305, %cond3A_306 : i32
          scf.if %cond3A_307 {
            %get3A_312 = arith.constant 0 : index
            %get3A_313 = tpu.vector_load %arg16[%get3A_312] {strides = array<i32>} : memref<144xi32, #tpu.memory_space<vmem>>, vector<16xi32>,
            %swap3A_314 = arith.constant 0 : i32
            %swap3A_315 = arith.index_cast %swap3A_314 : i32 to index
            %swap3A_316 = arith.constant 0 : index
            %swap3A_317 = tpu.vector_load %arg17[%swap3A_315, %swap3A_316] {strides = array<i32>} : memref<1x128xi32, #tpu.memory_space<vmem>>, vector<16xi32>,
            tpu.vector_store %arg17[%swap3A_315, %swap3A_316], %get3A_313 {strides = array<i32>} : memref<1x128xi32, #tpu.memory_space<vmem>>, vector<16xi32>,
            %get3A_318 = arith.constant 16 : index
            %get3A_319 = tpu.vector_load %arg16[%get3A_318] {strides = array<i32>} : memref<144xi32, #tpu.memory_space<vmem>>, vector<16xi32>,
            %swap3A_320 = arith.constant 0 : i32
            %swap3A_321 = arith.index_cast %swap3A_320 : i32 to index
            %swap3A_322 = arith.constant 16 : index
            %swap3A_323 = tpu.vector_load %arg17[%swap3A_321, %swap3A_322] {strides = array<i32>} : memref<1x128xi32, #tpu.memory_space<vmem>>, vector<16xi32>,
            tpu.vector_store %arg17[%swap3A_321, %swap3A_322], %get3A_319 {strides = array<i32>} : memref<1x128xi32, #tpu.memory_space<vmem>>, vector<16xi32>,
            %get3A_324 = arith.constant 32 : index
            %get3A_325 = tpu.vector_load %arg16[%get3A_324] {strides = array<i32>} : memref<144xi32, #tpu.memory_space<vmem>>, vector<16xi32>,
            %swap3A_326 = arith.constant 0 : i32
            %swap3A_327 = arith.index_cast %swap3A_326 : i32 to index
            %swap3A_328 = arith.constant 32 : index
            %swap3A_329 = tpu.vector_load %arg17[%swap3A_327, %swap3A_328] {strides = array<i32>} : memref<1x128xi32, #tpu.memory_space<vmem>>, vector<16xi32>,
            tpu.vector_store %arg17[%swap3A_327, %swap3A_328], %get3A_325 {strides = array<i32>} : memref<1x128xi32, #tpu.memory_space<vmem>>, vector<16xi32>,
            %get3A_330 = arith.constant 48 : index
            %get3A_331 = tpu.vector_load %arg16[%get3A_330] {strides = array<i32>} : memref<144xi32, #tpu.memory_space<vmem>>, vector<16xi32>,
            %swap3A_332 = arith.constant 0 : i32
            %swap3A_333 = arith.index_cast %swap3A_332 : i32 to index
            %swap3A_334 = arith.constant 48 : index
            %swap3A_335 = tpu.vector_load %arg17[%swap3A_333, %swap3A_334] {strides = array<i32>} : memref<1x128xi32, #tpu.memory_space<vmem>>, vector<16xi32>,
            tpu.vector_store %arg17[%swap3A_333, %swap3A_334], %get3A_331 {strides = array<i32>} : memref<1x128xi32, #tpu.memory_space<vmem>>, vector<16xi32>,
            %get3A_336 = arith.constant 64 : index
            %get3A_337 = tpu.vector_load %arg16[%get3A_336] {strides = array<i32>} : memref<144xi32, #tpu.memory_space<vmem>>, vector<16xi32>,
            %swap3A_338 = arith.constant 0 : i32
            %swap3A_339 = arith.index_cast %swap3A_338 : i32 to index
            %swap3A_340 = arith.constant 64 : index
            %swap3A_341 = tpu.vector_load %arg17[%swap3A_339, %swap3A_340] {strides = array<i32>} : memref<1x128xi32, #tpu.memory_space<vmem>>, vector<16xi32>,
            tpu.vector_store %arg17[%swap3A_339, %swap3A_340], %get3A_337 {strides = array<i32>} : memref<1x128xi32, #tpu.memory_space<vmem>>, vector<16xi32>,
            %get3A_342 = arith.constant 80 : index
            %get3A_343 = tpu.vector_load %arg16[%get3A_342] {strides = array<i32>} : memref<144xi32, #tpu.memory_space<vmem>>, vector<16xi32>,
            %swap3A_344 = arith.constant 0 : i32
            %swap3A_345 = arith.index_cast %swap3A_344 : i32 to index
            %swap3A_346 = arith.constant 80 : index
            %swap3A_347 = tpu.vector_load %arg17[%swap3A_345, %swap3A_346] {strides = array<i32>} : memref<1x128xi32, #tpu.memory_space<vmem>>, vector<16xi32>,
            tpu.vector_store %arg17[%swap3A_345, %swap3A_346], %get3A_343 {strides = array<i32>} : memref<1x128xi32, #tpu.memory_space<vmem>>, vector<16xi32>,
            %get3A_348 = arith.constant 96 : index
            %get3A_349 = tpu.vector_load %arg16[%get3A_348] {strides = array<i32>} : memref<144xi32, #tpu.memory_space<vmem>>, vector<16xi32>,
            %swap3A_350 = arith.constant 0 : i32
            %swap3A_351 = arith.index_cast %swap3A_350 : i32 to index
            %swap3A_352 = arith.constant 96 : index
            %swap3A_353 = tpu.vector_load %arg17[%swap3A_351, %swap3A_352] {strides = array<i32>} : memref<1x128xi32, #tpu.memory_space<vmem>>, vector<16xi32>,
            tpu.vector_store %arg17[%swap3A_351, %swap3A_352], %get3A_349 {strides = array<i32>} : memref<1x128xi32, #tpu.memory_space<vmem>>, vector<16xi32>,
            %get3A_354 = arith.constant 112 : index
            %get3A_355 = tpu.vector_load %arg16[%get3A_354] {strides = array<i32>} : memref<144xi32, #tpu.memory_space<vmem>>, vector<16xi32>,
            %swap3A_356 = arith.constant 0 : i32
            %swap3A_357 = arith.index_cast %swap3A_356 : i32 to index
            %swap3A_358 = arith.constant 112 : index
            %swap3A_359 = tpu.vector_load %arg17[%swap3A_357, %swap3A_358] {strides = array<i32>} : memref<1x128xi32, #tpu.memory_space<vmem>>, vector<16xi32>,
            tpu.vector_store %arg17[%swap3A_357, %swap3A_358], %get3A_355 {strides = array<i32>} : memref<1x128xi32, #tpu.memory_space<vmem>>, vector<16xi32>,
            %dma_start3A = arith.constant 0 : i32
            %dma_start3A_360 = arith.constant 0 : i32
            %dma_start3A_361 = arith.constant 0 : i32
            %dma_start3A_362 = tpu.memref_slice %arg15[%dma_start3A_360, %dma_start3A_361] : memref<144x128xf32, #tpu.memory_space<vmem>> -> memref<128x128xf32, #tpu.memory_space<vmem>>
            %dma_start3A_363 = arith.constant 0 : i32
            %dma_start3A_364 = tpu.memref_slice %arg17[%dma_start3A, %dma_start3A_363] : memref<1x128xi32, #tpu.memory_space<vmem>> -> memref<1x128xi32, #tpu.memory_space<vmem>>
            %dma_start3A_365 = tpu.memref_squeeze %dma_start3A_364 : memref<1x128xi32, #tpu.memory_space<vmem>> -> memref<128xi32, #tpu.memory_space<vmem>>
            %dma_start3A_366 = arith.constant 0 : i32
            %dma_start3A_367 = arith.constant 0 : i32
            %dma_start3A_368 = tpu.memref_slice %arg5[%dma_start3A_366, %dma_start3A_367] : memref<66048x128xf32, #tpu.memory_space<hbm>> -> memref<66048x128xf32, #tpu.memory_space<hbm>>
            tpu.enqueue_indirect_dma source(%dma_start3A_362 : memref<128x128xf32, #tpu.memory_space<vmem>>) target(%dma_start3A_368 : memref<66048x128xf32, #tpu.memory_space<hbm>>) offsets(%dma_start3A_365 : memref<128xi32, #tpu.memory_space<vmem>>) semaphore(%arg19 : memref<!tpu.dma_semaphore, #tpu.memory_space<semaphore_mem>>)
            %dma_wait3A = arith.constant 0 : i32
            %dma_wait3A_369 = arith.constant 0 : i32
            %dma_wait3A_370 = arith.constant 0 : i32
            %dma_wait3A_371 = tpu.memref_slice %arg15[%dma_wait3A_369, %dma_wait3A_370] : memref<144x128xf32, #tpu.memory_space<vmem>> -> memref<128x128xf32, #tpu.memory_space<vmem>>
            %dma_wait3A_372 = arith.constant 0 : i32
            %dma_wait3A_373 = tpu.memref_slice %arg17[%dma_wait3A, %dma_wait3A_372] : memref<1x128xi32, #tpu.memory_space<vmem>> -> memref<1x128xi32, #tpu.memory_space<vmem>>
            %dma_wait3A_374 = tpu.memref_squeeze %dma_wait3A_373 : memref<1x128xi32, #tpu.memory_space<vmem>> -> memref<128xi32, #tpu.memory_space<vmem>>
            %dma_wait3A_375 = arith.constant 0 : i32
            %dma_wait3A_376 = arith.constant 0 : i32
            %dma_wait3A_377 = tpu.memref_slice %arg5[%dma_wait3A_375, %dma_wait3A_376] : memref<66048x128xf32, #tpu.memory_space<hbm>> -> memref<66048x128xf32, #tpu.memory_space<hbm>>
            tpu.wait_indirect_dma semaphore(%arg19 : memref<!tpu.dma_semaphore, #tpu.memory_space<semaphore_mem>>) src(%dma_wait3A_371 : memref<128x128xf32, #tpu.memory_space<vmem>>) dst(%dma_wait3A_377 : memref<66048x128xf32, #tpu.memory_space<hbm>>)
            %slice3A_378 = vector.extract_strided_slice %add3A_301 {offsets = [0], sizes = [1], strides = [1]} : vector<16xi32> to vector<1xi32>
            %squeeze3A_379 = vector.extract %slice3A_378[0] : i32 from vector<1xi32>
            %sub3A_380 = arith.constant 128 : i32
            %sub3A_381 = arith.subi %squeeze3A_379, %sub3A_380 : i32
            %while3A_382 = arith.constant 0 : i32
            %while3A_383 = arith.constant 0 : i32
            %while3A_384 = arith.subi %sub3A_381, %while3A_383 : i32
            %while3A_385 = arith.addi %while3A_383, %while3A_384 : i32
            %while3A_386 = arith.constant 1 : i32
            %while3A_387 = arith.divsi %while3A_384, %while3A_386 : i32
            %while3A_388 = arith.muli %while3A_387, %while3A_386 : i32
            %while3A_389 = arith.addi %while3A_383, %while3A_388 : i32
            %while3A_390 = arith.constant 1 : i32
            scf.for %while3A_396 = %while3A_383 to %while3A_389 step %while3A_390  : i32 {
              %add3A_397 = arith.constant 128 : i32
              %add3A_398 = arith.addi %add3A_397, %while3A_396 : i32
              %get3A_399 = arith.index_cast %add3A_398 : i32 to index
              %get3A_400 = arith.constant 0 : index
              %get3A_401 = tpu.vector_load %arg15[%get3A_399, %get3A_400] {strides = array<i32>} : memref<144x128xf32, #tpu.memory_space<vmem>>, vector<16xf32>,
              %swap3A_402 = arith.index_cast %while3A_396 : i32 to index
              %swap3A_403 = arith.constant 0 : index
              %swap3A_404 = tpu.vector_load %arg15[%swap3A_402, %swap3A_403] {strides = array<i32>} : memref<144x128xf32, #tpu.memory_space<vmem>>, vector<16xf32>,
              tpu.vector_store %arg15[%swap3A_402, %swap3A_403], %get3A_401 {strides = array<i32>} : memref<144x128xf32, #tpu.memory_space<vmem>>, vector<16xf32>,
              %add3A_405 = arith.constant 128 : i32
              %add3A_406 = arith.addi %add3A_405, %while3A_396 : i32
              %get3A_407 = arith.index_cast %add3A_406 : i32 to index
              %get3A_408 = arith.constant 16 : index
              %get3A_409 = tpu.vector_load %arg15[%get3A_407, %get3A_408] {strides = array<i32>} : memref<144x128xf32, #tpu.memory_space<vmem>>, vector<16xf32>,
              %swap3A_410 = arith.index_cast %while3A_396 : i32 to index
              %swap3A_411 = arith.constant 16 : index
              %swap3A_412 = tpu.vector_load %arg15[%swap3A_410, %swap3A_411] {strides = array<i32>} : memref<144x128xf32, #tpu.memory_space<vmem>>, vector<16xf32>,
              tpu.vector_store %arg15[%swap3A_410, %swap3A_411], %get3A_409 {strides = array<i32>} : memref<144x128xf32, #tpu.memory_space<vmem>>, vector<16xf32>,
              %add3A_413 = arith.constant 128 : i32
              %add3A_414 = arith.addi %add3A_413, %while3A_396 : i32
              %get3A_415 = arith.index_cast %add3A_414 : i32 to index
              %get3A_416 = arith.constant 32 : index
              %get3A_417 = tpu.vector_load %arg15[%get3A_415, %get3A_416] {strides = array<i32>} : memref<144x128xf32, #tpu.memory_space<vmem>>, vector<16xf32>,
              %swap3A_418 = arith.index_cast %while3A_396 : i32 to index
              %swap3A_419 = arith.constant 32 : index
              %swap3A_420 = tpu.vector_load %arg15[%swap3A_418, %swap3A_419] {strides = array<i32>} : memref<144x128xf32, #tpu.memory_space<vmem>>, vector<16xf32>,
              tpu.vector_store %arg15[%swap3A_418, %swap3A_419], %get3A_417 {strides = array<i32>} : memref<144x128xf32, #tpu.memory_space<vmem>>, vector<16xf32>,
              %add3A_421 = arith.constant 128 : i32
              %add3A_422 = arith.addi %add3A_421, %while3A_396 : i32
              %get3A_423 = arith.index_cast %add3A_422 : i32 to index
              %get3A_424 = arith.constant 48 : index
              %get3A_425 = tpu.vector_load %arg15[%get3A_423, %get3A_424] {strides = array<i32>} : memref<144x128xf32, #tpu.memory_space<vmem>>, vector<16xf32>,
              %swap3A_426 = arith.index_cast %while3A_396 : i32 to index
              %swap3A_427 = arith.constant 48 : index
              %swap3A_428 = tpu.vector_load %arg15[%swap3A_426, %swap3A_427] {strides = array<i32>} : memref<144x128xf32, #tpu.memory_space<vmem>>, vector<16xf32>,
              tpu.vector_store %arg15[%swap3A_426, %swap3A_427], %get3A_425 {strides = array<i32>} : memref<144x128xf32, #tpu.memory_space<vmem>>, vector<16xf32>,
              %add3A_429 = arith.constant 128 : i32
              %add3A_430 = arith.addi %add3A_429, %while3A_396 : i32
              %get3A_431 = arith.index_cast %add3A_430 : i32 to index
              %get3A_432 = arith.constant 64 : index
              %get3A_433 = tpu.vector_load %arg15[%get3A_431, %get3A_432] {strides = array<i32>} : memref<144x128xf32, #tpu.memory_space<vmem>>, vector<16xf32>,
              %swap3A_434 = arith.index_cast %while3A_396 : i32 to index
              %swap3A_435 = arith.constant 64 : index
              %swap3A_436 = tpu.vector_load %arg15[%swap3A_434, %swap3A_435] {strides = array<i32>} : memref<144x128xf32, #tpu.memory_space<vmem>>, vector<16xf32>,
              tpu.vector_store %arg15[%swap3A_434, %swap3A_435], %get3A_433 {strides = array<i32>} : memref<144x128xf32, #tpu.memory_space<vmem>>, vector<16xf32>,
              %add3A_437 = arith.constant 128 : i32
              %add3A_438 = arith.addi %add3A_437, %while3A_396 : i32
              %get3A_439 = arith.index_cast %add3A_438 : i32 to index
              %get3A_440 = arith.constant 80 : index
              %get3A_441 = tpu.vector_load %arg15[%get3A_439, %get3A_440] {strides = array<i32>} : memref<144x128xf32, #tpu.memory_space<vmem>>, vector<16xf32>,
              %swap3A_442 = arith.index_cast %while3A_396 : i32 to index
              %swap3A_443 = arith.constant 80 : index
              %swap3A_444 = tpu.vector_load %arg15[%swap3A_442, %swap3A_443] {strides = array<i32>} : memref<144x128xf32, #tpu.memory_space<vmem>>, vector<16xf32>,
              tpu.vector_store %arg15[%swap3A_442, %swap3A_443], %get3A_441 {strides = array<i32>} : memref<144x128xf32, #tpu.memory_space<vmem>>, vector<16xf32>,
              %add3A_445 = arith.constant 128 : i32
              %add3A_446 = arith.addi %add3A_445, %while3A_396 : i32
              %get3A_447 = arith.index_cast %add3A_446 : i32 to index
              %get3A_448 = arith.constant 96 : index
              %get3A_449 = tpu.vector_load %arg15[%get3A_447, %get3A_448] {strides = array<i32>} : memref<144x128xf32, #tpu.memory_space<vmem>>, vector<16xf32>,
              %swap3A_450 = arith.index_cast %while3A_396 : i32 to index
              %swap3A_451 = arith.constant 96 : index
              %swap3A_452 = tpu.vector_load %arg15[%swap3A_450, %swap3A_451] {strides = array<i32>} : memref<144x128xf32, #tpu.memory_space<vmem>>, vector<16xf32>,
              tpu.vector_store %arg15[%swap3A_450, %swap3A_451], %get3A_449 {strides = array<i32>} : memref<144x128xf32, #tpu.memory_space<vmem>>, vector<16xf32>,
              %add3A_453 = arith.constant 128 : i32
              %add3A_454 = arith.addi %add3A_453, %while3A_396 : i32
              %get3A_455 = arith.index_cast %add3A_454 : i32 to index
              %get3A_456 = arith.constant 112 : index
              %get3A_457 = tpu.vector_load %arg15[%get3A_455, %get3A_456] {strides = array<i32>} : memref<144x128xf32, #tpu.memory_space<vmem>>, vector<16xf32>,
              %swap3A_458 = arith.index_cast %while3A_396 : i32 to index
              %swap3A_459 = arith.constant 112 : index
              %swap3A_460 = tpu.vector_load %arg15[%swap3A_458, %swap3A_459] {strides = array<i32>} : memref<144x128xf32, #tpu.memory_space<vmem>>, vector<16xf32>,
              tpu.vector_store %arg15[%swap3A_458, %swap3A_459], %get3A_457 {strides = array<i32>} : memref<144x128xf32, #tpu.memory_space<vmem>>, vector<16xf32>,
            }
            %while3A_391 = arith.constant 1 : i32
            scf.for %while3A_396 = %while3A_389 to %while3A_385 step %while3A_391  : i32 {
              %add3A_397 = arith.constant 128 : i32
              %add3A_398 = arith.addi %add3A_397, %while3A_396 : i32
              %get3A_399 = arith.index_cast %add3A_398 : i32 to index
              %get3A_400 = arith.constant 0 : index
              %get3A_401 = tpu.vector_load %arg15[%get3A_399, %get3A_400] {strides = array<i32>} : memref<144x128xf32, #tpu.memory_space<vmem>>, vector<16xf32>,
              %swap3A_402 = arith.index_cast %while3A_396 : i32 to index
              %swap3A_403 = arith.constant 0 : index
              %swap3A_404 = tpu.vector_load %arg15[%swap3A_402, %swap3A_403] {strides = array<i32>} : memref<144x128xf32, #tpu.memory_space<vmem>>, vector<16xf32>,
              tpu.vector_store %arg15[%swap3A_402, %swap3A_403], %get3A_401 {strides = array<i32>} : memref<144x128xf32, #tpu.memory_space<vmem>>, vector<16xf32>,
              %add3A_405 = arith.constant 128 : i32
              %add3A_406 = arith.addi %add3A_405, %while3A_396 : i32
              %get3A_407 = arith.index_cast %add3A_406 : i32 to index
              %get3A_408 = arith.constant 16 : index
              %get3A_409 = tpu.vector_load %arg15[%get3A_407, %get3A_408] {strides = array<i32>} : memref<144x128xf32, #tpu.memory_space<vmem>>, vector<16xf32>,
              %swap3A_410 = arith.index_cast %while3A_396 : i32 to index
              %swap3A_411 = arith.constant 16 : index
              %swap3A_412 = tpu.vector_load %arg15[%swap3A_410, %swap3A_411] {strides = array<i32>} : memref<144x128xf32, #tpu.memory_space<vmem>>, vector<16xf32>,
              tpu.vector_store %arg15[%swap3A_410, %swap3A_411], %get3A_409 {strides = array<i32>} : memref<144x128xf32, #tpu.memory_space<vmem>>, vector<16xf32>,
              %add3A_413 = arith.constant 128 : i32
              %add3A_414 = arith.addi %add3A_413, %while3A_396 : i32
              %get3A_415 = arith.index_cast %add3A_414 : i32 to index
              %get3A_416 = arith.constant 32 : index
              %get3A_417 = tpu.vector_load %arg15[%get3A_415, %get3A_416] {strides = array<i32>} : memref<144x128xf32, #tpu.memory_space<vmem>>, vector<16xf32>,
              %swap3A_418 = arith.index_cast %while3A_396 : i32 to index
              %swap3A_419 = arith.constant 32 : index
              %swap3A_420 = tpu.vector_load %arg15[%swap3A_418, %swap3A_419] {strides = array<i32>} : memref<144x128xf32, #tpu.memory_space<vmem>>, vector<16xf32>,
              tpu.vector_store %arg15[%swap3A_418, %swap3A_419], %get3A_417 {strides = array<i32>} : memref<144x128xf32, #tpu.memory_space<vmem>>, vector<16xf32>,
              %add3A_421 = arith.constant 128 : i32
              %add3A_422 = arith.addi %add3A_421, %while3A_396 : i32
              %get3A_423 = arith.index_cast %add3A_422 : i32 to index
              %get3A_424 = arith.constant 48 : index
              %get3A_425 = tpu.vector_load %arg15[%get3A_423, %get3A_424] {strides = array<i32>} : memref<144x128xf32, #tpu.memory_space<vmem>>, vector<16xf32>,
              %swap3A_426 = arith.index_cast %while3A_396 : i32 to index
              %swap3A_427 = arith.constant 48 : index
              %swap3A_428 = tpu.vector_load %arg15[%swap3A_426, %swap3A_427] {strides = array<i32>} : memref<144x128xf32, #tpu.memory_space<vmem>>, vector<16xf32>,
              tpu.vector_store %arg15[%swap3A_426, %swap3A_427], %get3A_425 {strides = array<i32>} : memref<144x128xf32, #tpu.memory_space<vmem>>, vector<16xf32>,
              %add3A_429 = arith.constant 128 : i32
              %add3A_430 = arith.addi %add3A_429, %while3A_396 : i32
              %get3A_431 = arith.index_cast %add3A_430 : i32 to index
              %get3A_432 = arith.constant 64 : index
              %get3A_433 = tpu.vector_load %arg15[%get3A_431, %get3A_432] {strides = array<i32>} : memref<144x128xf32, #tpu.memory_space<vmem>>, vector<16xf32>,
              %swap3A_434 = arith.index_cast %while3A_396 : i32 to index
              %swap3A_435 = arith.constant 64 : index
              %swap3A_436 = tpu.vector_load %arg15[%swap3A_434, %swap3A_435] {strides = array<i32>} : memref<144x128xf32, #tpu.memory_space<vmem>>, vector<16xf32>,
              tpu.vector_store %arg15[%swap3A_434, %swap3A_435], %get3A_433 {strides = array<i32>} : memref<144x128xf32, #tpu.memory_space<vmem>>, vector<16xf32>,
              %add3A_437 = arith.constant 128 : i32
              %add3A_438 = arith.addi %add3A_437, %while3A_396 : i32
              %get3A_439 = arith.index_cast %add3A_438 : i32 to index
              %get3A_440 = arith.constant 80 : index
              %get3A_441 = tpu.vector_load %arg15[%get3A_439, %get3A_440] {strides = array<i32>} : memref<144x128xf32, #tpu.memory_space<vmem>>, vector<16xf32>,
              %swap3A_442 = arith.index_cast %while3A_396 : i32 to index
              %swap3A_443 = arith.constant 80 : index
              %swap3A_444 = tpu.vector_load %arg15[%swap3A_442, %swap3A_443] {strides = array<i32>} : memref<144x128xf32, #tpu.memory_space<vmem>>, vector<16xf32>,
              tpu.vector_store %arg15[%swap3A_442, %swap3A_443], %get3A_441 {strides = array<i32>} : memref<144x128xf32, #tpu.memory_space<vmem>>, vector<16xf32>,
              %add3A_445 = arith.constant 128 : i32
              %add3A_446 = arith.addi %add3A_445, %while3A_396 : i32
              %get3A_447 = arith.index_cast %add3A_446 : i32 to index
              %get3A_448 = arith.constant 96 : index
              %get3A_449 = tpu.vector_load %arg15[%get3A_447, %get3A_448] {strides = array<i32>} : memref<144x128xf32, #tpu.memory_space<vmem>>, vector<16xf32>,
              %swap3A_450 = arith.index_cast %while3A_396 : i32 to index
              %swap3A_451 = arith.constant 96 : index
              %swap3A_452 = tpu.vector_load %arg15[%swap3A_450, %swap3A_451] {strides = array<i32>} : memref<144x128xf32, #tpu.memory_space<vmem>>, vector<16xf32>,
              tpu.vector_store %arg15[%swap3A_450, %swap3A_451], %get3A_449 {strides = array<i32>} : memref<144x128xf32, #tpu.memory_space<vmem>>, vector<16xf32>,
              %add3A_453 = arith.constant 128 : i32
              %add3A_454 = arith.addi %add3A_453, %while3A_396 : i32
              %get3A_455 = arith.index_cast %add3A_454 : i32 to index
              %get3A_456 = arith.constant 112 : index
              %get3A_457 = tpu.vector_load %arg15[%get3A_455, %get3A_456] {strides = array<i32>} : memref<144x128xf32, #tpu.memory_space<vmem>>, vector<16xf32>,
              %swap3A_458 = arith.index_cast %while3A_396 : i32 to index
              %swap3A_459 = arith.constant 112 : index
              %swap3A_460 = tpu.vector_load %arg15[%swap3A_458, %swap3A_459] {strides = array<i32>} : memref<144x128xf32, #tpu.memory_space<vmem>>, vector<16xf32>,
              tpu.vector_store %arg15[%swap3A_458, %swap3A_459], %get3A_457 {strides = array<i32>} : memref<144x128xf32, #tpu.memory_space<vmem>>, vector<16xf32>,
            }
            %get3A_392 = arith.constant 128 : index
            %get3A_393 = tpu.vector_load %arg16[%get3A_392] {strides = array<i32>} : memref<144xi32, #tpu.memory_space<vmem>>, vector<16xi32>,
            %swap3A_394 = arith.constant 0 : index
            %swap3A_395 = tpu.vector_load %arg16[%swap3A_394] {strides = array<i32>} : memref<144xi32, #tpu.memory_space<vmem>>, vector<16xi32>,
            tpu.vector_store %arg16[%swap3A_394], %get3A_393 {strides = array<i32>} : memref<144xi32, #tpu.memory_space<vmem>>, vector<16xi32>,
          } else {
          }
          %sub3A_308 = arith.constant 128 : i32
          %sub3A_309 = vector.broadcast %sub3A_308 : i32 to vector<16xi32>
          %sub3A_310 = arith.subi %add3A_301, %sub3A_309 : vector<16xi32>
          %select_n3A_311 = arith.select %ge3A_304, %sub3A_310, %add3A_301 : vector<16xi32>
          scf.yield %select_n3A_311 : vector<16xi32>
        }
        %while3A_259 = arith.constant 1 : i32
        %while3A_260 = scf.for %while3A_261 = %while3A_256 to %while3A_252 step %while3A_259 iter_args(%while3A_262 = %while3A_258) -> (vector<16xi32>)  : i32 {
          %mul3A_263 = arith.constant 16 : i32
          %mul3A_264 = arith.muli %while3A_261, %mul3A_263 : i32
          %get3A = arith.index_cast %mul3A_264 : i32 to index
          %get3A_265 = tpu.vector_load %arg12[%get3A] {strides = array<i32>} : memref<2080xi32, #tpu.memory_space<vmem>>, vector<16xi32>,
          %mul3A_266 = arith.constant 16 : i32
          %mul3A_267 = arith.muli %while3A_261, %mul3A_266 : i32
          %get3A_268 = arith.index_cast %mul3A_267 : i32 to index
          %get3A_269 = tpu.vector_load %arg13[%get3A_268] {strides = array<i32>} : memref<2080xi32, #tpu.memory_space<vmem>>, vector<16xi32>,
          %mul3A_270 = arith.constant 16 : i32
          %mul3A_271 = arith.muli %while3A_261, %mul3A_270 : i32
          %add3A_272 = vector.broadcast %mul3A_271 : i32 to vector<16xi32>
          %add3A_273 = arith.addi %add3A_272, %iota3A : vector<16xi32>
          %lt3A_274 = vector.broadcast %squeeze3A_245 : i32 to vector<16xi32>
          %lt3A_275 = arith.cmpi slt, %add3A_273, %lt3A_274 : vector<16xi32>
          %shift_right_logical3A = arith.constant 7 : i32
          %shift_right_logical3A_276 = vector.broadcast %shift_right_logical3A : i32 to vector<16xi32>
          %shift_right_logical3A_277 = arith.shrui %get3A_269, %shift_right_logical3A_276 : vector<16xi32>
          %sub3A_278 = vector.broadcast %add3A_60 : i32 to vector<16xi32>
          %sub3A_279 = arith.subi %shift_right_logical3A_277, %sub3A_278 : vector<16xi32>
          %jit3A = arith.constant 0 : i32
          %broadcast_in_dim3A_280 = vector.broadcast %jit3A : i32 to vector<16xi32>
          %select_n3A = arith.select %lt3A_275, %sub3A_279, %broadcast_in_dim3A_280 : vector<16xi1>, vector<16xi32>
          %and3A_281 = arith.constant 127 : i32
          %and3A_282 = vector.broadcast %and3A_281 : i32 to vector<16xi32>
          %and3A_283 = arith.andi %get3A_269, %and3A_282 : vector<16xi32>
          %select_n3A_284 = arith.select %lt3A_275, %get3A_265, %add3A_16 : vector<16xi1>, vector<16xi32>
          %mul3A_285 = arith.constant 64 : i32
          %mul3A_286 = vector.broadcast %mul3A_285 : i32 to vector<16xi32>
          %mul3A_287 = arith.muli %select_n3A, %mul3A_286 : vector<16xi32>
          %slice3A_288 = vector.extract_strided_slice %while3A_262 {offsets = [0], sizes = [1], strides = [1]} : vector<16xi32> to vector<1xi32>
          %squeeze3A_289 = vector.extract %slice3A_288[0] : i32 from vector<1xi32>
          %add3A_290 = vector.broadcast %squeeze3A_289 : i32 to vector<16xi32>
          %add3A_291 = arith.addi %add3A_290, %iota3A : vector<16xi32>
          %scan3A_292 = arith.constant 0 : i32
          %scan3A_293 = arith.constant 0 : i32
          %scan3A_294 = arith.constant 16 : i32
          %scan3A_295 = arith.addi %scan3A_293, %scan3A_294 : i32
          %scan3A_296 = arith.constant 1 : i32
          scf.for %scan3A_312 = %scan3A_293 to %scan3A_295 step %scan3A_296  : i32 {
            %mul3A_313 = arith.constant 4 : i32
            %mul3A_314 = arith.muli %scan3A_312, %mul3A_313 : i32
            %add3A_315 = arith.constant 0 : i32
            %add3A_316 = arith.addi %mul3A_314, %add3A_315 : i32
            %add3A_317 = vector.broadcast %add3A_316 : i32 to vector<16xi32>
            %add3A_318 = arith.addi %mul3A_287, %add3A_317 : vector<16xi32>
            %gather3A = tpu.vector_load_idx %arg14[%add3A_318, %and3A_283] : memref<512x128xf32, #tpu.memory_space<vmem>>[vector<16xi32>, vector<16xi32>], vector<16xf32>,
            %broadcast_in_dim3A_319 = arith.constant 0 : i32
            %broadcast_in_dim3A_320 = vector.broadcast %broadcast_in_dim3A_319 : i32 to vector<16xi32>
            %add3A_321 = vector.broadcast %add3A_316 : i32 to vector<16xi32>
            %add3A_322 = arith.addi %broadcast_in_dim3A_320, %add3A_321 : vector<16xi32>
            tpu.vector_store_idx %arg15[%add3A_291, %add3A_322], %gather3A : memref<144x128xf32, #tpu.memory_space<vmem>>[vector<16xi32>, vector<16xi32>], vector<16xf32>,
            %mul3A_323 = arith.constant 4 : i32
            %mul3A_324 = arith.muli %scan3A_312, %mul3A_323 : i32
            %add3A_325 = arith.constant 1 : i32
            %add3A_326 = arith.addi %mul3A_324, %add3A_325 : i32
            %add3A_327 = vector.broadcast %add3A_326 : i32 to vector<16xi32>
            %add3A_328 = arith.addi %mul3A_287, %add3A_327 : vector<16xi32>
            %gather3A_329 = tpu.vector_load_idx %arg14[%add3A_328, %and3A_283] : memref<512x128xf32, #tpu.memory_space<vmem>>[vector<16xi32>, vector<16xi32>], vector<16xf32>,
            %broadcast_in_dim3A_330 = arith.constant 0 : i32
            %broadcast_in_dim3A_331 = vector.broadcast %broadcast_in_dim3A_330 : i32 to vector<16xi32>
            %add3A_332 = vector.broadcast %add3A_326 : i32 to vector<16xi32>
            %add3A_333 = arith.addi %broadcast_in_dim3A_331, %add3A_332 : vector<16xi32>
            tpu.vector_store_idx %arg15[%add3A_291, %add3A_333], %gather3A_329 : memref<144x128xf32, #tpu.memory_space<vmem>>[vector<16xi32>, vector<16xi32>], vector<16xf32>,
            %mul3A_334 = arith.constant 4 : i32
            %mul3A_335 = arith.muli %scan3A_312, %mul3A_334 : i32
            %add3A_336 = arith.constant 2 : i32
            %add3A_337 = arith.addi %mul3A_335, %add3A_336 : i32
            %add3A_338 = vector.broadcast %add3A_337 : i32 to vector<16xi32>
            %add3A_339 = arith.addi %mul3A_287, %add3A_338 : vector<16xi32>
            %gather3A_340 = tpu.vector_load_idx %arg14[%add3A_339, %and3A_283] : memref<512x128xf32, #tpu.memory_space<vmem>>[vector<16xi32>, vector<16xi32>], vector<16xf32>,
            %broadcast_in_dim3A_341 = arith.constant 0 : i32
            %broadcast_in_dim3A_342 = vector.broadcast %broadcast_in_dim3A_341 : i32 to vector<16xi32>
            %add3A_343 = vector.broadcast %add3A_337 : i32 to vector<16xi32>
            %add3A_344 = arith.addi %broadcast_in_dim3A_342, %add3A_343 : vector<16xi32>
            tpu.vector_store_idx %arg15[%add3A_291, %add3A_344], %gather3A_340 : memref<144x128xf32, #tpu.memory_space<vmem>>[vector<16xi32>, vector<16xi32>], vector<16xf32>,
            %mul3A_345 = arith.constant 4 : i32
            %mul3A_346 = arith.muli %scan3A_312, %mul3A_345 : i32
            %add3A_347 = arith.constant 3 : i32
            %add3A_348 = arith.addi %mul3A_346, %add3A_347 : i32
            %add3A_349 = vector.broadcast %add3A_348 : i32 to vector<16xi32>
            %add3A_350 = arith.addi %mul3A_287, %add3A_349 : vector<16xi32>
            %gather3A_351 = tpu.vector_load_idx %arg14[%add3A_350, %and3A_283] : memref<512x128xf32, #tpu.memory_space<vmem>>[vector<16xi32>, vector<16xi32>], vector<16xf32>,
            %broadcast_in_dim3A_352 = arith.constant 0 : i32
            %broadcast_in_dim3A_353 = vector.broadcast %broadcast_in_dim3A_352 : i32 to vector<16xi32>
            %add3A_354 = vector.broadcast %add3A_348 : i32 to vector<16xi32>
            %add3A_355 = arith.addi %broadcast_in_dim3A_353, %add3A_354 : vector<16xi32>
            tpu.vector_store_idx %arg15[%add3A_291, %add3A_355], %gather3A_351 : memref<144x128xf32, #tpu.memory_space<vmem>>[vector<16xi32>, vector<16xi32>], vector<16xf32>,
          }
          %scan3A_297 = arith.constant 16 : i32
          %swap3A = arith.index_cast %squeeze3A_289 : i32 to index
          %swap3A_298 = tpu.vector_load %arg16[%swap3A] {strides = array<i32>} : memref<144xi32, #tpu.memory_space<vmem>>, vector<16xi32>,
          tpu.vector_store %arg16[%swap3A], %select_n3A_284 {strides = array<i32>} : memref<144xi32, #tpu.memory_space<vmem>>, vector<16xi32>,
          %add3A_299 = arith.constant 16 : i32
          %add3A_300 = vector.broadcast %add3A_299 : i32 to vector<16xi32>
          %add3A_301 = arith.addi %while3A_262, %add3A_300 : vector<16xi32>
          %slice3A_302 = vector.extract_strided_slice %add3A_301 {offsets = [0], sizes = [1], strides = [1]} : vector<16xi32> to vector<1xi32>
          %squeeze3A_303 = vector.extract %slice3A_302[0] : i32 from vector<1xi32>
          %ge3A = arith.constant 128 : i32
          %ge3A_304 = arith.cmpi sge, %squeeze3A_303, %ge3A : i32
          %convert_element_type3A_305 = arith.extui %ge3A_304 : i1 to i32
          %cond3A_306 = arith.constant 0 : i32
          %cond3A_307 = arith.cmpi ne, %convert_element_type3A_305, %cond3A_306 : i32
          scf.if %cond3A_307 {
            %get3A_312 = arith.constant 0 : index
            %get3A_313 = tpu.vector_load %arg16[%get3A_312] {strides = array<i32>} : memref<144xi32, #tpu.memory_space<vmem>>, vector<16xi32>,
            %swap3A_314 = arith.constant 0 : i32
            %swap3A_315 = arith.index_cast %swap3A_314 : i32 to index
            %swap3A_316 = arith.constant 0 : index
            %swap3A_317 = tpu.vector_load %arg17[%swap3A_315, %swap3A_316] {strides = array<i32>} : memref<1x128xi32, #tpu.memory_space<vmem>>, vector<16xi32>,
            tpu.vector_store %arg17[%swap3A_315, %swap3A_316], %get3A_313 {strides = array<i32>} : memref<1x128xi32, #tpu.memory_space<vmem>>, vector<16xi32>,
            %get3A_318 = arith.constant 16 : index
            %get3A_319 = tpu.vector_load %arg16[%get3A_318] {strides = array<i32>} : memref<144xi32, #tpu.memory_space<vmem>>, vector<16xi32>,
            %swap3A_320 = arith.constant 0 : i32
            %swap3A_321 = arith.index_cast %swap3A_320 : i32 to index
            %swap3A_322 = arith.constant 16 : index
            %swap3A_323 = tpu.vector_load %arg17[%swap3A_321, %swap3A_322] {strides = array<i32>} : memref<1x128xi32, #tpu.memory_space<vmem>>, vector<16xi32>,
            tpu.vector_store %arg17[%swap3A_321, %swap3A_322], %get3A_319 {strides = array<i32>} : memref<1x128xi32, #tpu.memory_space<vmem>>, vector<16xi32>,
            %get3A_324 = arith.constant 32 : index
            %get3A_325 = tpu.vector_load %arg16[%get3A_324] {strides = array<i32>} : memref<144xi32, #tpu.memory_space<vmem>>, vector<16xi32>,
            %swap3A_326 = arith.constant 0 : i32
            %swap3A_327 = arith.index_cast %swap3A_326 : i32 to index
            %swap3A_328 = arith.constant 32 : index
            %swap3A_329 = tpu.vector_load %arg17[%swap3A_327, %swap3A_328] {strides = array<i32>} : memref<1x128xi32, #tpu.memory_space<vmem>>, vector<16xi32>,
            tpu.vector_store %arg17[%swap3A_327, %swap3A_328], %get3A_325 {strides = array<i32>} : memref<1x128xi32, #tpu.memory_space<vmem>>, vector<16xi32>,
            %get3A_330 = arith.constant 48 : index
            %get3A_331 = tpu.vector_load %arg16[%get3A_330] {strides = array<i32>} : memref<144xi32, #tpu.memory_space<vmem>>, vector<16xi32>,
            %swap3A_332 = arith.constant 0 : i32
            %swap3A_333 = arith.index_cast %swap3A_332 : i32 to index
            %swap3A_334 = arith.constant 48 : index
            %swap3A_335 = tpu.vector_load %arg17[%swap3A_333, %swap3A_334] {strides = array<i32>} : memref<1x128xi32, #tpu.memory_space<vmem>>, vector<16xi32>,
            tpu.vector_store %arg17[%swap3A_333, %swap3A_334], %get3A_331 {strides = array<i32>} : memref<1x128xi32, #tpu.memory_space<vmem>>, vector<16xi32>,
            %get3A_336 = arith.constant 64 : index
            %get3A_337 = tpu.vector_load %arg16[%get3A_336] {strides = array<i32>} : memref<144xi32, #tpu.memory_space<vmem>>, vector<16xi32>,
            %swap3A_338 = arith.constant 0 : i32
            %swap3A_339 = arith.index_cast %swap3A_338 : i32 to index
            %swap3A_340 = arith.constant 64 : index
            %swap3A_341 = tpu.vector_load %arg17[%swap3A_339, %swap3A_340] {strides = array<i32>} : memref<1x128xi32, #tpu.memory_space<vmem>>, vector<16xi32>,
            tpu.vector_store %arg17[%swap3A_339, %swap3A_340], %get3A_337 {strides = array<i32>} : memref<1x128xi32, #tpu.memory_space<vmem>>, vector<16xi32>,
            %get3A_342 = arith.constant 80 : index
            %get3A_343 = tpu.vector_load %arg16[%get3A_342] {strides = array<i32>} : memref<144xi32, #tpu.memory_space<vmem>>, vector<16xi32>,
            %swap3A_344 = arith.constant 0 : i32
            %swap3A_345 = arith.index_cast %swap3A_344 : i32 to index
            %swap3A_346 = arith.constant 80 : index
            %swap3A_347 = tpu.vector_load %arg17[%swap3A_345, %swap3A_346] {strides = array<i32>} : memref<1x128xi32, #tpu.memory_space<vmem>>, vector<16xi32>,
            tpu.vector_store %arg17[%swap3A_345, %swap3A_346], %get3A_343 {strides = array<i32>} : memref<1x128xi32, #tpu.memory_space<vmem>>, vector<16xi32>,
            %get3A_348 = arith.constant 96 : index
            %get3A_349 = tpu.vector_load %arg16[%get3A_348] {strides = array<i32>} : memref<144xi32, #tpu.memory_space<vmem>>, vector<16xi32>,
            %swap3A_350 = arith.constant 0 : i32
            %swap3A_351 = arith.index_cast %swap3A_350 : i32 to index
            %swap3A_352 = arith.constant 96 : index
            %swap3A_353 = tpu.vector_load %arg17[%swap3A_351, %swap3A_352] {strides = array<i32>} : memref<1x128xi32, #tpu.memory_space<vmem>>, vector<16xi32>,
            tpu.vector_store %arg17[%swap3A_351, %swap3A_352], %get3A_349 {strides = array<i32>} : memref<1x128xi32, #tpu.memory_space<vmem>>, vector<16xi32>,
            %get3A_354 = arith.constant 112 : index
            %get3A_355 = tpu.vector_load %arg16[%get3A_354] {strides = array<i32>} : memref<144xi32, #tpu.memory_space<vmem>>, vector<16xi32>,
            %swap3A_356 = arith.constant 0 : i32
            %swap3A_357 = arith.index_cast %swap3A_356 : i32 to index
            %swap3A_358 = arith.constant 112 : index
            %swap3A_359 = tpu.vector_load %arg17[%swap3A_357, %swap3A_358] {strides = array<i32>} : memref<1x128xi32, #tpu.memory_space<vmem>>, vector<16xi32>,
            tpu.vector_store %arg17[%swap3A_357, %swap3A_358], %get3A_355 {strides = array<i32>} : memref<1x128xi32, #tpu.memory_space<vmem>>, vector<16xi32>,
            %dma_start3A = arith.constant 0 : i32
            %dma_start3A_360 = arith.constant 0 : i32
            %dma_start3A_361 = arith.constant 0 : i32
            %dma_start3A_362 = tpu.memref_slice %arg15[%dma_start3A_360, %dma_start3A_361] : memref<144x128xf32, #tpu.memory_space<vmem>> -> memref<128x128xf32, #tpu.memory_space<vmem>>
            %dma_start3A_363 = arith.constant 0 : i32
            %dma_start3A_364 = tpu.memref_slice %arg17[%dma_start3A, %dma_start3A_363] : memref<1x128xi32, #tpu.memory_space<vmem>> -> memref<1x128xi32, #tpu.memory_space<vmem>>
            %dma_start3A_365 = tpu.memref_squeeze %dma_start3A_364 : memref<1x128xi32, #tpu.memory_space<vmem>> -> memref<128xi32, #tpu.memory_space<vmem>>
            %dma_start3A_366 = arith.constant 0 : i32
            %dma_start3A_367 = arith.constant 0 : i32
            %dma_start3A_368 = tpu.memref_slice %arg5[%dma_start3A_366, %dma_start3A_367] : memref<66048x128xf32, #tpu.memory_space<hbm>> -> memref<66048x128xf32, #tpu.memory_space<hbm>>
            tpu.enqueue_indirect_dma source(%dma_start3A_362 : memref<128x128xf32, #tpu.memory_space<vmem>>) target(%dma_start3A_368 : memref<66048x128xf32, #tpu.memory_space<hbm>>) offsets(%dma_start3A_365 : memref<128xi32, #tpu.memory_space<vmem>>) semaphore(%arg19 : memref<!tpu.dma_semaphore, #tpu.memory_space<semaphore_mem>>)
            %dma_wait3A = arith.constant 0 : i32
            %dma_wait3A_369 = arith.constant 0 : i32
            %dma_wait3A_370 = arith.constant 0 : i32
            %dma_wait3A_371 = tpu.memref_slice %arg15[%dma_wait3A_369, %dma_wait3A_370] : memref<144x128xf32, #tpu.memory_space<vmem>> -> memref<128x128xf32, #tpu.memory_space<vmem>>
            %dma_wait3A_372 = arith.constant 0 : i32
            %dma_wait3A_373 = tpu.memref_slice %arg17[%dma_wait3A, %dma_wait3A_372] : memref<1x128xi32, #tpu.memory_space<vmem>> -> memref<1x128xi32, #tpu.memory_space<vmem>>
            %dma_wait3A_374 = tpu.memref_squeeze %dma_wait3A_373 : memref<1x128xi32, #tpu.memory_space<vmem>> -> memref<128xi32, #tpu.memory_space<vmem>>
            %dma_wait3A_375 = arith.constant 0 : i32
            %dma_wait3A_376 = arith.constant 0 : i32
            %dma_wait3A_377 = tpu.memref_slice %arg5[%dma_wait3A_375, %dma_wait3A_376] : memref<66048x128xf32, #tpu.memory_space<hbm>> -> memref<66048x128xf32, #tpu.memory_space<hbm>>
            tpu.wait_indirect_dma semaphore(%arg19 : memref<!tpu.dma_semaphore, #tpu.memory_space<semaphore_mem>>) src(%dma_wait3A_371 : memref<128x128xf32, #tpu.memory_space<vmem>>) dst(%dma_wait3A_377 : memref<66048x128xf32, #tpu.memory_space<hbm>>)
            %slice3A_378 = vector.extract_strided_slice %add3A_301 {offsets = [0], sizes = [1], strides = [1]} : vector<16xi32> to vector<1xi32>
            %squeeze3A_379 = vector.extract %slice3A_378[0] : i32 from vector<1xi32>
            %sub3A_380 = arith.constant 128 : i32
            %sub3A_381 = arith.subi %squeeze3A_379, %sub3A_380 : i32
            %while3A_382 = arith.constant 0 : i32
            %while3A_383 = arith.constant 0 : i32
            %while3A_384 = arith.subi %sub3A_381, %while3A_383 : i32
            %while3A_385 = arith.addi %while3A_383, %while3A_384 : i32
            %while3A_386 = arith.constant 1 : i32
            %while3A_387 = arith.divsi %while3A_384, %while3A_386 : i32
            %while3A_388 = arith.muli %while3A_387, %while3A_386 : i32
            %while3A_389 = arith.addi %while3A_383, %while3A_388 : i32
            %while3A_390 = arith.constant 1 : i32
            scf.for %while3A_396 = %while3A_383 to %while3A_389 step %while3A_390  : i32 {
              %add3A_397 = arith.constant 128 : i32
              %add3A_398 = arith.addi %add3A_397, %while3A_396 : i32
              %get3A_399 = arith.index_cast %add3A_398 : i32 to index
              %get3A_400 = arith.constant 0 : index
              %get3A_401 = tpu.vector_load %arg15[%get3A_399, %get3A_400] {strides = array<i32>} : memref<144x128xf32, #tpu.memory_space<vmem>>, vector<16xf32>,
              %swap3A_402 = arith.index_cast %while3A_396 : i32 to index
              %swap3A_403 = arith.constant 0 : index
              %swap3A_404 = tpu.vector_load %arg15[%swap3A_402, %swap3A_403] {strides = array<i32>} : memref<144x128xf32, #tpu.memory_space<vmem>>, vector<16xf32>,
              tpu.vector_store %arg15[%swap3A_402, %swap3A_403], %get3A_401 {strides = array<i32>} : memref<144x128xf32, #tpu.memory_space<vmem>>, vector<16xf32>,
              %add3A_405 = arith.constant 128 : i32
              %add3A_406 = arith.addi %add3A_405, %while3A_396 : i32
              %get3A_407 = arith.index_cast %add3A_406 : i32 to index
              %get3A_408 = arith.constant 16 : index
              %get3A_409 = tpu.vector_load %arg15[%get3A_407, %get3A_408] {strides = array<i32>} : memref<144x128xf32, #tpu.memory_space<vmem>>, vector<16xf32>,
              %swap3A_410 = arith.index_cast %while3A_396 : i32 to index
              %swap3A_411 = arith.constant 16 : index
              %swap3A_412 = tpu.vector_load %arg15[%swap3A_410, %swap3A_411] {strides = array<i32>} : memref<144x128xf32, #tpu.memory_space<vmem>>, vector<16xf32>,
              tpu.vector_store %arg15[%swap3A_410, %swap3A_411], %get3A_409 {strides = array<i32>} : memref<144x128xf32, #tpu.memory_space<vmem>>, vector<16xf32>,
              %add3A_413 = arith.constant 128 : i32
              %add3A_414 = arith.addi %add3A_413, %while3A_396 : i32
              %get3A_415 = arith.index_cast %add3A_414 : i32 to index
              %get3A_416 = arith.constant 32 : index
              %get3A_417 = tpu.vector_load %arg15[%get3A_415, %get3A_416] {strides = array<i32>} : memref<144x128xf32, #tpu.memory_space<vmem>>, vector<16xf32>,
              %swap3A_418 = arith.index_cast %while3A_396 : i32 to index
              %swap3A_419 = arith.constant 32 : index
              %swap3A_420 = tpu.vector_load %arg15[%swap3A_418, %swap3A_419] {strides = array<i32>} : memref<144x128xf32, #tpu.memory_space<vmem>>, vector<16xf32>,
              tpu.vector_store %arg15[%swap3A_418, %swap3A_419], %get3A_417 {strides = array<i32>} : memref<144x128xf32, #tpu.memory_space<vmem>>, vector<16xf32>,
              %add3A_421 = arith.constant 128 : i32
              %add3A_422 = arith.addi %add3A_421, %while3A_396 : i32
              %get3A_423 = arith.index_cast %add3A_422 : i32 to index
              %get3A_424 = arith.constant 48 : index
              %get3A_425 = tpu.vector_load %arg15[%get3A_423, %get3A_424] {strides = array<i32>} : memref<144x128xf32, #tpu.memory_space<vmem>>, vector<16xf32>,
              %swap3A_426 = arith.index_cast %while3A_396 : i32 to index
              %swap3A_427 = arith.constant 48 : index
              %swap3A_428 = tpu.vector_load %arg15[%swap3A_426, %swap3A_427] {strides = array<i32>} : memref<144x128xf32, #tpu.memory_space<vmem>>, vector<16xf32>,
              tpu.vector_store %arg15[%swap3A_426, %swap3A_427], %get3A_425 {strides = array<i32>} : memref<144x128xf32, #tpu.memory_space<vmem>>, vector<16xf32>,
              %add3A_429 = arith.constant 128 : i32
              %add3A_430 = arith.addi %add3A_429, %while3A_396 : i32
              %get3A_431 = arith.index_cast %add3A_430 : i32 to index
              %get3A_432 = arith.constant 64 : index
              %get3A_433 = tpu.vector_load %arg15[%get3A_431, %get3A_432] {strides = array<i32>} : memref<144x128xf32, #tpu.memory_space<vmem>>, vector<16xf32>,
              %swap3A_434 = arith.index_cast %while3A_396 : i32 to index
              %swap3A_435 = arith.constant 64 : index
              %swap3A_436 = tpu.vector_load %arg15[%swap3A_434, %swap3A_435] {strides = array<i32>} : memref<144x128xf32, #tpu.memory_space<vmem>>, vector<16xf32>,
              tpu.vector_store %arg15[%swap3A_434, %swap3A_435], %get3A_433 {strides = array<i32>} : memref<144x128xf32, #tpu.memory_space<vmem>>, vector<16xf32>,
              %add3A_437 = arith.constant 128 : i32
              %add3A_438 = arith.addi %add3A_437, %while3A_396 : i32
              %get3A_439 = arith.index_cast %add3A_438 : i32 to index
              %get3A_440 = arith.constant 80 : index
              %get3A_441 = tpu.vector_load %arg15[%get3A_439, %get3A_440] {strides = array<i32>} : memref<144x128xf32, #tpu.memory_space<vmem>>, vector<16xf32>,
              %swap3A_442 = arith.index_cast %while3A_396 : i32 to index
              %swap3A_443 = arith.constant 80 : index
              %swap3A_444 = tpu.vector_load %arg15[%swap3A_442, %swap3A_443] {strides = array<i32>} : memref<144x128xf32, #tpu.memory_space<vmem>>, vector<16xf32>,
              tpu.vector_store %arg15[%swap3A_442, %swap3A_443], %get3A_441 {strides = array<i32>} : memref<144x128xf32, #tpu.memory_space<vmem>>, vector<16xf32>,
              %add3A_445 = arith.constant 128 : i32
              %add3A_446 = arith.addi %add3A_445, %while3A_396 : i32
              %get3A_447 = arith.index_cast %add3A_446 : i32 to index
              %get3A_448 = arith.constant 96 : index
              %get3A_449 = tpu.vector_load %arg15[%get3A_447, %get3A_448] {strides = array<i32>} : memref<144x128xf32, #tpu.memory_space<vmem>>, vector<16xf32>,
              %swap3A_450 = arith.index_cast %while3A_396 : i32 to index
              %swap3A_451 = arith.constant 96 : index
              %swap3A_452 = tpu.vector_load %arg15[%swap3A_450, %swap3A_451] {strides = array<i32>} : memref<144x128xf32, #tpu.memory_space<vmem>>, vector<16xf32>,
              tpu.vector_store %arg15[%swap3A_450, %swap3A_451], %get3A_449 {strides = array<i32>} : memref<144x128xf32, #tpu.memory_space<vmem>>, vector<16xf32>,
              %add3A_453 = arith.constant 128 : i32
              %add3A_454 = arith.addi %add3A_453, %while3A_396 : i32
              %get3A_455 = arith.index_cast %add3A_454 : i32 to index
              %get3A_456 = arith.constant 112 : index
              %get3A_457 = tpu.vector_load %arg15[%get3A_455, %get3A_456] {strides = array<i32>} : memref<144x128xf32, #tpu.memory_space<vmem>>, vector<16xf32>,
              %swap3A_458 = arith.index_cast %while3A_396 : i32 to index
              %swap3A_459 = arith.constant 112 : index
              %swap3A_460 = tpu.vector_load %arg15[%swap3A_458, %swap3A_459] {strides = array<i32>} : memref<144x128xf32, #tpu.memory_space<vmem>>, vector<16xf32>,
              tpu.vector_store %arg15[%swap3A_458, %swap3A_459], %get3A_457 {strides = array<i32>} : memref<144x128xf32, #tpu.memory_space<vmem>>, vector<16xf32>,
            }
            %while3A_391 = arith.constant 1 : i32
            scf.for %while3A_396 = %while3A_389 to %while3A_385 step %while3A_391  : i32 {
              %add3A_397 = arith.constant 128 : i32
              %add3A_398 = arith.addi %add3A_397, %while3A_396 : i32
              %get3A_399 = arith.index_cast %add3A_398 : i32 to index
              %get3A_400 = arith.constant 0 : index
              %get3A_401 = tpu.vector_load %arg15[%get3A_399, %get3A_400] {strides = array<i32>} : memref<144x128xf32, #tpu.memory_space<vmem>>, vector<16xf32>,
              %swap3A_402 = arith.index_cast %while3A_396 : i32 to index
              %swap3A_403 = arith.constant 0 : index
              %swap3A_404 = tpu.vector_load %arg15[%swap3A_402, %swap3A_403] {strides = array<i32>} : memref<144x128xf32, #tpu.memory_space<vmem>>, vector<16xf32>,
              tpu.vector_store %arg15[%swap3A_402, %swap3A_403], %get3A_401 {strides = array<i32>} : memref<144x128xf32, #tpu.memory_space<vmem>>, vector<16xf32>,
              %add3A_405 = arith.constant 128 : i32
              %add3A_406 = arith.addi %add3A_405, %while3A_396 : i32
              %get3A_407 = arith.index_cast %add3A_406 : i32 to index
              %get3A_408 = arith.constant 16 : index
              %get3A_409 = tpu.vector_load %arg15[%get3A_407, %get3A_408] {strides = array<i32>} : memref<144x128xf32, #tpu.memory_space<vmem>>, vector<16xf32>,
              %swap3A_410 = arith.index_cast %while3A_396 : i32 to index
              %swap3A_411 = arith.constant 16 : index
              %swap3A_412 = tpu.vector_load %arg15[%swap3A_410, %swap3A_411] {strides = array<i32>} : memref<144x128xf32, #tpu.memory_space<vmem>>, vector<16xf32>,
              tpu.vector_store %arg15[%swap3A_410, %swap3A_411], %get3A_409 {strides = array<i32>} : memref<144x128xf32, #tpu.memory_space<vmem>>, vector<16xf32>,
              %add3A_413 = arith.constant 128 : i32
              %add3A_414 = arith.addi %add3A_413, %while3A_396 : i32
              %get3A_415 = arith.index_cast %add3A_414 : i32 to index
              %get3A_416 = arith.constant 32 : index
              %get3A_417 = tpu.vector_load %arg15[%get3A_415, %get3A_416] {strides = array<i32>} : memref<144x128xf32, #tpu.memory_space<vmem>>, vector<16xf32>,
              %swap3A_418 = arith.index_cast %while3A_396 : i32 to index
              %swap3A_419 = arith.constant 32 : index
              %swap3A_420 = tpu.vector_load %arg15[%swap3A_418, %swap3A_419] {strides = array<i32>} : memref<144x128xf32, #tpu.memory_space<vmem>>, vector<16xf32>,
              tpu.vector_store %arg15[%swap3A_418, %swap3A_419], %get3A_417 {strides = array<i32>} : memref<144x128xf32, #tpu.memory_space<vmem>>, vector<16xf32>,
              %add3A_421 = arith.constant 128 : i32
              %add3A_422 = arith.addi %add3A_421, %while3A_396 : i32
              %get3A_423 = arith.index_cast %add3A_422 : i32 to index
              %get3A_424 = arith.constant 48 : index
              %get3A_425 = tpu.vector_load %arg15[%get3A_423, %get3A_424] {strides = array<i32>} : memref<144x128xf32, #tpu.memory_space<vmem>>, vector<16xf32>,
              %swap3A_426 = arith.index_cast %while3A_396 : i32 to index
              %swap3A_427 = arith.constant 48 : index
              %swap3A_428 = tpu.vector_load %arg15[%swap3A_426, %swap3A_427] {strides = array<i32>} : memref<144x128xf32, #tpu.memory_space<vmem>>, vector<16xf32>,
              tpu.vector_store %arg15[%swap3A_426, %swap3A_427], %get3A_425 {strides = array<i32>} : memref<144x128xf32, #tpu.memory_space<vmem>>, vector<16xf32>,
              %add3A_429 = arith.constant 128 : i32
              %add3A_430 = arith.addi %add3A_429, %while3A_396 : i32
              %get3A_431 = arith.index_cast %add3A_430 : i32 to index
              %get3A_432 = arith.constant 64 : index
              %get3A_433 = tpu.vector_load %arg15[%get3A_431, %get3A_432] {strides = array<i32>} : memref<144x128xf32, #tpu.memory_space<vmem>>, vector<16xf32>,
              %swap3A_434 = arith.index_cast %while3A_396 : i32 to index
              %swap3A_435 = arith.constant 64 : index
              %swap3A_436 = tpu.vector_load %arg15[%swap3A_434, %swap3A_435] {strides = array<i32>} : memref<144x128xf32, #tpu.memory_space<vmem>>, vector<16xf32>,
              tpu.vector_store %arg15[%swap3A_434, %swap3A_435], %get3A_433 {strides = array<i32>} : memref<144x128xf32, #tpu.memory_space<vmem>>, vector<16xf32>,
              %add3A_437 = arith.constant 128 : i32
              %add3A_438 = arith.addi %add3A_437, %while3A_396 : i32
              %get3A_439 = arith.index_cast %add3A_438 : i32 to index
              %get3A_440 = arith.constant 80 : index
              %get3A_441 = tpu.vector_load %arg15[%get3A_439, %get3A_440] {strides = array<i32>} : memref<144x128xf32, #tpu.memory_space<vmem>>, vector<16xf32>,
              %swap3A_442 = arith.index_cast %while3A_396 : i32 to index
              %swap3A_443 = arith.constant 80 : index
              %swap3A_444 = tpu.vector_load %arg15[%swap3A_442, %swap3A_443] {strides = array<i32>} : memref<144x128xf32, #tpu.memory_space<vmem>>, vector<16xf32>,
              tpu.vector_store %arg15[%swap3A_442, %swap3A_443], %get3A_441 {strides = array<i32>} : memref<144x128xf32, #tpu.memory_space<vmem>>, vector<16xf32>,
              %add3A_445 = arith.constant 128 : i32
              %add3A_446 = arith.addi %add3A_445, %while3A_396 : i32
              %get3A_447 = arith.index_cast %add3A_446 : i32 to index
              %get3A_448 = arith.constant 96 : index
              %get3A_449 = tpu.vector_load %arg15[%get3A_447, %get3A_448] {strides = array<i32>} : memref<144x128xf32, #tpu.memory_space<vmem>>, vector<16xf32>,
              %swap3A_450 = arith.index_cast %while3A_396 : i32 to index
              %swap3A_451 = arith.constant 96 : index
              %swap3A_452 = tpu.vector_load %arg15[%swap3A_450, %swap3A_451] {strides = array<i32>} : memref<144x128xf32, #tpu.memory_space<vmem>>, vector<16xf32>,
              tpu.vector_store %arg15[%swap3A_450, %swap3A_451], %get3A_449 {strides = array<i32>} : memref<144x128xf32, #tpu.memory_space<vmem>>, vector<16xf32>,
              %add3A_453 = arith.constant 128 : i32
              %add3A_454 = arith.addi %add3A_453, %while3A_396 : i32
              %get3A_455 = arith.index_cast %add3A_454 : i32 to index
              %get3A_456 = arith.constant 112 : index
              %get3A_457 = tpu.vector_load %arg15[%get3A_455, %get3A_456] {strides = array<i32>} : memref<144x128xf32, #tpu.memory_space<vmem>>, vector<16xf32>,
              %swap3A_458 = arith.index_cast %while3A_396 : i32 to index
              %swap3A_459 = arith.constant 112 : index
              %swap3A_460 = tpu.vector_load %arg15[%swap3A_458, %swap3A_459] {strides = array<i32>} : memref<144x128xf32, #tpu.memory_space<vmem>>, vector<16xf32>,
              tpu.vector_store %arg15[%swap3A_458, %swap3A_459], %get3A_457 {strides = array<i32>} : memref<144x128xf32, #tpu.memory_space<vmem>>, vector<16xf32>,
            }
            %get3A_392 = arith.constant 128 : index
            %get3A_393 = tpu.vector_load %arg16[%get3A_392] {strides = array<i32>} : memref<144xi32, #tpu.memory_space<vmem>>, vector<16xi32>,
            %swap3A_394 = arith.constant 0 : index
            %swap3A_395 = tpu.vector_load %arg16[%swap3A_394] {strides = array<i32>} : memref<144xi32, #tpu.memory_space<vmem>>, vector<16xi32>,
            tpu.vector_store %arg16[%swap3A_394], %get3A_393 {strides = array<i32>} : memref<144xi32, #tpu.memory_space<vmem>>, vector<16xi32>,
          } else {
          }
          %sub3A_308 = arith.constant 128 : i32
          %sub3A_309 = vector.broadcast %sub3A_308 : i32 to vector<16xi32>
          %sub3A_310 = arith.subi %add3A_301, %sub3A_309 : vector<16xi32>
          %select_n3A_311 = arith.select %ge3A_304, %sub3A_310, %add3A_301 : vector<16xi32>
          scf.yield %select_n3A_311 : vector<16xi32>
        }
        scf.yield %while3A_260 : vector<16xi32>
      }
      %while3A_227 = arith.constant 1 : i32
      %while3A_228 = scf.for %while3A_229 = %while3A_224 to %while3A_220 step %while3A_227 iter_args(%while3A_230 = %while3A_226) -> (vector<16xi32>)  : i32 {
        %gt3A_231 = arith.constant 0 : i32
        %gt3A_232 = arith.cmpi sgt, %while3A_229, %gt3A_231 : i32
        %gt3A_233 = arith.constant 1 : i32
        %gt3A_234 = arith.cmpi sgt, %shift_right_arithmetic3A_38, %gt3A_233 : i32
        %or3A = arith.ori %gt3A_232, %gt3A_234 : i1
        %convert_element_type3A_235 = arith.extui %or3A : i1 to i32
        %cond3A_236 = arith.constant 0 : i32
        %cond3A_237 = arith.cmpi ne, %convert_element_type3A_235, %cond3A_236 : i32
        scf.if %cond3A_237 {
          %mul3A_261 = arith.constant 2048 : i32
          %mul3A_262 = arith.muli %while3A_229, %mul3A_261 : i32
          %multiple_of3A = tpu.assume_multiple %mul3A_262, 2048 : i32
          "tpu.region"() ({
            %run_scoped3A = tpu.sem_alloc : memref<!tpu.dma_semaphore, #tpu.memory_space<semaphore_mem>>
            %dma_start3A = tpu.memref_slice %arg6[%add3A, %multiple_of3A] : memref<32x65536xi32, #tpu.memory_space<hbm>> -> memref<1x2048xi32, #tpu.memory_space<hbm>>
            %dma_start3A_266 = tpu.memref_squeeze %dma_start3A : memref<1x2048xi32, #tpu.memory_space<hbm>> -> memref<2048xi32, #tpu.memory_space<hbm>>
            %dma_start3A_267 = tpu.memref_slice %arg6[%add3A, %multiple_of3A] : memref<32x65536xi32, #tpu.memory_space<hbm>> -> memref<1x2048xi32, #tpu.memory_space<hbm>>
            %dma_start3A_268 = tpu.memref_squeeze %dma_start3A_267 : memref<1x2048xi32, #tpu.memory_space<hbm>> -> memref<2048xi32, #tpu.memory_space<hbm>>
            tpu.enqueue_dma source(%dma_start3A_268 : memref<2048xi32, #tpu.memory_space<hbm>>) target(%arg8 : memref<2048xi32, #tpu.memory_space<vmem>>) target_semaphore(%run_scoped3A : memref<!tpu.dma_semaphore, #tpu.memory_space<semaphore_mem>>)
            %dma_wait3A = tpu.memref_slice %arg6[%add3A, %multiple_of3A] : memref<32x65536xi32, #tpu.memory_space<hbm>> -> memref<1x2048xi32, #tpu.memory_space<hbm>>
            %dma_wait3A_269 = tpu.memref_squeeze %dma_wait3A : memref<1x2048xi32, #tpu.memory_space<hbm>> -> memref<2048xi32, #tpu.memory_space<hbm>>
            %dma_wait3A_270 = tpu.memref_slice %arg6[%add3A, %multiple_of3A] : memref<32x65536xi32, #tpu.memory_space<hbm>> -> memref<1x2048xi32, #tpu.memory_space<hbm>>
            %dma_wait3A_271 = tpu.memref_squeeze %dma_wait3A_270 : memref<1x2048xi32, #tpu.memory_space<hbm>> -> memref<2048xi32, #tpu.memory_space<hbm>>
            tpu.wait_dma2 semaphore(%run_scoped3A : memref<!tpu.dma_semaphore, #tpu.memory_space<semaphore_mem>>) src(%dma_wait3A_271 : memref<2048xi32, #tpu.memory_space<hbm>>) dst(%arg8 : memref<2048xi32, #tpu.memory_space<vmem>>)
            tpu.yield
          }) : () -> ()
          %mul3A_263 = arith.constant 2048 : i32
          %mul3A_264 = arith.muli %while3A_229, %mul3A_263 : i32
          %multiple_of3A_265 = tpu.assume_multiple %mul3A_264, 2048 : i32
          "tpu.region"() ({
            %run_scoped3A = tpu.sem_alloc : memref<!tpu.dma_semaphore, #tpu.memory_space<semaphore_mem>>
            %dma_start3A = tpu.memref_slice %arg7[%add3A, %multiple_of3A_265] : memref<32x65536xi32, #tpu.memory_space<hbm>> -> memref<1x2048xi32, #tpu.memory_space<hbm>>
            %dma_start3A_266 = tpu.memref_squeeze %dma_start3A : memref<1x2048xi32, #tpu.memory_space<hbm>> -> memref<2048xi32, #tpu.memory_space<hbm>>
            %dma_start3A_267 = tpu.memref_slice %arg7[%add3A, %multiple_of3A_265] : memref<32x65536xi32, #tpu.memory_space<hbm>> -> memref<1x2048xi32, #tpu.memory_space<hbm>>
            %dma_start3A_268 = tpu.memref_squeeze %dma_start3A_267 : memref<1x2048xi32, #tpu.memory_space<hbm>> -> memref<2048xi32, #tpu.memory_space<hbm>>
            tpu.enqueue_dma source(%dma_start3A_268 : memref<2048xi32, #tpu.memory_space<hbm>>) target(%arg9 : memref<2048xi32, #tpu.memory_space<vmem>>) target_semaphore(%run_scoped3A : memref<!tpu.dma_semaphore, #tpu.memory_space<semaphore_mem>>)
            %dma_wait3A = tpu.memref_slice %arg7[%add3A, %multiple_of3A_265] : memref<32x65536xi32, #tpu.memory_space<hbm>> -> memref<1x2048xi32, #tpu.memory_space<hbm>>
            %dma_wait3A_269 = tpu.memref_squeeze %dma_wait3A : memref<1x2048xi32, #tpu.memory_space<hbm>> -> memref<2048xi32, #tpu.memory_space<hbm>>
            %dma_wait3A_270 = tpu.memref_slice %arg7[%add3A, %multiple_of3A_265] : memref<32x65536xi32, #tpu.memory_space<hbm>> -> memref<1x2048xi32, #tpu.memory_space<hbm>>
            %dma_wait3A_271 = tpu.memref_squeeze %dma_wait3A_270 : memref<1x2048xi32, #tpu.memory_space<hbm>> -> memref<2048xi32, #tpu.memory_space<hbm>>
            tpu.wait_dma2 semaphore(%run_scoped3A : memref<!tpu.dma_semaphore, #tpu.memory_space<semaphore_mem>>) src(%dma_wait3A_271 : memref<2048xi32, #tpu.memory_space<hbm>>) dst(%arg9 : memref<2048xi32, #tpu.memory_space<vmem>>)
            tpu.yield
          }) : () -> ()
        } else {
        }
        %scan3A_238 = arith.constant 0 : i32
        %scan3A_239 = arith.constant 128 : i32
        %scan3A_240 = arith.addi %scan3A_238, %scan3A_239 : i32
        %scan3A_241 = arith.constant 1 : i32
        %scan3A_242 = scf.for %scan3A_261 = %scan3A_238 to %scan3A_240 step %scan3A_241 iter_args(%scan3A_262 = %broadcast_in_dim3A_17) -> (vector<16xi32>)  : i32 {
          %mul3A_263 = arith.constant 16 : i32
          %mul3A_264 = arith.muli %scan3A_261, %mul3A_263 : i32
          %get3A = arith.index_cast %mul3A_264 : i32 to index
          %get3A_265 = tpu.vector_load %arg8[%get3A] {strides = array<i32>} : memref<2048xi32, #tpu.memory_space<vmem>>, vector<16xi32>,
          %mul3A_266 = arith.constant 16 : i32
          %mul3A_267 = arith.muli %scan3A_261, %mul3A_266 : i32
          %get3A_268 = arith.index_cast %mul3A_267 : i32 to index
          %get3A_269 = tpu.vector_load %arg9[%get3A_268] {strides = array<i32>} : memref<2048xi32, #tpu.memory_space<vmem>>, vector<16xi32>,
          %shift_right_logical3A = arith.constant 7 : i32
          %shift_right_logical3A_270 = vector.broadcast %shift_right_logical3A : i32 to vector<16xi32>
          %shift_right_logical3A_271 = arith.shrui %get3A_269, %shift_right_logical3A_270 : vector<16xi32>
          %mul3A_272 = arith.constant 2048 : i32
          %mul3A_273 = arith.muli %while3A_229, %mul3A_272 : i32
          %mul3A_274 = arith.constant 16 : i32
          %mul3A_275 = arith.muli %scan3A_261, %mul3A_274 : i32
          %add3A_276 = arith.addi %mul3A_273, %mul3A_275 : i32
          %add3A_277 = vector.broadcast %add3A_276 : i32 to vector<16xi32>
          %add3A_278 = arith.addi %add3A_277, %iota3A : vector<16xi32>
          %lt3A_279 = vector.broadcast %squeeze3A_30 : i32 to vector<16xi32>
          %lt3A_280 = arith.cmpi slt, %add3A_278, %lt3A_279 : vector<16xi32>
          %ge3A = vector.broadcast %add3A_60 : i32 to vector<16xi32>
          %ge3A_281 = arith.cmpi sge, %shift_right_logical3A_271, %ge3A : vector<16xi32>
          %add3A_282 = arith.constant 8 : i32
          %add3A_283 = arith.addi %add3A_60, %add3A_282 : i32
          %lt3A_284 = vector.broadcast %add3A_283 : i32 to vector<16xi32>
          %lt3A_285 = arith.cmpi slt, %shift_right_logical3A_271, %lt3A_284 : vector<16xi32>
          %and3A_286 = arith.andi %ge3A_281, %lt3A_285 : vector<16xi1>
          %and3A_287 = arith.andi %and3A_286, %lt3A_280 : vector<16xi1>
          %convert_element_type3A_288 = arith.extui %and3A_287 : vector<16xi1> to vector<16xi32>
          %broadcast_in_dim3A_289 = arith.constant true
          %broadcast_in_dim3A_290 = vector.broadcast %broadcast_in_dim3A_289 : i1 to vector<16xi1>
          %masked_cumsum3A = tpu.scan <sum>, %convert_element_type3A_288 masked %broadcast_in_dim3A_290 : vector<16xi32>, vector<16xi1> -> vector<16xi32>
          %add3A_291 = arith.addi %scan3A_262, %masked_cumsum3A : vector<16xi32>
          %sub3A_292 = arith.constant 1 : i32
          %sub3A_293 = vector.broadcast %sub3A_292 : i32 to vector<16xi32>
          %sub3A_294 = arith.subi %add3A_291, %sub3A_293 : vector<16xi32>
          %add3A_295 = arith.constant 2064 : i32
          %add3A_296 = vector.broadcast %add3A_295 : i32 to vector<16xi32>
          %add3A_297 = arith.addi %add3A_296, %iota3A : vector<16xi32>
          %select_n3A = arith.select %and3A_287, %sub3A_294, %add3A_297 : vector<16xi1>, vector<16xi32>
          tpu.vector_store_idx %arg12[%select_n3A], %get3A_265 : memref<2080xi32, #tpu.memory_space<vmem>>[vector<16xi32>], vector<16xi32>,
          tpu.vector_store_idx %arg13[%select_n3A], %get3A_269 : memref<2080xi32, #tpu.memory_space<vmem>>[vector<16xi32>], vector<16xi32>,
          %all_reduce_population_count3A = tpu.all_reduce %and3A_287 {dim = 0 : i64, kind = #tpu.reduction_kind<sum>} : vector<16xi1> -> vector<16xi32>
          %add3A_298 = arith.addi %scan3A_262, %all_reduce_population_count3A : vector<16xi32>
          scf.yield %add3A_298 : vector<16xi32>
        }
        %scan3A_243 = arith.constant 128 : i32
        %slice3A_244 = vector.extract_strided_slice %scan3A_242 {offsets = [0], sizes = [1], strides = [1]} : vector<16xi32> to vector<1xi32>
        %squeeze3A_245 = vector.extract %slice3A_244[0] : i32 from vector<1xi32>
        %add3A_246 = arith.constant 15 : i32
        %add3A_247 = arith.addi %squeeze3A_245, %add3A_246 : i32
        %shift_right_arithmetic3A_248 = arith.constant 4 : i32
        %shift_right_arithmetic3A_249 = arith.shrsi %add3A_247, %shift_right_arithmetic3A_248 : i32
        %while3A_250 = arith.constant 0 : i32
        %while3A_251 = arith.subi %shift_right_arithmetic3A_249, %while3A_250 : i32
        %while3A_252 = arith.addi %while3A_250, %while3A_251 : i32
        %while3A_253 = arith.constant 1 : i32
        %while3A_254 = arith.divsi %while3A_251, %while3A_253 : i32
        %while3A_255 = arith.muli %while3A_254, %while3A_253 : i32
        %while3A_256 = arith.addi %while3A_250, %while3A_255 : i32
        %while3A_257 = arith.constant 1 : i32
        %while3A_258 = scf.for %while3A_261 = %while3A_250 to %while3A_256 step %while3A_257 iter_args(%while3A_262 = %while3A_230) -> (vector<16xi32>)  : i32 {
          %mul3A_263 = arith.constant 16 : i32
          %mul3A_264 = arith.muli %while3A_261, %mul3A_263 : i32
          %get3A = arith.index_cast %mul3A_264 : i32 to index
          %get3A_265 = tpu.vector_load %arg12[%get3A] {strides = array<i32>} : memref<2080xi32, #tpu.memory_space<vmem>>, vector<16xi32>,
          %mul3A_266 = arith.constant 16 : i32
          %mul3A_267 = arith.muli %while3A_261, %mul3A_266 : i32
          %get3A_268 = arith.index_cast %mul3A_267 : i32 to index
          %get3A_269 = tpu.vector_load %arg13[%get3A_268] {strides = array<i32>} : memref<2080xi32, #tpu.memory_space<vmem>>, vector<16xi32>,
          %mul3A_270 = arith.constant 16 : i32
          %mul3A_271 = arith.muli %while3A_261, %mul3A_270 : i32
          %add3A_272 = vector.broadcast %mul3A_271 : i32 to vector<16xi32>
          %add3A_273 = arith.addi %add3A_272, %iota3A : vector<16xi32>
          %lt3A_274 = vector.broadcast %squeeze3A_245 : i32 to vector<16xi32>
          %lt3A_275 = arith.cmpi slt, %add3A_273, %lt3A_274 : vector<16xi32>
          %shift_right_logical3A = arith.constant 7 : i32
          %shift_right_logical3A_276 = vector.broadcast %shift_right_logical3A : i32 to vector<16xi32>
          %shift_right_logical3A_277 = arith.shrui %get3A_269, %shift_right_logical3A_276 : vector<16xi32>
          %sub3A_278 = vector.broadcast %add3A_60 : i32 to vector<16xi32>
          %sub3A_279 = arith.subi %shift_right_logical3A_277, %sub3A_278 : vector<16xi32>
          %jit3A = arith.constant 0 : i32
          %broadcast_in_dim3A_280 = vector.broadcast %jit3A : i32 to vector<16xi32>
          %select_n3A = arith.select %lt3A_275, %sub3A_279, %broadcast_in_dim3A_280 : vector<16xi1>, vector<16xi32>
          %and3A_281 = arith.constant 127 : i32
          %and3A_282 = vector.broadcast %and3A_281 : i32 to vector<16xi32>
          %and3A_283 = arith.andi %get3A_269, %and3A_282 : vector<16xi32>
          %select_n3A_284 = arith.select %lt3A_275, %get3A_265, %add3A_16 : vector<16xi1>, vector<16xi32>
          %mul3A_285 = arith.constant 64 : i32
          %mul3A_286 = vector.broadcast %mul3A_285 : i32 to vector<16xi32>
          %mul3A_287 = arith.muli %select_n3A, %mul3A_286 : vector<16xi32>
          %slice3A_288 = vector.extract_strided_slice %while3A_262 {offsets = [0], sizes = [1], strides = [1]} : vector<16xi32> to vector<1xi32>
          %squeeze3A_289 = vector.extract %slice3A_288[0] : i32 from vector<1xi32>
          %add3A_290 = vector.broadcast %squeeze3A_289 : i32 to vector<16xi32>
          %add3A_291 = arith.addi %add3A_290, %iota3A : vector<16xi32>
          %scan3A_292 = arith.constant 0 : i32
          %scan3A_293 = arith.constant 0 : i32
          %scan3A_294 = arith.constant 16 : i32
          %scan3A_295 = arith.addi %scan3A_293, %scan3A_294 : i32
          %scan3A_296 = arith.constant 1 : i32
          scf.for %scan3A_312 = %scan3A_293 to %scan3A_295 step %scan3A_296  : i32 {
            %mul3A_313 = arith.constant 4 : i32
            %mul3A_314 = arith.muli %scan3A_312, %mul3A_313 : i32
            %add3A_315 = arith.constant 0 : i32
            %add3A_316 = arith.addi %mul3A_314, %add3A_315 : i32
            %add3A_317 = vector.broadcast %add3A_316 : i32 to vector<16xi32>
            %add3A_318 = arith.addi %mul3A_287, %add3A_317 : vector<16xi32>
            %gather3A = tpu.vector_load_idx %arg14[%add3A_318, %and3A_283] : memref<512x128xf32, #tpu.memory_space<vmem>>[vector<16xi32>, vector<16xi32>], vector<16xf32>,
            %broadcast_in_dim3A_319 = arith.constant 0 : i32
            %broadcast_in_dim3A_320 = vector.broadcast %broadcast_in_dim3A_319 : i32 to vector<16xi32>
            %add3A_321 = vector.broadcast %add3A_316 : i32 to vector<16xi32>
            %add3A_322 = arith.addi %broadcast_in_dim3A_320, %add3A_321 : vector<16xi32>
            tpu.vector_store_idx %arg15[%add3A_291, %add3A_322], %gather3A : memref<144x128xf32, #tpu.memory_space<vmem>>[vector<16xi32>, vector<16xi32>], vector<16xf32>,
            %mul3A_323 = arith.constant 4 : i32
            %mul3A_324 = arith.muli %scan3A_312, %mul3A_323 : i32
            %add3A_325 = arith.constant 1 : i32
            %add3A_326 = arith.addi %mul3A_324, %add3A_325 : i32
            %add3A_327 = vector.broadcast %add3A_326 : i32 to vector<16xi32>
            %add3A_328 = arith.addi %mul3A_287, %add3A_327 : vector<16xi32>
            %gather3A_329 = tpu.vector_load_idx %arg14[%add3A_328, %and3A_283] : memref<512x128xf32, #tpu.memory_space<vmem>>[vector<16xi32>, vector<16xi32>], vector<16xf32>,
            %broadcast_in_dim3A_330 = arith.constant 0 : i32
            %broadcast_in_dim3A_331 = vector.broadcast %broadcast_in_dim3A_330 : i32 to vector<16xi32>
            %add3A_332 = vector.broadcast %add3A_326 : i32 to vector<16xi32>
            %add3A_333 = arith.addi %broadcast_in_dim3A_331, %add3A_332 : vector<16xi32>
            tpu.vector_store_idx %arg15[%add3A_291, %add3A_333], %gather3A_329 : memref<144x128xf32, #tpu.memory_space<vmem>>[vector<16xi32>, vector<16xi32>], vector<16xf32>,
            %mul3A_334 = arith.constant 4 : i32
            %mul3A_335 = arith.muli %scan3A_312, %mul3A_334 : i32
            %add3A_336 = arith.constant 2 : i32
            %add3A_337 = arith.addi %mul3A_335, %add3A_336 : i32
            %add3A_338 = vector.broadcast %add3A_337 : i32 to vector<16xi32>
            %add3A_339 = arith.addi %mul3A_287, %add3A_338 : vector<16xi32>
            %gather3A_340 = tpu.vector_load_idx %arg14[%add3A_339, %and3A_283] : memref<512x128xf32, #tpu.memory_space<vmem>>[vector<16xi32>, vector<16xi32>], vector<16xf32>,
            %broadcast_in_dim3A_341 = arith.constant 0 : i32
            %broadcast_in_dim3A_342 = vector.broadcast %broadcast_in_dim3A_341 : i32 to vector<16xi32>
            %add3A_343 = vector.broadcast %add3A_337 : i32 to vector<16xi32>
            %add3A_344 = arith.addi %broadcast_in_dim3A_342, %add3A_343 : vector<16xi32>
            tpu.vector_store_idx %arg15[%add3A_291, %add3A_344], %gather3A_340 : memref<144x128xf32, #tpu.memory_space<vmem>>[vector<16xi32>, vector<16xi32>], vector<16xf32>,
            %mul3A_345 = arith.constant 4 : i32
            %mul3A_346 = arith.muli %scan3A_312, %mul3A_345 : i32
            %add3A_347 = arith.constant 3 : i32
            %add3A_348 = arith.addi %mul3A_346, %add3A_347 : i32
            %add3A_349 = vector.broadcast %add3A_348 : i32 to vector<16xi32>
            %add3A_350 = arith.addi %mul3A_287, %add3A_349 : vector<16xi32>
            %gather3A_351 = tpu.vector_load_idx %arg14[%add3A_350, %and3A_283] : memref<512x128xf32, #tpu.memory_space<vmem>>[vector<16xi32>, vector<16xi32>], vector<16xf32>,
            %broadcast_in_dim3A_352 = arith.constant 0 : i32
            %broadcast_in_dim3A_353 = vector.broadcast %broadcast_in_dim3A_352 : i32 to vector<16xi32>
            %add3A_354 = vector.broadcast %add3A_348 : i32 to vector<16xi32>
            %add3A_355 = arith.addi %broadcast_in_dim3A_353, %add3A_354 : vector<16xi32>
            tpu.vector_store_idx %arg15[%add3A_291, %add3A_355], %gather3A_351 : memref<144x128xf32, #tpu.memory_space<vmem>>[vector<16xi32>, vector<16xi32>], vector<16xf32>,
          }
          %scan3A_297 = arith.constant 16 : i32
          %swap3A = arith.index_cast %squeeze3A_289 : i32 to index
          %swap3A_298 = tpu.vector_load %arg16[%swap3A] {strides = array<i32>} : memref<144xi32, #tpu.memory_space<vmem>>, vector<16xi32>,
          tpu.vector_store %arg16[%swap3A], %select_n3A_284 {strides = array<i32>} : memref<144xi32, #tpu.memory_space<vmem>>, vector<16xi32>,
          %add3A_299 = arith.constant 16 : i32
          %add3A_300 = vector.broadcast %add3A_299 : i32 to vector<16xi32>
          %add3A_301 = arith.addi %while3A_262, %add3A_300 : vector<16xi32>
          %slice3A_302 = vector.extract_strided_slice %add3A_301 {offsets = [0], sizes = [1], strides = [1]} : vector<16xi32> to vector<1xi32>
          %squeeze3A_303 = vector.extract %slice3A_302[0] : i32 from vector<1xi32>
          %ge3A = arith.constant 128 : i32
          %ge3A_304 = arith.cmpi sge, %squeeze3A_303, %ge3A : i32
          %convert_element_type3A_305 = arith.extui %ge3A_304 : i1 to i32
          %cond3A_306 = arith.constant 0 : i32
          %cond3A_307 = arith.cmpi ne, %convert_element_type3A_305, %cond3A_306 : i32
          scf.if %cond3A_307 {
            %get3A_312 = arith.constant 0 : index
            %get3A_313 = tpu.vector_load %arg16[%get3A_312] {strides = array<i32>} : memref<144xi32, #tpu.memory_space<vmem>>, vector<16xi32>,
            %swap3A_314 = arith.constant 0 : i32
            %swap3A_315 = arith.index_cast %swap3A_314 : i32 to index
            %swap3A_316 = arith.constant 0 : index
            %swap3A_317 = tpu.vector_load %arg17[%swap3A_315, %swap3A_316] {strides = array<i32>} : memref<1x128xi32, #tpu.memory_space<vmem>>, vector<16xi32>,
            tpu.vector_store %arg17[%swap3A_315, %swap3A_316], %get3A_313 {strides = array<i32>} : memref<1x128xi32, #tpu.memory_space<vmem>>, vector<16xi32>,
            %get3A_318 = arith.constant 16 : index
            %get3A_319 = tpu.vector_load %arg16[%get3A_318] {strides = array<i32>} : memref<144xi32, #tpu.memory_space<vmem>>, vector<16xi32>,
            %swap3A_320 = arith.constant 0 : i32
            %swap3A_321 = arith.index_cast %swap3A_320 : i32 to index
            %swap3A_322 = arith.constant 16 : index
            %swap3A_323 = tpu.vector_load %arg17[%swap3A_321, %swap3A_322] {strides = array<i32>} : memref<1x128xi32, #tpu.memory_space<vmem>>, vector<16xi32>,
            tpu.vector_store %arg17[%swap3A_321, %swap3A_322], %get3A_319 {strides = array<i32>} : memref<1x128xi32, #tpu.memory_space<vmem>>, vector<16xi32>,
            %get3A_324 = arith.constant 32 : index
            %get3A_325 = tpu.vector_load %arg16[%get3A_324] {strides = array<i32>} : memref<144xi32, #tpu.memory_space<vmem>>, vector<16xi32>,
            %swap3A_326 = arith.constant 0 : i32
            %swap3A_327 = arith.index_cast %swap3A_326 : i32 to index
            %swap3A_328 = arith.constant 32 : index
            %swap3A_329 = tpu.vector_load %arg17[%swap3A_327, %swap3A_328] {strides = array<i32>} : memref<1x128xi32, #tpu.memory_space<vmem>>, vector<16xi32>,
            tpu.vector_store %arg17[%swap3A_327, %swap3A_328], %get3A_325 {strides = array<i32>} : memref<1x128xi32, #tpu.memory_space<vmem>>, vector<16xi32>,
            %get3A_330 = arith.constant 48 : index
            %get3A_331 = tpu.vector_load %arg16[%get3A_330] {strides = array<i32>} : memref<144xi32, #tpu.memory_space<vmem>>, vector<16xi32>,
            %swap3A_332 = arith.constant 0 : i32
            %swap3A_333 = arith.index_cast %swap3A_332 : i32 to index
            %swap3A_334 = arith.constant 48 : index
            %swap3A_335 = tpu.vector_load %arg17[%swap3A_333, %swap3A_334] {strides = array<i32>} : memref<1x128xi32, #tpu.memory_space<vmem>>, vector<16xi32>,
            tpu.vector_store %arg17[%swap3A_333, %swap3A_334], %get3A_331 {strides = array<i32>} : memref<1x128xi32, #tpu.memory_space<vmem>>, vector<16xi32>,
            %get3A_336 = arith.constant 64 : index
            %get3A_337 = tpu.vector_load %arg16[%get3A_336] {strides = array<i32>} : memref<144xi32, #tpu.memory_space<vmem>>, vector<16xi32>,
            %swap3A_338 = arith.constant 0 : i32
            %swap3A_339 = arith.index_cast %swap3A_338 : i32 to index
            %swap3A_340 = arith.constant 64 : index
            %swap3A_341 = tpu.vector_load %arg17[%swap3A_339, %swap3A_340] {strides = array<i32>} : memref<1x128xi32, #tpu.memory_space<vmem>>, vector<16xi32>,
            tpu.vector_store %arg17[%swap3A_339, %swap3A_340], %get3A_337 {strides = array<i32>} : memref<1x128xi32, #tpu.memory_space<vmem>>, vector<16xi32>,
            %get3A_342 = arith.constant 80 : index
            %get3A_343 = tpu.vector_load %arg16[%get3A_342] {strides = array<i32>} : memref<144xi32, #tpu.memory_space<vmem>>, vector<16xi32>,
            %swap3A_344 = arith.constant 0 : i32
            %swap3A_345 = arith.index_cast %swap3A_344 : i32 to index
            %swap3A_346 = arith.constant 80 : index
            %swap3A_347 = tpu.vector_load %arg17[%swap3A_345, %swap3A_346] {strides = array<i32>} : memref<1x128xi32, #tpu.memory_space<vmem>>, vector<16xi32>,
            tpu.vector_store %arg17[%swap3A_345, %swap3A_346], %get3A_343 {strides = array<i32>} : memref<1x128xi32, #tpu.memory_space<vmem>>, vector<16xi32>,
            %get3A_348 = arith.constant 96 : index
            %get3A_349 = tpu.vector_load %arg16[%get3A_348] {strides = array<i32>} : memref<144xi32, #tpu.memory_space<vmem>>, vector<16xi32>,
            %swap3A_350 = arith.constant 0 : i32
            %swap3A_351 = arith.index_cast %swap3A_350 : i32 to index
            %swap3A_352 = arith.constant 96 : index
            %swap3A_353 = tpu.vector_load %arg17[%swap3A_351, %swap3A_352] {strides = array<i32>} : memref<1x128xi32, #tpu.memory_space<vmem>>, vector<16xi32>,
            tpu.vector_store %arg17[%swap3A_351, %swap3A_352], %get3A_349 {strides = array<i32>} : memref<1x128xi32, #tpu.memory_space<vmem>>, vector<16xi32>,
            %get3A_354 = arith.constant 112 : index
            %get3A_355 = tpu.vector_load %arg16[%get3A_354] {strides = array<i32>} : memref<144xi32, #tpu.memory_space<vmem>>, vector<16xi32>,
            %swap3A_356 = arith.constant 0 : i32
            %swap3A_357 = arith.index_cast %swap3A_356 : i32 to index
            %swap3A_358 = arith.constant 112 : index
            %swap3A_359 = tpu.vector_load %arg17[%swap3A_357, %swap3A_358] {strides = array<i32>} : memref<1x128xi32, #tpu.memory_space<vmem>>, vector<16xi32>,
            tpu.vector_store %arg17[%swap3A_357, %swap3A_358], %get3A_355 {strides = array<i32>} : memref<1x128xi32, #tpu.memory_space<vmem>>, vector<16xi32>,
            %dma_start3A = arith.constant 0 : i32
            %dma_start3A_360 = arith.constant 0 : i32
            %dma_start3A_361 = arith.constant 0 : i32
            %dma_start3A_362 = tpu.memref_slice %arg15[%dma_start3A_360, %dma_start3A_361] : memref<144x128xf32, #tpu.memory_space<vmem>> -> memref<128x128xf32, #tpu.memory_space<vmem>>
            %dma_start3A_363 = arith.constant 0 : i32
            %dma_start3A_364 = tpu.memref_slice %arg17[%dma_start3A, %dma_start3A_363] : memref<1x128xi32, #tpu.memory_space<vmem>> -> memref<1x128xi32, #tpu.memory_space<vmem>>
            %dma_start3A_365 = tpu.memref_squeeze %dma_start3A_364 : memref<1x128xi32, #tpu.memory_space<vmem>> -> memref<128xi32, #tpu.memory_space<vmem>>
            %dma_start3A_366 = arith.constant 0 : i32
            %dma_start3A_367 = arith.constant 0 : i32
            %dma_start3A_368 = tpu.memref_slice %arg5[%dma_start3A_366, %dma_start3A_367] : memref<66048x128xf32, #tpu.memory_space<hbm>> -> memref<66048x128xf32, #tpu.memory_space<hbm>>
            tpu.enqueue_indirect_dma source(%dma_start3A_362 : memref<128x128xf32, #tpu.memory_space<vmem>>) target(%dma_start3A_368 : memref<66048x128xf32, #tpu.memory_space<hbm>>) offsets(%dma_start3A_365 : memref<128xi32, #tpu.memory_space<vmem>>) semaphore(%arg19 : memref<!tpu.dma_semaphore, #tpu.memory_space<semaphore_mem>>)
            %dma_wait3A = arith.constant 0 : i32
            %dma_wait3A_369 = arith.constant 0 : i32
            %dma_wait3A_370 = arith.constant 0 : i32
            %dma_wait3A_371 = tpu.memref_slice %arg15[%dma_wait3A_369, %dma_wait3A_370] : memref<144x128xf32, #tpu.memory_space<vmem>> -> memref<128x128xf32, #tpu.memory_space<vmem>>
            %dma_wait3A_372 = arith.constant 0 : i32
            %dma_wait3A_373 = tpu.memref_slice %arg17[%dma_wait3A, %dma_wait3A_372] : memref<1x128xi32, #tpu.memory_space<vmem>> -> memref<1x128xi32, #tpu.memory_space<vmem>>
            %dma_wait3A_374 = tpu.memref_squeeze %dma_wait3A_373 : memref<1x128xi32, #tpu.memory_space<vmem>> -> memref<128xi32, #tpu.memory_space<vmem>>
            %dma_wait3A_375 = arith.constant 0 : i32
            %dma_wait3A_376 = arith.constant 0 : i32
            %dma_wait3A_377 = tpu.memref_slice %arg5[%dma_wait3A_375, %dma_wait3A_376] : memref<66048x128xf32, #tpu.memory_space<hbm>> -> memref<66048x128xf32, #tpu.memory_space<hbm>>
            tpu.wait_indirect_dma semaphore(%arg19 : memref<!tpu.dma_semaphore, #tpu.memory_space<semaphore_mem>>) src(%dma_wait3A_371 : memref<128x128xf32, #tpu.memory_space<vmem>>) dst(%dma_wait3A_377 : memref<66048x128xf32, #tpu.memory_space<hbm>>)
            %slice3A_378 = vector.extract_strided_slice %add3A_301 {offsets = [0], sizes = [1], strides = [1]} : vector<16xi32> to vector<1xi32>
            %squeeze3A_379 = vector.extract %slice3A_378[0] : i32 from vector<1xi32>
            %sub3A_380 = arith.constant 128 : i32
            %sub3A_381 = arith.subi %squeeze3A_379, %sub3A_380 : i32
            %while3A_382 = arith.constant 0 : i32
            %while3A_383 = arith.constant 0 : i32
            %while3A_384 = arith.subi %sub3A_381, %while3A_383 : i32
            %while3A_385 = arith.addi %while3A_383, %while3A_384 : i32
            %while3A_386 = arith.constant 1 : i32
            %while3A_387 = arith.divsi %while3A_384, %while3A_386 : i32
            %while3A_388 = arith.muli %while3A_387, %while3A_386 : i32
            %while3A_389 = arith.addi %while3A_383, %while3A_388 : i32
            %while3A_390 = arith.constant 1 : i32
            scf.for %while3A_396 = %while3A_383 to %while3A_389 step %while3A_390  : i32 {
              %add3A_397 = arith.constant 128 : i32
              %add3A_398 = arith.addi %add3A_397, %while3A_396 : i32
              %get3A_399 = arith.index_cast %add3A_398 : i32 to index
              %get3A_400 = arith.constant 0 : index
              %get3A_401 = tpu.vector_load %arg15[%get3A_399, %get3A_400] {strides = array<i32>} : memref<144x128xf32, #tpu.memory_space<vmem>>, vector<16xf32>,
              %swap3A_402 = arith.index_cast %while3A_396 : i32 to index
              %swap3A_403 = arith.constant 0 : index
              %swap3A_404 = tpu.vector_load %arg15[%swap3A_402, %swap3A_403] {strides = array<i32>} : memref<144x128xf32, #tpu.memory_space<vmem>>, vector<16xf32>,
              tpu.vector_store %arg15[%swap3A_402, %swap3A_403], %get3A_401 {strides = array<i32>} : memref<144x128xf32, #tpu.memory_space<vmem>>, vector<16xf32>,
              %add3A_405 = arith.constant 128 : i32
              %add3A_406 = arith.addi %add3A_405, %while3A_396 : i32
              %get3A_407 = arith.index_cast %add3A_406 : i32 to index
              %get3A_408 = arith.constant 16 : index
              %get3A_409 = tpu.vector_load %arg15[%get3A_407, %get3A_408] {strides = array<i32>} : memref<144x128xf32, #tpu.memory_space<vmem>>, vector<16xf32>,
              %swap3A_410 = arith.index_cast %while3A_396 : i32 to index
              %swap3A_411 = arith.constant 16 : index
              %swap3A_412 = tpu.vector_load %arg15[%swap3A_410, %swap3A_411] {strides = array<i32>} : memref<144x128xf32, #tpu.memory_space<vmem>>, vector<16xf32>,
              tpu.vector_store %arg15[%swap3A_410, %swap3A_411], %get3A_409 {strides = array<i32>} : memref<144x128xf32, #tpu.memory_space<vmem>>, vector<16xf32>,
              %add3A_413 = arith.constant 128 : i32
              %add3A_414 = arith.addi %add3A_413, %while3A_396 : i32
              %get3A_415 = arith.index_cast %add3A_414 : i32 to index
              %get3A_416 = arith.constant 32 : index
              %get3A_417 = tpu.vector_load %arg15[%get3A_415, %get3A_416] {strides = array<i32>} : memref<144x128xf32, #tpu.memory_space<vmem>>, vector<16xf32>,
              %swap3A_418 = arith.index_cast %while3A_396 : i32 to index
              %swap3A_419 = arith.constant 32 : index
              %swap3A_420 = tpu.vector_load %arg15[%swap3A_418, %swap3A_419] {strides = array<i32>} : memref<144x128xf32, #tpu.memory_space<vmem>>, vector<16xf32>,
              tpu.vector_store %arg15[%swap3A_418, %swap3A_419], %get3A_417 {strides = array<i32>} : memref<144x128xf32, #tpu.memory_space<vmem>>, vector<16xf32>,
              %add3A_421 = arith.constant 128 : i32
              %add3A_422 = arith.addi %add3A_421, %while3A_396 : i32
              %get3A_423 = arith.index_cast %add3A_422 : i32 to index
              %get3A_424 = arith.constant 48 : index
              %get3A_425 = tpu.vector_load %arg15[%get3A_423, %get3A_424] {strides = array<i32>} : memref<144x128xf32, #tpu.memory_space<vmem>>, vector<16xf32>,
              %swap3A_426 = arith.index_cast %while3A_396 : i32 to index
              %swap3A_427 = arith.constant 48 : index
              %swap3A_428 = tpu.vector_load %arg15[%swap3A_426, %swap3A_427] {strides = array<i32>} : memref<144x128xf32, #tpu.memory_space<vmem>>, vector<16xf32>,
              tpu.vector_store %arg15[%swap3A_426, %swap3A_427], %get3A_425 {strides = array<i32>} : memref<144x128xf32, #tpu.memory_space<vmem>>, vector<16xf32>,
              %add3A_429 = arith.constant 128 : i32
              %add3A_430 = arith.addi %add3A_429, %while3A_396 : i32
              %get3A_431 = arith.index_cast %add3A_430 : i32 to index
              %get3A_432 = arith.constant 64 : index
              %get3A_433 = tpu.vector_load %arg15[%get3A_431, %get3A_432] {strides = array<i32>} : memref<144x128xf32, #tpu.memory_space<vmem>>, vector<16xf32>,
              %swap3A_434 = arith.index_cast %while3A_396 : i32 to index
              %swap3A_435 = arith.constant 64 : index
              %swap3A_436 = tpu.vector_load %arg15[%swap3A_434, %swap3A_435] {strides = array<i32>} : memref<144x128xf32, #tpu.memory_space<vmem>>, vector<16xf32>,
              tpu.vector_store %arg15[%swap3A_434, %swap3A_435], %get3A_433 {strides = array<i32>} : memref<144x128xf32, #tpu.memory_space<vmem>>, vector<16xf32>,
              %add3A_437 = arith.constant 128 : i32
              %add3A_438 = arith.addi %add3A_437, %while3A_396 : i32
              %get3A_439 = arith.index_cast %add3A_438 : i32 to index
              %get3A_440 = arith.constant 80 : index
              %get3A_441 = tpu.vector_load %arg15[%get3A_439, %get3A_440] {strides = array<i32>} : memref<144x128xf32, #tpu.memory_space<vmem>>, vector<16xf32>,
              %swap3A_442 = arith.index_cast %while3A_396 : i32 to index
              %swap3A_443 = arith.constant 80 : index
              %swap3A_444 = tpu.vector_load %arg15[%swap3A_442, %swap3A_443] {strides = array<i32>} : memref<144x128xf32, #tpu.memory_space<vmem>>, vector<16xf32>,
              tpu.vector_store %arg15[%swap3A_442, %swap3A_443], %get3A_441 {strides = array<i32>} : memref<144x128xf32, #tpu.memory_space<vmem>>, vector<16xf32>,
              %add3A_445 = arith.constant 128 : i32
              %add3A_446 = arith.addi %add3A_445, %while3A_396 : i32
              %get3A_447 = arith.index_cast %add3A_446 : i32 to index
              %get3A_448 = arith.constant 96 : index
              %get3A_449 = tpu.vector_load %arg15[%get3A_447, %get3A_448] {strides = array<i32>} : memref<144x128xf32, #tpu.memory_space<vmem>>, vector<16xf32>,
              %swap3A_450 = arith.index_cast %while3A_396 : i32 to index
              %swap3A_451 = arith.constant 96 : index
              %swap3A_452 = tpu.vector_load %arg15[%swap3A_450, %swap3A_451] {strides = array<i32>} : memref<144x128xf32, #tpu.memory_space<vmem>>, vector<16xf32>,
              tpu.vector_store %arg15[%swap3A_450, %swap3A_451], %get3A_449 {strides = array<i32>} : memref<144x128xf32, #tpu.memory_space<vmem>>, vector<16xf32>,
              %add3A_453 = arith.constant 128 : i32
              %add3A_454 = arith.addi %add3A_453, %while3A_396 : i32
              %get3A_455 = arith.index_cast %add3A_454 : i32 to index
              %get3A_456 = arith.constant 112 : index
              %get3A_457 = tpu.vector_load %arg15[%get3A_455, %get3A_456] {strides = array<i32>} : memref<144x128xf32, #tpu.memory_space<vmem>>, vector<16xf32>,
              %swap3A_458 = arith.index_cast %while3A_396 : i32 to index
              %swap3A_459 = arith.constant 112 : index
              %swap3A_460 = tpu.vector_load %arg15[%swap3A_458, %swap3A_459] {strides = array<i32>} : memref<144x128xf32, #tpu.memory_space<vmem>>, vector<16xf32>,
              tpu.vector_store %arg15[%swap3A_458, %swap3A_459], %get3A_457 {strides = array<i32>} : memref<144x128xf32, #tpu.memory_space<vmem>>, vector<16xf32>,
            }
            %while3A_391 = arith.constant 1 : i32
            scf.for %while3A_396 = %while3A_389 to %while3A_385 step %while3A_391  : i32 {
              %add3A_397 = arith.constant 128 : i32
              %add3A_398 = arith.addi %add3A_397, %while3A_396 : i32
              %get3A_399 = arith.index_cast %add3A_398 : i32 to index
              %get3A_400 = arith.constant 0 : index
              %get3A_401 = tpu.vector_load %arg15[%get3A_399, %get3A_400] {strides = array<i32>} : memref<144x128xf32, #tpu.memory_space<vmem>>, vector<16xf32>,
              %swap3A_402 = arith.index_cast %while3A_396 : i32 to index
              %swap3A_403 = arith.constant 0 : index
              %swap3A_404 = tpu.vector_load %arg15[%swap3A_402, %swap3A_403] {strides = array<i32>} : memref<144x128xf32, #tpu.memory_space<vmem>>, vector<16xf32>,
              tpu.vector_store %arg15[%swap3A_402, %swap3A_403], %get3A_401 {strides = array<i32>} : memref<144x128xf32, #tpu.memory_space<vmem>>, vector<16xf32>,
              %add3A_405 = arith.constant 128 : i32
              %add3A_406 = arith.addi %add3A_405, %while3A_396 : i32
              %get3A_407 = arith.index_cast %add3A_406 : i32 to index
              %get3A_408 = arith.constant 16 : index
              %get3A_409 = tpu.vector_load %arg15[%get3A_407, %get3A_408] {strides = array<i32>} : memref<144x128xf32, #tpu.memory_space<vmem>>, vector<16xf32>,
              %swap3A_410 = arith.index_cast %while3A_396 : i32 to index
              %swap3A_411 = arith.constant 16 : index
              %swap3A_412 = tpu.vector_load %arg15[%swap3A_410, %swap3A_411] {strides = array<i32>} : memref<144x128xf32, #tpu.memory_space<vmem>>, vector<16xf32>,
              tpu.vector_store %arg15[%swap3A_410, %swap3A_411], %get3A_409 {strides = array<i32>} : memref<144x128xf32, #tpu.memory_space<vmem>>, vector<16xf32>,
              %add3A_413 = arith.constant 128 : i32
              %add3A_414 = arith.addi %add3A_413, %while3A_396 : i32
              %get3A_415 = arith.index_cast %add3A_414 : i32 to index
              %get3A_416 = arith.constant 32 : index
              %get3A_417 = tpu.vector_load %arg15[%get3A_415, %get3A_416] {strides = array<i32>} : memref<144x128xf32, #tpu.memory_space<vmem>>, vector<16xf32>,
              %swap3A_418 = arith.index_cast %while3A_396 : i32 to index
              %swap3A_419 = arith.constant 32 : index
              %swap3A_420 = tpu.vector_load %arg15[%swap3A_418, %swap3A_419] {strides = array<i32>} : memref<144x128xf32, #tpu.memory_space<vmem>>, vector<16xf32>,
              tpu.vector_store %arg15[%swap3A_418, %swap3A_419], %get3A_417 {strides = array<i32>} : memref<144x128xf32, #tpu.memory_space<vmem>>, vector<16xf32>,
              %add3A_421 = arith.constant 128 : i32
              %add3A_422 = arith.addi %add3A_421, %while3A_396 : i32
              %get3A_423 = arith.index_cast %add3A_422 : i32 to index
              %get3A_424 = arith.constant 48 : index
              %get3A_425 = tpu.vector_load %arg15[%get3A_423, %get3A_424] {strides = array<i32>} : memref<144x128xf32, #tpu.memory_space<vmem>>, vector<16xf32>,
              %swap3A_426 = arith.index_cast %while3A_396 : i32 to index
              %swap3A_427 = arith.constant 48 : index
              %swap3A_428 = tpu.vector_load %arg15[%swap3A_426, %swap3A_427] {strides = array<i32>} : memref<144x128xf32, #tpu.memory_space<vmem>>, vector<16xf32>,
              tpu.vector_store %arg15[%swap3A_426, %swap3A_427], %get3A_425 {strides = array<i32>} : memref<144x128xf32, #tpu.memory_space<vmem>>, vector<16xf32>,
              %add3A_429 = arith.constant 128 : i32
              %add3A_430 = arith.addi %add3A_429, %while3A_396 : i32
              %get3A_431 = arith.index_cast %add3A_430 : i32 to index
              %get3A_432 = arith.constant 64 : index
              %get3A_433 = tpu.vector_load %arg15[%get3A_431, %get3A_432] {strides = array<i32>} : memref<144x128xf32, #tpu.memory_space<vmem>>, vector<16xf32>,
              %swap3A_434 = arith.index_cast %while3A_396 : i32 to index
              %swap3A_435 = arith.constant 64 : index
              %swap3A_436 = tpu.vector_load %arg15[%swap3A_434, %swap3A_435] {strides = array<i32>} : memref<144x128xf32, #tpu.memory_space<vmem>>, vector<16xf32>,
              tpu.vector_store %arg15[%swap3A_434, %swap3A_435], %get3A_433 {strides = array<i32>} : memref<144x128xf32, #tpu.memory_space<vmem>>, vector<16xf32>,
              %add3A_437 = arith.constant 128 : i32
              %add3A_438 = arith.addi %add3A_437, %while3A_396 : i32
              %get3A_439 = arith.index_cast %add3A_438 : i32 to index
              %get3A_440 = arith.constant 80 : index
              %get3A_441 = tpu.vector_load %arg15[%get3A_439, %get3A_440] {strides = array<i32>} : memref<144x128xf32, #tpu.memory_space<vmem>>, vector<16xf32>,
              %swap3A_442 = arith.index_cast %while3A_396 : i32 to index
              %swap3A_443 = arith.constant 80 : index
              %swap3A_444 = tpu.vector_load %arg15[%swap3A_442, %swap3A_443] {strides = array<i32>} : memref<144x128xf32, #tpu.memory_space<vmem>>, vector<16xf32>,
              tpu.vector_store %arg15[%swap3A_442, %swap3A_443], %get3A_441 {strides = array<i32>} : memref<144x128xf32, #tpu.memory_space<vmem>>, vector<16xf32>,
              %add3A_445 = arith.constant 128 : i32
              %add3A_446 = arith.addi %add3A_445, %while3A_396 : i32
              %get3A_447 = arith.index_cast %add3A_446 : i32 to index
              %get3A_448 = arith.constant 96 : index
              %get3A_449 = tpu.vector_load %arg15[%get3A_447, %get3A_448] {strides = array<i32>} : memref<144x128xf32, #tpu.memory_space<vmem>>, vector<16xf32>,
              %swap3A_450 = arith.index_cast %while3A_396 : i32 to index
              %swap3A_451 = arith.constant 96 : index
              %swap3A_452 = tpu.vector_load %arg15[%swap3A_450, %swap3A_451] {strides = array<i32>} : memref<144x128xf32, #tpu.memory_space<vmem>>, vector<16xf32>,
              tpu.vector_store %arg15[%swap3A_450, %swap3A_451], %get3A_449 {strides = array<i32>} : memref<144x128xf32, #tpu.memory_space<vmem>>, vector<16xf32>,
              %add3A_453 = arith.constant 128 : i32
              %add3A_454 = arith.addi %add3A_453, %while3A_396 : i32
              %get3A_455 = arith.index_cast %add3A_454 : i32 to index
              %get3A_456 = arith.constant 112 : index
              %get3A_457 = tpu.vector_load %arg15[%get3A_455, %get3A_456] {strides = array<i32>} : memref<144x128xf32, #tpu.memory_space<vmem>>, vector<16xf32>,
              %swap3A_458 = arith.index_cast %while3A_396 : i32 to index
              %swap3A_459 = arith.constant 112 : index
              %swap3A_460 = tpu.vector_load %arg15[%swap3A_458, %swap3A_459] {strides = array<i32>} : memref<144x128xf32, #tpu.memory_space<vmem>>, vector<16xf32>,
              tpu.vector_store %arg15[%swap3A_458, %swap3A_459], %get3A_457 {strides = array<i32>} : memref<144x128xf32, #tpu.memory_space<vmem>>, vector<16xf32>,
            }
            %get3A_392 = arith.constant 128 : index
            %get3A_393 = tpu.vector_load %arg16[%get3A_392] {strides = array<i32>} : memref<144xi32, #tpu.memory_space<vmem>>, vector<16xi32>,
            %swap3A_394 = arith.constant 0 : index
            %swap3A_395 = tpu.vector_load %arg16[%swap3A_394] {strides = array<i32>} : memref<144xi32, #tpu.memory_space<vmem>>, vector<16xi32>,
            tpu.vector_store %arg16[%swap3A_394], %get3A_393 {strides = array<i32>} : memref<144xi32, #tpu.memory_space<vmem>>, vector<16xi32>,
          } else {
          }
          %sub3A_308 = arith.constant 128 : i32
          %sub3A_309 = vector.broadcast %sub3A_308 : i32 to vector<16xi32>
          %sub3A_310 = arith.subi %add3A_301, %sub3A_309 : vector<16xi32>
          %select_n3A_311 = arith.select %ge3A_304, %sub3A_310, %add3A_301 : vector<16xi32>
          scf.yield %select_n3A_311 : vector<16xi32>
        }
        %while3A_259 = arith.constant 1 : i32
        %while3A_260 = scf.for %while3A_261 = %while3A_256 to %while3A_252 step %while3A_259 iter_args(%while3A_262 = %while3A_258) -> (vector<16xi32>)  : i32 {
          %mul3A_263 = arith.constant 16 : i32
          %mul3A_264 = arith.muli %while3A_261, %mul3A_263 : i32
          %get3A = arith.index_cast %mul3A_264 : i32 to index
          %get3A_265 = tpu.vector_load %arg12[%get3A] {strides = array<i32>} : memref<2080xi32, #tpu.memory_space<vmem>>, vector<16xi32>,
          %mul3A_266 = arith.constant 16 : i32
          %mul3A_267 = arith.muli %while3A_261, %mul3A_266 : i32
          %get3A_268 = arith.index_cast %mul3A_267 : i32 to index
          %get3A_269 = tpu.vector_load %arg13[%get3A_268] {strides = array<i32>} : memref<2080xi32, #tpu.memory_space<vmem>>, vector<16xi32>,
          %mul3A_270 = arith.constant 16 : i32
          %mul3A_271 = arith.muli %while3A_261, %mul3A_270 : i32
          %add3A_272 = vector.broadcast %mul3A_271 : i32 to vector<16xi32>
          %add3A_273 = arith.addi %add3A_272, %iota3A : vector<16xi32>
          %lt3A_274 = vector.broadcast %squeeze3A_245 : i32 to vector<16xi32>
          %lt3A_275 = arith.cmpi slt, %add3A_273, %lt3A_274 : vector<16xi32>
          %shift_right_logical3A = arith.constant 7 : i32
          %shift_right_logical3A_276 = vector.broadcast %shift_right_logical3A : i32 to vector<16xi32>
          %shift_right_logical3A_277 = arith.shrui %get3A_269, %shift_right_logical3A_276 : vector<16xi32>
          %sub3A_278 = vector.broadcast %add3A_60 : i32 to vector<16xi32>
          %sub3A_279 = arith.subi %shift_right_logical3A_277, %sub3A_278 : vector<16xi32>
          %jit3A = arith.constant 0 : i32
          %broadcast_in_dim3A_280 = vector.broadcast %jit3A : i32 to vector<16xi32>
          %select_n3A = arith.select %lt3A_275, %sub3A_279, %broadcast_in_dim3A_280 : vector<16xi1>, vector<16xi32>
          %and3A_281 = arith.constant 127 : i32
          %and3A_282 = vector.broadcast %and3A_281 : i32 to vector<16xi32>
          %and3A_283 = arith.andi %get3A_269, %and3A_282 : vector<16xi32>
          %select_n3A_284 = arith.select %lt3A_275, %get3A_265, %add3A_16 : vector<16xi1>, vector<16xi32>
          %mul3A_285 = arith.constant 64 : i32
          %mul3A_286 = vector.broadcast %mul3A_285 : i32 to vector<16xi32>
          %mul3A_287 = arith.muli %select_n3A, %mul3A_286 : vector<16xi32>
          %slice3A_288 = vector.extract_strided_slice %while3A_262 {offsets = [0], sizes = [1], strides = [1]} : vector<16xi32> to vector<1xi32>
          %squeeze3A_289 = vector.extract %slice3A_288[0] : i32 from vector<1xi32>
          %add3A_290 = vector.broadcast %squeeze3A_289 : i32 to vector<16xi32>
          %add3A_291 = arith.addi %add3A_290, %iota3A : vector<16xi32>
          %scan3A_292 = arith.constant 0 : i32
          %scan3A_293 = arith.constant 0 : i32
          %scan3A_294 = arith.constant 16 : i32
          %scan3A_295 = arith.addi %scan3A_293, %scan3A_294 : i32
          %scan3A_296 = arith.constant 1 : i32
          scf.for %scan3A_312 = %scan3A_293 to %scan3A_295 step %scan3A_296  : i32 {
            %mul3A_313 = arith.constant 4 : i32
            %mul3A_314 = arith.muli %scan3A_312, %mul3A_313 : i32
            %add3A_315 = arith.constant 0 : i32
            %add3A_316 = arith.addi %mul3A_314, %add3A_315 : i32
            %add3A_317 = vector.broadcast %add3A_316 : i32 to vector<16xi32>
            %add3A_318 = arith.addi %mul3A_287, %add3A_317 : vector<16xi32>
            %gather3A = tpu.vector_load_idx %arg14[%add3A_318, %and3A_283] : memref<512x128xf32, #tpu.memory_space<vmem>>[vector<16xi32>, vector<16xi32>], vector<16xf32>,
            %broadcast_in_dim3A_319 = arith.constant 0 : i32
            %broadcast_in_dim3A_320 = vector.broadcast %broadcast_in_dim3A_319 : i32 to vector<16xi32>
            %add3A_321 = vector.broadcast %add3A_316 : i32 to vector<16xi32>
            %add3A_322 = arith.addi %broadcast_in_dim3A_320, %add3A_321 : vector<16xi32>
            tpu.vector_store_idx %arg15[%add3A_291, %add3A_322], %gather3A : memref<144x128xf32, #tpu.memory_space<vmem>>[vector<16xi32>, vector<16xi32>], vector<16xf32>,
            %mul3A_323 = arith.constant 4 : i32
            %mul3A_324 = arith.muli %scan3A_312, %mul3A_323 : i32
            %add3A_325 = arith.constant 1 : i32
            %add3A_326 = arith.addi %mul3A_324, %add3A_325 : i32
            %add3A_327 = vector.broadcast %add3A_326 : i32 to vector<16xi32>
            %add3A_328 = arith.addi %mul3A_287, %add3A_327 : vector<16xi32>
            %gather3A_329 = tpu.vector_load_idx %arg14[%add3A_328, %and3A_283] : memref<512x128xf32, #tpu.memory_space<vmem>>[vector<16xi32>, vector<16xi32>], vector<16xf32>,
            %broadcast_in_dim3A_330 = arith.constant 0 : i32
            %broadcast_in_dim3A_331 = vector.broadcast %broadcast_in_dim3A_330 : i32 to vector<16xi32>
            %add3A_332 = vector.broadcast %add3A_326 : i32 to vector<16xi32>
            %add3A_333 = arith.addi %broadcast_in_dim3A_331, %add3A_332 : vector<16xi32>
            tpu.vector_store_idx %arg15[%add3A_291, %add3A_333], %gather3A_329 : memref<144x128xf32, #tpu.memory_space<vmem>>[vector<16xi32>, vector<16xi32>], vector<16xf32>,
            %mul3A_334 = arith.constant 4 : i32
            %mul3A_335 = arith.muli %scan3A_312, %mul3A_334 : i32
            %add3A_336 = arith.constant 2 : i32
            %add3A_337 = arith.addi %mul3A_335, %add3A_336 : i32
            %add3A_338 = vector.broadcast %add3A_337 : i32 to vector<16xi32>
            %add3A_339 = arith.addi %mul3A_287, %add3A_338 : vector<16xi32>
            %gather3A_340 = tpu.vector_load_idx %arg14[%add3A_339, %and3A_283] : memref<512x128xf32, #tpu.memory_space<vmem>>[vector<16xi32>, vector<16xi32>], vector<16xf32>,
            %broadcast_in_dim3A_341 = arith.constant 0 : i32
            %broadcast_in_dim3A_342 = vector.broadcast %broadcast_in_dim3A_341 : i32 to vector<16xi32>
            %add3A_343 = vector.broadcast %add3A_337 : i32 to vector<16xi32>
            %add3A_344 = arith.addi %broadcast_in_dim3A_342, %add3A_343 : vector<16xi32>
            tpu.vector_store_idx %arg15[%add3A_291, %add3A_344], %gather3A_340 : memref<144x128xf32, #tpu.memory_space<vmem>>[vector<16xi32>, vector<16xi32>], vector<16xf32>,
            %mul3A_345 = arith.constant 4 : i32
            %mul3A_346 = arith.muli %scan3A_312, %mul3A_345 : i32
            %add3A_347 = arith.constant 3 : i32
            %add3A_348 = arith.addi %mul3A_346, %add3A_347 : i32
            %add3A_349 = vector.broadcast %add3A_348 : i32 to vector<16xi32>
            %add3A_350 = arith.addi %mul3A_287, %add3A_349 : vector<16xi32>
            %gather3A_351 = tpu.vector_load_idx %arg14[%add3A_350, %and3A_283] : memref<512x128xf32, #tpu.memory_space<vmem>>[vector<16xi32>, vector<16xi32>], vector<16xf32>,
            %broadcast_in_dim3A_352 = arith.constant 0 : i32
            %broadcast_in_dim3A_353 = vector.broadcast %broadcast_in_dim3A_352 : i32 to vector<16xi32>
            %add3A_354 = vector.broadcast %add3A_348 : i32 to vector<16xi32>
            %add3A_355 = arith.addi %broadcast_in_dim3A_353, %add3A_354 : vector<16xi32>
            tpu.vector_store_idx %arg15[%add3A_291, %add3A_355], %gather3A_351 : memref<144x128xf32, #tpu.memory_space<vmem>>[vector<16xi32>, vector<16xi32>], vector<16xf32>,
          }
          %scan3A_297 = arith.constant 16 : i32
          %swap3A = arith.index_cast %squeeze3A_289 : i32 to index
          %swap3A_298 = tpu.vector_load %arg16[%swap3A] {strides = array<i32>} : memref<144xi32, #tpu.memory_space<vmem>>, vector<16xi32>,
          tpu.vector_store %arg16[%swap3A], %select_n3A_284 {strides = array<i32>} : memref<144xi32, #tpu.memory_space<vmem>>, vector<16xi32>,
          %add3A_299 = arith.constant 16 : i32
          %add3A_300 = vector.broadcast %add3A_299 : i32 to vector<16xi32>
          %add3A_301 = arith.addi %while3A_262, %add3A_300 : vector<16xi32>
          %slice3A_302 = vector.extract_strided_slice %add3A_301 {offsets = [0], sizes = [1], strides = [1]} : vector<16xi32> to vector<1xi32>
          %squeeze3A_303 = vector.extract %slice3A_302[0] : i32 from vector<1xi32>
          %ge3A = arith.constant 128 : i32
          %ge3A_304 = arith.cmpi sge, %squeeze3A_303, %ge3A : i32
          %convert_element_type3A_305 = arith.extui %ge3A_304 : i1 to i32
          %cond3A_306 = arith.constant 0 : i32
          %cond3A_307 = arith.cmpi ne, %convert_element_type3A_305, %cond3A_306 : i32
          scf.if %cond3A_307 {
            %get3A_312 = arith.constant 0 : index
            %get3A_313 = tpu.vector_load %arg16[%get3A_312] {strides = array<i32>} : memref<144xi32, #tpu.memory_space<vmem>>, vector<16xi32>,
            %swap3A_314 = arith.constant 0 : i32
            %swap3A_315 = arith.index_cast %swap3A_314 : i32 to index
            %swap3A_316 = arith.constant 0 : index
            %swap3A_317 = tpu.vector_load %arg17[%swap3A_315, %swap3A_316] {strides = array<i32>} : memref<1x128xi32, #tpu.memory_space<vmem>>, vector<16xi32>,
            tpu.vector_store %arg17[%swap3A_315, %swap3A_316], %get3A_313 {strides = array<i32>} : memref<1x128xi32, #tpu.memory_space<vmem>>, vector<16xi32>,
            %get3A_318 = arith.constant 16 : index
            %get3A_319 = tpu.vector_load %arg16[%get3A_318] {strides = array<i32>} : memref<144xi32, #tpu.memory_space<vmem>>, vector<16xi32>,
            %swap3A_320 = arith.constant 0 : i32
            %swap3A_321 = arith.index_cast %swap3A_320 : i32 to index
            %swap3A_322 = arith.constant 16 : index
            %swap3A_323 = tpu.vector_load %arg17[%swap3A_321, %swap3A_322] {strides = array<i32>} : memref<1x128xi32, #tpu.memory_space<vmem>>, vector<16xi32>,
            tpu.vector_store %arg17[%swap3A_321, %swap3A_322], %get3A_319 {strides = array<i32>} : memref<1x128xi32, #tpu.memory_space<vmem>>, vector<16xi32>,
            %get3A_324 = arith.constant 32 : index
            %get3A_325 = tpu.vector_load %arg16[%get3A_324] {strides = array<i32>} : memref<144xi32, #tpu.memory_space<vmem>>, vector<16xi32>,
            %swap3A_326 = arith.constant 0 : i32
            %swap3A_327 = arith.index_cast %swap3A_326 : i32 to index
            %swap3A_328 = arith.constant 32 : index
            %swap3A_329 = tpu.vector_load %arg17[%swap3A_327, %swap3A_328] {strides = array<i32>} : memref<1x128xi32, #tpu.memory_space<vmem>>, vector<16xi32>,
            tpu.vector_store %arg17[%swap3A_327, %swap3A_328], %get3A_325 {strides = array<i32>} : memref<1x128xi32, #tpu.memory_space<vmem>>, vector<16xi32>,
            %get3A_330 = arith.constant 48 : index
            %get3A_331 = tpu.vector_load %arg16[%get3A_330] {strides = array<i32>} : memref<144xi32, #tpu.memory_space<vmem>>, vector<16xi32>,
            %swap3A_332 = arith.constant 0 : i32
            %swap3A_333 = arith.index_cast %swap3A_332 : i32 to index
            %swap3A_334 = arith.constant 48 : index
            %swap3A_335 = tpu.vector_load %arg17[%swap3A_333, %swap3A_334] {strides = array<i32>} : memref<1x128xi32, #tpu.memory_space<vmem>>, vector<16xi32>,
            tpu.vector_store %arg17[%swap3A_333, %swap3A_334], %get3A_331 {strides = array<i32>} : memref<1x128xi32, #tpu.memory_space<vmem>>, vector<16xi32>,
            %get3A_336 = arith.constant 64 : index
            %get3A_337 = tpu.vector_load %arg16[%get3A_336] {strides = array<i32>} : memref<144xi32, #tpu.memory_space<vmem>>, vector<16xi32>,
            %swap3A_338 = arith.constant 0 : i32
            %swap3A_339 = arith.index_cast %swap3A_338 : i32 to index
            %swap3A_340 = arith.constant 64 : index
            %swap3A_341 = tpu.vector_load %arg17[%swap3A_339, %swap3A_340] {strides = array<i32>} : memref<1x128xi32, #tpu.memory_space<vmem>>, vector<16xi32>,
            tpu.vector_store %arg17[%swap3A_339, %swap3A_340], %get3A_337 {strides = array<i32>} : memref<1x128xi32, #tpu.memory_space<vmem>>, vector<16xi32>,
            %get3A_342 = arith.constant 80 : index
            %get3A_343 = tpu.vector_load %arg16[%get3A_342] {strides = array<i32>} : memref<144xi32, #tpu.memory_space<vmem>>, vector<16xi32>,
            %swap3A_344 = arith.constant 0 : i32
            %swap3A_345 = arith.index_cast %swap3A_344 : i32 to index
            %swap3A_346 = arith.constant 80 : index
            %swap3A_347 = tpu.vector_load %arg17[%swap3A_345, %swap3A_346] {strides = array<i32>} : memref<1x128xi32, #tpu.memory_space<vmem>>, vector<16xi32>,
            tpu.vector_store %arg17[%swap3A_345, %swap3A_346], %get3A_343 {strides = array<i32>} : memref<1x128xi32, #tpu.memory_space<vmem>>, vector<16xi32>,
            %get3A_348 = arith.constant 96 : index
            %get3A_349 = tpu.vector_load %arg16[%get3A_348] {strides = array<i32>} : memref<144xi32, #tpu.memory_space<vmem>>, vector<16xi32>,
            %swap3A_350 = arith.constant 0 : i32
            %swap3A_351 = arith.index_cast %swap3A_350 : i32 to index
            %swap3A_352 = arith.constant 96 : index
            %swap3A_353 = tpu.vector_load %arg17[%swap3A_351, %swap3A_352] {strides = array<i32>} : memref<1x128xi32, #tpu.memory_space<vmem>>, vector<16xi32>,
            tpu.vector_store %arg17[%swap3A_351, %swap3A_352], %get3A_349 {strides = array<i32>} : memref<1x128xi32, #tpu.memory_space<vmem>>, vector<16xi32>,
            %get3A_354 = arith.constant 112 : index
            %get3A_355 = tpu.vector_load %arg16[%get3A_354] {strides = array<i32>} : memref<144xi32, #tpu.memory_space<vmem>>, vector<16xi32>,
            %swap3A_356 = arith.constant 0 : i32
            %swap3A_357 = arith.index_cast %swap3A_356 : i32 to index
            %swap3A_358 = arith.constant 112 : index
            %swap3A_359 = tpu.vector_load %arg17[%swap3A_357, %swap3A_358] {strides = array<i32>} : memref<1x128xi32, #tpu.memory_space<vmem>>, vector<16xi32>,
            tpu.vector_store %arg17[%swap3A_357, %swap3A_358], %get3A_355 {strides = array<i32>} : memref<1x128xi32, #tpu.memory_space<vmem>>, vector<16xi32>,
            %dma_start3A = arith.constant 0 : i32
            %dma_start3A_360 = arith.constant 0 : i32
            %dma_start3A_361 = arith.constant 0 : i32
            %dma_start3A_362 = tpu.memref_slice %arg15[%dma_start3A_360, %dma_start3A_361] : memref<144x128xf32, #tpu.memory_space<vmem>> -> memref<128x128xf32, #tpu.memory_space<vmem>>
            %dma_start3A_363 = arith.constant 0 : i32
            %dma_start3A_364 = tpu.memref_slice %arg17[%dma_start3A, %dma_start3A_363] : memref<1x128xi32, #tpu.memory_space<vmem>> -> memref<1x128xi32, #tpu.memory_space<vmem>>
            %dma_start3A_365 = tpu.memref_squeeze %dma_start3A_364 : memref<1x128xi32, #tpu.memory_space<vmem>> -> memref<128xi32, #tpu.memory_space<vmem>>
            %dma_start3A_366 = arith.constant 0 : i32
            %dma_start3A_367 = arith.constant 0 : i32
            %dma_start3A_368 = tpu.memref_slice %arg5[%dma_start3A_366, %dma_start3A_367] : memref<66048x128xf32, #tpu.memory_space<hbm>> -> memref<66048x128xf32, #tpu.memory_space<hbm>>
            tpu.enqueue_indirect_dma source(%dma_start3A_362 : memref<128x128xf32, #tpu.memory_space<vmem>>) target(%dma_start3A_368 : memref<66048x128xf32, #tpu.memory_space<hbm>>) offsets(%dma_start3A_365 : memref<128xi32, #tpu.memory_space<vmem>>) semaphore(%arg19 : memref<!tpu.dma_semaphore, #tpu.memory_space<semaphore_mem>>)
            %dma_wait3A = arith.constant 0 : i32
            %dma_wait3A_369 = arith.constant 0 : i32
            %dma_wait3A_370 = arith.constant 0 : i32
            %dma_wait3A_371 = tpu.memref_slice %arg15[%dma_wait3A_369, %dma_wait3A_370] : memref<144x128xf32, #tpu.memory_space<vmem>> -> memref<128x128xf32, #tpu.memory_space<vmem>>
            %dma_wait3A_372 = arith.constant 0 : i32
            %dma_wait3A_373 = tpu.memref_slice %arg17[%dma_wait3A, %dma_wait3A_372] : memref<1x128xi32, #tpu.memory_space<vmem>> -> memref<1x128xi32, #tpu.memory_space<vmem>>
            %dma_wait3A_374 = tpu.memref_squeeze %dma_wait3A_373 : memref<1x128xi32, #tpu.memory_space<vmem>> -> memref<128xi32, #tpu.memory_space<vmem>>
            %dma_wait3A_375 = arith.constant 0 : i32
            %dma_wait3A_376 = arith.constant 0 : i32
            %dma_wait3A_377 = tpu.memref_slice %arg5[%dma_wait3A_375, %dma_wait3A_376] : memref<66048x128xf32, #tpu.memory_space<hbm>> -> memref<66048x128xf32, #tpu.memory_space<hbm>>
            tpu.wait_indirect_dma semaphore(%arg19 : memref<!tpu.dma_semaphore, #tpu.memory_space<semaphore_mem>>) src(%dma_wait3A_371 : memref<128x128xf32, #tpu.memory_space<vmem>>) dst(%dma_wait3A_377 : memref<66048x128xf32, #tpu.memory_space<hbm>>)
            %slice3A_378 = vector.extract_strided_slice %add3A_301 {offsets = [0], sizes = [1], strides = [1]} : vector<16xi32> to vector<1xi32>
            %squeeze3A_379 = vector.extract %slice3A_378[0] : i32 from vector<1xi32>
            %sub3A_380 = arith.constant 128 : i32
            %sub3A_381 = arith.subi %squeeze3A_379, %sub3A_380 : i32
            %while3A_382 = arith.constant 0 : i32
            %while3A_383 = arith.constant 0 : i32
            %while3A_384 = arith.subi %sub3A_381, %while3A_383 : i32
            %while3A_385 = arith.addi %while3A_383, %while3A_384 : i32
            %while3A_386 = arith.constant 1 : i32
            %while3A_387 = arith.divsi %while3A_384, %while3A_386 : i32
            %while3A_388 = arith.muli %while3A_387, %while3A_386 : i32
            %while3A_389 = arith.addi %while3A_383, %while3A_388 : i32
            %while3A_390 = arith.constant 1 : i32
            scf.for %while3A_396 = %while3A_383 to %while3A_389 step %while3A_390  : i32 {
              %add3A_397 = arith.constant 128 : i32
              %add3A_398 = arith.addi %add3A_397, %while3A_396 : i32
              %get3A_399 = arith.index_cast %add3A_398 : i32 to index
              %get3A_400 = arith.constant 0 : index
              %get3A_401 = tpu.vector_load %arg15[%get3A_399, %get3A_400] {strides = array<i32>} : memref<144x128xf32, #tpu.memory_space<vmem>>, vector<16xf32>,
              %swap3A_402 = arith.index_cast %while3A_396 : i32 to index
              %swap3A_403 = arith.constant 0 : index
              %swap3A_404 = tpu.vector_load %arg15[%swap3A_402, %swap3A_403] {strides = array<i32>} : memref<144x128xf32, #tpu.memory_space<vmem>>, vector<16xf32>,
              tpu.vector_store %arg15[%swap3A_402, %swap3A_403], %get3A_401 {strides = array<i32>} : memref<144x128xf32, #tpu.memory_space<vmem>>, vector<16xf32>,
              %add3A_405 = arith.constant 128 : i32
              %add3A_406 = arith.addi %add3A_405, %while3A_396 : i32
              %get3A_407 = arith.index_cast %add3A_406 : i32 to index
              %get3A_408 = arith.constant 16 : index
              %get3A_409 = tpu.vector_load %arg15[%get3A_407, %get3A_408] {strides = array<i32>} : memref<144x128xf32, #tpu.memory_space<vmem>>, vector<16xf32>,
              %swap3A_410 = arith.index_cast %while3A_396 : i32 to index
              %swap3A_411 = arith.constant 16 : index
              %swap3A_412 = tpu.vector_load %arg15[%swap3A_410, %swap3A_411] {strides = array<i32>} : memref<144x128xf32, #tpu.memory_space<vmem>>, vector<16xf32>,
              tpu.vector_store %arg15[%swap3A_410, %swap3A_411], %get3A_409 {strides = array<i32>} : memref<144x128xf32, #tpu.memory_space<vmem>>, vector<16xf32>,
              %add3A_413 = arith.constant 128 : i32
              %add3A_414 = arith.addi %add3A_413, %while3A_396 : i32
              %get3A_415 = arith.index_cast %add3A_414 : i32 to index
              %get3A_416 = arith.constant 32 : index
              %get3A_417 = tpu.vector_load %arg15[%get3A_415, %get3A_416] {strides = array<i32>} : memref<144x128xf32, #tpu.memory_space<vmem>>, vector<16xf32>,
              %swap3A_418 = arith.index_cast %while3A_396 : i32 to index
              %swap3A_419 = arith.constant 32 : index
              %swap3A_420 = tpu.vector_load %arg15[%swap3A_418, %swap3A_419] {strides = array<i32>} : memref<144x128xf32, #tpu.memory_space<vmem>>, vector<16xf32>,
              tpu.vector_store %arg15[%swap3A_418, %swap3A_419], %get3A_417 {strides = array<i32>} : memref<144x128xf32, #tpu.memory_space<vmem>>, vector<16xf32>,
              %add3A_421 = arith.constant 128 : i32
              %add3A_422 = arith.addi %add3A_421, %while3A_396 : i32
              %get3A_423 = arith.index_cast %add3A_422 : i32 to index
              %get3A_424 = arith.constant 48 : index
              %get3A_425 = tpu.vector_load %arg15[%get3A_423, %get3A_424] {strides = array<i32>} : memref<144x128xf32, #tpu.memory_space<vmem>>, vector<16xf32>,
              %swap3A_426 = arith.index_cast %while3A_396 : i32 to index
              %swap3A_427 = arith.constant 48 : index
              %swap3A_428 = tpu.vector_load %arg15[%swap3A_426, %swap3A_427] {strides = array<i32>} : memref<144x128xf32, #tpu.memory_space<vmem>>, vector<16xf32>,
              tpu.vector_store %arg15[%swap3A_426, %swap3A_427], %get3A_425 {strides = array<i32>} : memref<144x128xf32, #tpu.memory_space<vmem>>, vector<16xf32>,
              %add3A_429 = arith.constant 128 : i32
              %add3A_430 = arith.addi %add3A_429, %while3A_396 : i32
              %get3A_431 = arith.index_cast %add3A_430 : i32 to index
              %get3A_432 = arith.constant 64 : index
              %get3A_433 = tpu.vector_load %arg15[%get3A_431, %get3A_432] {strides = array<i32>} : memref<144x128xf32, #tpu.memory_space<vmem>>, vector<16xf32>,
              %swap3A_434 = arith.index_cast %while3A_396 : i32 to index
              %swap3A_435 = arith.constant 64 : index
              %swap3A_436 = tpu.vector_load %arg15[%swap3A_434, %swap3A_435] {strides = array<i32>} : memref<144x128xf32, #tpu.memory_space<vmem>>, vector<16xf32>,
              tpu.vector_store %arg15[%swap3A_434, %swap3A_435], %get3A_433 {strides = array<i32>} : memref<144x128xf32, #tpu.memory_space<vmem>>, vector<16xf32>,
              %add3A_437 = arith.constant 128 : i32
              %add3A_438 = arith.addi %add3A_437, %while3A_396 : i32
              %get3A_439 = arith.index_cast %add3A_438 : i32 to index
              %get3A_440 = arith.constant 80 : index
              %get3A_441 = tpu.vector_load %arg15[%get3A_439, %get3A_440] {strides = array<i32>} : memref<144x128xf32, #tpu.memory_space<vmem>>, vector<16xf32>,
              %swap3A_442 = arith.index_cast %while3A_396 : i32 to index
              %swap3A_443 = arith.constant 80 : index
              %swap3A_444 = tpu.vector_load %arg15[%swap3A_442, %swap3A_443] {strides = array<i32>} : memref<144x128xf32, #tpu.memory_space<vmem>>, vector<16xf32>,
              tpu.vector_store %arg15[%swap3A_442, %swap3A_443], %get3A_441 {strides = array<i32>} : memref<144x128xf32, #tpu.memory_space<vmem>>, vector<16xf32>,
              %add3A_445 = arith.constant 128 : i32
              %add3A_446 = arith.addi %add3A_445, %while3A_396 : i32
              %get3A_447 = arith.index_cast %add3A_446 : i32 to index
              %get3A_448 = arith.constant 96 : index
              %get3A_449 = tpu.vector_load %arg15[%get3A_447, %get3A_448] {strides = array<i32>} : memref<144x128xf32, #tpu.memory_space<vmem>>, vector<16xf32>,
              %swap3A_450 = arith.index_cast %while3A_396 : i32 to index
              %swap3A_451 = arith.constant 96 : index
              %swap3A_452 = tpu.vector_load %arg15[%swap3A_450, %swap3A_451] {strides = array<i32>} : memref<144x128xf32, #tpu.memory_space<vmem>>, vector<16xf32>,
              tpu.vector_store %arg15[%swap3A_450, %swap3A_451], %get3A_449 {strides = array<i32>} : memref<144x128xf32, #tpu.memory_space<vmem>>, vector<16xf32>,
              %add3A_453 = arith.constant 128 : i32
              %add3A_454 = arith.addi %add3A_453, %while3A_396 : i32
              %get3A_455 = arith.index_cast %add3A_454 : i32 to index
              %get3A_456 = arith.constant 112 : index
              %get3A_457 = tpu.vector_load %arg15[%get3A_455, %get3A_456] {strides = array<i32>} : memref<144x128xf32, #tpu.memory_space<vmem>>, vector<16xf32>,
              %swap3A_458 = arith.index_cast %while3A_396 : i32 to index
              %swap3A_459 = arith.constant 112 : index
              %swap3A_460 = tpu.vector_load %arg15[%swap3A_458, %swap3A_459] {strides = array<i32>} : memref<144x128xf32, #tpu.memory_space<vmem>>, vector<16xf32>,
              tpu.vector_store %arg15[%swap3A_458, %swap3A_459], %get3A_457 {strides = array<i32>} : memref<144x128xf32, #tpu.memory_space<vmem>>, vector<16xf32>,
            }
            %while3A_391 = arith.constant 1 : i32
            scf.for %while3A_396 = %while3A_389 to %while3A_385 step %while3A_391  : i32 {
              %add3A_397 = arith.constant 128 : i32
              %add3A_398 = arith.addi %add3A_397, %while3A_396 : i32
              %get3A_399 = arith.index_cast %add3A_398 : i32 to index
              %get3A_400 = arith.constant 0 : index
              %get3A_401 = tpu.vector_load %arg15[%get3A_399, %get3A_400] {strides = array<i32>} : memref<144x128xf32, #tpu.memory_space<vmem>>, vector<16xf32>,
              %swap3A_402 = arith.index_cast %while3A_396 : i32 to index
              %swap3A_403 = arith.constant 0 : index
              %swap3A_404 = tpu.vector_load %arg15[%swap3A_402, %swap3A_403] {strides = array<i32>} : memref<144x128xf32, #tpu.memory_space<vmem>>, vector<16xf32>,
              tpu.vector_store %arg15[%swap3A_402, %swap3A_403], %get3A_401 {strides = array<i32>} : memref<144x128xf32, #tpu.memory_space<vmem>>, vector<16xf32>,
              %add3A_405 = arith.constant 128 : i32
              %add3A_406 = arith.addi %add3A_405, %while3A_396 : i32
              %get3A_407 = arith.index_cast %add3A_406 : i32 to index
              %get3A_408 = arith.constant 16 : index
              %get3A_409 = tpu.vector_load %arg15[%get3A_407, %get3A_408] {strides = array<i32>} : memref<144x128xf32, #tpu.memory_space<vmem>>, vector<16xf32>,
              %swap3A_410 = arith.index_cast %while3A_396 : i32 to index
              %swap3A_411 = arith.constant 16 : index
              %swap3A_412 = tpu.vector_load %arg15[%swap3A_410, %swap3A_411] {strides = array<i32>} : memref<144x128xf32, #tpu.memory_space<vmem>>, vector<16xf32>,
              tpu.vector_store %arg15[%swap3A_410, %swap3A_411], %get3A_409 {strides = array<i32>} : memref<144x128xf32, #tpu.memory_space<vmem>>, vector<16xf32>,
              %add3A_413 = arith.constant 128 : i32
              %add3A_414 = arith.addi %add3A_413, %while3A_396 : i32
              %get3A_415 = arith.index_cast %add3A_414 : i32 to index
              %get3A_416 = arith.constant 32 : index
              %get3A_417 = tpu.vector_load %arg15[%get3A_415, %get3A_416] {strides = array<i32>} : memref<144x128xf32, #tpu.memory_space<vmem>>, vector<16xf32>,
              %swap3A_418 = arith.index_cast %while3A_396 : i32 to index
              %swap3A_419 = arith.constant 32 : index
              %swap3A_420 = tpu.vector_load %arg15[%swap3A_418, %swap3A_419] {strides = array<i32>} : memref<144x128xf32, #tpu.memory_space<vmem>>, vector<16xf32>,
              tpu.vector_store %arg15[%swap3A_418, %swap3A_419], %get3A_417 {strides = array<i32>} : memref<144x128xf32, #tpu.memory_space<vmem>>, vector<16xf32>,
              %add3A_421 = arith.constant 128 : i32
              %add3A_422 = arith.addi %add3A_421, %while3A_396 : i32
              %get3A_423 = arith.index_cast %add3A_422 : i32 to index
              %get3A_424 = arith.constant 48 : index
              %get3A_425 = tpu.vector_load %arg15[%get3A_423, %get3A_424] {strides = array<i32>} : memref<144x128xf32, #tpu.memory_space<vmem>>, vector<16xf32>,
              %swap3A_426 = arith.index_cast %while3A_396 : i32 to index
              %swap3A_427 = arith.constant 48 : index
              %swap3A_428 = tpu.vector_load %arg15[%swap3A_426, %swap3A_427] {strides = array<i32>} : memref<144x128xf32, #tpu.memory_space<vmem>>, vector<16xf32>,
              tpu.vector_store %arg15[%swap3A_426, %swap3A_427], %get3A_425 {strides = array<i32>} : memref<144x128xf32, #tpu.memory_space<vmem>>, vector<16xf32>,
              %add3A_429 = arith.constant 128 : i32
              %add3A_430 = arith.addi %add3A_429, %while3A_396 : i32
              %get3A_431 = arith.index_cast %add3A_430 : i32 to index
              %get3A_432 = arith.constant 64 : index
              %get3A_433 = tpu.vector_load %arg15[%get3A_431, %get3A_432] {strides = array<i32>} : memref<144x128xf32, #tpu.memory_space<vmem>>, vector<16xf32>,
              %swap3A_434 = arith.index_cast %while3A_396 : i32 to index
              %swap3A_435 = arith.constant 64 : index
              %swap3A_436 = tpu.vector_load %arg15[%swap3A_434, %swap3A_435] {strides = array<i32>} : memref<144x128xf32, #tpu.memory_space<vmem>>, vector<16xf32>,
              tpu.vector_store %arg15[%swap3A_434, %swap3A_435], %get3A_433 {strides = array<i32>} : memref<144x128xf32, #tpu.memory_space<vmem>>, vector<16xf32>,
              %add3A_437 = arith.constant 128 : i32
              %add3A_438 = arith.addi %add3A_437, %while3A_396 : i32
              %get3A_439 = arith.index_cast %add3A_438 : i32 to index
              %get3A_440 = arith.constant 80 : index
              %get3A_441 = tpu.vector_load %arg15[%get3A_439, %get3A_440] {strides = array<i32>} : memref<144x128xf32, #tpu.memory_space<vmem>>, vector<16xf32>,
              %swap3A_442 = arith.index_cast %while3A_396 : i32 to index
              %swap3A_443 = arith.constant 80 : index
              %swap3A_444 = tpu.vector_load %arg15[%swap3A_442, %swap3A_443] {strides = array<i32>} : memref<144x128xf32, #tpu.memory_space<vmem>>, vector<16xf32>,
              tpu.vector_store %arg15[%swap3A_442, %swap3A_443], %get3A_441 {strides = array<i32>} : memref<144x128xf32, #tpu.memory_space<vmem>>, vector<16xf32>,
              %add3A_445 = arith.constant 128 : i32
              %add3A_446 = arith.addi %add3A_445, %while3A_396 : i32
              %get3A_447 = arith.index_cast %add3A_446 : i32 to index
              %get3A_448 = arith.constant 96 : index
              %get3A_449 = tpu.vector_load %arg15[%get3A_447, %get3A_448] {strides = array<i32>} : memref<144x128xf32, #tpu.memory_space<vmem>>, vector<16xf32>,
              %swap3A_450 = arith.index_cast %while3A_396 : i32 to index
              %swap3A_451 = arith.constant 96 : index
              %swap3A_452 = tpu.vector_load %arg15[%swap3A_450, %swap3A_451] {strides = array<i32>} : memref<144x128xf32, #tpu.memory_space<vmem>>, vector<16xf32>,
              tpu.vector_store %arg15[%swap3A_450, %swap3A_451], %get3A_449 {strides = array<i32>} : memref<144x128xf32, #tpu.memory_space<vmem>>, vector<16xf32>,
              %add3A_453 = arith.constant 128 : i32
              %add3A_454 = arith.addi %add3A_453, %while3A_396 : i32
              %get3A_455 = arith.index_cast %add3A_454 : i32 to index
              %get3A_456 = arith.constant 112 : index
              %get3A_457 = tpu.vector_load %arg15[%get3A_455, %get3A_456] {strides = array<i32>} : memref<144x128xf32, #tpu.memory_space<vmem>>, vector<16xf32>,
              %swap3A_458 = arith.index_cast %while3A_396 : i32 to index
              %swap3A_459 = arith.constant 112 : index
              %swap3A_460 = tpu.vector_load %arg15[%swap3A_458, %swap3A_459] {strides = array<i32>} : memref<144x128xf32, #tpu.memory_space<vmem>>, vector<16xf32>,
              tpu.vector_store %arg15[%swap3A_458, %swap3A_459], %get3A_457 {strides = array<i32>} : memref<144x128xf32, #tpu.memory_space<vmem>>, vector<16xf32>,
            }
            %get3A_392 = arith.constant 128 : index
            %get3A_393 = tpu.vector_load %arg16[%get3A_392] {strides = array<i32>} : memref<144xi32, #tpu.memory_space<vmem>>, vector<16xi32>,
            %swap3A_394 = arith.constant 0 : index
            %swap3A_395 = tpu.vector_load %arg16[%swap3A_394] {strides = array<i32>} : memref<144xi32, #tpu.memory_space<vmem>>, vector<16xi32>,
            tpu.vector_store %arg16[%swap3A_394], %get3A_393 {strides = array<i32>} : memref<144xi32, #tpu.memory_space<vmem>>, vector<16xi32>,
          } else {
          }
          %sub3A_308 = arith.constant 128 : i32
          %sub3A_309 = vector.broadcast %sub3A_308 : i32 to vector<16xi32>
          %sub3A_310 = arith.subi %add3A_301, %sub3A_309 : vector<16xi32>
          %select_n3A_311 = arith.select %ge3A_304, %sub3A_310, %add3A_301 : vector<16xi32>
          scf.yield %select_n3A_311 : vector<16xi32>
        }
        scf.yield %while3A_260 : vector<16xi32>
      }
      scf.yield %while3A_228 : vector<16xi32>
    }
    %while3A_47 = arith.constant 1 : i32
    %while3A_48 = scf.for %while3A_56 = %while3A_44 to %while3A_40 step %while3A_47 iter_args(%while3A_57 = %while3A_46) -> (vector<16xi32>)  : i32 {
      %mul3A_58 = arith.constant 8 : i32
      %mul3A_59 = arith.muli %while3A_56, %mul3A_58 : i32
      %add3A_60 = arith.addi %shift_right_arithmetic3A_3, %mul3A_59 : i32
      %add3A_61 = arith.constant 0 : i32
      %add3A_62 = arith.addi %add3A_60, %add3A_61 : i32
      %lt3A = arith.cmpi slt, %add3A_62, %shift_right_arithmetic3A_9 : i32
      %ne3A = arith.constant 7812 : i32
      %ne3A_63 = arith.cmpi ne, %add3A_62, %ne3A : i32
      %and3A = arith.andi %lt3A, %ne3A_63 : i1
      %convert_element_type3A_64 = arith.extui %and3A : i1 to i32
      %cond3A_65 = arith.constant 0 : i32
      %cond3A_66 = arith.cmpi ne, %convert_element_type3A_64, %cond3A_65 : i32
      scf.if %cond3A_66 {
        %mul3A_229 = arith.constant 128 : i32
        %mul3A_230 = arith.muli %add3A_62, %mul3A_229 : i32
        %multiple_of3A = tpu.assume_multiple %mul3A_230, 128 : i32
        %dma_start3A = arith.constant 0 : i32
        %dma_start3A_231 = arith.constant 0 : i32
        %dma_start3A_232 = tpu.memref_slice %arg14[%dma_start3A, %dma_start3A_231] : memref<512x128xf32, #tpu.memory_space<vmem>> -> memref<64x128xf32, #tpu.memory_space<vmem>>
        %dma_start3A_233 = arith.constant 0 : i32
        %dma_start3A_234 = tpu.memref_slice %arg3[%dma_start3A_233, %multiple_of3A] : memref<64x1000000xf32, #tpu.memory_space<hbm>> -> memref<64x128xf32, #tpu.memory_space<hbm>>
        %dma_start3A_235 = arith.constant 0 : i32
        %dma_start3A_236 = arith.constant 0 : i32
        %dma_start3A_237 = tpu.memref_slice %arg14[%dma_start3A_235, %dma_start3A_236] : memref<512x128xf32, #tpu.memory_space<vmem>> -> memref<64x128xf32, #tpu.memory_space<vmem>>
        %dma_start3A_238 = arith.constant 0 : i32
        %dma_start3A_239 = tpu.memref_slice %arg3[%dma_start3A_238, %multiple_of3A] : memref<64x1000000xf32, #tpu.memory_space<hbm>> -> memref<64x128xf32, #tpu.memory_space<hbm>>
        tpu.enqueue_dma source(%dma_start3A_239 : memref<64x128xf32, #tpu.memory_space<hbm>>) target(%dma_start3A_237 : memref<64x128xf32, #tpu.memory_space<vmem>>) target_semaphore(%arg18 : memref<!tpu.dma_semaphore, #tpu.memory_space<semaphore_mem>>)
      } else {
      }
      %eq3A_67 = arith.constant 7812 : i32
      %eq3A_68 = arith.cmpi eq, %add3A_62, %eq3A_67 : i32
      %convert_element_type3A_69 = arith.extui %eq3A_68 : i1 to i32
      %cond3A_70 = arith.constant 0 : i32
      %cond3A_71 = arith.cmpi ne, %convert_element_type3A_69, %cond3A_70 : i32
      scf.if %cond3A_71 {
        %dma_start3A = arith.constant 0 : i32
        %dma_start3A_229 = arith.constant 0 : i32
        %dma_start3A_230 = tpu.memref_slice %arg14[%dma_start3A, %dma_start3A_229] : memref<512x128xf32, #tpu.memory_space<vmem>> -> memref<64x128xf32, #tpu.memory_space<vmem>>
        %dma_start3A_231 = arith.constant 0 : i32
        %dma_start3A_232 = arith.constant 0 : i32
        %dma_start3A_233 = tpu.memref_slice %arg14[%dma_start3A_231, %dma_start3A_232] : memref<512x128xf32, #tpu.memory_space<vmem>> -> memref<64x128xf32, #tpu.memory_space<vmem>>
        tpu.enqueue_dma source(%arg4 : memref<64x128xf32, #tpu.memory_space<hbm>>) target(%dma_start3A_233 : memref<64x128xf32, #tpu.memory_space<vmem>>) target_semaphore(%arg18 : memref<!tpu.dma_semaphore, #tpu.memory_space<semaphore_mem>>)
      } else {
      }
      %add3A_72 = arith.constant 1 : i32
      %add3A_73 = arith.addi %add3A_60, %add3A_72 : i32
      %lt3A_74 = arith.cmpi slt, %add3A_73, %shift_right_arithmetic3A_9 : i32
      %ne3A_75 = arith.constant 7812 : i32
      %ne3A_76 = arith.cmpi ne, %add3A_73, %ne3A_75 : i32
      %and3A_77 = arith.andi %lt3A_74, %ne3A_76 : i1
      %convert_element_type3A_78 = arith.extui %and3A_77 : i1 to i32
      %cond3A_79 = arith.constant 0 : i32
      %cond3A_80 = arith.cmpi ne, %convert_element_type3A_78, %cond3A_79 : i32
      scf.if %cond3A_80 {
        %mul3A_229 = arith.constant 128 : i32
        %mul3A_230 = arith.muli %add3A_73, %mul3A_229 : i32
        %multiple_of3A = tpu.assume_multiple %mul3A_230, 128 : i32
        %dma_start3A = arith.constant 64 : i32
        %dma_start3A_231 = arith.constant 0 : i32
        %dma_start3A_232 = tpu.memref_slice %arg14[%dma_start3A, %dma_start3A_231] : memref<512x128xf32, #tpu.memory_space<vmem>> -> memref<64x128xf32, #tpu.memory_space<vmem>>
        %dma_start3A_233 = arith.constant 0 : i32
        %dma_start3A_234 = tpu.memref_slice %arg3[%dma_start3A_233, %multiple_of3A] : memref<64x1000000xf32, #tpu.memory_space<hbm>> -> memref<64x128xf32, #tpu.memory_space<hbm>>
        %dma_start3A_235 = arith.constant 64 : i32
        %dma_start3A_236 = arith.constant 0 : i32
        %dma_start3A_237 = tpu.memref_slice %arg14[%dma_start3A_235, %dma_start3A_236] : memref<512x128xf32, #tpu.memory_space<vmem>> -> memref<64x128xf32, #tpu.memory_space<vmem>>
        %dma_start3A_238 = arith.constant 0 : i32
        %dma_start3A_239 = tpu.memref_slice %arg3[%dma_start3A_238, %multiple_of3A] : memref<64x1000000xf32, #tpu.memory_space<hbm>> -> memref<64x128xf32, #tpu.memory_space<hbm>>
        tpu.enqueue_dma source(%dma_start3A_239 : memref<64x128xf32, #tpu.memory_space<hbm>>) target(%dma_start3A_237 : memref<64x128xf32, #tpu.memory_space<vmem>>) target_semaphore(%arg18 : memref<!tpu.dma_semaphore, #tpu.memory_space<semaphore_mem>>)
      } else {
      }
      %eq3A_81 = arith.constant 7812 : i32
      %eq3A_82 = arith.cmpi eq, %add3A_73, %eq3A_81 : i32
      %convert_element_type3A_83 = arith.extui %eq3A_82 : i1 to i32
      %cond3A_84 = arith.constant 0 : i32
      %cond3A_85 = arith.cmpi ne, %convert_element_type3A_83, %cond3A_84 : i32
      scf.if %cond3A_85 {
        %dma_start3A = arith.constant 64 : i32
        %dma_start3A_229 = arith.constant 0 : i32
        %dma_start3A_230 = tpu.memref_slice %arg14[%dma_start3A, %dma_start3A_229] : memref<512x128xf32, #tpu.memory_space<vmem>> -> memref<64x128xf32, #tpu.memory_space<vmem>>
        %dma_start3A_231 = arith.constant 64 : i32
        %dma_start3A_232 = arith.constant 0 : i32
        %dma_start3A_233 = tpu.memref_slice %arg14[%dma_start3A_231, %dma_start3A_232] : memref<512x128xf32, #tpu.memory_space<vmem>> -> memref<64x128xf32, #tpu.memory_space<vmem>>
        tpu.enqueue_dma source(%arg4 : memref<64x128xf32, #tpu.memory_space<hbm>>) target(%dma_start3A_233 : memref<64x128xf32, #tpu.memory_space<vmem>>) target_semaphore(%arg18 : memref<!tpu.dma_semaphore, #tpu.memory_space<semaphore_mem>>)
      } else {
      }
      %add3A_86 = arith.constant 2 : i32
      %add3A_87 = arith.addi %add3A_60, %add3A_86 : i32
      %lt3A_88 = arith.cmpi slt, %add3A_87, %shift_right_arithmetic3A_9 : i32
      %ne3A_89 = arith.constant 7812 : i32
      %ne3A_90 = arith.cmpi ne, %add3A_87, %ne3A_89 : i32
      %and3A_91 = arith.andi %lt3A_88, %ne3A_90 : i1
      %convert_element_type3A_92 = arith.extui %and3A_91 : i1 to i32
      %cond3A_93 = arith.constant 0 : i32
      %cond3A_94 = arith.cmpi ne, %convert_element_type3A_92, %cond3A_93 : i32
      scf.if %cond3A_94 {
        %mul3A_229 = arith.constant 128 : i32
        %mul3A_230 = arith.muli %add3A_87, %mul3A_229 : i32
        %multiple_of3A = tpu.assume_multiple %mul3A_230, 128 : i32
        %dma_start3A = arith.constant 128 : i32
        %dma_start3A_231 = arith.constant 0 : i32
        %dma_start3A_232 = tpu.memref_slice %arg14[%dma_start3A, %dma_start3A_231] : memref<512x128xf32, #tpu.memory_space<vmem>> -> memref<64x128xf32, #tpu.memory_space<vmem>>
        %dma_start3A_233 = arith.constant 0 : i32
        %dma_start3A_234 = tpu.memref_slice %arg3[%dma_start3A_233, %multiple_of3A] : memref<64x1000000xf32, #tpu.memory_space<hbm>> -> memref<64x128xf32, #tpu.memory_space<hbm>>
        %dma_start3A_235 = arith.constant 128 : i32
        %dma_start3A_236 = arith.constant 0 : i32
        %dma_start3A_237 = tpu.memref_slice %arg14[%dma_start3A_235, %dma_start3A_236] : memref<512x128xf32, #tpu.memory_space<vmem>> -> memref<64x128xf32, #tpu.memory_space<vmem>>
        %dma_start3A_238 = arith.constant 0 : i32
        %dma_start3A_239 = tpu.memref_slice %arg3[%dma_start3A_238, %multiple_of3A] : memref<64x1000000xf32, #tpu.memory_space<hbm>> -> memref<64x128xf32, #tpu.memory_space<hbm>>
        tpu.enqueue_dma source(%dma_start3A_239 : memref<64x128xf32, #tpu.memory_space<hbm>>) target(%dma_start3A_237 : memref<64x128xf32, #tpu.memory_space<vmem>>) target_semaphore(%arg18 : memref<!tpu.dma_semaphore, #tpu.memory_space<semaphore_mem>>)
      } else {
      }
      %eq3A_95 = arith.constant 7812 : i32
      %eq3A_96 = arith.cmpi eq, %add3A_87, %eq3A_95 : i32
      %convert_element_type3A_97 = arith.extui %eq3A_96 : i1 to i32
      %cond3A_98 = arith.constant 0 : i32
      %cond3A_99 = arith.cmpi ne, %convert_element_type3A_97, %cond3A_98 : i32
      scf.if %cond3A_99 {
        %dma_start3A = arith.constant 128 : i32
        %dma_start3A_229 = arith.constant 0 : i32
        %dma_start3A_230 = tpu.memref_slice %arg14[%dma_start3A, %dma_start3A_229] : memref<512x128xf32, #tpu.memory_space<vmem>> -> memref<64x128xf32, #tpu.memory_space<vmem>>
        %dma_start3A_231 = arith.constant 128 : i32
        %dma_start3A_232 = arith.constant 0 : i32
        %dma_start3A_233 = tpu.memref_slice %arg14[%dma_start3A_231, %dma_start3A_232] : memref<512x128xf32, #tpu.memory_space<vmem>> -> memref<64x128xf32, #tpu.memory_space<vmem>>
        tpu.enqueue_dma source(%arg4 : memref<64x128xf32, #tpu.memory_space<hbm>>) target(%dma_start3A_233 : memref<64x128xf32, #tpu.memory_space<vmem>>) target_semaphore(%arg18 : memref<!tpu.dma_semaphore, #tpu.memory_space<semaphore_mem>>)
      } else {
      }
      %add3A_100 = arith.constant 3 : i32
      %add3A_101 = arith.addi %add3A_60, %add3A_100 : i32
      %lt3A_102 = arith.cmpi slt, %add3A_101, %shift_right_arithmetic3A_9 : i32
      %ne3A_103 = arith.constant 7812 : i32
      %ne3A_104 = arith.cmpi ne, %add3A_101, %ne3A_103 : i32
      %and3A_105 = arith.andi %lt3A_102, %ne3A_104 : i1
      %convert_element_type3A_106 = arith.extui %and3A_105 : i1 to i32
      %cond3A_107 = arith.constant 0 : i32
      %cond3A_108 = arith.cmpi ne, %convert_element_type3A_106, %cond3A_107 : i32
      scf.if %cond3A_108 {
        %mul3A_229 = arith.constant 128 : i32
        %mul3A_230 = arith.muli %add3A_101, %mul3A_229 : i32
        %multiple_of3A = tpu.assume_multiple %mul3A_230, 128 : i32
        %dma_start3A = arith.constant 192 : i32
        %dma_start3A_231 = arith.constant 0 : i32
        %dma_start3A_232 = tpu.memref_slice %arg14[%dma_start3A, %dma_start3A_231] : memref<512x128xf32, #tpu.memory_space<vmem>> -> memref<64x128xf32, #tpu.memory_space<vmem>>
        %dma_start3A_233 = arith.constant 0 : i32
        %dma_start3A_234 = tpu.memref_slice %arg3[%dma_start3A_233, %multiple_of3A] : memref<64x1000000xf32, #tpu.memory_space<hbm>> -> memref<64x128xf32, #tpu.memory_space<hbm>>
        %dma_start3A_235 = arith.constant 192 : i32
        %dma_start3A_236 = arith.constant 0 : i32
        %dma_start3A_237 = tpu.memref_slice %arg14[%dma_start3A_235, %dma_start3A_236] : memref<512x128xf32, #tpu.memory_space<vmem>> -> memref<64x128xf32, #tpu.memory_space<vmem>>
        %dma_start3A_238 = arith.constant 0 : i32
        %dma_start3A_239 = tpu.memref_slice %arg3[%dma_start3A_238, %multiple_of3A] : memref<64x1000000xf32, #tpu.memory_space<hbm>> -> memref<64x128xf32, #tpu.memory_space<hbm>>
        tpu.enqueue_dma source(%dma_start3A_239 : memref<64x128xf32, #tpu.memory_space<hbm>>) target(%dma_start3A_237 : memref<64x128xf32, #tpu.memory_space<vmem>>) target_semaphore(%arg18 : memref<!tpu.dma_semaphore, #tpu.memory_space<semaphore_mem>>)
      } else {
      }
      %eq3A_109 = arith.constant 7812 : i32
      %eq3A_110 = arith.cmpi eq, %add3A_101, %eq3A_109 : i32
      %convert_element_type3A_111 = arith.extui %eq3A_110 : i1 to i32
      %cond3A_112 = arith.constant 0 : i32
      %cond3A_113 = arith.cmpi ne, %convert_element_type3A_111, %cond3A_112 : i32
      scf.if %cond3A_113 {
        %dma_start3A = arith.constant 192 : i32
        %dma_start3A_229 = arith.constant 0 : i32
        %dma_start3A_230 = tpu.memref_slice %arg14[%dma_start3A, %dma_start3A_229] : memref<512x128xf32, #tpu.memory_space<vmem>> -> memref<64x128xf32, #tpu.memory_space<vmem>>
        %dma_start3A_231 = arith.constant 192 : i32
        %dma_start3A_232 = arith.constant 0 : i32
        %dma_start3A_233 = tpu.memref_slice %arg14[%dma_start3A_231, %dma_start3A_232] : memref<512x128xf32, #tpu.memory_space<vmem>> -> memref<64x128xf32, #tpu.memory_space<vmem>>
        tpu.enqueue_dma source(%arg4 : memref<64x128xf32, #tpu.memory_space<hbm>>) target(%dma_start3A_233 : memref<64x128xf32, #tpu.memory_space<vmem>>) target_semaphore(%arg18 : memref<!tpu.dma_semaphore, #tpu.memory_space<semaphore_mem>>)
      } else {
      }
      %add3A_114 = arith.constant 4 : i32
      %add3A_115 = arith.addi %add3A_60, %add3A_114 : i32
      %lt3A_116 = arith.cmpi slt, %add3A_115, %shift_right_arithmetic3A_9 : i32
      %ne3A_117 = arith.constant 7812 : i32
      %ne3A_118 = arith.cmpi ne, %add3A_115, %ne3A_117 : i32
      %and3A_119 = arith.andi %lt3A_116, %ne3A_118 : i1
      %convert_element_type3A_120 = arith.extui %and3A_119 : i1 to i32
      %cond3A_121 = arith.constant 0 : i32
      %cond3A_122 = arith.cmpi ne, %convert_element_type3A_120, %cond3A_121 : i32
      scf.if %cond3A_122 {
        %mul3A_229 = arith.constant 128 : i32
        %mul3A_230 = arith.muli %add3A_115, %mul3A_229 : i32
        %multiple_of3A = tpu.assume_multiple %mul3A_230, 128 : i32
        %dma_start3A = arith.constant 256 : i32
        %dma_start3A_231 = arith.constant 0 : i32
        %dma_start3A_232 = tpu.memref_slice %arg14[%dma_start3A, %dma_start3A_231] : memref<512x128xf32, #tpu.memory_space<vmem>> -> memref<64x128xf32, #tpu.memory_space<vmem>>
        %dma_start3A_233 = arith.constant 0 : i32
        %dma_start3A_234 = tpu.memref_slice %arg3[%dma_start3A_233, %multiple_of3A] : memref<64x1000000xf32, #tpu.memory_space<hbm>> -> memref<64x128xf32, #tpu.memory_space<hbm>>
        %dma_start3A_235 = arith.constant 256 : i32
        %dma_start3A_236 = arith.constant 0 : i32
        %dma_start3A_237 = tpu.memref_slice %arg14[%dma_start3A_235, %dma_start3A_236] : memref<512x128xf32, #tpu.memory_space<vmem>> -> memref<64x128xf32, #tpu.memory_space<vmem>>
        %dma_start3A_238 = arith.constant 0 : i32
        %dma_start3A_239 = tpu.memref_slice %arg3[%dma_start3A_238, %multiple_of3A] : memref<64x1000000xf32, #tpu.memory_space<hbm>> -> memref<64x128xf32, #tpu.memory_space<hbm>>
        tpu.enqueue_dma source(%dma_start3A_239 : memref<64x128xf32, #tpu.memory_space<hbm>>) target(%dma_start3A_237 : memref<64x128xf32, #tpu.memory_space<vmem>>) target_semaphore(%arg18 : memref<!tpu.dma_semaphore, #tpu.memory_space<semaphore_mem>>)
      } else {
      }
      %eq3A_123 = arith.constant 7812 : i32
      %eq3A_124 = arith.cmpi eq, %add3A_115, %eq3A_123 : i32
      %convert_element_type3A_125 = arith.extui %eq3A_124 : i1 to i32
      %cond3A_126 = arith.constant 0 : i32
      %cond3A_127 = arith.cmpi ne, %convert_element_type3A_125, %cond3A_126 : i32
      scf.if %cond3A_127 {
        %dma_start3A = arith.constant 256 : i32
        %dma_start3A_229 = arith.constant 0 : i32
        %dma_start3A_230 = tpu.memref_slice %arg14[%dma_start3A, %dma_start3A_229] : memref<512x128xf32, #tpu.memory_space<vmem>> -> memref<64x128xf32, #tpu.memory_space<vmem>>
        %dma_start3A_231 = arith.constant 256 : i32
        %dma_start3A_232 = arith.constant 0 : i32
        %dma_start3A_233 = tpu.memref_slice %arg14[%dma_start3A_231, %dma_start3A_232] : memref<512x128xf32, #tpu.memory_space<vmem>> -> memref<64x128xf32, #tpu.memory_space<vmem>>
        tpu.enqueue_dma source(%arg4 : memref<64x128xf32, #tpu.memory_space<hbm>>) target(%dma_start3A_233 : memref<64x128xf32, #tpu.memory_space<vmem>>) target_semaphore(%arg18 : memref<!tpu.dma_semaphore, #tpu.memory_space<semaphore_mem>>)
      } else {
      }
      %add3A_128 = arith.constant 5 : i32
      %add3A_129 = arith.addi %add3A_60, %add3A_128 : i32
      %lt3A_130 = arith.cmpi slt, %add3A_129, %shift_right_arithmetic3A_9 : i32
      %ne3A_131 = arith.constant 7812 : i32
      %ne3A_132 = arith.cmpi ne, %add3A_129, %ne3A_131 : i32
      %and3A_133 = arith.andi %lt3A_130, %ne3A_132 : i1
      %convert_element_type3A_134 = arith.extui %and3A_133 : i1 to i32
      %cond3A_135 = arith.constant 0 : i32
      %cond3A_136 = arith.cmpi ne, %convert_element_type3A_134, %cond3A_135 : i32
      scf.if %cond3A_136 {
        %mul3A_229 = arith.constant 128 : i32
        %mul3A_230 = arith.muli %add3A_129, %mul3A_229 : i32
        %multiple_of3A = tpu.assume_multiple %mul3A_230, 128 : i32
        %dma_start3A = arith.constant 320 : i32
        %dma_start3A_231 = arith.constant 0 : i32
        %dma_start3A_232 = tpu.memref_slice %arg14[%dma_start3A, %dma_start3A_231] : memref<512x128xf32, #tpu.memory_space<vmem>> -> memref<64x128xf32, #tpu.memory_space<vmem>>
        %dma_start3A_233 = arith.constant 0 : i32
        %dma_start3A_234 = tpu.memref_slice %arg3[%dma_start3A_233, %multiple_of3A] : memref<64x1000000xf32, #tpu.memory_space<hbm>> -> memref<64x128xf32, #tpu.memory_space<hbm>>
        %dma_start3A_235 = arith.constant 320 : i32
        %dma_start3A_236 = arith.constant 0 : i32
        %dma_start3A_237 = tpu.memref_slice %arg14[%dma_start3A_235, %dma_start3A_236] : memref<512x128xf32, #tpu.memory_space<vmem>> -> memref<64x128xf32, #tpu.memory_space<vmem>>
        %dma_start3A_238 = arith.constant 0 : i32
        %dma_start3A_239 = tpu.memref_slice %arg3[%dma_start3A_238, %multiple_of3A] : memref<64x1000000xf32, #tpu.memory_space<hbm>> -> memref<64x128xf32, #tpu.memory_space<hbm>>
        tpu.enqueue_dma source(%dma_start3A_239 : memref<64x128xf32, #tpu.memory_space<hbm>>) target(%dma_start3A_237 : memref<64x128xf32, #tpu.memory_space<vmem>>) target_semaphore(%arg18 : memref<!tpu.dma_semaphore, #tpu.memory_space<semaphore_mem>>)
      } else {
      }
      %eq3A_137 = arith.constant 7812 : i32
      %eq3A_138 = arith.cmpi eq, %add3A_129, %eq3A_137 : i32
      %convert_element_type3A_139 = arith.extui %eq3A_138 : i1 to i32
      %cond3A_140 = arith.constant 0 : i32
      %cond3A_141 = arith.cmpi ne, %convert_element_type3A_139, %cond3A_140 : i32
      scf.if %cond3A_141 {
        %dma_start3A = arith.constant 320 : i32
        %dma_start3A_229 = arith.constant 0 : i32
        %dma_start3A_230 = tpu.memref_slice %arg14[%dma_start3A, %dma_start3A_229] : memref<512x128xf32, #tpu.memory_space<vmem>> -> memref<64x128xf32, #tpu.memory_space<vmem>>
        %dma_start3A_231 = arith.constant 320 : i32
        %dma_start3A_232 = arith.constant 0 : i32
        %dma_start3A_233 = tpu.memref_slice %arg14[%dma_start3A_231, %dma_start3A_232] : memref<512x128xf32, #tpu.memory_space<vmem>> -> memref<64x128xf32, #tpu.memory_space<vmem>>
        tpu.enqueue_dma source(%arg4 : memref<64x128xf32, #tpu.memory_space<hbm>>) target(%dma_start3A_233 : memref<64x128xf32, #tpu.memory_space<vmem>>) target_semaphore(%arg18 : memref<!tpu.dma_semaphore, #tpu.memory_space<semaphore_mem>>)
      } else {
      }
      %add3A_142 = arith.constant 6 : i32
      %add3A_143 = arith.addi %add3A_60, %add3A_142 : i32
      %lt3A_144 = arith.cmpi slt, %add3A_143, %shift_right_arithmetic3A_9 : i32
      %ne3A_145 = arith.constant 7812 : i32
      %ne3A_146 = arith.cmpi ne, %add3A_143, %ne3A_145 : i32
      %and3A_147 = arith.andi %lt3A_144, %ne3A_146 : i1
      %convert_element_type3A_148 = arith.extui %and3A_147 : i1 to i32
      %cond3A_149 = arith.constant 0 : i32
      %cond3A_150 = arith.cmpi ne, %convert_element_type3A_148, %cond3A_149 : i32
      scf.if %cond3A_150 {
        %mul3A_229 = arith.constant 128 : i32
        %mul3A_230 = arith.muli %add3A_143, %mul3A_229 : i32
        %multiple_of3A = tpu.assume_multiple %mul3A_230, 128 : i32
        %dma_start3A = arith.constant 384 : i32
        %dma_start3A_231 = arith.constant 0 : i32
        %dma_start3A_232 = tpu.memref_slice %arg14[%dma_start3A, %dma_start3A_231] : memref<512x128xf32, #tpu.memory_space<vmem>> -> memref<64x128xf32, #tpu.memory_space<vmem>>
        %dma_start3A_233 = arith.constant 0 : i32
        %dma_start3A_234 = tpu.memref_slice %arg3[%dma_start3A_233, %multiple_of3A] : memref<64x1000000xf32, #tpu.memory_space<hbm>> -> memref<64x128xf32, #tpu.memory_space<hbm>>
        %dma_start3A_235 = arith.constant 384 : i32
        %dma_start3A_236 = arith.constant 0 : i32
        %dma_start3A_237 = tpu.memref_slice %arg14[%dma_start3A_235, %dma_start3A_236] : memref<512x128xf32, #tpu.memory_space<vmem>> -> memref<64x128xf32, #tpu.memory_space<vmem>>
        %dma_start3A_238 = arith.constant 0 : i32
        %dma_start3A_239 = tpu.memref_slice %arg3[%dma_start3A_238, %multiple_of3A] : memref<64x1000000xf32, #tpu.memory_space<hbm>> -> memref<64x128xf32, #tpu.memory_space<hbm>>
        tpu.enqueue_dma source(%dma_start3A_239 : memref<64x128xf32, #tpu.memory_space<hbm>>) target(%dma_start3A_237 : memref<64x128xf32, #tpu.memory_space<vmem>>) target_semaphore(%arg18 : memref<!tpu.dma_semaphore, #tpu.memory_space<semaphore_mem>>)
      } else {
      }
      %eq3A_151 = arith.constant 7812 : i32
      %eq3A_152 = arith.cmpi eq, %add3A_143, %eq3A_151 : i32
      %convert_element_type3A_153 = arith.extui %eq3A_152 : i1 to i32
      %cond3A_154 = arith.constant 0 : i32
      %cond3A_155 = arith.cmpi ne, %convert_element_type3A_153, %cond3A_154 : i32
      scf.if %cond3A_155 {
        %dma_start3A = arith.constant 384 : i32
        %dma_start3A_229 = arith.constant 0 : i32
        %dma_start3A_230 = tpu.memref_slice %arg14[%dma_start3A, %dma_start3A_229] : memref<512x128xf32, #tpu.memory_space<vmem>> -> memref<64x128xf32, #tpu.memory_space<vmem>>
        %dma_start3A_231 = arith.constant 384 : i32
        %dma_start3A_232 = arith.constant 0 : i32
        %dma_start3A_233 = tpu.memref_slice %arg14[%dma_start3A_231, %dma_start3A_232] : memref<512x128xf32, #tpu.memory_space<vmem>> -> memref<64x128xf32, #tpu.memory_space<vmem>>
        tpu.enqueue_dma source(%arg4 : memref<64x128xf32, #tpu.memory_space<hbm>>) target(%dma_start3A_233 : memref<64x128xf32, #tpu.memory_space<vmem>>) target_semaphore(%arg18 : memref<!tpu.dma_semaphore, #tpu.memory_space<semaphore_mem>>)
      } else {
      }
      %add3A_156 = arith.constant 7 : i32
      %add3A_157 = arith.addi %add3A_60, %add3A_156 : i32
      %lt3A_158 = arith.cmpi slt, %add3A_157, %shift_right_arithmetic3A_9 : i32
      %ne3A_159 = arith.constant 7812 : i32
      %ne3A_160 = arith.cmpi ne, %add3A_157, %ne3A_159 : i32
      %and3A_161 = arith.andi %lt3A_158, %ne3A_160 : i1
      %convert_element_type3A_162 = arith.extui %and3A_161 : i1 to i32
      %cond3A_163 = arith.constant 0 : i32
      %cond3A_164 = arith.cmpi ne, %convert_element_type3A_162, %cond3A_163 : i32
      scf.if %cond3A_164 {
        %mul3A_229 = arith.constant 128 : i32
        %mul3A_230 = arith.muli %add3A_157, %mul3A_229 : i32
        %multiple_of3A = tpu.assume_multiple %mul3A_230, 128 : i32
        %dma_start3A = arith.constant 448 : i32
        %dma_start3A_231 = arith.constant 0 : i32
        %dma_start3A_232 = tpu.memref_slice %arg14[%dma_start3A, %dma_start3A_231] : memref<512x128xf32, #tpu.memory_space<vmem>> -> memref<64x128xf32, #tpu.memory_space<vmem>>
        %dma_start3A_233 = arith.constant 0 : i32
        %dma_start3A_234 = tpu.memref_slice %arg3[%dma_start3A_233, %multiple_of3A] : memref<64x1000000xf32, #tpu.memory_space<hbm>> -> memref<64x128xf32, #tpu.memory_space<hbm>>
        %dma_start3A_235 = arith.constant 448 : i32
        %dma_start3A_236 = arith.constant 0 : i32
        %dma_start3A_237 = tpu.memref_slice %arg14[%dma_start3A_235, %dma_start3A_236] : memref<512x128xf32, #tpu.memory_space<vmem>> -> memref<64x128xf32, #tpu.memory_space<vmem>>
        %dma_start3A_238 = arith.constant 0 : i32
        %dma_start3A_239 = tpu.memref_slice %arg3[%dma_start3A_238, %multiple_of3A] : memref<64x1000000xf32, #tpu.memory_space<hbm>> -> memref<64x128xf32, #tpu.memory_space<hbm>>
        tpu.enqueue_dma source(%dma_start3A_239 : memref<64x128xf32, #tpu.memory_space<hbm>>) target(%dma_start3A_237 : memref<64x128xf32, #tpu.memory_space<vmem>>) target_semaphore(%arg18 : memref<!tpu.dma_semaphore, #tpu.memory_space<semaphore_mem>>)
      } else {
      }
      %eq3A_165 = arith.constant 7812 : i32
      %eq3A_166 = arith.cmpi eq, %add3A_157, %eq3A_165 : i32
      %convert_element_type3A_167 = arith.extui %eq3A_166 : i1 to i32
      %cond3A_168 = arith.constant 0 : i32
      %cond3A_169 = arith.cmpi ne, %convert_element_type3A_167, %cond3A_168 : i32
      scf.if %cond3A_169 {
        %dma_start3A = arith.constant 448 : i32
        %dma_start3A_229 = arith.constant 0 : i32
        %dma_start3A_230 = tpu.memref_slice %arg14[%dma_start3A, %dma_start3A_229] : memref<512x128xf32, #tpu.memory_space<vmem>> -> memref<64x128xf32, #tpu.memory_space<vmem>>
        %dma_start3A_231 = arith.constant 448 : i32
        %dma_start3A_232 = arith.constant 0 : i32
        %dma_start3A_233 = tpu.memref_slice %arg14[%dma_start3A_231, %dma_start3A_232] : memref<512x128xf32, #tpu.memory_space<vmem>> -> memref<64x128xf32, #tpu.memory_space<vmem>>
        tpu.enqueue_dma source(%arg4 : memref<64x128xf32, #tpu.memory_space<hbm>>) target(%dma_start3A_233 : memref<64x128xf32, #tpu.memory_space<vmem>>) target_semaphore(%arg18 : memref<!tpu.dma_semaphore, #tpu.memory_space<semaphore_mem>>)
      } else {
      }
      %add3A_170 = arith.constant 0 : i32
      %add3A_171 = arith.addi %add3A_60, %add3A_170 : i32
      %lt3A_172 = arith.cmpi slt, %add3A_171, %shift_right_arithmetic3A_9 : i32
      %convert_element_type3A_173 = arith.extui %lt3A_172 : i1 to i32
      %cond3A_174 = arith.constant 0 : i32
      %cond3A_175 = arith.cmpi ne, %convert_element_type3A_173, %cond3A_174 : i32
      scf.if %cond3A_175 {
        %dma_wait3A = arith.constant 0 : i32
        %dma_wait3A_229 = arith.constant 0 : i32
        %dma_wait3A_230 = tpu.memref_slice %arg14[%dma_wait3A, %dma_wait3A_229] : memref<512x128xf32, #tpu.memory_space<vmem>> -> memref<64x128xf32, #tpu.memory_space<vmem>>
        %dma_wait3A_231 = arith.constant 0 : i32
        %dma_wait3A_232 = arith.constant 0 : i32
        %dma_wait3A_233 = tpu.memref_slice %arg3[%dma_wait3A_231, %dma_wait3A_232] : memref<64x1000000xf32, #tpu.memory_space<hbm>> -> memref<64x128xf32, #tpu.memory_space<hbm>>
        %dma_wait3A_234 = arith.constant 0 : i32
        %dma_wait3A_235 = arith.constant 0 : i32
        %dma_wait3A_236 = tpu.memref_slice %arg14[%dma_wait3A_234, %dma_wait3A_235] : memref<512x128xf32, #tpu.memory_space<vmem>> -> memref<64x128xf32, #tpu.memory_space<vmem>>
        %dma_wait3A_237 = arith.constant 0 : i32
        %dma_wait3A_238 = arith.constant 0 : i32
        %dma_wait3A_239 = tpu.memref_slice %arg3[%dma_wait3A_237, %dma_wait3A_238] : memref<64x1000000xf32, #tpu.memory_space<hbm>> -> memref<64x128xf32, #tpu.memory_space<hbm>>
        tpu.wait_dma2 semaphore(%arg18 : memref<!tpu.dma_semaphore, #tpu.memory_space<semaphore_mem>>) src(%dma_wait3A_239 : memref<64x128xf32, #tpu.memory_space<hbm>>) dst(%dma_wait3A_236 : memref<64x128xf32, #tpu.memory_space<vmem>>)
      } else {
      }
      %add3A_176 = arith.constant 1 : i32
      %add3A_177 = arith.addi %add3A_60, %add3A_176 : i32
      %lt3A_178 = arith.cmpi slt, %add3A_177, %shift_right_arithmetic3A_9 : i32
      %convert_element_type3A_179 = arith.extui %lt3A_178 : i1 to i32
      %cond3A_180 = arith.constant 0 : i32
      %cond3A_181 = arith.cmpi ne, %convert_element_type3A_179, %cond3A_180 : i32
      scf.if %cond3A_181 {
        %dma_wait3A = arith.constant 64 : i32
        %dma_wait3A_229 = arith.constant 0 : i32
        %dma_wait3A_230 = tpu.memref_slice %arg14[%dma_wait3A, %dma_wait3A_229] : memref<512x128xf32, #tpu.memory_space<vmem>> -> memref<64x128xf32, #tpu.memory_space<vmem>>
        %dma_wait3A_231 = arith.constant 0 : i32
        %dma_wait3A_232 = arith.constant 0 : i32
        %dma_wait3A_233 = tpu.memref_slice %arg3[%dma_wait3A_231, %dma_wait3A_232] : memref<64x1000000xf32, #tpu.memory_space<hbm>> -> memref<64x128xf32, #tpu.memory_space<hbm>>
        %dma_wait3A_234 = arith.constant 64 : i32
        %dma_wait3A_235 = arith.constant 0 : i32
        %dma_wait3A_236 = tpu.memref_slice %arg14[%dma_wait3A_234, %dma_wait3A_235] : memref<512x128xf32, #tpu.memory_space<vmem>> -> memref<64x128xf32, #tpu.memory_space<vmem>>
        %dma_wait3A_237 = arith.constant 0 : i32
        %dma_wait3A_238 = arith.constant 0 : i32
        %dma_wait3A_239 = tpu.memref_slice %arg3[%dma_wait3A_237, %dma_wait3A_238] : memref<64x1000000xf32, #tpu.memory_space<hbm>> -> memref<64x128xf32, #tpu.memory_space<hbm>>
        tpu.wait_dma2 semaphore(%arg18 : memref<!tpu.dma_semaphore, #tpu.memory_space<semaphore_mem>>) src(%dma_wait3A_239 : memref<64x128xf32, #tpu.memory_space<hbm>>) dst(%dma_wait3A_236 : memref<64x128xf32, #tpu.memory_space<vmem>>)
      } else {
      }
      %add3A_182 = arith.constant 2 : i32
      %add3A_183 = arith.addi %add3A_60, %add3A_182 : i32
      %lt3A_184 = arith.cmpi slt, %add3A_183, %shift_right_arithmetic3A_9 : i32
      %convert_element_type3A_185 = arith.extui %lt3A_184 : i1 to i32
      %cond3A_186 = arith.constant 0 : i32
      %cond3A_187 = arith.cmpi ne, %convert_element_type3A_185, %cond3A_186 : i32
      scf.if %cond3A_187 {
        %dma_wait3A = arith.constant 128 : i32
        %dma_wait3A_229 = arith.constant 0 : i32
        %dma_wait3A_230 = tpu.memref_slice %arg14[%dma_wait3A, %dma_wait3A_229] : memref<512x128xf32, #tpu.memory_space<vmem>> -> memref<64x128xf32, #tpu.memory_space<vmem>>
        %dma_wait3A_231 = arith.constant 0 : i32
        %dma_wait3A_232 = arith.constant 0 : i32
        %dma_wait3A_233 = tpu.memref_slice %arg3[%dma_wait3A_231, %dma_wait3A_232] : memref<64x1000000xf32, #tpu.memory_space<hbm>> -> memref<64x128xf32, #tpu.memory_space<hbm>>
        %dma_wait3A_234 = arith.constant 128 : i32
        %dma_wait3A_235 = arith.constant 0 : i32
        %dma_wait3A_236 = tpu.memref_slice %arg14[%dma_wait3A_234, %dma_wait3A_235] : memref<512x128xf32, #tpu.memory_space<vmem>> -> memref<64x128xf32, #tpu.memory_space<vmem>>
        %dma_wait3A_237 = arith.constant 0 : i32
        %dma_wait3A_238 = arith.constant 0 : i32
        %dma_wait3A_239 = tpu.memref_slice %arg3[%dma_wait3A_237, %dma_wait3A_238] : memref<64x1000000xf32, #tpu.memory_space<hbm>> -> memref<64x128xf32, #tpu.memory_space<hbm>>
        tpu.wait_dma2 semaphore(%arg18 : memref<!tpu.dma_semaphore, #tpu.memory_space<semaphore_mem>>) src(%dma_wait3A_239 : memref<64x128xf32, #tpu.memory_space<hbm>>) dst(%dma_wait3A_236 : memref<64x128xf32, #tpu.memory_space<vmem>>)
      } else {
      }
      %add3A_188 = arith.constant 3 : i32
      %add3A_189 = arith.addi %add3A_60, %add3A_188 : i32
      %lt3A_190 = arith.cmpi slt, %add3A_189, %shift_right_arithmetic3A_9 : i32
      %convert_element_type3A_191 = arith.extui %lt3A_190 : i1 to i32
      %cond3A_192 = arith.constant 0 : i32
      %cond3A_193 = arith.cmpi ne, %convert_element_type3A_191, %cond3A_192 : i32
      scf.if %cond3A_193 {
        %dma_wait3A = arith.constant 192 : i32
        %dma_wait3A_229 = arith.constant 0 : i32
        %dma_wait3A_230 = tpu.memref_slice %arg14[%dma_wait3A, %dma_wait3A_229] : memref<512x128xf32, #tpu.memory_space<vmem>> -> memref<64x128xf32, #tpu.memory_space<vmem>>
        %dma_wait3A_231 = arith.constant 0 : i32
        %dma_wait3A_232 = arith.constant 0 : i32
        %dma_wait3A_233 = tpu.memref_slice %arg3[%dma_wait3A_231, %dma_wait3A_232] : memref<64x1000000xf32, #tpu.memory_space<hbm>> -> memref<64x128xf32, #tpu.memory_space<hbm>>
        %dma_wait3A_234 = arith.constant 192 : i32
        %dma_wait3A_235 = arith.constant 0 : i32
        %dma_wait3A_236 = tpu.memref_slice %arg14[%dma_wait3A_234, %dma_wait3A_235] : memref<512x128xf32, #tpu.memory_space<vmem>> -> memref<64x128xf32, #tpu.memory_space<vmem>>
        %dma_wait3A_237 = arith.constant 0 : i32
        %dma_wait3A_238 = arith.constant 0 : i32
        %dma_wait3A_239 = tpu.memref_slice %arg3[%dma_wait3A_237, %dma_wait3A_238] : memref<64x1000000xf32, #tpu.memory_space<hbm>> -> memref<64x128xf32, #tpu.memory_space<hbm>>
        tpu.wait_dma2 semaphore(%arg18 : memref<!tpu.dma_semaphore, #tpu.memory_space<semaphore_mem>>) src(%dma_wait3A_239 : memref<64x128xf32, #tpu.memory_space<hbm>>) dst(%dma_wait3A_236 : memref<64x128xf32, #tpu.memory_space<vmem>>)
      } else {
      }
      %add3A_194 = arith.constant 4 : i32
      %add3A_195 = arith.addi %add3A_60, %add3A_194 : i32
      %lt3A_196 = arith.cmpi slt, %add3A_195, %shift_right_arithmetic3A_9 : i32
      %convert_element_type3A_197 = arith.extui %lt3A_196 : i1 to i32
      %cond3A_198 = arith.constant 0 : i32
      %cond3A_199 = arith.cmpi ne, %convert_element_type3A_197, %cond3A_198 : i32
      scf.if %cond3A_199 {
        %dma_wait3A = arith.constant 256 : i32
        %dma_wait3A_229 = arith.constant 0 : i32
        %dma_wait3A_230 = tpu.memref_slice %arg14[%dma_wait3A, %dma_wait3A_229] : memref<512x128xf32, #tpu.memory_space<vmem>> -> memref<64x128xf32, #tpu.memory_space<vmem>>
        %dma_wait3A_231 = arith.constant 0 : i32
        %dma_wait3A_232 = arith.constant 0 : i32
        %dma_wait3A_233 = tpu.memref_slice %arg3[%dma_wait3A_231, %dma_wait3A_232] : memref<64x1000000xf32, #tpu.memory_space<hbm>> -> memref<64x128xf32, #tpu.memory_space<hbm>>
        %dma_wait3A_234 = arith.constant 256 : i32
        %dma_wait3A_235 = arith.constant 0 : i32
        %dma_wait3A_236 = tpu.memref_slice %arg14[%dma_wait3A_234, %dma_wait3A_235] : memref<512x128xf32, #tpu.memory_space<vmem>> -> memref<64x128xf32, #tpu.memory_space<vmem>>
        %dma_wait3A_237 = arith.constant 0 : i32
        %dma_wait3A_238 = arith.constant 0 : i32
        %dma_wait3A_239 = tpu.memref_slice %arg3[%dma_wait3A_237, %dma_wait3A_238] : memref<64x1000000xf32, #tpu.memory_space<hbm>> -> memref<64x128xf32, #tpu.memory_space<hbm>>
        tpu.wait_dma2 semaphore(%arg18 : memref<!tpu.dma_semaphore, #tpu.memory_space<semaphore_mem>>) src(%dma_wait3A_239 : memref<64x128xf32, #tpu.memory_space<hbm>>) dst(%dma_wait3A_236 : memref<64x128xf32, #tpu.memory_space<vmem>>)
      } else {
      }
      %add3A_200 = arith.constant 5 : i32
      %add3A_201 = arith.addi %add3A_60, %add3A_200 : i32
      %lt3A_202 = arith.cmpi slt, %add3A_201, %shift_right_arithmetic3A_9 : i32
      %convert_element_type3A_203 = arith.extui %lt3A_202 : i1 to i32
      %cond3A_204 = arith.constant 0 : i32
      %cond3A_205 = arith.cmpi ne, %convert_element_type3A_203, %cond3A_204 : i32
      scf.if %cond3A_205 {
        %dma_wait3A = arith.constant 320 : i32
        %dma_wait3A_229 = arith.constant 0 : i32
        %dma_wait3A_230 = tpu.memref_slice %arg14[%dma_wait3A, %dma_wait3A_229] : memref<512x128xf32, #tpu.memory_space<vmem>> -> memref<64x128xf32, #tpu.memory_space<vmem>>
        %dma_wait3A_231 = arith.constant 0 : i32
        %dma_wait3A_232 = arith.constant 0 : i32
        %dma_wait3A_233 = tpu.memref_slice %arg3[%dma_wait3A_231, %dma_wait3A_232] : memref<64x1000000xf32, #tpu.memory_space<hbm>> -> memref<64x128xf32, #tpu.memory_space<hbm>>
        %dma_wait3A_234 = arith.constant 320 : i32
        %dma_wait3A_235 = arith.constant 0 : i32
        %dma_wait3A_236 = tpu.memref_slice %arg14[%dma_wait3A_234, %dma_wait3A_235] : memref<512x128xf32, #tpu.memory_space<vmem>> -> memref<64x128xf32, #tpu.memory_space<vmem>>
        %dma_wait3A_237 = arith.constant 0 : i32
        %dma_wait3A_238 = arith.constant 0 : i32
        %dma_wait3A_239 = tpu.memref_slice %arg3[%dma_wait3A_237, %dma_wait3A_238] : memref<64x1000000xf32, #tpu.memory_space<hbm>> -> memref<64x128xf32, #tpu.memory_space<hbm>>
        tpu.wait_dma2 semaphore(%arg18 : memref<!tpu.dma_semaphore, #tpu.memory_space<semaphore_mem>>) src(%dma_wait3A_239 : memref<64x128xf32, #tpu.memory_space<hbm>>) dst(%dma_wait3A_236 : memref<64x128xf32, #tpu.memory_space<vmem>>)
      } else {
      }
      %add3A_206 = arith.constant 6 : i32
      %add3A_207 = arith.addi %add3A_60, %add3A_206 : i32
      %lt3A_208 = arith.cmpi slt, %add3A_207, %shift_right_arithmetic3A_9 : i32
      %convert_element_type3A_209 = arith.extui %lt3A_208 : i1 to i32
      %cond3A_210 = arith.constant 0 : i32
      %cond3A_211 = arith.cmpi ne, %convert_element_type3A_209, %cond3A_210 : i32
      scf.if %cond3A_211 {
        %dma_wait3A = arith.constant 384 : i32
        %dma_wait3A_229 = arith.constant 0 : i32
        %dma_wait3A_230 = tpu.memref_slice %arg14[%dma_wait3A, %dma_wait3A_229] : memref<512x128xf32, #tpu.memory_space<vmem>> -> memref<64x128xf32, #tpu.memory_space<vmem>>
        %dma_wait3A_231 = arith.constant 0 : i32
        %dma_wait3A_232 = arith.constant 0 : i32
        %dma_wait3A_233 = tpu.memref_slice %arg3[%dma_wait3A_231, %dma_wait3A_232] : memref<64x1000000xf32, #tpu.memory_space<hbm>> -> memref<64x128xf32, #tpu.memory_space<hbm>>
        %dma_wait3A_234 = arith.constant 384 : i32
        %dma_wait3A_235 = arith.constant 0 : i32
        %dma_wait3A_236 = tpu.memref_slice %arg14[%dma_wait3A_234, %dma_wait3A_235] : memref<512x128xf32, #tpu.memory_space<vmem>> -> memref<64x128xf32, #tpu.memory_space<vmem>>
        %dma_wait3A_237 = arith.constant 0 : i32
        %dma_wait3A_238 = arith.constant 0 : i32
        %dma_wait3A_239 = tpu.memref_slice %arg3[%dma_wait3A_237, %dma_wait3A_238] : memref<64x1000000xf32, #tpu.memory_space<hbm>> -> memref<64x128xf32, #tpu.memory_space<hbm>>
        tpu.wait_dma2 semaphore(%arg18 : memref<!tpu.dma_semaphore, #tpu.memory_space<semaphore_mem>>) src(%dma_wait3A_239 : memref<64x128xf32, #tpu.memory_space<hbm>>) dst(%dma_wait3A_236 : memref<64x128xf32, #tpu.memory_space<vmem>>)
      } else {
      }
      %add3A_212 = arith.constant 7 : i32
      %add3A_213 = arith.addi %add3A_60, %add3A_212 : i32
      %lt3A_214 = arith.cmpi slt, %add3A_213, %shift_right_arithmetic3A_9 : i32
      %convert_element_type3A_215 = arith.extui %lt3A_214 : i1 to i32
      %cond3A_216 = arith.constant 0 : i32
      %cond3A_217 = arith.cmpi ne, %convert_element_type3A_215, %cond3A_216 : i32
      scf.if %cond3A_217 {
        %dma_wait3A = arith.constant 448 : i32
        %dma_wait3A_229 = arith.constant 0 : i32
        %dma_wait3A_230 = tpu.memref_slice %arg14[%dma_wait3A, %dma_wait3A_229] : memref<512x128xf32, #tpu.memory_space<vmem>> -> memref<64x128xf32, #tpu.memory_space<vmem>>
        %dma_wait3A_231 = arith.constant 0 : i32
        %dma_wait3A_232 = arith.constant 0 : i32
        %dma_wait3A_233 = tpu.memref_slice %arg3[%dma_wait3A_231, %dma_wait3A_232] : memref<64x1000000xf32, #tpu.memory_space<hbm>> -> memref<64x128xf32, #tpu.memory_space<hbm>>
        %dma_wait3A_234 = arith.constant 448 : i32
        %dma_wait3A_235 = arith.constant 0 : i32
        %dma_wait3A_236 = tpu.memref_slice %arg14[%dma_wait3A_234, %dma_wait3A_235] : memref<512x128xf32, #tpu.memory_space<vmem>> -> memref<64x128xf32, #tpu.memory_space<vmem>>
        %dma_wait3A_237 = arith.constant 0 : i32
        %dma_wait3A_238 = arith.constant 0 : i32
        %dma_wait3A_239 = tpu.memref_slice %arg3[%dma_wait3A_237, %dma_wait3A_238] : memref<64x1000000xf32, #tpu.memory_space<hbm>> -> memref<64x128xf32, #tpu.memory_space<hbm>>
        tpu.wait_dma2 semaphore(%arg18 : memref<!tpu.dma_semaphore, #tpu.memory_space<semaphore_mem>>) src(%dma_wait3A_239 : memref<64x128xf32, #tpu.memory_space<hbm>>) dst(%dma_wait3A_236 : memref<64x128xf32, #tpu.memory_space<vmem>>)
      } else {
      }
      %while3A_218 = arith.constant 0 : i32
      %while3A_219 = arith.subi %shift_right_arithmetic3A_38, %while3A_218 : i32
      %while3A_220 = arith.addi %while3A_218, %while3A_219 : i32
      %while3A_221 = arith.constant 1 : i32
      %while3A_222 = arith.divsi %while3A_219, %while3A_221 : i32
      %while3A_223 = arith.muli %while3A_222, %while3A_221 : i32
      %while3A_224 = arith.addi %while3A_218, %while3A_223 : i32
      %while3A_225 = arith.constant 1 : i32
      %while3A_226 = scf.for %while3A_229 = %while3A_218 to %while3A_224 step %while3A_225 iter_args(%while3A_230 = %while3A_57) -> (vector<16xi32>)  : i32 {
        %gt3A_231 = arith.constant 0 : i32
        %gt3A_232 = arith.cmpi sgt, %while3A_229, %gt3A_231 : i32
        %gt3A_233 = arith.constant 1 : i32
        %gt3A_234 = arith.cmpi sgt, %shift_right_arithmetic3A_38, %gt3A_233 : i32
        %or3A = arith.ori %gt3A_232, %gt3A_234 : i1
        %convert_element_type3A_235 = arith.extui %or3A : i1 to i32
        %cond3A_236 = arith.constant 0 : i32
        %cond3A_237 = arith.cmpi ne, %convert_element_type3A_235, %cond3A_236 : i32
        scf.if %cond3A_237 {
          %mul3A_261 = arith.constant 2048 : i32
          %mul3A_262 = arith.muli %while3A_229, %mul3A_261 : i32
          %multiple_of3A = tpu.assume_multiple %mul3A_262, 2048 : i32
          "tpu.region"() ({
            %run_scoped3A = tpu.sem_alloc : memref<!tpu.dma_semaphore, #tpu.memory_space<semaphore_mem>>
            %dma_start3A = tpu.memref_slice %arg6[%add3A, %multiple_of3A] : memref<32x65536xi32, #tpu.memory_space<hbm>> -> memref<1x2048xi32, #tpu.memory_space<hbm>>
            %dma_start3A_266 = tpu.memref_squeeze %dma_start3A : memref<1x2048xi32, #tpu.memory_space<hbm>> -> memref<2048xi32, #tpu.memory_space<hbm>>
            %dma_start3A_267 = tpu.memref_slice %arg6[%add3A, %multiple_of3A] : memref<32x65536xi32, #tpu.memory_space<hbm>> -> memref<1x2048xi32, #tpu.memory_space<hbm>>
            %dma_start3A_268 = tpu.memref_squeeze %dma_start3A_267 : memref<1x2048xi32, #tpu.memory_space<hbm>> -> memref<2048xi32, #tpu.memory_space<hbm>>
            tpu.enqueue_dma source(%dma_start3A_268 : memref<2048xi32, #tpu.memory_space<hbm>>) target(%arg8 : memref<2048xi32, #tpu.memory_space<vmem>>) target_semaphore(%run_scoped3A : memref<!tpu.dma_semaphore, #tpu.memory_space<semaphore_mem>>)
            %dma_wait3A = tpu.memref_slice %arg6[%add3A, %multiple_of3A] : memref<32x65536xi32, #tpu.memory_space<hbm>> -> memref<1x2048xi32, #tpu.memory_space<hbm>>
            %dma_wait3A_269 = tpu.memref_squeeze %dma_wait3A : memref<1x2048xi32, #tpu.memory_space<hbm>> -> memref<2048xi32, #tpu.memory_space<hbm>>
            %dma_wait3A_270 = tpu.memref_slice %arg6[%add3A, %multiple_of3A] : memref<32x65536xi32, #tpu.memory_space<hbm>> -> memref<1x2048xi32, #tpu.memory_space<hbm>>
            %dma_wait3A_271 = tpu.memref_squeeze %dma_wait3A_270 : memref<1x2048xi32, #tpu.memory_space<hbm>> -> memref<2048xi32, #tpu.memory_space<hbm>>
            tpu.wait_dma2 semaphore(%run_scoped3A : memref<!tpu.dma_semaphore, #tpu.memory_space<semaphore_mem>>) src(%dma_wait3A_271 : memref<2048xi32, #tpu.memory_space<hbm>>) dst(%arg8 : memref<2048xi32, #tpu.memory_space<vmem>>)
            tpu.yield
          }) : () -> ()
          %mul3A_263 = arith.constant 2048 : i32
          %mul3A_264 = arith.muli %while3A_229, %mul3A_263 : i32
          %multiple_of3A_265 = tpu.assume_multiple %mul3A_264, 2048 : i32
          "tpu.region"() ({
            %run_scoped3A = tpu.sem_alloc : memref<!tpu.dma_semaphore, #tpu.memory_space<semaphore_mem>>
            %dma_start3A = tpu.memref_slice %arg7[%add3A, %multiple_of3A_265] : memref<32x65536xi32, #tpu.memory_space<hbm>> -> memref<1x2048xi32, #tpu.memory_space<hbm>>
            %dma_start3A_266 = tpu.memref_squeeze %dma_start3A : memref<1x2048xi32, #tpu.memory_space<hbm>> -> memref<2048xi32, #tpu.memory_space<hbm>>
            %dma_start3A_267 = tpu.memref_slice %arg7[%add3A, %multiple_of3A_265] : memref<32x65536xi32, #tpu.memory_space<hbm>> -> memref<1x2048xi32, #tpu.memory_space<hbm>>
            %dma_start3A_268 = tpu.memref_squeeze %dma_start3A_267 : memref<1x2048xi32, #tpu.memory_space<hbm>> -> memref<2048xi32, #tpu.memory_space<hbm>>
            tpu.enqueue_dma source(%dma_start3A_268 : memref<2048xi32, #tpu.memory_space<hbm>>) target(%arg9 : memref<2048xi32, #tpu.memory_space<vmem>>) target_semaphore(%run_scoped3A : memref<!tpu.dma_semaphore, #tpu.memory_space<semaphore_mem>>)
            %dma_wait3A = tpu.memref_slice %arg7[%add3A, %multiple_of3A_265] : memref<32x65536xi32, #tpu.memory_space<hbm>> -> memref<1x2048xi32, #tpu.memory_space<hbm>>
            %dma_wait3A_269 = tpu.memref_squeeze %dma_wait3A : memref<1x2048xi32, #tpu.memory_space<hbm>> -> memref<2048xi32, #tpu.memory_space<hbm>>
            %dma_wait3A_270 = tpu.memref_slice %arg7[%add3A, %multiple_of3A_265] : memref<32x65536xi32, #tpu.memory_space<hbm>> -> memref<1x2048xi32, #tpu.memory_space<hbm>>
            %dma_wait3A_271 = tpu.memref_squeeze %dma_wait3A_270 : memref<1x2048xi32, #tpu.memory_space<hbm>> -> memref<2048xi32, #tpu.memory_space<hbm>>
            tpu.wait_dma2 semaphore(%run_scoped3A : memref<!tpu.dma_semaphore, #tpu.memory_space<semaphore_mem>>) src(%dma_wait3A_271 : memref<2048xi32, #tpu.memory_space<hbm>>) dst(%arg9 : memref<2048xi32, #tpu.memory_space<vmem>>)
            tpu.yield
          }) : () -> ()
        } else {
        }
        %scan3A_238 = arith.constant 0 : i32
        %scan3A_239 = arith.constant 128 : i32
        %scan3A_240 = arith.addi %scan3A_238, %scan3A_239 : i32
        %scan3A_241 = arith.constant 1 : i32
        %scan3A_242 = scf.for %scan3A_261 = %scan3A_238 to %scan3A_240 step %scan3A_241 iter_args(%scan3A_262 = %broadcast_in_dim3A_17) -> (vector<16xi32>)  : i32 {
          %mul3A_263 = arith.constant 16 : i32
          %mul3A_264 = arith.muli %scan3A_261, %mul3A_263 : i32
          %get3A = arith.index_cast %mul3A_264 : i32 to index
          %get3A_265 = tpu.vector_load %arg8[%get3A] {strides = array<i32>} : memref<2048xi32, #tpu.memory_space<vmem>>, vector<16xi32>,
          %mul3A_266 = arith.constant 16 : i32
          %mul3A_267 = arith.muli %scan3A_261, %mul3A_266 : i32
          %get3A_268 = arith.index_cast %mul3A_267 : i32 to index
          %get3A_269 = tpu.vector_load %arg9[%get3A_268] {strides = array<i32>} : memref<2048xi32, #tpu.memory_space<vmem>>, vector<16xi32>,
          %shift_right_logical3A = arith.constant 7 : i32
          %shift_right_logical3A_270 = vector.broadcast %shift_right_logical3A : i32 to vector<16xi32>
          %shift_right_logical3A_271 = arith.shrui %get3A_269, %shift_right_logical3A_270 : vector<16xi32>
          %mul3A_272 = arith.constant 2048 : i32
          %mul3A_273 = arith.muli %while3A_229, %mul3A_272 : i32
          %mul3A_274 = arith.constant 16 : i32
          %mul3A_275 = arith.muli %scan3A_261, %mul3A_274 : i32
          %add3A_276 = arith.addi %mul3A_273, %mul3A_275 : i32
          %add3A_277 = vector.broadcast %add3A_276 : i32 to vector<16xi32>
          %add3A_278 = arith.addi %add3A_277, %iota3A : vector<16xi32>
          %lt3A_279 = vector.broadcast %squeeze3A_30 : i32 to vector<16xi32>
          %lt3A_280 = arith.cmpi slt, %add3A_278, %lt3A_279 : vector<16xi32>
          %ge3A = vector.broadcast %add3A_60 : i32 to vector<16xi32>
          %ge3A_281 = arith.cmpi sge, %shift_right_logical3A_271, %ge3A : vector<16xi32>
          %add3A_282 = arith.constant 8 : i32
          %add3A_283 = arith.addi %add3A_60, %add3A_282 : i32
          %lt3A_284 = vector.broadcast %add3A_283 : i32 to vector<16xi32>
          %lt3A_285 = arith.cmpi slt, %shift_right_logical3A_271, %lt3A_284 : vector<16xi32>
          %and3A_286 = arith.andi %ge3A_281, %lt3A_285 : vector<16xi1>
          %and3A_287 = arith.andi %and3A_286, %lt3A_280 : vector<16xi1>
          %convert_element_type3A_288 = arith.extui %and3A_287 : vector<16xi1> to vector<16xi32>
          %broadcast_in_dim3A_289 = arith.constant true
          %broadcast_in_dim3A_290 = vector.broadcast %broadcast_in_dim3A_289 : i1 to vector<16xi1>
          %masked_cumsum3A = tpu.scan <sum>, %convert_element_type3A_288 masked %broadcast_in_dim3A_290 : vector<16xi32>, vector<16xi1> -> vector<16xi32>
          %add3A_291 = arith.addi %scan3A_262, %masked_cumsum3A : vector<16xi32>
          %sub3A_292 = arith.constant 1 : i32
          %sub3A_293 = vector.broadcast %sub3A_292 : i32 to vector<16xi32>
          %sub3A_294 = arith.subi %add3A_291, %sub3A_293 : vector<16xi32>
          %add3A_295 = arith.constant 2064 : i32
          %add3A_296 = vector.broadcast %add3A_295 : i32 to vector<16xi32>
          %add3A_297 = arith.addi %add3A_296, %iota3A : vector<16xi32>
          %select_n3A = arith.select %and3A_287, %sub3A_294, %add3A_297 : vector<16xi1>, vector<16xi32>
          tpu.vector_store_idx %arg12[%select_n3A], %get3A_265 : memref<2080xi32, #tpu.memory_space<vmem>>[vector<16xi32>], vector<16xi32>,
          tpu.vector_store_idx %arg13[%select_n3A], %get3A_269 : memref<2080xi32, #tpu.memory_space<vmem>>[vector<16xi32>], vector<16xi32>,
          %all_reduce_population_count3A = tpu.all_reduce %and3A_287 {dim = 0 : i64, kind = #tpu.reduction_kind<sum>} : vector<16xi1> -> vector<16xi32>
          %add3A_298 = arith.addi %scan3A_262, %all_reduce_population_count3A : vector<16xi32>
          scf.yield %add3A_298 : vector<16xi32>
        }
        %scan3A_243 = arith.constant 128 : i32
        %slice3A_244 = vector.extract_strided_slice %scan3A_242 {offsets = [0], sizes = [1], strides = [1]} : vector<16xi32> to vector<1xi32>
        %squeeze3A_245 = vector.extract %slice3A_244[0] : i32 from vector<1xi32>
        %add3A_246 = arith.constant 15 : i32
        %add3A_247 = arith.addi %squeeze3A_245, %add3A_246 : i32
        %shift_right_arithmetic3A_248 = arith.constant 4 : i32
        %shift_right_arithmetic3A_249 = arith.shrsi %add3A_247, %shift_right_arithmetic3A_248 : i32
        %while3A_250 = arith.constant 0 : i32
        %while3A_251 = arith.subi %shift_right_arithmetic3A_249, %while3A_250 : i32
        %while3A_252 = arith.addi %while3A_250, %while3A_251 : i32
        %while3A_253 = arith.constant 1 : i32
        %while3A_254 = arith.divsi %while3A_251, %while3A_253 : i32
        %while3A_255 = arith.muli %while3A_254, %while3A_253 : i32
        %while3A_256 = arith.addi %while3A_250, %while3A_255 : i32
        %while3A_257 = arith.constant 1 : i32
        %while3A_258 = scf.for %while3A_261 = %while3A_250 to %while3A_256 step %while3A_257 iter_args(%while3A_262 = %while3A_230) -> (vector<16xi32>)  : i32 {
          %mul3A_263 = arith.constant 16 : i32
          %mul3A_264 = arith.muli %while3A_261, %mul3A_263 : i32
          %get3A = arith.index_cast %mul3A_264 : i32 to index
          %get3A_265 = tpu.vector_load %arg12[%get3A] {strides = array<i32>} : memref<2080xi32, #tpu.memory_space<vmem>>, vector<16xi32>,
          %mul3A_266 = arith.constant 16 : i32
          %mul3A_267 = arith.muli %while3A_261, %mul3A_266 : i32
          %get3A_268 = arith.index_cast %mul3A_267 : i32 to index
          %get3A_269 = tpu.vector_load %arg13[%get3A_268] {strides = array<i32>} : memref<2080xi32, #tpu.memory_space<vmem>>, vector<16xi32>,
          %mul3A_270 = arith.constant 16 : i32
          %mul3A_271 = arith.muli %while3A_261, %mul3A_270 : i32
          %add3A_272 = vector.broadcast %mul3A_271 : i32 to vector<16xi32>
          %add3A_273 = arith.addi %add3A_272, %iota3A : vector<16xi32>
          %lt3A_274 = vector.broadcast %squeeze3A_245 : i32 to vector<16xi32>
          %lt3A_275 = arith.cmpi slt, %add3A_273, %lt3A_274 : vector<16xi32>
          %shift_right_logical3A = arith.constant 7 : i32
          %shift_right_logical3A_276 = vector.broadcast %shift_right_logical3A : i32 to vector<16xi32>
          %shift_right_logical3A_277 = arith.shrui %get3A_269, %shift_right_logical3A_276 : vector<16xi32>
          %sub3A_278 = vector.broadcast %add3A_60 : i32 to vector<16xi32>
          %sub3A_279 = arith.subi %shift_right_logical3A_277, %sub3A_278 : vector<16xi32>
          %jit3A = arith.constant 0 : i32
          %broadcast_in_dim3A_280 = vector.broadcast %jit3A : i32 to vector<16xi32>
          %select_n3A = arith.select %lt3A_275, %sub3A_279, %broadcast_in_dim3A_280 : vector<16xi1>, vector<16xi32>
          %and3A_281 = arith.constant 127 : i32
          %and3A_282 = vector.broadcast %and3A_281 : i32 to vector<16xi32>
          %and3A_283 = arith.andi %get3A_269, %and3A_282 : vector<16xi32>
          %select_n3A_284 = arith.select %lt3A_275, %get3A_265, %add3A_16 : vector<16xi1>, vector<16xi32>
          %mul3A_285 = arith.constant 64 : i32
          %mul3A_286 = vector.broadcast %mul3A_285 : i32 to vector<16xi32>
          %mul3A_287 = arith.muli %select_n3A, %mul3A_286 : vector<16xi32>
          %slice3A_288 = vector.extract_strided_slice %while3A_262 {offsets = [0], sizes = [1], strides = [1]} : vector<16xi32> to vector<1xi32>
          %squeeze3A_289 = vector.extract %slice3A_288[0] : i32 from vector<1xi32>
          %add3A_290 = vector.broadcast %squeeze3A_289 : i32 to vector<16xi32>
          %add3A_291 = arith.addi %add3A_290, %iota3A : vector<16xi32>
          %scan3A_292 = arith.constant 0 : i32
          %scan3A_293 = arith.constant 0 : i32
          %scan3A_294 = arith.constant 16 : i32
          %scan3A_295 = arith.addi %scan3A_293, %scan3A_294 : i32
          %scan3A_296 = arith.constant 1 : i32
          scf.for %scan3A_312 = %scan3A_293 to %scan3A_295 step %scan3A_296  : i32 {
            %mul3A_313 = arith.constant 4 : i32
            %mul3A_314 = arith.muli %scan3A_312, %mul3A_313 : i32
            %add3A_315 = arith.constant 0 : i32
            %add3A_316 = arith.addi %mul3A_314, %add3A_315 : i32
            %add3A_317 = vector.broadcast %add3A_316 : i32 to vector<16xi32>
            %add3A_318 = arith.addi %mul3A_287, %add3A_317 : vector<16xi32>
            %gather3A = tpu.vector_load_idx %arg14[%add3A_318, %and3A_283] : memref<512x128xf32, #tpu.memory_space<vmem>>[vector<16xi32>, vector<16xi32>], vector<16xf32>,
            %broadcast_in_dim3A_319 = arith.constant 0 : i32
            %broadcast_in_dim3A_320 = vector.broadcast %broadcast_in_dim3A_319 : i32 to vector<16xi32>
            %add3A_321 = vector.broadcast %add3A_316 : i32 to vector<16xi32>
            %add3A_322 = arith.addi %broadcast_in_dim3A_320, %add3A_321 : vector<16xi32>
            tpu.vector_store_idx %arg15[%add3A_291, %add3A_322], %gather3A : memref<144x128xf32, #tpu.memory_space<vmem>>[vector<16xi32>, vector<16xi32>], vector<16xf32>,
            %mul3A_323 = arith.constant 4 : i32
            %mul3A_324 = arith.muli %scan3A_312, %mul3A_323 : i32
            %add3A_325 = arith.constant 1 : i32
            %add3A_326 = arith.addi %mul3A_324, %add3A_325 : i32
            %add3A_327 = vector.broadcast %add3A_326 : i32 to vector<16xi32>
            %add3A_328 = arith.addi %mul3A_287, %add3A_327 : vector<16xi32>
            %gather3A_329 = tpu.vector_load_idx %arg14[%add3A_328, %and3A_283] : memref<512x128xf32, #tpu.memory_space<vmem>>[vector<16xi32>, vector<16xi32>], vector<16xf32>,
            %broadcast_in_dim3A_330 = arith.constant 0 : i32
            %broadcast_in_dim3A_331 = vector.broadcast %broadcast_in_dim3A_330 : i32 to vector<16xi32>
            %add3A_332 = vector.broadcast %add3A_326 : i32 to vector<16xi32>
            %add3A_333 = arith.addi %broadcast_in_dim3A_331, %add3A_332 : vector<16xi32>
            tpu.vector_store_idx %arg15[%add3A_291, %add3A_333], %gather3A_329 : memref<144x128xf32, #tpu.memory_space<vmem>>[vector<16xi32>, vector<16xi32>], vector<16xf32>,
            %mul3A_334 = arith.constant 4 : i32
            %mul3A_335 = arith.muli %scan3A_312, %mul3A_334 : i32
            %add3A_336 = arith.constant 2 : i32
            %add3A_337 = arith.addi %mul3A_335, %add3A_336 : i32
            %add3A_338 = vector.broadcast %add3A_337 : i32 to vector<16xi32>
            %add3A_339 = arith.addi %mul3A_287, %add3A_338 : vector<16xi32>
            %gather3A_340 = tpu.vector_load_idx %arg14[%add3A_339, %and3A_283] : memref<512x128xf32, #tpu.memory_space<vmem>>[vector<16xi32>, vector<16xi32>], vector<16xf32>,
            %broadcast_in_dim3A_341 = arith.constant 0 : i32
            %broadcast_in_dim3A_342 = vector.broadcast %broadcast_in_dim3A_341 : i32 to vector<16xi32>
            %add3A_343 = vector.broadcast %add3A_337 : i32 to vector<16xi32>
            %add3A_344 = arith.addi %broadcast_in_dim3A_342, %add3A_343 : vector<16xi32>
            tpu.vector_store_idx %arg15[%add3A_291, %add3A_344], %gather3A_340 : memref<144x128xf32, #tpu.memory_space<vmem>>[vector<16xi32>, vector<16xi32>], vector<16xf32>,
            %mul3A_345 = arith.constant 4 : i32
            %mul3A_346 = arith.muli %scan3A_312, %mul3A_345 : i32
            %add3A_347 = arith.constant 3 : i32
            %add3A_348 = arith.addi %mul3A_346, %add3A_347 : i32
            %add3A_349 = vector.broadcast %add3A_348 : i32 to vector<16xi32>
            %add3A_350 = arith.addi %mul3A_287, %add3A_349 : vector<16xi32>
            %gather3A_351 = tpu.vector_load_idx %arg14[%add3A_350, %and3A_283] : memref<512x128xf32, #tpu.memory_space<vmem>>[vector<16xi32>, vector<16xi32>], vector<16xf32>,
            %broadcast_in_dim3A_352 = arith.constant 0 : i32
            %broadcast_in_dim3A_353 = vector.broadcast %broadcast_in_dim3A_352 : i32 to vector<16xi32>
            %add3A_354 = vector.broadcast %add3A_348 : i32 to vector<16xi32>
            %add3A_355 = arith.addi %broadcast_in_dim3A_353, %add3A_354 : vector<16xi32>
            tpu.vector_store_idx %arg15[%add3A_291, %add3A_355], %gather3A_351 : memref<144x128xf32, #tpu.memory_space<vmem>>[vector<16xi32>, vector<16xi32>], vector<16xf32>,
          }
          %scan3A_297 = arith.constant 16 : i32
          %swap3A = arith.index_cast %squeeze3A_289 : i32 to index
          %swap3A_298 = tpu.vector_load %arg16[%swap3A] {strides = array<i32>} : memref<144xi32, #tpu.memory_space<vmem>>, vector<16xi32>,
          tpu.vector_store %arg16[%swap3A], %select_n3A_284 {strides = array<i32>} : memref<144xi32, #tpu.memory_space<vmem>>, vector<16xi32>,
          %add3A_299 = arith.constant 16 : i32
          %add3A_300 = vector.broadcast %add3A_299 : i32 to vector<16xi32>
          %add3A_301 = arith.addi %while3A_262, %add3A_300 : vector<16xi32>
          %slice3A_302 = vector.extract_strided_slice %add3A_301 {offsets = [0], sizes = [1], strides = [1]} : vector<16xi32> to vector<1xi32>
          %squeeze3A_303 = vector.extract %slice3A_302[0] : i32 from vector<1xi32>
          %ge3A = arith.constant 128 : i32
          %ge3A_304 = arith.cmpi sge, %squeeze3A_303, %ge3A : i32
          %convert_element_type3A_305 = arith.extui %ge3A_304 : i1 to i32
          %cond3A_306 = arith.constant 0 : i32
          %cond3A_307 = arith.cmpi ne, %convert_element_type3A_305, %cond3A_306 : i32
          scf.if %cond3A_307 {
            %get3A_312 = arith.constant 0 : index
            %get3A_313 = tpu.vector_load %arg16[%get3A_312] {strides = array<i32>} : memref<144xi32, #tpu.memory_space<vmem>>, vector<16xi32>,
            %swap3A_314 = arith.constant 0 : i32
            %swap3A_315 = arith.index_cast %swap3A_314 : i32 to index
            %swap3A_316 = arith.constant 0 : index
            %swap3A_317 = tpu.vector_load %arg17[%swap3A_315, %swap3A_316] {strides = array<i32>} : memref<1x128xi32, #tpu.memory_space<vmem>>, vector<16xi32>,
            tpu.vector_store %arg17[%swap3A_315, %swap3A_316], %get3A_313 {strides = array<i32>} : memref<1x128xi32, #tpu.memory_space<vmem>>, vector<16xi32>,
            %get3A_318 = arith.constant 16 : index
            %get3A_319 = tpu.vector_load %arg16[%get3A_318] {strides = array<i32>} : memref<144xi32, #tpu.memory_space<vmem>>, vector<16xi32>,
            %swap3A_320 = arith.constant 0 : i32
            %swap3A_321 = arith.index_cast %swap3A_320 : i32 to index
            %swap3A_322 = arith.constant 16 : index
            %swap3A_323 = tpu.vector_load %arg17[%swap3A_321, %swap3A_322] {strides = array<i32>} : memref<1x128xi32, #tpu.memory_space<vmem>>, vector<16xi32>,
            tpu.vector_store %arg17[%swap3A_321, %swap3A_322], %get3A_319 {strides = array<i32>} : memref<1x128xi32, #tpu.memory_space<vmem>>, vector<16xi32>,
            %get3A_324 = arith.constant 32 : index
            %get3A_325 = tpu.vector_load %arg16[%get3A_324] {strides = array<i32>} : memref<144xi32, #tpu.memory_space<vmem>>, vector<16xi32>,
            %swap3A_326 = arith.constant 0 : i32
            %swap3A_327 = arith.index_cast %swap3A_326 : i32 to index
            %swap3A_328 = arith.constant 32 : index
            %swap3A_329 = tpu.vector_load %arg17[%swap3A_327, %swap3A_328] {strides = array<i32>} : memref<1x128xi32, #tpu.memory_space<vmem>>, vector<16xi32>,
            tpu.vector_store %arg17[%swap3A_327, %swap3A_328], %get3A_325 {strides = array<i32>} : memref<1x128xi32, #tpu.memory_space<vmem>>, vector<16xi32>,
            %get3A_330 = arith.constant 48 : index
            %get3A_331 = tpu.vector_load %arg16[%get3A_330] {strides = array<i32>} : memref<144xi32, #tpu.memory_space<vmem>>, vector<16xi32>,
            %swap3A_332 = arith.constant 0 : i32
            %swap3A_333 = arith.index_cast %swap3A_332 : i32 to index
            %swap3A_334 = arith.constant 48 : index
            %swap3A_335 = tpu.vector_load %arg17[%swap3A_333, %swap3A_334] {strides = array<i32>} : memref<1x128xi32, #tpu.memory_space<vmem>>, vector<16xi32>,
            tpu.vector_store %arg17[%swap3A_333, %swap3A_334], %get3A_331 {strides = array<i32>} : memref<1x128xi32, #tpu.memory_space<vmem>>, vector<16xi32>,
            %get3A_336 = arith.constant 64 : index
            %get3A_337 = tpu.vector_load %arg16[%get3A_336] {strides = array<i32>} : memref<144xi32, #tpu.memory_space<vmem>>, vector<16xi32>,
            %swap3A_338 = arith.constant 0 : i32
            %swap3A_339 = arith.index_cast %swap3A_338 : i32 to index
            %swap3A_340 = arith.constant 64 : index
            %swap3A_341 = tpu.vector_load %arg17[%swap3A_339, %swap3A_340] {strides = array<i32>} : memref<1x128xi32, #tpu.memory_space<vmem>>, vector<16xi32>,
            tpu.vector_store %arg17[%swap3A_339, %swap3A_340], %get3A_337 {strides = array<i32>} : memref<1x128xi32, #tpu.memory_space<vmem>>, vector<16xi32>,
            %get3A_342 = arith.constant 80 : index
            %get3A_343 = tpu.vector_load %arg16[%get3A_342] {strides = array<i32>} : memref<144xi32, #tpu.memory_space<vmem>>, vector<16xi32>,
            %swap3A_344 = arith.constant 0 : i32
            %swap3A_345 = arith.index_cast %swap3A_344 : i32 to index
            %swap3A_346 = arith.constant 80 : index
            %swap3A_347 = tpu.vector_load %arg17[%swap3A_345, %swap3A_346] {strides = array<i32>} : memref<1x128xi32, #tpu.memory_space<vmem>>, vector<16xi32>,
            tpu.vector_store %arg17[%swap3A_345, %swap3A_346], %get3A_343 {strides = array<i32>} : memref<1x128xi32, #tpu.memory_space<vmem>>, vector<16xi32>,
            %get3A_348 = arith.constant 96 : index
            %get3A_349 = tpu.vector_load %arg16[%get3A_348] {strides = array<i32>} : memref<144xi32, #tpu.memory_space<vmem>>, vector<16xi32>,
            %swap3A_350 = arith.constant 0 : i32
            %swap3A_351 = arith.index_cast %swap3A_350 : i32 to index
            %swap3A_352 = arith.constant 96 : index
            %swap3A_353 = tpu.vector_load %arg17[%swap3A_351, %swap3A_352] {strides = array<i32>} : memref<1x128xi32, #tpu.memory_space<vmem>>, vector<16xi32>,
            tpu.vector_store %arg17[%swap3A_351, %swap3A_352], %get3A_349 {strides = array<i32>} : memref<1x128xi32, #tpu.memory_space<vmem>>, vector<16xi32>,
            %get3A_354 = arith.constant 112 : index
            %get3A_355 = tpu.vector_load %arg16[%get3A_354] {strides = array<i32>} : memref<144xi32, #tpu.memory_space<vmem>>, vector<16xi32>,
            %swap3A_356 = arith.constant 0 : i32
            %swap3A_357 = arith.index_cast %swap3A_356 : i32 to index
            %swap3A_358 = arith.constant 112 : index
            %swap3A_359 = tpu.vector_load %arg17[%swap3A_357, %swap3A_358] {strides = array<i32>} : memref<1x128xi32, #tpu.memory_space<vmem>>, vector<16xi32>,
            tpu.vector_store %arg17[%swap3A_357, %swap3A_358], %get3A_355 {strides = array<i32>} : memref<1x128xi32, #tpu.memory_space<vmem>>, vector<16xi32>,
            %dma_start3A = arith.constant 0 : i32
            %dma_start3A_360 = arith.constant 0 : i32
            %dma_start3A_361 = arith.constant 0 : i32
            %dma_start3A_362 = tpu.memref_slice %arg15[%dma_start3A_360, %dma_start3A_361] : memref<144x128xf32, #tpu.memory_space<vmem>> -> memref<128x128xf32, #tpu.memory_space<vmem>>
            %dma_start3A_363 = arith.constant 0 : i32
            %dma_start3A_364 = tpu.memref_slice %arg17[%dma_start3A, %dma_start3A_363] : memref<1x128xi32, #tpu.memory_space<vmem>> -> memref<1x128xi32, #tpu.memory_space<vmem>>
            %dma_start3A_365 = tpu.memref_squeeze %dma_start3A_364 : memref<1x128xi32, #tpu.memory_space<vmem>> -> memref<128xi32, #tpu.memory_space<vmem>>
            %dma_start3A_366 = arith.constant 0 : i32
            %dma_start3A_367 = arith.constant 0 : i32
            %dma_start3A_368 = tpu.memref_slice %arg5[%dma_start3A_366, %dma_start3A_367] : memref<66048x128xf32, #tpu.memory_space<hbm>> -> memref<66048x128xf32, #tpu.memory_space<hbm>>
            tpu.enqueue_indirect_dma source(%dma_start3A_362 : memref<128x128xf32, #tpu.memory_space<vmem>>) target(%dma_start3A_368 : memref<66048x128xf32, #tpu.memory_space<hbm>>) offsets(%dma_start3A_365 : memref<128xi32, #tpu.memory_space<vmem>>) semaphore(%arg19 : memref<!tpu.dma_semaphore, #tpu.memory_space<semaphore_mem>>)
            %dma_wait3A = arith.constant 0 : i32
            %dma_wait3A_369 = arith.constant 0 : i32
            %dma_wait3A_370 = arith.constant 0 : i32
            %dma_wait3A_371 = tpu.memref_slice %arg15[%dma_wait3A_369, %dma_wait3A_370] : memref<144x128xf32, #tpu.memory_space<vmem>> -> memref<128x128xf32, #tpu.memory_space<vmem>>
            %dma_wait3A_372 = arith.constant 0 : i32
            %dma_wait3A_373 = tpu.memref_slice %arg17[%dma_wait3A, %dma_wait3A_372] : memref<1x128xi32, #tpu.memory_space<vmem>> -> memref<1x128xi32, #tpu.memory_space<vmem>>
            %dma_wait3A_374 = tpu.memref_squeeze %dma_wait3A_373 : memref<1x128xi32, #tpu.memory_space<vmem>> -> memref<128xi32, #tpu.memory_space<vmem>>
            %dma_wait3A_375 = arith.constant 0 : i32
            %dma_wait3A_376 = arith.constant 0 : i32
            %dma_wait3A_377 = tpu.memref_slice %arg5[%dma_wait3A_375, %dma_wait3A_376] : memref<66048x128xf32, #tpu.memory_space<hbm>> -> memref<66048x128xf32, #tpu.memory_space<hbm>>
            tpu.wait_indirect_dma semaphore(%arg19 : memref<!tpu.dma_semaphore, #tpu.memory_space<semaphore_mem>>) src(%dma_wait3A_371 : memref<128x128xf32, #tpu.memory_space<vmem>>) dst(%dma_wait3A_377 : memref<66048x128xf32, #tpu.memory_space<hbm>>)
            %slice3A_378 = vector.extract_strided_slice %add3A_301 {offsets = [0], sizes = [1], strides = [1]} : vector<16xi32> to vector<1xi32>
            %squeeze3A_379 = vector.extract %slice3A_378[0] : i32 from vector<1xi32>
            %sub3A_380 = arith.constant 128 : i32
            %sub3A_381 = arith.subi %squeeze3A_379, %sub3A_380 : i32
            %while3A_382 = arith.constant 0 : i32
            %while3A_383 = arith.constant 0 : i32
            %while3A_384 = arith.subi %sub3A_381, %while3A_383 : i32
            %while3A_385 = arith.addi %while3A_383, %while3A_384 : i32
            %while3A_386 = arith.constant 1 : i32
            %while3A_387 = arith.divsi %while3A_384, %while3A_386 : i32
            %while3A_388 = arith.muli %while3A_387, %while3A_386 : i32
            %while3A_389 = arith.addi %while3A_383, %while3A_388 : i32
            %while3A_390 = arith.constant 1 : i32
            scf.for %while3A_396 = %while3A_383 to %while3A_389 step %while3A_390  : i32 {
              %add3A_397 = arith.constant 128 : i32
              %add3A_398 = arith.addi %add3A_397, %while3A_396 : i32
              %get3A_399 = arith.index_cast %add3A_398 : i32 to index
              %get3A_400 = arith.constant 0 : index
              %get3A_401 = tpu.vector_load %arg15[%get3A_399, %get3A_400] {strides = array<i32>} : memref<144x128xf32, #tpu.memory_space<vmem>>, vector<16xf32>,
              %swap3A_402 = arith.index_cast %while3A_396 : i32 to index
              %swap3A_403 = arith.constant 0 : index
              %swap3A_404 = tpu.vector_load %arg15[%swap3A_402, %swap3A_403] {strides = array<i32>} : memref<144x128xf32, #tpu.memory_space<vmem>>, vector<16xf32>,
              tpu.vector_store %arg15[%swap3A_402, %swap3A_403], %get3A_401 {strides = array<i32>} : memref<144x128xf32, #tpu.memory_space<vmem>>, vector<16xf32>,
              %add3A_405 = arith.constant 128 : i32
              %add3A_406 = arith.addi %add3A_405, %while3A_396 : i32
              %get3A_407 = arith.index_cast %add3A_406 : i32 to index
              %get3A_408 = arith.constant 16 : index
              %get3A_409 = tpu.vector_load %arg15[%get3A_407, %get3A_408] {strides = array<i32>} : memref<144x128xf32, #tpu.memory_space<vmem>>, vector<16xf32>,
              %swap3A_410 = arith.index_cast %while3A_396 : i32 to index
              %swap3A_411 = arith.constant 16 : index
              %swap3A_412 = tpu.vector_load %arg15[%swap3A_410, %swap3A_411] {strides = array<i32>} : memref<144x128xf32, #tpu.memory_space<vmem>>, vector<16xf32>,
              tpu.vector_store %arg15[%swap3A_410, %swap3A_411], %get3A_409 {strides = array<i32>} : memref<144x128xf32, #tpu.memory_space<vmem>>, vector<16xf32>,
              %add3A_413 = arith.constant 128 : i32
              %add3A_414 = arith.addi %add3A_413, %while3A_396 : i32
              %get3A_415 = arith.index_cast %add3A_414 : i32 to index
              %get3A_416 = arith.constant 32 : index
              %get3A_417 = tpu.vector_load %arg15[%get3A_415, %get3A_416] {strides = array<i32>} : memref<144x128xf32, #tpu.memory_space<vmem>>, vector<16xf32>,
              %swap3A_418 = arith.index_cast %while3A_396 : i32 to index
              %swap3A_419 = arith.constant 32 : index
              %swap3A_420 = tpu.vector_load %arg15[%swap3A_418, %swap3A_419] {strides = array<i32>} : memref<144x128xf32, #tpu.memory_space<vmem>>, vector<16xf32>,
              tpu.vector_store %arg15[%swap3A_418, %swap3A_419], %get3A_417 {strides = array<i32>} : memref<144x128xf32, #tpu.memory_space<vmem>>, vector<16xf32>,
              %add3A_421 = arith.constant 128 : i32
              %add3A_422 = arith.addi %add3A_421, %while3A_396 : i32
              %get3A_423 = arith.index_cast %add3A_422 : i32 to index
              %get3A_424 = arith.constant 48 : index
              %get3A_425 = tpu.vector_load %arg15[%get3A_423, %get3A_424] {strides = array<i32>} : memref<144x128xf32, #tpu.memory_space<vmem>>, vector<16xf32>,
              %swap3A_426 = arith.index_cast %while3A_396 : i32 to index
              %swap3A_427 = arith.constant 48 : index
              %swap3A_428 = tpu.vector_load %arg15[%swap3A_426, %swap3A_427] {strides = array<i32>} : memref<144x128xf32, #tpu.memory_space<vmem>>, vector<16xf32>,
              tpu.vector_store %arg15[%swap3A_426, %swap3A_427], %get3A_425 {strides = array<i32>} : memref<144x128xf32, #tpu.memory_space<vmem>>, vector<16xf32>,
              %add3A_429 = arith.constant 128 : i32
              %add3A_430 = arith.addi %add3A_429, %while3A_396 : i32
              %get3A_431 = arith.index_cast %add3A_430 : i32 to index
              %get3A_432 = arith.constant 64 : index
              %get3A_433 = tpu.vector_load %arg15[%get3A_431, %get3A_432] {strides = array<i32>} : memref<144x128xf32, #tpu.memory_space<vmem>>, vector<16xf32>,
              %swap3A_434 = arith.index_cast %while3A_396 : i32 to index
              %swap3A_435 = arith.constant 64 : index
              %swap3A_436 = tpu.vector_load %arg15[%swap3A_434, %swap3A_435] {strides = array<i32>} : memref<144x128xf32, #tpu.memory_space<vmem>>, vector<16xf32>,
              tpu.vector_store %arg15[%swap3A_434, %swap3A_435], %get3A_433 {strides = array<i32>} : memref<144x128xf32, #tpu.memory_space<vmem>>, vector<16xf32>,
              %add3A_437 = arith.constant 128 : i32
              %add3A_438 = arith.addi %add3A_437, %while3A_396 : i32
              %get3A_439 = arith.index_cast %add3A_438 : i32 to index
              %get3A_440 = arith.constant 80 : index
              %get3A_441 = tpu.vector_load %arg15[%get3A_439, %get3A_440] {strides = array<i32>} : memref<144x128xf32, #tpu.memory_space<vmem>>, vector<16xf32>,
              %swap3A_442 = arith.index_cast %while3A_396 : i32 to index
              %swap3A_443 = arith.constant 80 : index
              %swap3A_444 = tpu.vector_load %arg15[%swap3A_442, %swap3A_443] {strides = array<i32>} : memref<144x128xf32, #tpu.memory_space<vmem>>, vector<16xf32>,
              tpu.vector_store %arg15[%swap3A_442, %swap3A_443], %get3A_441 {strides = array<i32>} : memref<144x128xf32, #tpu.memory_space<vmem>>, vector<16xf32>,
              %add3A_445 = arith.constant 128 : i32
              %add3A_446 = arith.addi %add3A_445, %while3A_396 : i32
              %get3A_447 = arith.index_cast %add3A_446 : i32 to index
              %get3A_448 = arith.constant 96 : index
              %get3A_449 = tpu.vector_load %arg15[%get3A_447, %get3A_448] {strides = array<i32>} : memref<144x128xf32, #tpu.memory_space<vmem>>, vector<16xf32>,
              %swap3A_450 = arith.index_cast %while3A_396 : i32 to index
              %swap3A_451 = arith.constant 96 : index
              %swap3A_452 = tpu.vector_load %arg15[%swap3A_450, %swap3A_451] {strides = array<i32>} : memref<144x128xf32, #tpu.memory_space<vmem>>, vector<16xf32>,
              tpu.vector_store %arg15[%swap3A_450, %swap3A_451], %get3A_449 {strides = array<i32>} : memref<144x128xf32, #tpu.memory_space<vmem>>, vector<16xf32>,
              %add3A_453 = arith.constant 128 : i32
              %add3A_454 = arith.addi %add3A_453, %while3A_396 : i32
              %get3A_455 = arith.index_cast %add3A_454 : i32 to index
              %get3A_456 = arith.constant 112 : index
              %get3A_457 = tpu.vector_load %arg15[%get3A_455, %get3A_456] {strides = array<i32>} : memref<144x128xf32, #tpu.memory_space<vmem>>, vector<16xf32>,
              %swap3A_458 = arith.index_cast %while3A_396 : i32 to index
              %swap3A_459 = arith.constant 112 : index
              %swap3A_460 = tpu.vector_load %arg15[%swap3A_458, %swap3A_459] {strides = array<i32>} : memref<144x128xf32, #tpu.memory_space<vmem>>, vector<16xf32>,
              tpu.vector_store %arg15[%swap3A_458, %swap3A_459], %get3A_457 {strides = array<i32>} : memref<144x128xf32, #tpu.memory_space<vmem>>, vector<16xf32>,
            }
            %while3A_391 = arith.constant 1 : i32
            scf.for %while3A_396 = %while3A_389 to %while3A_385 step %while3A_391  : i32 {
              %add3A_397 = arith.constant 128 : i32
              %add3A_398 = arith.addi %add3A_397, %while3A_396 : i32
              %get3A_399 = arith.index_cast %add3A_398 : i32 to index
              %get3A_400 = arith.constant 0 : index
              %get3A_401 = tpu.vector_load %arg15[%get3A_399, %get3A_400] {strides = array<i32>} : memref<144x128xf32, #tpu.memory_space<vmem>>, vector<16xf32>,
              %swap3A_402 = arith.index_cast %while3A_396 : i32 to index
              %swap3A_403 = arith.constant 0 : index
              %swap3A_404 = tpu.vector_load %arg15[%swap3A_402, %swap3A_403] {strides = array<i32>} : memref<144x128xf32, #tpu.memory_space<vmem>>, vector<16xf32>,
              tpu.vector_store %arg15[%swap3A_402, %swap3A_403], %get3A_401 {strides = array<i32>} : memref<144x128xf32, #tpu.memory_space<vmem>>, vector<16xf32>,
              %add3A_405 = arith.constant 128 : i32
              %add3A_406 = arith.addi %add3A_405, %while3A_396 : i32
              %get3A_407 = arith.index_cast %add3A_406 : i32 to index
              %get3A_408 = arith.constant 16 : index
              %get3A_409 = tpu.vector_load %arg15[%get3A_407, %get3A_408] {strides = array<i32>} : memref<144x128xf32, #tpu.memory_space<vmem>>, vector<16xf32>,
              %swap3A_410 = arith.index_cast %while3A_396 : i32 to index
              %swap3A_411 = arith.constant 16 : index
              %swap3A_412 = tpu.vector_load %arg15[%swap3A_410, %swap3A_411] {strides = array<i32>} : memref<144x128xf32, #tpu.memory_space<vmem>>, vector<16xf32>,
              tpu.vector_store %arg15[%swap3A_410, %swap3A_411], %get3A_409 {strides = array<i32>} : memref<144x128xf32, #tpu.memory_space<vmem>>, vector<16xf32>,
              %add3A_413 = arith.constant 128 : i32
              %add3A_414 = arith.addi %add3A_413, %while3A_396 : i32
              %get3A_415 = arith.index_cast %add3A_414 : i32 to index
              %get3A_416 = arith.constant 32 : index
              %get3A_417 = tpu.vector_load %arg15[%get3A_415, %get3A_416] {strides = array<i32>} : memref<144x128xf32, #tpu.memory_space<vmem>>, vector<16xf32>,
              %swap3A_418 = arith.index_cast %while3A_396 : i32 to index
              %swap3A_419 = arith.constant 32 : index
              %swap3A_420 = tpu.vector_load %arg15[%swap3A_418, %swap3A_419] {strides = array<i32>} : memref<144x128xf32, #tpu.memory_space<vmem>>, vector<16xf32>,
              tpu.vector_store %arg15[%swap3A_418, %swap3A_419], %get3A_417 {strides = array<i32>} : memref<144x128xf32, #tpu.memory_space<vmem>>, vector<16xf32>,
              %add3A_421 = arith.constant 128 : i32
              %add3A_422 = arith.addi %add3A_421, %while3A_396 : i32
              %get3A_423 = arith.index_cast %add3A_422 : i32 to index
              %get3A_424 = arith.constant 48 : index
              %get3A_425 = tpu.vector_load %arg15[%get3A_423, %get3A_424] {strides = array<i32>} : memref<144x128xf32, #tpu.memory_space<vmem>>, vector<16xf32>,
              %swap3A_426 = arith.index_cast %while3A_396 : i32 to index
              %swap3A_427 = arith.constant 48 : index
              %swap3A_428 = tpu.vector_load %arg15[%swap3A_426, %swap3A_427] {strides = array<i32>} : memref<144x128xf32, #tpu.memory_space<vmem>>, vector<16xf32>,
              tpu.vector_store %arg15[%swap3A_426, %swap3A_427], %get3A_425 {strides = array<i32>} : memref<144x128xf32, #tpu.memory_space<vmem>>, vector<16xf32>,
              %add3A_429 = arith.constant 128 : i32
              %add3A_430 = arith.addi %add3A_429, %while3A_396 : i32
              %get3A_431 = arith.index_cast %add3A_430 : i32 to index
              %get3A_432 = arith.constant 64 : index
              %get3A_433 = tpu.vector_load %arg15[%get3A_431, %get3A_432] {strides = array<i32>} : memref<144x128xf32, #tpu.memory_space<vmem>>, vector<16xf32>,
              %swap3A_434 = arith.index_cast %while3A_396 : i32 to index
              %swap3A_435 = arith.constant 64 : index
              %swap3A_436 = tpu.vector_load %arg15[%swap3A_434, %swap3A_435] {strides = array<i32>} : memref<144x128xf32, #tpu.memory_space<vmem>>, vector<16xf32>,
              tpu.vector_store %arg15[%swap3A_434, %swap3A_435], %get3A_433 {strides = array<i32>} : memref<144x128xf32, #tpu.memory_space<vmem>>, vector<16xf32>,
              %add3A_437 = arith.constant 128 : i32
              %add3A_438 = arith.addi %add3A_437, %while3A_396 : i32
              %get3A_439 = arith.index_cast %add3A_438 : i32 to index
              %get3A_440 = arith.constant 80 : index
              %get3A_441 = tpu.vector_load %arg15[%get3A_439, %get3A_440] {strides = array<i32>} : memref<144x128xf32, #tpu.memory_space<vmem>>, vector<16xf32>,
              %swap3A_442 = arith.index_cast %while3A_396 : i32 to index
              %swap3A_443 = arith.constant 80 : index
              %swap3A_444 = tpu.vector_load %arg15[%swap3A_442, %swap3A_443] {strides = array<i32>} : memref<144x128xf32, #tpu.memory_space<vmem>>, vector<16xf32>,
              tpu.vector_store %arg15[%swap3A_442, %swap3A_443], %get3A_441 {strides = array<i32>} : memref<144x128xf32, #tpu.memory_space<vmem>>, vector<16xf32>,
              %add3A_445 = arith.constant 128 : i32
              %add3A_446 = arith.addi %add3A_445, %while3A_396 : i32
              %get3A_447 = arith.index_cast %add3A_446 : i32 to index
              %get3A_448 = arith.constant 96 : index
              %get3A_449 = tpu.vector_load %arg15[%get3A_447, %get3A_448] {strides = array<i32>} : memref<144x128xf32, #tpu.memory_space<vmem>>, vector<16xf32>,
              %swap3A_450 = arith.index_cast %while3A_396 : i32 to index
              %swap3A_451 = arith.constant 96 : index
              %swap3A_452 = tpu.vector_load %arg15[%swap3A_450, %swap3A_451] {strides = array<i32>} : memref<144x128xf32, #tpu.memory_space<vmem>>, vector<16xf32>,
              tpu.vector_store %arg15[%swap3A_450, %swap3A_451], %get3A_449 {strides = array<i32>} : memref<144x128xf32, #tpu.memory_space<vmem>>, vector<16xf32>,
              %add3A_453 = arith.constant 128 : i32
              %add3A_454 = arith.addi %add3A_453, %while3A_396 : i32
              %get3A_455 = arith.index_cast %add3A_454 : i32 to index
              %get3A_456 = arith.constant 112 : index
              %get3A_457 = tpu.vector_load %arg15[%get3A_455, %get3A_456] {strides = array<i32>} : memref<144x128xf32, #tpu.memory_space<vmem>>, vector<16xf32>,
              %swap3A_458 = arith.index_cast %while3A_396 : i32 to index
              %swap3A_459 = arith.constant 112 : index
              %swap3A_460 = tpu.vector_load %arg15[%swap3A_458, %swap3A_459] {strides = array<i32>} : memref<144x128xf32, #tpu.memory_space<vmem>>, vector<16xf32>,
              tpu.vector_store %arg15[%swap3A_458, %swap3A_459], %get3A_457 {strides = array<i32>} : memref<144x128xf32, #tpu.memory_space<vmem>>, vector<16xf32>,
            }
            %get3A_392 = arith.constant 128 : index
            %get3A_393 = tpu.vector_load %arg16[%get3A_392] {strides = array<i32>} : memref<144xi32, #tpu.memory_space<vmem>>, vector<16xi32>,
            %swap3A_394 = arith.constant 0 : index
            %swap3A_395 = tpu.vector_load %arg16[%swap3A_394] {strides = array<i32>} : memref<144xi32, #tpu.memory_space<vmem>>, vector<16xi32>,
            tpu.vector_store %arg16[%swap3A_394], %get3A_393 {strides = array<i32>} : memref<144xi32, #tpu.memory_space<vmem>>, vector<16xi32>,
          } else {
          }
          %sub3A_308 = arith.constant 128 : i32
          %sub3A_309 = vector.broadcast %sub3A_308 : i32 to vector<16xi32>
          %sub3A_310 = arith.subi %add3A_301, %sub3A_309 : vector<16xi32>
          %select_n3A_311 = arith.select %ge3A_304, %sub3A_310, %add3A_301 : vector<16xi32>
          scf.yield %select_n3A_311 : vector<16xi32>
        }
        %while3A_259 = arith.constant 1 : i32
        %while3A_260 = scf.for %while3A_261 = %while3A_256 to %while3A_252 step %while3A_259 iter_args(%while3A_262 = %while3A_258) -> (vector<16xi32>)  : i32 {
          %mul3A_263 = arith.constant 16 : i32
          %mul3A_264 = arith.muli %while3A_261, %mul3A_263 : i32
          %get3A = arith.index_cast %mul3A_264 : i32 to index
          %get3A_265 = tpu.vector_load %arg12[%get3A] {strides = array<i32>} : memref<2080xi32, #tpu.memory_space<vmem>>, vector<16xi32>,
          %mul3A_266 = arith.constant 16 : i32
          %mul3A_267 = arith.muli %while3A_261, %mul3A_266 : i32
          %get3A_268 = arith.index_cast %mul3A_267 : i32 to index
          %get3A_269 = tpu.vector_load %arg13[%get3A_268] {strides = array<i32>} : memref<2080xi32, #tpu.memory_space<vmem>>, vector<16xi32>,
          %mul3A_270 = arith.constant 16 : i32
          %mul3A_271 = arith.muli %while3A_261, %mul3A_270 : i32
          %add3A_272 = vector.broadcast %mul3A_271 : i32 to vector<16xi32>
          %add3A_273 = arith.addi %add3A_272, %iota3A : vector<16xi32>
          %lt3A_274 = vector.broadcast %squeeze3A_245 : i32 to vector<16xi32>
          %lt3A_275 = arith.cmpi slt, %add3A_273, %lt3A_274 : vector<16xi32>
          %shift_right_logical3A = arith.constant 7 : i32
          %shift_right_logical3A_276 = vector.broadcast %shift_right_logical3A : i32 to vector<16xi32>
          %shift_right_logical3A_277 = arith.shrui %get3A_269, %shift_right_logical3A_276 : vector<16xi32>
          %sub3A_278 = vector.broadcast %add3A_60 : i32 to vector<16xi32>
          %sub3A_279 = arith.subi %shift_right_logical3A_277, %sub3A_278 : vector<16xi32>
          %jit3A = arith.constant 0 : i32
          %broadcast_in_dim3A_280 = vector.broadcast %jit3A : i32 to vector<16xi32>
          %select_n3A = arith.select %lt3A_275, %sub3A_279, %broadcast_in_dim3A_280 : vector<16xi1>, vector<16xi32>
          %and3A_281 = arith.constant 127 : i32
          %and3A_282 = vector.broadcast %and3A_281 : i32 to vector<16xi32>
          %and3A_283 = arith.andi %get3A_269, %and3A_282 : vector<16xi32>
          %select_n3A_284 = arith.select %lt3A_275, %get3A_265, %add3A_16 : vector<16xi1>, vector<16xi32>
          %mul3A_285 = arith.constant 64 : i32
          %mul3A_286 = vector.broadcast %mul3A_285 : i32 to vector<16xi32>
          %mul3A_287 = arith.muli %select_n3A, %mul3A_286 : vector<16xi32>
          %slice3A_288 = vector.extract_strided_slice %while3A_262 {offsets = [0], sizes = [1], strides = [1]} : vector<16xi32> to vector<1xi32>
          %squeeze3A_289 = vector.extract %slice3A_288[0] : i32 from vector<1xi32>
          %add3A_290 = vector.broadcast %squeeze3A_289 : i32 to vector<16xi32>
          %add3A_291 = arith.addi %add3A_290, %iota3A : vector<16xi32>
          %scan3A_292 = arith.constant 0 : i32
          %scan3A_293 = arith.constant 0 : i32
          %scan3A_294 = arith.constant 16 : i32
          %scan3A_295 = arith.addi %scan3A_293, %scan3A_294 : i32
          %scan3A_296 = arith.constant 1 : i32
          scf.for %scan3A_312 = %scan3A_293 to %scan3A_295 step %scan3A_296  : i32 {
            %mul3A_313 = arith.constant 4 : i32
            %mul3A_314 = arith.muli %scan3A_312, %mul3A_313 : i32
            %add3A_315 = arith.constant 0 : i32
            %add3A_316 = arith.addi %mul3A_314, %add3A_315 : i32
            %add3A_317 = vector.broadcast %add3A_316 : i32 to vector<16xi32>
            %add3A_318 = arith.addi %mul3A_287, %add3A_317 : vector<16xi32>
            %gather3A = tpu.vector_load_idx %arg14[%add3A_318, %and3A_283] : memref<512x128xf32, #tpu.memory_space<vmem>>[vector<16xi32>, vector<16xi32>], vector<16xf32>,
            %broadcast_in_dim3A_319 = arith.constant 0 : i32
            %broadcast_in_dim3A_320 = vector.broadcast %broadcast_in_dim3A_319 : i32 to vector<16xi32>
            %add3A_321 = vector.broadcast %add3A_316 : i32 to vector<16xi32>
            %add3A_322 = arith.addi %broadcast_in_dim3A_320, %add3A_321 : vector<16xi32>
            tpu.vector_store_idx %arg15[%add3A_291, %add3A_322], %gather3A : memref<144x128xf32, #tpu.memory_space<vmem>>[vector<16xi32>, vector<16xi32>], vector<16xf32>,
            %mul3A_323 = arith.constant 4 : i32
            %mul3A_324 = arith.muli %scan3A_312, %mul3A_323 : i32
            %add3A_325 = arith.constant 1 : i32
            %add3A_326 = arith.addi %mul3A_324, %add3A_325 : i32
            %add3A_327 = vector.broadcast %add3A_326 : i32 to vector<16xi32>
            %add3A_328 = arith.addi %mul3A_287, %add3A_327 : vector<16xi32>
            %gather3A_329 = tpu.vector_load_idx %arg14[%add3A_328, %and3A_283] : memref<512x128xf32, #tpu.memory_space<vmem>>[vector<16xi32>, vector<16xi32>], vector<16xf32>,
            %broadcast_in_dim3A_330 = arith.constant 0 : i32
            %broadcast_in_dim3A_331 = vector.broadcast %broadcast_in_dim3A_330 : i32 to vector<16xi32>
            %add3A_332 = vector.broadcast %add3A_326 : i32 to vector<16xi32>
            %add3A_333 = arith.addi %broadcast_in_dim3A_331, %add3A_332 : vector<16xi32>
            tpu.vector_store_idx %arg15[%add3A_291, %add3A_333], %gather3A_329 : memref<144x128xf32, #tpu.memory_space<vmem>>[vector<16xi32>, vector<16xi32>], vector<16xf32>,
            %mul3A_334 = arith.constant 4 : i32
            %mul3A_335 = arith.muli %scan3A_312, %mul3A_334 : i32
            %add3A_336 = arith.constant 2 : i32
            %add3A_337 = arith.addi %mul3A_335, %add3A_336 : i32
            %add3A_338 = vector.broadcast %add3A_337 : i32 to vector<16xi32>
            %add3A_339 = arith.addi %mul3A_287, %add3A_338 : vector<16xi32>
            %gather3A_340 = tpu.vector_load_idx %arg14[%add3A_339, %and3A_283] : memref<512x128xf32, #tpu.memory_space<vmem>>[vector<16xi32>, vector<16xi32>], vector<16xf32>,
            %broadcast_in_dim3A_341 = arith.constant 0 : i32
            %broadcast_in_dim3A_342 = vector.broadcast %broadcast_in_dim3A_341 : i32 to vector<16xi32>
            %add3A_343 = vector.broadcast %add3A_337 : i32 to vector<16xi32>
            %add3A_344 = arith.addi %broadcast_in_dim3A_342, %add3A_343 : vector<16xi32>
            tpu.vector_store_idx %arg15[%add3A_291, %add3A_344], %gather3A_340 : memref<144x128xf32, #tpu.memory_space<vmem>>[vector<16xi32>, vector<16xi32>], vector<16xf32>,
            %mul3A_345 = arith.constant 4 : i32
            %mul3A_346 = arith.muli %scan3A_312, %mul3A_345 : i32
            %add3A_347 = arith.constant 3 : i32
            %add3A_348 = arith.addi %mul3A_346, %add3A_347 : i32
            %add3A_349 = vector.broadcast %add3A_348 : i32 to vector<16xi32>
            %add3A_350 = arith.addi %mul3A_287, %add3A_349 : vector<16xi32>
            %gather3A_351 = tpu.vector_load_idx %arg14[%add3A_350, %and3A_283] : memref<512x128xf32, #tpu.memory_space<vmem>>[vector<16xi32>, vector<16xi32>], vector<16xf32>,
            %broadcast_in_dim3A_352 = arith.constant 0 : i32
            %broadcast_in_dim3A_353 = vector.broadcast %broadcast_in_dim3A_352 : i32 to vector<16xi32>
            %add3A_354 = vector.broadcast %add3A_348 : i32 to vector<16xi32>
            %add3A_355 = arith.addi %broadcast_in_dim3A_353, %add3A_354 : vector<16xi32>
            tpu.vector_store_idx %arg15[%add3A_291, %add3A_355], %gather3A_351 : memref<144x128xf32, #tpu.memory_space<vmem>>[vector<16xi32>, vector<16xi32>], vector<16xf32>,
          }
          %scan3A_297 = arith.constant 16 : i32
          %swap3A = arith.index_cast %squeeze3A_289 : i32 to index
          %swap3A_298 = tpu.vector_load %arg16[%swap3A] {strides = array<i32>} : memref<144xi32, #tpu.memory_space<vmem>>, vector<16xi32>,
          tpu.vector_store %arg16[%swap3A], %select_n3A_284 {strides = array<i32>} : memref<144xi32, #tpu.memory_space<vmem>>, vector<16xi32>,
          %add3A_299 = arith.constant 16 : i32
          %add3A_300 = vector.broadcast %add3A_299 : i32 to vector<16xi32>
          %add3A_301 = arith.addi %while3A_262, %add3A_300 : vector<16xi32>
          %slice3A_302 = vector.extract_strided_slice %add3A_301 {offsets = [0], sizes = [1], strides = [1]} : vector<16xi32> to vector<1xi32>
          %squeeze3A_303 = vector.extract %slice3A_302[0] : i32 from vector<1xi32>
          %ge3A = arith.constant 128 : i32
          %ge3A_304 = arith.cmpi sge, %squeeze3A_303, %ge3A : i32
          %convert_element_type3A_305 = arith.extui %ge3A_304 : i1 to i32
          %cond3A_306 = arith.constant 0 : i32
          %cond3A_307 = arith.cmpi ne, %convert_element_type3A_305, %cond3A_306 : i32
          scf.if %cond3A_307 {
            %get3A_312 = arith.constant 0 : index
            %get3A_313 = tpu.vector_load %arg16[%get3A_312] {strides = array<i32>} : memref<144xi32, #tpu.memory_space<vmem>>, vector<16xi32>,
            %swap3A_314 = arith.constant 0 : i32
            %swap3A_315 = arith.index_cast %swap3A_314 : i32 to index
            %swap3A_316 = arith.constant 0 : index
            %swap3A_317 = tpu.vector_load %arg17[%swap3A_315, %swap3A_316] {strides = array<i32>} : memref<1x128xi32, #tpu.memory_space<vmem>>, vector<16xi32>,
            tpu.vector_store %arg17[%swap3A_315, %swap3A_316], %get3A_313 {strides = array<i32>} : memref<1x128xi32, #tpu.memory_space<vmem>>, vector<16xi32>,
            %get3A_318 = arith.constant 16 : index
            %get3A_319 = tpu.vector_load %arg16[%get3A_318] {strides = array<i32>} : memref<144xi32, #tpu.memory_space<vmem>>, vector<16xi32>,
            %swap3A_320 = arith.constant 0 : i32
            %swap3A_321 = arith.index_cast %swap3A_320 : i32 to index
            %swap3A_322 = arith.constant 16 : index
            %swap3A_323 = tpu.vector_load %arg17[%swap3A_321, %swap3A_322] {strides = array<i32>} : memref<1x128xi32, #tpu.memory_space<vmem>>, vector<16xi32>,
            tpu.vector_store %arg17[%swap3A_321, %swap3A_322], %get3A_319 {strides = array<i32>} : memref<1x128xi32, #tpu.memory_space<vmem>>, vector<16xi32>,
            %get3A_324 = arith.constant 32 : index
            %get3A_325 = tpu.vector_load %arg16[%get3A_324] {strides = array<i32>} : memref<144xi32, #tpu.memory_space<vmem>>, vector<16xi32>,
            %swap3A_326 = arith.constant 0 : i32
            %swap3A_327 = arith.index_cast %swap3A_326 : i32 to index
            %swap3A_328 = arith.constant 32 : index
            %swap3A_329 = tpu.vector_load %arg17[%swap3A_327, %swap3A_328] {strides = array<i32>} : memref<1x128xi32, #tpu.memory_space<vmem>>, vector<16xi32>,
            tpu.vector_store %arg17[%swap3A_327, %swap3A_328], %get3A_325 {strides = array<i32>} : memref<1x128xi32, #tpu.memory_space<vmem>>, vector<16xi32>,
            %get3A_330 = arith.constant 48 : index
            %get3A_331 = tpu.vector_load %arg16[%get3A_330] {strides = array<i32>} : memref<144xi32, #tpu.memory_space<vmem>>, vector<16xi32>,
            %swap3A_332 = arith.constant 0 : i32
            %swap3A_333 = arith.index_cast %swap3A_332 : i32 to index
            %swap3A_334 = arith.constant 48 : index
            %swap3A_335 = tpu.vector_load %arg17[%swap3A_333, %swap3A_334] {strides = array<i32>} : memref<1x128xi32, #tpu.memory_space<vmem>>, vector<16xi32>,
            tpu.vector_store %arg17[%swap3A_333, %swap3A_334], %get3A_331 {strides = array<i32>} : memref<1x128xi32, #tpu.memory_space<vmem>>, vector<16xi32>,
            %get3A_336 = arith.constant 64 : index
            %get3A_337 = tpu.vector_load %arg16[%get3A_336] {strides = array<i32>} : memref<144xi32, #tpu.memory_space<vmem>>, vector<16xi32>,
            %swap3A_338 = arith.constant 0 : i32
            %swap3A_339 = arith.index_cast %swap3A_338 : i32 to index
            %swap3A_340 = arith.constant 64 : index
            %swap3A_341 = tpu.vector_load %arg17[%swap3A_339, %swap3A_340] {strides = array<i32>} : memref<1x128xi32, #tpu.memory_space<vmem>>, vector<16xi32>,
            tpu.vector_store %arg17[%swap3A_339, %swap3A_340], %get3A_337 {strides = array<i32>} : memref<1x128xi32, #tpu.memory_space<vmem>>, vector<16xi32>,
            %get3A_342 = arith.constant 80 : index
            %get3A_343 = tpu.vector_load %arg16[%get3A_342] {strides = array<i32>} : memref<144xi32, #tpu.memory_space<vmem>>, vector<16xi32>,
            %swap3A_344 = arith.constant 0 : i32
            %swap3A_345 = arith.index_cast %swap3A_344 : i32 to index
            %swap3A_346 = arith.constant 80 : index
            %swap3A_347 = tpu.vector_load %arg17[%swap3A_345, %swap3A_346] {strides = array<i32>} : memref<1x128xi32, #tpu.memory_space<vmem>>, vector<16xi32>,
            tpu.vector_store %arg17[%swap3A_345, %swap3A_346], %get3A_343 {strides = array<i32>} : memref<1x128xi32, #tpu.memory_space<vmem>>, vector<16xi32>,
            %get3A_348 = arith.constant 96 : index
            %get3A_349 = tpu.vector_load %arg16[%get3A_348] {strides = array<i32>} : memref<144xi32, #tpu.memory_space<vmem>>, vector<16xi32>,
            %swap3A_350 = arith.constant 0 : i32
            %swap3A_351 = arith.index_cast %swap3A_350 : i32 to index
            %swap3A_352 = arith.constant 96 : index
            %swap3A_353 = tpu.vector_load %arg17[%swap3A_351, %swap3A_352] {strides = array<i32>} : memref<1x128xi32, #tpu.memory_space<vmem>>, vector<16xi32>,
            tpu.vector_store %arg17[%swap3A_351, %swap3A_352], %get3A_349 {strides = array<i32>} : memref<1x128xi32, #tpu.memory_space<vmem>>, vector<16xi32>,
            %get3A_354 = arith.constant 112 : index
            %get3A_355 = tpu.vector_load %arg16[%get3A_354] {strides = array<i32>} : memref<144xi32, #tpu.memory_space<vmem>>, vector<16xi32>,
            %swap3A_356 = arith.constant 0 : i32
            %swap3A_357 = arith.index_cast %swap3A_356 : i32 to index
            %swap3A_358 = arith.constant 112 : index
            %swap3A_359 = tpu.vector_load %arg17[%swap3A_357, %swap3A_358] {strides = array<i32>} : memref<1x128xi32, #tpu.memory_space<vmem>>, vector<16xi32>,
            tpu.vector_store %arg17[%swap3A_357, %swap3A_358], %get3A_355 {strides = array<i32>} : memref<1x128xi32, #tpu.memory_space<vmem>>, vector<16xi32>,
            %dma_start3A = arith.constant 0 : i32
            %dma_start3A_360 = arith.constant 0 : i32
            %dma_start3A_361 = arith.constant 0 : i32
            %dma_start3A_362 = tpu.memref_slice %arg15[%dma_start3A_360, %dma_start3A_361] : memref<144x128xf32, #tpu.memory_space<vmem>> -> memref<128x128xf32, #tpu.memory_space<vmem>>
            %dma_start3A_363 = arith.constant 0 : i32
            %dma_start3A_364 = tpu.memref_slice %arg17[%dma_start3A, %dma_start3A_363] : memref<1x128xi32, #tpu.memory_space<vmem>> -> memref<1x128xi32, #tpu.memory_space<vmem>>
            %dma_start3A_365 = tpu.memref_squeeze %dma_start3A_364 : memref<1x128xi32, #tpu.memory_space<vmem>> -> memref<128xi32, #tpu.memory_space<vmem>>
            %dma_start3A_366 = arith.constant 0 : i32
            %dma_start3A_367 = arith.constant 0 : i32
            %dma_start3A_368 = tpu.memref_slice %arg5[%dma_start3A_366, %dma_start3A_367] : memref<66048x128xf32, #tpu.memory_space<hbm>> -> memref<66048x128xf32, #tpu.memory_space<hbm>>
            tpu.enqueue_indirect_dma source(%dma_start3A_362 : memref<128x128xf32, #tpu.memory_space<vmem>>) target(%dma_start3A_368 : memref<66048x128xf32, #tpu.memory_space<hbm>>) offsets(%dma_start3A_365 : memref<128xi32, #tpu.memory_space<vmem>>) semaphore(%arg19 : memref<!tpu.dma_semaphore, #tpu.memory_space<semaphore_mem>>)
            %dma_wait3A = arith.constant 0 : i32
            %dma_wait3A_369 = arith.constant 0 : i32
            %dma_wait3A_370 = arith.constant 0 : i32
            %dma_wait3A_371 = tpu.memref_slice %arg15[%dma_wait3A_369, %dma_wait3A_370] : memref<144x128xf32, #tpu.memory_space<vmem>> -> memref<128x128xf32, #tpu.memory_space<vmem>>
            %dma_wait3A_372 = arith.constant 0 : i32
            %dma_wait3A_373 = tpu.memref_slice %arg17[%dma_wait3A, %dma_wait3A_372] : memref<1x128xi32, #tpu.memory_space<vmem>> -> memref<1x128xi32, #tpu.memory_space<vmem>>
            %dma_wait3A_374 = tpu.memref_squeeze %dma_wait3A_373 : memref<1x128xi32, #tpu.memory_space<vmem>> -> memref<128xi32, #tpu.memory_space<vmem>>
            %dma_wait3A_375 = arith.constant 0 : i32
            %dma_wait3A_376 = arith.constant 0 : i32
            %dma_wait3A_377 = tpu.memref_slice %arg5[%dma_wait3A_375, %dma_wait3A_376] : memref<66048x128xf32, #tpu.memory_space<hbm>> -> memref<66048x128xf32, #tpu.memory_space<hbm>>
            tpu.wait_indirect_dma semaphore(%arg19 : memref<!tpu.dma_semaphore, #tpu.memory_space<semaphore_mem>>) src(%dma_wait3A_371 : memref<128x128xf32, #tpu.memory_space<vmem>>) dst(%dma_wait3A_377 : memref<66048x128xf32, #tpu.memory_space<hbm>>)
            %slice3A_378 = vector.extract_strided_slice %add3A_301 {offsets = [0], sizes = [1], strides = [1]} : vector<16xi32> to vector<1xi32>
            %squeeze3A_379 = vector.extract %slice3A_378[0] : i32 from vector<1xi32>
            %sub3A_380 = arith.constant 128 : i32
            %sub3A_381 = arith.subi %squeeze3A_379, %sub3A_380 : i32
            %while3A_382 = arith.constant 0 : i32
            %while3A_383 = arith.constant 0 : i32
            %while3A_384 = arith.subi %sub3A_381, %while3A_383 : i32
            %while3A_385 = arith.addi %while3A_383, %while3A_384 : i32
            %while3A_386 = arith.constant 1 : i32
            %while3A_387 = arith.divsi %while3A_384, %while3A_386 : i32
            %while3A_388 = arith.muli %while3A_387, %while3A_386 : i32
            %while3A_389 = arith.addi %while3A_383, %while3A_388 : i32
            %while3A_390 = arith.constant 1 : i32
            scf.for %while3A_396 = %while3A_383 to %while3A_389 step %while3A_390  : i32 {
              %add3A_397 = arith.constant 128 : i32
              %add3A_398 = arith.addi %add3A_397, %while3A_396 : i32
              %get3A_399 = arith.index_cast %add3A_398 : i32 to index
              %get3A_400 = arith.constant 0 : index
              %get3A_401 = tpu.vector_load %arg15[%get3A_399, %get3A_400] {strides = array<i32>} : memref<144x128xf32, #tpu.memory_space<vmem>>, vector<16xf32>,
              %swap3A_402 = arith.index_cast %while3A_396 : i32 to index
              %swap3A_403 = arith.constant 0 : index
              %swap3A_404 = tpu.vector_load %arg15[%swap3A_402, %swap3A_403] {strides = array<i32>} : memref<144x128xf32, #tpu.memory_space<vmem>>, vector<16xf32>,
              tpu.vector_store %arg15[%swap3A_402, %swap3A_403], %get3A_401 {strides = array<i32>} : memref<144x128xf32, #tpu.memory_space<vmem>>, vector<16xf32>,
              %add3A_405 = arith.constant 128 : i32
              %add3A_406 = arith.addi %add3A_405, %while3A_396 : i32
              %get3A_407 = arith.index_cast %add3A_406 : i32 to index
              %get3A_408 = arith.constant 16 : index
              %get3A_409 = tpu.vector_load %arg15[%get3A_407, %get3A_408] {strides = array<i32>} : memref<144x128xf32, #tpu.memory_space<vmem>>, vector<16xf32>,
              %swap3A_410 = arith.index_cast %while3A_396 : i32 to index
              %swap3A_411 = arith.constant 16 : index
              %swap3A_412 = tpu.vector_load %arg15[%swap3A_410, %swap3A_411] {strides = array<i32>} : memref<144x128xf32, #tpu.memory_space<vmem>>, vector<16xf32>,
              tpu.vector_store %arg15[%swap3A_410, %swap3A_411], %get3A_409 {strides = array<i32>} : memref<144x128xf32, #tpu.memory_space<vmem>>, vector<16xf32>,
              %add3A_413 = arith.constant 128 : i32
              %add3A_414 = arith.addi %add3A_413, %while3A_396 : i32
              %get3A_415 = arith.index_cast %add3A_414 : i32 to index
              %get3A_416 = arith.constant 32 : index
              %get3A_417 = tpu.vector_load %arg15[%get3A_415, %get3A_416] {strides = array<i32>} : memref<144x128xf32, #tpu.memory_space<vmem>>, vector<16xf32>,
              %swap3A_418 = arith.index_cast %while3A_396 : i32 to index
              %swap3A_419 = arith.constant 32 : index
              %swap3A_420 = tpu.vector_load %arg15[%swap3A_418, %swap3A_419] {strides = array<i32>} : memref<144x128xf32, #tpu.memory_space<vmem>>, vector<16xf32>,
              tpu.vector_store %arg15[%swap3A_418, %swap3A_419], %get3A_417 {strides = array<i32>} : memref<144x128xf32, #tpu.memory_space<vmem>>, vector<16xf32>,
              %add3A_421 = arith.constant 128 : i32
              %add3A_422 = arith.addi %add3A_421, %while3A_396 : i32
              %get3A_423 = arith.index_cast %add3A_422 : i32 to index
              %get3A_424 = arith.constant 48 : index
              %get3A_425 = tpu.vector_load %arg15[%get3A_423, %get3A_424] {strides = array<i32>} : memref<144x128xf32, #tpu.memory_space<vmem>>, vector<16xf32>,
              %swap3A_426 = arith.index_cast %while3A_396 : i32 to index
              %swap3A_427 = arith.constant 48 : index
              %swap3A_428 = tpu.vector_load %arg15[%swap3A_426, %swap3A_427] {strides = array<i32>} : memref<144x128xf32, #tpu.memory_space<vmem>>, vector<16xf32>,
              tpu.vector_store %arg15[%swap3A_426, %swap3A_427], %get3A_425 {strides = array<i32>} : memref<144x128xf32, #tpu.memory_space<vmem>>, vector<16xf32>,
              %add3A_429 = arith.constant 128 : i32
              %add3A_430 = arith.addi %add3A_429, %while3A_396 : i32
              %get3A_431 = arith.index_cast %add3A_430 : i32 to index
              %get3A_432 = arith.constant 64 : index
              %get3A_433 = tpu.vector_load %arg15[%get3A_431, %get3A_432] {strides = array<i32>} : memref<144x128xf32, #tpu.memory_space<vmem>>, vector<16xf32>,
              %swap3A_434 = arith.index_cast %while3A_396 : i32 to index
              %swap3A_435 = arith.constant 64 : index
              %swap3A_436 = tpu.vector_load %arg15[%swap3A_434, %swap3A_435] {strides = array<i32>} : memref<144x128xf32, #tpu.memory_space<vmem>>, vector<16xf32>,
              tpu.vector_store %arg15[%swap3A_434, %swap3A_435], %get3A_433 {strides = array<i32>} : memref<144x128xf32, #tpu.memory_space<vmem>>, vector<16xf32>,
              %add3A_437 = arith.constant 128 : i32
              %add3A_438 = arith.addi %add3A_437, %while3A_396 : i32
              %get3A_439 = arith.index_cast %add3A_438 : i32 to index
              %get3A_440 = arith.constant 80 : index
              %get3A_441 = tpu.vector_load %arg15[%get3A_439, %get3A_440] {strides = array<i32>} : memref<144x128xf32, #tpu.memory_space<vmem>>, vector<16xf32>,
              %swap3A_442 = arith.index_cast %while3A_396 : i32 to index
              %swap3A_443 = arith.constant 80 : index
              %swap3A_444 = tpu.vector_load %arg15[%swap3A_442, %swap3A_443] {strides = array<i32>} : memref<144x128xf32, #tpu.memory_space<vmem>>, vector<16xf32>,
              tpu.vector_store %arg15[%swap3A_442, %swap3A_443], %get3A_441 {strides = array<i32>} : memref<144x128xf32, #tpu.memory_space<vmem>>, vector<16xf32>,
              %add3A_445 = arith.constant 128 : i32
              %add3A_446 = arith.addi %add3A_445, %while3A_396 : i32
              %get3A_447 = arith.index_cast %add3A_446 : i32 to index
              %get3A_448 = arith.constant 96 : index
              %get3A_449 = tpu.vector_load %arg15[%get3A_447, %get3A_448] {strides = array<i32>} : memref<144x128xf32, #tpu.memory_space<vmem>>, vector<16xf32>,
              %swap3A_450 = arith.index_cast %while3A_396 : i32 to index
              %swap3A_451 = arith.constant 96 : index
              %swap3A_452 = tpu.vector_load %arg15[%swap3A_450, %swap3A_451] {strides = array<i32>} : memref<144x128xf32, #tpu.memory_space<vmem>>, vector<16xf32>,
              tpu.vector_store %arg15[%swap3A_450, %swap3A_451], %get3A_449 {strides = array<i32>} : memref<144x128xf32, #tpu.memory_space<vmem>>, vector<16xf32>,
              %add3A_453 = arith.constant 128 : i32
              %add3A_454 = arith.addi %add3A_453, %while3A_396 : i32
              %get3A_455 = arith.index_cast %add3A_454 : i32 to index
              %get3A_456 = arith.constant 112 : index
              %get3A_457 = tpu.vector_load %arg15[%get3A_455, %get3A_456] {strides = array<i32>} : memref<144x128xf32, #tpu.memory_space<vmem>>, vector<16xf32>,
              %swap3A_458 = arith.index_cast %while3A_396 : i32 to index
              %swap3A_459 = arith.constant 112 : index
              %swap3A_460 = tpu.vector_load %arg15[%swap3A_458, %swap3A_459] {strides = array<i32>} : memref<144x128xf32, #tpu.memory_space<vmem>>, vector<16xf32>,
              tpu.vector_store %arg15[%swap3A_458, %swap3A_459], %get3A_457 {strides = array<i32>} : memref<144x128xf32, #tpu.memory_space<vmem>>, vector<16xf32>,
            }
            %while3A_391 = arith.constant 1 : i32
            scf.for %while3A_396 = %while3A_389 to %while3A_385 step %while3A_391  : i32 {
              %add3A_397 = arith.constant 128 : i32
              %add3A_398 = arith.addi %add3A_397, %while3A_396 : i32
              %get3A_399 = arith.index_cast %add3A_398 : i32 to index
              %get3A_400 = arith.constant 0 : index
              %get3A_401 = tpu.vector_load %arg15[%get3A_399, %get3A_400] {strides = array<i32>} : memref<144x128xf32, #tpu.memory_space<vmem>>, vector<16xf32>,
              %swap3A_402 = arith.index_cast %while3A_396 : i32 to index
              %swap3A_403 = arith.constant 0 : index
              %swap3A_404 = tpu.vector_load %arg15[%swap3A_402, %swap3A_403] {strides = array<i32>} : memref<144x128xf32, #tpu.memory_space<vmem>>, vector<16xf32>,
              tpu.vector_store %arg15[%swap3A_402, %swap3A_403], %get3A_401 {strides = array<i32>} : memref<144x128xf32, #tpu.memory_space<vmem>>, vector<16xf32>,
              %add3A_405 = arith.constant 128 : i32
              %add3A_406 = arith.addi %add3A_405, %while3A_396 : i32
              %get3A_407 = arith.index_cast %add3A_406 : i32 to index
              %get3A_408 = arith.constant 16 : index
              %get3A_409 = tpu.vector_load %arg15[%get3A_407, %get3A_408] {strides = array<i32>} : memref<144x128xf32, #tpu.memory_space<vmem>>, vector<16xf32>,
              %swap3A_410 = arith.index_cast %while3A_396 : i32 to index
              %swap3A_411 = arith.constant 16 : index
              %swap3A_412 = tpu.vector_load %arg15[%swap3A_410, %swap3A_411] {strides = array<i32>} : memref<144x128xf32, #tpu.memory_space<vmem>>, vector<16xf32>,
              tpu.vector_store %arg15[%swap3A_410, %swap3A_411], %get3A_409 {strides = array<i32>} : memref<144x128xf32, #tpu.memory_space<vmem>>, vector<16xf32>,
              %add3A_413 = arith.constant 128 : i32
              %add3A_414 = arith.addi %add3A_413, %while3A_396 : i32
              %get3A_415 = arith.index_cast %add3A_414 : i32 to index
              %get3A_416 = arith.constant 32 : index
              %get3A_417 = tpu.vector_load %arg15[%get3A_415, %get3A_416] {strides = array<i32>} : memref<144x128xf32, #tpu.memory_space<vmem>>, vector<16xf32>,
              %swap3A_418 = arith.index_cast %while3A_396 : i32 to index
              %swap3A_419 = arith.constant 32 : index
              %swap3A_420 = tpu.vector_load %arg15[%swap3A_418, %swap3A_419] {strides = array<i32>} : memref<144x128xf32, #tpu.memory_space<vmem>>, vector<16xf32>,
              tpu.vector_store %arg15[%swap3A_418, %swap3A_419], %get3A_417 {strides = array<i32>} : memref<144x128xf32, #tpu.memory_space<vmem>>, vector<16xf32>,
              %add3A_421 = arith.constant 128 : i32
              %add3A_422 = arith.addi %add3A_421, %while3A_396 : i32
              %get3A_423 = arith.index_cast %add3A_422 : i32 to index
              %get3A_424 = arith.constant 48 : index
              %get3A_425 = tpu.vector_load %arg15[%get3A_423, %get3A_424] {strides = array<i32>} : memref<144x128xf32, #tpu.memory_space<vmem>>, vector<16xf32>,
              %swap3A_426 = arith.index_cast %while3A_396 : i32 to index
              %swap3A_427 = arith.constant 48 : index
              %swap3A_428 = tpu.vector_load %arg15[%swap3A_426, %swap3A_427] {strides = array<i32>} : memref<144x128xf32, #tpu.memory_space<vmem>>, vector<16xf32>,
              tpu.vector_store %arg15[%swap3A_426, %swap3A_427], %get3A_425 {strides = array<i32>} : memref<144x128xf32, #tpu.memory_space<vmem>>, vector<16xf32>,
              %add3A_429 = arith.constant 128 : i32
              %add3A_430 = arith.addi %add3A_429, %while3A_396 : i32
              %get3A_431 = arith.index_cast %add3A_430 : i32 to index
              %get3A_432 = arith.constant 64 : index
              %get3A_433 = tpu.vector_load %arg15[%get3A_431, %get3A_432] {strides = array<i32>} : memref<144x128xf32, #tpu.memory_space<vmem>>, vector<16xf32>,
              %swap3A_434 = arith.index_cast %while3A_396 : i32 to index
              %swap3A_435 = arith.constant 64 : index
              %swap3A_436 = tpu.vector_load %arg15[%swap3A_434, %swap3A_435] {strides = array<i32>} : memref<144x128xf32, #tpu.memory_space<vmem>>, vector<16xf32>,
              tpu.vector_store %arg15[%swap3A_434, %swap3A_435], %get3A_433 {strides = array<i32>} : memref<144x128xf32, #tpu.memory_space<vmem>>, vector<16xf32>,
              %add3A_437 = arith.constant 128 : i32
              %add3A_438 = arith.addi %add3A_437, %while3A_396 : i32
              %get3A_439 = arith.index_cast %add3A_438 : i32 to index
              %get3A_440 = arith.constant 80 : index
              %get3A_441 = tpu.vector_load %arg15[%get3A_439, %get3A_440] {strides = array<i32>} : memref<144x128xf32, #tpu.memory_space<vmem>>, vector<16xf32>,
              %swap3A_442 = arith.index_cast %while3A_396 : i32 to index
              %swap3A_443 = arith.constant 80 : index
              %swap3A_444 = tpu.vector_load %arg15[%swap3A_442, %swap3A_443] {strides = array<i32>} : memref<144x128xf32, #tpu.memory_space<vmem>>, vector<16xf32>,
              tpu.vector_store %arg15[%swap3A_442, %swap3A_443], %get3A_441 {strides = array<i32>} : memref<144x128xf32, #tpu.memory_space<vmem>>, vector<16xf32>,
              %add3A_445 = arith.constant 128 : i32
              %add3A_446 = arith.addi %add3A_445, %while3A_396 : i32
              %get3A_447 = arith.index_cast %add3A_446 : i32 to index
              %get3A_448 = arith.constant 96 : index
              %get3A_449 = tpu.vector_load %arg15[%get3A_447, %get3A_448] {strides = array<i32>} : memref<144x128xf32, #tpu.memory_space<vmem>>, vector<16xf32>,
              %swap3A_450 = arith.index_cast %while3A_396 : i32 to index
              %swap3A_451 = arith.constant 96 : index
              %swap3A_452 = tpu.vector_load %arg15[%swap3A_450, %swap3A_451] {strides = array<i32>} : memref<144x128xf32, #tpu.memory_space<vmem>>, vector<16xf32>,
              tpu.vector_store %arg15[%swap3A_450, %swap3A_451], %get3A_449 {strides = array<i32>} : memref<144x128xf32, #tpu.memory_space<vmem>>, vector<16xf32>,
              %add3A_453 = arith.constant 128 : i32
              %add3A_454 = arith.addi %add3A_453, %while3A_396 : i32
              %get3A_455 = arith.index_cast %add3A_454 : i32 to index
              %get3A_456 = arith.constant 112 : index
              %get3A_457 = tpu.vector_load %arg15[%get3A_455, %get3A_456] {strides = array<i32>} : memref<144x128xf32, #tpu.memory_space<vmem>>, vector<16xf32>,
              %swap3A_458 = arith.index_cast %while3A_396 : i32 to index
              %swap3A_459 = arith.constant 112 : index
              %swap3A_460 = tpu.vector_load %arg15[%swap3A_458, %swap3A_459] {strides = array<i32>} : memref<144x128xf32, #tpu.memory_space<vmem>>, vector<16xf32>,
              tpu.vector_store %arg15[%swap3A_458, %swap3A_459], %get3A_457 {strides = array<i32>} : memref<144x128xf32, #tpu.memory_space<vmem>>, vector<16xf32>,
            }
            %get3A_392 = arith.constant 128 : index
            %get3A_393 = tpu.vector_load %arg16[%get3A_392] {strides = array<i32>} : memref<144xi32, #tpu.memory_space<vmem>>, vector<16xi32>,
            %swap3A_394 = arith.constant 0 : index
            %swap3A_395 = tpu.vector_load %arg16[%swap3A_394] {strides = array<i32>} : memref<144xi32, #tpu.memory_space<vmem>>, vector<16xi32>,
            tpu.vector_store %arg16[%swap3A_394], %get3A_393 {strides = array<i32>} : memref<144xi32, #tpu.memory_space<vmem>>, vector<16xi32>,
          } else {
          }
          %sub3A_308 = arith.constant 128 : i32
          %sub3A_309 = vector.broadcast %sub3A_308 : i32 to vector<16xi32>
          %sub3A_310 = arith.subi %add3A_301, %sub3A_309 : vector<16xi32>
          %select_n3A_311 = arith.select %ge3A_304, %sub3A_310, %add3A_301 : vector<16xi32>
          scf.yield %select_n3A_311 : vector<16xi32>
        }
        scf.yield %while3A_260 : vector<16xi32>
      }
      %while3A_227 = arith.constant 1 : i32
      %while3A_228 = scf.for %while3A_229 = %while3A_224 to %while3A_220 step %while3A_227 iter_args(%while3A_230 = %while3A_226) -> (vector<16xi32>)  : i32 {
        %gt3A_231 = arith.constant 0 : i32
        %gt3A_232 = arith.cmpi sgt, %while3A_229, %gt3A_231 : i32
        %gt3A_233 = arith.constant 1 : i32
        %gt3A_234 = arith.cmpi sgt, %shift_right_arithmetic3A_38, %gt3A_233 : i32
        %or3A = arith.ori %gt3A_232, %gt3A_234 : i1
        %convert_element_type3A_235 = arith.extui %or3A : i1 to i32
        %cond3A_236 = arith.constant 0 : i32
        %cond3A_237 = arith.cmpi ne, %convert_element_type3A_235, %cond3A_236 : i32
        scf.if %cond3A_237 {
          %mul3A_261 = arith.constant 2048 : i32
          %mul3A_262 = arith.muli %while3A_229, %mul3A_261 : i32
          %multiple_of3A = tpu.assume_multiple %mul3A_262, 2048 : i32
          "tpu.region"() ({
            %run_scoped3A = tpu.sem_alloc : memref<!tpu.dma_semaphore, #tpu.memory_space<semaphore_mem>>
            %dma_start3A = tpu.memref_slice %arg6[%add3A, %multiple_of3A] : memref<32x65536xi32, #tpu.memory_space<hbm>> -> memref<1x2048xi32, #tpu.memory_space<hbm>>
            %dma_start3A_266 = tpu.memref_squeeze %dma_start3A : memref<1x2048xi32, #tpu.memory_space<hbm>> -> memref<2048xi32, #tpu.memory_space<hbm>>
            %dma_start3A_267 = tpu.memref_slice %arg6[%add3A, %multiple_of3A] : memref<32x65536xi32, #tpu.memory_space<hbm>> -> memref<1x2048xi32, #tpu.memory_space<hbm>>
            %dma_start3A_268 = tpu.memref_squeeze %dma_start3A_267 : memref<1x2048xi32, #tpu.memory_space<hbm>> -> memref<2048xi32, #tpu.memory_space<hbm>>
            tpu.enqueue_dma source(%dma_start3A_268 : memref<2048xi32, #tpu.memory_space<hbm>>) target(%arg8 : memref<2048xi32, #tpu.memory_space<vmem>>) target_semaphore(%run_scoped3A : memref<!tpu.dma_semaphore, #tpu.memory_space<semaphore_mem>>)
            %dma_wait3A = tpu.memref_slice %arg6[%add3A, %multiple_of3A] : memref<32x65536xi32, #tpu.memory_space<hbm>> -> memref<1x2048xi32, #tpu.memory_space<hbm>>
            %dma_wait3A_269 = tpu.memref_squeeze %dma_wait3A : memref<1x2048xi32, #tpu.memory_space<hbm>> -> memref<2048xi32, #tpu.memory_space<hbm>>
            %dma_wait3A_270 = tpu.memref_slice %arg6[%add3A, %multiple_of3A] : memref<32x65536xi32, #tpu.memory_space<hbm>> -> memref<1x2048xi32, #tpu.memory_space<hbm>>
            %dma_wait3A_271 = tpu.memref_squeeze %dma_wait3A_270 : memref<1x2048xi32, #tpu.memory_space<hbm>> -> memref<2048xi32, #tpu.memory_space<hbm>>
            tpu.wait_dma2 semaphore(%run_scoped3A : memref<!tpu.dma_semaphore, #tpu.memory_space<semaphore_mem>>) src(%dma_wait3A_271 : memref<2048xi32, #tpu.memory_space<hbm>>) dst(%arg8 : memref<2048xi32, #tpu.memory_space<vmem>>)
            tpu.yield
          }) : () -> ()
          %mul3A_263 = arith.constant 2048 : i32
          %mul3A_264 = arith.muli %while3A_229, %mul3A_263 : i32
          %multiple_of3A_265 = tpu.assume_multiple %mul3A_264, 2048 : i32
          "tpu.region"() ({
            %run_scoped3A = tpu.sem_alloc : memref<!tpu.dma_semaphore, #tpu.memory_space<semaphore_mem>>
            %dma_start3A = tpu.memref_slice %arg7[%add3A, %multiple_of3A_265] : memref<32x65536xi32, #tpu.memory_space<hbm>> -> memref<1x2048xi32, #tpu.memory_space<hbm>>
            %dma_start3A_266 = tpu.memref_squeeze %dma_start3A : memref<1x2048xi32, #tpu.memory_space<hbm>> -> memref<2048xi32, #tpu.memory_space<hbm>>
            %dma_start3A_267 = tpu.memref_slice %arg7[%add3A, %multiple_of3A_265] : memref<32x65536xi32, #tpu.memory_space<hbm>> -> memref<1x2048xi32, #tpu.memory_space<hbm>>
            %dma_start3A_268 = tpu.memref_squeeze %dma_start3A_267 : memref<1x2048xi32, #tpu.memory_space<hbm>> -> memref<2048xi32, #tpu.memory_space<hbm>>
            tpu.enqueue_dma source(%dma_start3A_268 : memref<2048xi32, #tpu.memory_space<hbm>>) target(%arg9 : memref<2048xi32, #tpu.memory_space<vmem>>) target_semaphore(%run_scoped3A : memref<!tpu.dma_semaphore, #tpu.memory_space<semaphore_mem>>)
            %dma_wait3A = tpu.memref_slice %arg7[%add3A, %multiple_of3A_265] : memref<32x65536xi32, #tpu.memory_space<hbm>> -> memref<1x2048xi32, #tpu.memory_space<hbm>>
            %dma_wait3A_269 = tpu.memref_squeeze %dma_wait3A : memref<1x2048xi32, #tpu.memory_space<hbm>> -> memref<2048xi32, #tpu.memory_space<hbm>>
            %dma_wait3A_270 = tpu.memref_slice %arg7[%add3A, %multiple_of3A_265] : memref<32x65536xi32, #tpu.memory_space<hbm>> -> memref<1x2048xi32, #tpu.memory_space<hbm>>
            %dma_wait3A_271 = tpu.memref_squeeze %dma_wait3A_270 : memref<1x2048xi32, #tpu.memory_space<hbm>> -> memref<2048xi32, #tpu.memory_space<hbm>>
            tpu.wait_dma2 semaphore(%run_scoped3A : memref<!tpu.dma_semaphore, #tpu.memory_space<semaphore_mem>>) src(%dma_wait3A_271 : memref<2048xi32, #tpu.memory_space<hbm>>) dst(%arg9 : memref<2048xi32, #tpu.memory_space<vmem>>)
            tpu.yield
          }) : () -> ()
        } else {
        }
        %scan3A_238 = arith.constant 0 : i32
        %scan3A_239 = arith.constant 128 : i32
        %scan3A_240 = arith.addi %scan3A_238, %scan3A_239 : i32
        %scan3A_241 = arith.constant 1 : i32
        %scan3A_242 = scf.for %scan3A_261 = %scan3A_238 to %scan3A_240 step %scan3A_241 iter_args(%scan3A_262 = %broadcast_in_dim3A_17) -> (vector<16xi32>)  : i32 {
          %mul3A_263 = arith.constant 16 : i32
          %mul3A_264 = arith.muli %scan3A_261, %mul3A_263 : i32
          %get3A = arith.index_cast %mul3A_264 : i32 to index
          %get3A_265 = tpu.vector_load %arg8[%get3A] {strides = array<i32>} : memref<2048xi32, #tpu.memory_space<vmem>>, vector<16xi32>,
          %mul3A_266 = arith.constant 16 : i32
          %mul3A_267 = arith.muli %scan3A_261, %mul3A_266 : i32
          %get3A_268 = arith.index_cast %mul3A_267 : i32 to index
          %get3A_269 = tpu.vector_load %arg9[%get3A_268] {strides = array<i32>} : memref<2048xi32, #tpu.memory_space<vmem>>, vector<16xi32>,
          %shift_right_logical3A = arith.constant 7 : i32
          %shift_right_logical3A_270 = vector.broadcast %shift_right_logical3A : i32 to vector<16xi32>
          %shift_right_logical3A_271 = arith.shrui %get3A_269, %shift_right_logical3A_270 : vector<16xi32>
          %mul3A_272 = arith.constant 2048 : i32
          %mul3A_273 = arith.muli %while3A_229, %mul3A_272 : i32
          %mul3A_274 = arith.constant 16 : i32
          %mul3A_275 = arith.muli %scan3A_261, %mul3A_274 : i32
          %add3A_276 = arith.addi %mul3A_273, %mul3A_275 : i32
          %add3A_277 = vector.broadcast %add3A_276 : i32 to vector<16xi32>
          %add3A_278 = arith.addi %add3A_277, %iota3A : vector<16xi32>
          %lt3A_279 = vector.broadcast %squeeze3A_30 : i32 to vector<16xi32>
          %lt3A_280 = arith.cmpi slt, %add3A_278, %lt3A_279 : vector<16xi32>
          %ge3A = vector.broadcast %add3A_60 : i32 to vector<16xi32>
          %ge3A_281 = arith.cmpi sge, %shift_right_logical3A_271, %ge3A : vector<16xi32>
          %add3A_282 = arith.constant 8 : i32
          %add3A_283 = arith.addi %add3A_60, %add3A_282 : i32
          %lt3A_284 = vector.broadcast %add3A_283 : i32 to vector<16xi32>
          %lt3A_285 = arith.cmpi slt, %shift_right_logical3A_271, %lt3A_284 : vector<16xi32>
          %and3A_286 = arith.andi %ge3A_281, %lt3A_285 : vector<16xi1>
          %and3A_287 = arith.andi %and3A_286, %lt3A_280 : vector<16xi1>
          %convert_element_type3A_288 = arith.extui %and3A_287 : vector<16xi1> to vector<16xi32>
          %broadcast_in_dim3A_289 = arith.constant true
          %broadcast_in_dim3A_290 = vector.broadcast %broadcast_in_dim3A_289 : i1 to vector<16xi1>
          %masked_cumsum3A = tpu.scan <sum>, %convert_element_type3A_288 masked %broadcast_in_dim3A_290 : vector<16xi32>, vector<16xi1> -> vector<16xi32>
          %add3A_291 = arith.addi %scan3A_262, %masked_cumsum3A : vector<16xi32>
          %sub3A_292 = arith.constant 1 : i32
          %sub3A_293 = vector.broadcast %sub3A_292 : i32 to vector<16xi32>
          %sub3A_294 = arith.subi %add3A_291, %sub3A_293 : vector<16xi32>
          %add3A_295 = arith.constant 2064 : i32
          %add3A_296 = vector.broadcast %add3A_295 : i32 to vector<16xi32>
          %add3A_297 = arith.addi %add3A_296, %iota3A : vector<16xi32>
          %select_n3A = arith.select %and3A_287, %sub3A_294, %add3A_297 : vector<16xi1>, vector<16xi32>
          tpu.vector_store_idx %arg12[%select_n3A], %get3A_265 : memref<2080xi32, #tpu.memory_space<vmem>>[vector<16xi32>], vector<16xi32>,
          tpu.vector_store_idx %arg13[%select_n3A], %get3A_269 : memref<2080xi32, #tpu.memory_space<vmem>>[vector<16xi32>], vector<16xi32>,
          %all_reduce_population_count3A = tpu.all_reduce %and3A_287 {dim = 0 : i64, kind = #tpu.reduction_kind<sum>} : vector<16xi1> -> vector<16xi32>
          %add3A_298 = arith.addi %scan3A_262, %all_reduce_population_count3A : vector<16xi32>
          scf.yield %add3A_298 : vector<16xi32>
        }
        %scan3A_243 = arith.constant 128 : i32
        %slice3A_244 = vector.extract_strided_slice %scan3A_242 {offsets = [0], sizes = [1], strides = [1]} : vector<16xi32> to vector<1xi32>
        %squeeze3A_245 = vector.extract %slice3A_244[0] : i32 from vector<1xi32>
        %add3A_246 = arith.constant 15 : i32
        %add3A_247 = arith.addi %squeeze3A_245, %add3A_246 : i32
        %shift_right_arithmetic3A_248 = arith.constant 4 : i32
        %shift_right_arithmetic3A_249 = arith.shrsi %add3A_247, %shift_right_arithmetic3A_248 : i32
        %while3A_250 = arith.constant 0 : i32
        %while3A_251 = arith.subi %shift_right_arithmetic3A_249, %while3A_250 : i32
        %while3A_252 = arith.addi %while3A_250, %while3A_251 : i32
        %while3A_253 = arith.constant 1 : i32
        %while3A_254 = arith.divsi %while3A_251, %while3A_253 : i32
        %while3A_255 = arith.muli %while3A_254, %while3A_253 : i32
        %while3A_256 = arith.addi %while3A_250, %while3A_255 : i32
        %while3A_257 = arith.constant 1 : i32
        %while3A_258 = scf.for %while3A_261 = %while3A_250 to %while3A_256 step %while3A_257 iter_args(%while3A_262 = %while3A_230) -> (vector<16xi32>)  : i32 {
          %mul3A_263 = arith.constant 16 : i32
          %mul3A_264 = arith.muli %while3A_261, %mul3A_263 : i32
          %get3A = arith.index_cast %mul3A_264 : i32 to index
          %get3A_265 = tpu.vector_load %arg12[%get3A] {strides = array<i32>} : memref<2080xi32, #tpu.memory_space<vmem>>, vector<16xi32>,
          %mul3A_266 = arith.constant 16 : i32
          %mul3A_267 = arith.muli %while3A_261, %mul3A_266 : i32
          %get3A_268 = arith.index_cast %mul3A_267 : i32 to index
          %get3A_269 = tpu.vector_load %arg13[%get3A_268] {strides = array<i32>} : memref<2080xi32, #tpu.memory_space<vmem>>, vector<16xi32>,
          %mul3A_270 = arith.constant 16 : i32
          %mul3A_271 = arith.muli %while3A_261, %mul3A_270 : i32
          %add3A_272 = vector.broadcast %mul3A_271 : i32 to vector<16xi32>
          %add3A_273 = arith.addi %add3A_272, %iota3A : vector<16xi32>
          %lt3A_274 = vector.broadcast %squeeze3A_245 : i32 to vector<16xi32>
          %lt3A_275 = arith.cmpi slt, %add3A_273, %lt3A_274 : vector<16xi32>
          %shift_right_logical3A = arith.constant 7 : i32
          %shift_right_logical3A_276 = vector.broadcast %shift_right_logical3A : i32 to vector<16xi32>
          %shift_right_logical3A_277 = arith.shrui %get3A_269, %shift_right_logical3A_276 : vector<16xi32>
          %sub3A_278 = vector.broadcast %add3A_60 : i32 to vector<16xi32>
          %sub3A_279 = arith.subi %shift_right_logical3A_277, %sub3A_278 : vector<16xi32>
          %jit3A = arith.constant 0 : i32
          %broadcast_in_dim3A_280 = vector.broadcast %jit3A : i32 to vector<16xi32>
          %select_n3A = arith.select %lt3A_275, %sub3A_279, %broadcast_in_dim3A_280 : vector<16xi1>, vector<16xi32>
          %and3A_281 = arith.constant 127 : i32
          %and3A_282 = vector.broadcast %and3A_281 : i32 to vector<16xi32>
          %and3A_283 = arith.andi %get3A_269, %and3A_282 : vector<16xi32>
          %select_n3A_284 = arith.select %lt3A_275, %get3A_265, %add3A_16 : vector<16xi1>, vector<16xi32>
          %mul3A_285 = arith.constant 64 : i32
          %mul3A_286 = vector.broadcast %mul3A_285 : i32 to vector<16xi32>
          %mul3A_287 = arith.muli %select_n3A, %mul3A_286 : vector<16xi32>
          %slice3A_288 = vector.extract_strided_slice %while3A_262 {offsets = [0], sizes = [1], strides = [1]} : vector<16xi32> to vector<1xi32>
          %squeeze3A_289 = vector.extract %slice3A_288[0] : i32 from vector<1xi32>
          %add3A_290 = vector.broadcast %squeeze3A_289 : i32 to vector<16xi32>
          %add3A_291 = arith.addi %add3A_290, %iota3A : vector<16xi32>
          %scan3A_292 = arith.constant 0 : i32
          %scan3A_293 = arith.constant 0 : i32
          %scan3A_294 = arith.constant 16 : i32
          %scan3A_295 = arith.addi %scan3A_293, %scan3A_294 : i32
          %scan3A_296 = arith.constant 1 : i32
          scf.for %scan3A_312 = %scan3A_293 to %scan3A_295 step %scan3A_296  : i32 {
            %mul3A_313 = arith.constant 4 : i32
            %mul3A_314 = arith.muli %scan3A_312, %mul3A_313 : i32
            %add3A_315 = arith.constant 0 : i32
            %add3A_316 = arith.addi %mul3A_314, %add3A_315 : i32
            %add3A_317 = vector.broadcast %add3A_316 : i32 to vector<16xi32>
            %add3A_318 = arith.addi %mul3A_287, %add3A_317 : vector<16xi32>
            %gather3A = tpu.vector_load_idx %arg14[%add3A_318, %and3A_283] : memref<512x128xf32, #tpu.memory_space<vmem>>[vector<16xi32>, vector<16xi32>], vector<16xf32>,
            %broadcast_in_dim3A_319 = arith.constant 0 : i32
            %broadcast_in_dim3A_320 = vector.broadcast %broadcast_in_dim3A_319 : i32 to vector<16xi32>
            %add3A_321 = vector.broadcast %add3A_316 : i32 to vector<16xi32>
            %add3A_322 = arith.addi %broadcast_in_dim3A_320, %add3A_321 : vector<16xi32>
            tpu.vector_store_idx %arg15[%add3A_291, %add3A_322], %gather3A : memref<144x128xf32, #tpu.memory_space<vmem>>[vector<16xi32>, vector<16xi32>], vector<16xf32>,
            %mul3A_323 = arith.constant 4 : i32
            %mul3A_324 = arith.muli %scan3A_312, %mul3A_323 : i32
            %add3A_325 = arith.constant 1 : i32
            %add3A_326 = arith.addi %mul3A_324, %add3A_325 : i32
            %add3A_327 = vector.broadcast %add3A_326 : i32 to vector<16xi32>
            %add3A_328 = arith.addi %mul3A_287, %add3A_327 : vector<16xi32>
            %gather3A_329 = tpu.vector_load_idx %arg14[%add3A_328, %and3A_283] : memref<512x128xf32, #tpu.memory_space<vmem>>[vector<16xi32>, vector<16xi32>], vector<16xf32>,
            %broadcast_in_dim3A_330 = arith.constant 0 : i32
            %broadcast_in_dim3A_331 = vector.broadcast %broadcast_in_dim3A_330 : i32 to vector<16xi32>
            %add3A_332 = vector.broadcast %add3A_326 : i32 to vector<16xi32>
            %add3A_333 = arith.addi %broadcast_in_dim3A_331, %add3A_332 : vector<16xi32>
            tpu.vector_store_idx %arg15[%add3A_291, %add3A_333], %gather3A_329 : memref<144x128xf32, #tpu.memory_space<vmem>>[vector<16xi32>, vector<16xi32>], vector<16xf32>,
            %mul3A_334 = arith.constant 4 : i32
            %mul3A_335 = arith.muli %scan3A_312, %mul3A_334 : i32
            %add3A_336 = arith.constant 2 : i32
            %add3A_337 = arith.addi %mul3A_335, %add3A_336 : i32
            %add3A_338 = vector.broadcast %add3A_337 : i32 to vector<16xi32>
            %add3A_339 = arith.addi %mul3A_287, %add3A_338 : vector<16xi32>
            %gather3A_340 = tpu.vector_load_idx %arg14[%add3A_339, %and3A_283] : memref<512x128xf32, #tpu.memory_space<vmem>>[vector<16xi32>, vector<16xi32>], vector<16xf32>,
            %broadcast_in_dim3A_341 = arith.constant 0 : i32
            %broadcast_in_dim3A_342 = vector.broadcast %broadcast_in_dim3A_341 : i32 to vector<16xi32>
            %add3A_343 = vector.broadcast %add3A_337 : i32 to vector<16xi32>
            %add3A_344 = arith.addi %broadcast_in_dim3A_342, %add3A_343 : vector<16xi32>
            tpu.vector_store_idx %arg15[%add3A_291, %add3A_344], %gather3A_340 : memref<144x128xf32, #tpu.memory_space<vmem>>[vector<16xi32>, vector<16xi32>], vector<16xf32>,
            %mul3A_345 = arith.constant 4 : i32
            %mul3A_346 = arith.muli %scan3A_312, %mul3A_345 : i32
            %add3A_347 = arith.constant 3 : i32
            %add3A_348 = arith.addi %mul3A_346, %add3A_347 : i32
            %add3A_349 = vector.broadcast %add3A_348 : i32 to vector<16xi32>
            %add3A_350 = arith.addi %mul3A_287, %add3A_349 : vector<16xi32>
            %gather3A_351 = tpu.vector_load_idx %arg14[%add3A_350, %and3A_283] : memref<512x128xf32, #tpu.memory_space<vmem>>[vector<16xi32>, vector<16xi32>], vector<16xf32>,
            %broadcast_in_dim3A_352 = arith.constant 0 : i32
            %broadcast_in_dim3A_353 = vector.broadcast %broadcast_in_dim3A_352 : i32 to vector<16xi32>
            %add3A_354 = vector.broadcast %add3A_348 : i32 to vector<16xi32>
            %add3A_355 = arith.addi %broadcast_in_dim3A_353, %add3A_354 : vector<16xi32>
            tpu.vector_store_idx %arg15[%add3A_291, %add3A_355], %gather3A_351 : memref<144x128xf32, #tpu.memory_space<vmem>>[vector<16xi32>, vector<16xi32>], vector<16xf32>,
          }
          %scan3A_297 = arith.constant 16 : i32
          %swap3A = arith.index_cast %squeeze3A_289 : i32 to index
          %swap3A_298 = tpu.vector_load %arg16[%swap3A] {strides = array<i32>} : memref<144xi32, #tpu.memory_space<vmem>>, vector<16xi32>,
          tpu.vector_store %arg16[%swap3A], %select_n3A_284 {strides = array<i32>} : memref<144xi32, #tpu.memory_space<vmem>>, vector<16xi32>,
          %add3A_299 = arith.constant 16 : i32
          %add3A_300 = vector.broadcast %add3A_299 : i32 to vector<16xi32>
          %add3A_301 = arith.addi %while3A_262, %add3A_300 : vector<16xi32>
          %slice3A_302 = vector.extract_strided_slice %add3A_301 {offsets = [0], sizes = [1], strides = [1]} : vector<16xi32> to vector<1xi32>
          %squeeze3A_303 = vector.extract %slice3A_302[0] : i32 from vector<1xi32>
          %ge3A = arith.constant 128 : i32
          %ge3A_304 = arith.cmpi sge, %squeeze3A_303, %ge3A : i32
          %convert_element_type3A_305 = arith.extui %ge3A_304 : i1 to i32
          %cond3A_306 = arith.constant 0 : i32
          %cond3A_307 = arith.cmpi ne, %convert_element_type3A_305, %cond3A_306 : i32
          scf.if %cond3A_307 {
            %get3A_312 = arith.constant 0 : index
            %get3A_313 = tpu.vector_load %arg16[%get3A_312] {strides = array<i32>} : memref<144xi32, #tpu.memory_space<vmem>>, vector<16xi32>,
            %swap3A_314 = arith.constant 0 : i32
            %swap3A_315 = arith.index_cast %swap3A_314 : i32 to index
            %swap3A_316 = arith.constant 0 : index
            %swap3A_317 = tpu.vector_load %arg17[%swap3A_315, %swap3A_316] {strides = array<i32>} : memref<1x128xi32, #tpu.memory_space<vmem>>, vector<16xi32>,
            tpu.vector_store %arg17[%swap3A_315, %swap3A_316], %get3A_313 {strides = array<i32>} : memref<1x128xi32, #tpu.memory_space<vmem>>, vector<16xi32>,
            %get3A_318 = arith.constant 16 : index
            %get3A_319 = tpu.vector_load %arg16[%get3A_318] {strides = array<i32>} : memref<144xi32, #tpu.memory_space<vmem>>, vector<16xi32>,
            %swap3A_320 = arith.constant 0 : i32
            %swap3A_321 = arith.index_cast %swap3A_320 : i32 to index
            %swap3A_322 = arith.constant 16 : index
            %swap3A_323 = tpu.vector_load %arg17[%swap3A_321, %swap3A_322] {strides = array<i32>} : memref<1x128xi32, #tpu.memory_space<vmem>>, vector<16xi32>,
            tpu.vector_store %arg17[%swap3A_321, %swap3A_322], %get3A_319 {strides = array<i32>} : memref<1x128xi32, #tpu.memory_space<vmem>>, vector<16xi32>,
            %get3A_324 = arith.constant 32 : index
            %get3A_325 = tpu.vector_load %arg16[%get3A_324] {strides = array<i32>} : memref<144xi32, #tpu.memory_space<vmem>>, vector<16xi32>,
            %swap3A_326 = arith.constant 0 : i32
            %swap3A_327 = arith.index_cast %swap3A_326 : i32 to index
            %swap3A_328 = arith.constant 32 : index
            %swap3A_329 = tpu.vector_load %arg17[%swap3A_327, %swap3A_328] {strides = array<i32>} : memref<1x128xi32, #tpu.memory_space<vmem>>, vector<16xi32>,
            tpu.vector_store %arg17[%swap3A_327, %swap3A_328], %get3A_325 {strides = array<i32>} : memref<1x128xi32, #tpu.memory_space<vmem>>, vector<16xi32>,
            %get3A_330 = arith.constant 48 : index
            %get3A_331 = tpu.vector_load %arg16[%get3A_330] {strides = array<i32>} : memref<144xi32, #tpu.memory_space<vmem>>, vector<16xi32>,
            %swap3A_332 = arith.constant 0 : i32
            %swap3A_333 = arith.index_cast %swap3A_332 : i32 to index
            %swap3A_334 = arith.constant 48 : index
            %swap3A_335 = tpu.vector_load %arg17[%swap3A_333, %swap3A_334] {strides = array<i32>} : memref<1x128xi32, #tpu.memory_space<vmem>>, vector<16xi32>,
            tpu.vector_store %arg17[%swap3A_333, %swap3A_334], %get3A_331 {strides = array<i32>} : memref<1x128xi32, #tpu.memory_space<vmem>>, vector<16xi32>,
            %get3A_336 = arith.constant 64 : index
            %get3A_337 = tpu.vector_load %arg16[%get3A_336] {strides = array<i32>} : memref<144xi32, #tpu.memory_space<vmem>>, vector<16xi32>,
            %swap3A_338 = arith.constant 0 : i32
            %swap3A_339 = arith.index_cast %swap3A_338 : i32 to index
            %swap3A_340 = arith.constant 64 : index
            %swap3A_341 = tpu.vector_load %arg17[%swap3A_339, %swap3A_340] {strides = array<i32>} : memref<1x128xi32, #tpu.memory_space<vmem>>, vector<16xi32>,
            tpu.vector_store %arg17[%swap3A_339, %swap3A_340], %get3A_337 {strides = array<i32>} : memref<1x128xi32, #tpu.memory_space<vmem>>, vector<16xi32>,
            %get3A_342 = arith.constant 80 : index
            %get3A_343 = tpu.vector_load %arg16[%get3A_342] {strides = array<i32>} : memref<144xi32, #tpu.memory_space<vmem>>, vector<16xi32>,
            %swap3A_344 = arith.constant 0 : i32
            %swap3A_345 = arith.index_cast %swap3A_344 : i32 to index
            %swap3A_346 = arith.constant 80 : index
            %swap3A_347 = tpu.vector_load %arg17[%swap3A_345, %swap3A_346] {strides = array<i32>} : memref<1x128xi32, #tpu.memory_space<vmem>>, vector<16xi32>,
            tpu.vector_store %arg17[%swap3A_345, %swap3A_346], %get3A_343 {strides = array<i32>} : memref<1x128xi32, #tpu.memory_space<vmem>>, vector<16xi32>,
            %get3A_348 = arith.constant 96 : index
            %get3A_349 = tpu.vector_load %arg16[%get3A_348] {strides = array<i32>} : memref<144xi32, #tpu.memory_space<vmem>>, vector<16xi32>,
            %swap3A_350 = arith.constant 0 : i32
            %swap3A_351 = arith.index_cast %swap3A_350 : i32 to index
            %swap3A_352 = arith.constant 96 : index
            %swap3A_353 = tpu.vector_load %arg17[%swap3A_351, %swap3A_352] {strides = array<i32>} : memref<1x128xi32, #tpu.memory_space<vmem>>, vector<16xi32>,
            tpu.vector_store %arg17[%swap3A_351, %swap3A_352], %get3A_349 {strides = array<i32>} : memref<1x128xi32, #tpu.memory_space<vmem>>, vector<16xi32>,
            %get3A_354 = arith.constant 112 : index
            %get3A_355 = tpu.vector_load %arg16[%get3A_354] {strides = array<i32>} : memref<144xi32, #tpu.memory_space<vmem>>, vector<16xi32>,
            %swap3A_356 = arith.constant 0 : i32
            %swap3A_357 = arith.index_cast %swap3A_356 : i32 to index
            %swap3A_358 = arith.constant 112 : index
            %swap3A_359 = tpu.vector_load %arg17[%swap3A_357, %swap3A_358] {strides = array<i32>} : memref<1x128xi32, #tpu.memory_space<vmem>>, vector<16xi32>,
            tpu.vector_store %arg17[%swap3A_357, %swap3A_358], %get3A_355 {strides = array<i32>} : memref<1x128xi32, #tpu.memory_space<vmem>>, vector<16xi32>,
            %dma_start3A = arith.constant 0 : i32
            %dma_start3A_360 = arith.constant 0 : i32
            %dma_start3A_361 = arith.constant 0 : i32
            %dma_start3A_362 = tpu.memref_slice %arg15[%dma_start3A_360, %dma_start3A_361] : memref<144x128xf32, #tpu.memory_space<vmem>> -> memref<128x128xf32, #tpu.memory_space<vmem>>
            %dma_start3A_363 = arith.constant 0 : i32
            %dma_start3A_364 = tpu.memref_slice %arg17[%dma_start3A, %dma_start3A_363] : memref<1x128xi32, #tpu.memory_space<vmem>> -> memref<1x128xi32, #tpu.memory_space<vmem>>
            %dma_start3A_365 = tpu.memref_squeeze %dma_start3A_364 : memref<1x128xi32, #tpu.memory_space<vmem>> -> memref<128xi32, #tpu.memory_space<vmem>>
            %dma_start3A_366 = arith.constant 0 : i32
            %dma_start3A_367 = arith.constant 0 : i32
            %dma_start3A_368 = tpu.memref_slice %arg5[%dma_start3A_366, %dma_start3A_367] : memref<66048x128xf32, #tpu.memory_space<hbm>> -> memref<66048x128xf32, #tpu.memory_space<hbm>>
            tpu.enqueue_indirect_dma source(%dma_start3A_362 : memref<128x128xf32, #tpu.memory_space<vmem>>) target(%dma_start3A_368 : memref<66048x128xf32, #tpu.memory_space<hbm>>) offsets(%dma_start3A_365 : memref<128xi32, #tpu.memory_space<vmem>>) semaphore(%arg19 : memref<!tpu.dma_semaphore, #tpu.memory_space<semaphore_mem>>)
            %dma_wait3A = arith.constant 0 : i32
            %dma_wait3A_369 = arith.constant 0 : i32
            %dma_wait3A_370 = arith.constant 0 : i32
            %dma_wait3A_371 = tpu.memref_slice %arg15[%dma_wait3A_369, %dma_wait3A_370] : memref<144x128xf32, #tpu.memory_space<vmem>> -> memref<128x128xf32, #tpu.memory_space<vmem>>
            %dma_wait3A_372 = arith.constant 0 : i32
            %dma_wait3A_373 = tpu.memref_slice %arg17[%dma_wait3A, %dma_wait3A_372] : memref<1x128xi32, #tpu.memory_space<vmem>> -> memref<1x128xi32, #tpu.memory_space<vmem>>
            %dma_wait3A_374 = tpu.memref_squeeze %dma_wait3A_373 : memref<1x128xi32, #tpu.memory_space<vmem>> -> memref<128xi32, #tpu.memory_space<vmem>>
            %dma_wait3A_375 = arith.constant 0 : i32
            %dma_wait3A_376 = arith.constant 0 : i32
            %dma_wait3A_377 = tpu.memref_slice %arg5[%dma_wait3A_375, %dma_wait3A_376] : memref<66048x128xf32, #tpu.memory_space<hbm>> -> memref<66048x128xf32, #tpu.memory_space<hbm>>
            tpu.wait_indirect_dma semaphore(%arg19 : memref<!tpu.dma_semaphore, #tpu.memory_space<semaphore_mem>>) src(%dma_wait3A_371 : memref<128x128xf32, #tpu.memory_space<vmem>>) dst(%dma_wait3A_377 : memref<66048x128xf32, #tpu.memory_space<hbm>>)
            %slice3A_378 = vector.extract_strided_slice %add3A_301 {offsets = [0], sizes = [1], strides = [1]} : vector<16xi32> to vector<1xi32>
            %squeeze3A_379 = vector.extract %slice3A_378[0] : i32 from vector<1xi32>
            %sub3A_380 = arith.constant 128 : i32
            %sub3A_381 = arith.subi %squeeze3A_379, %sub3A_380 : i32
            %while3A_382 = arith.constant 0 : i32
            %while3A_383 = arith.constant 0 : i32
            %while3A_384 = arith.subi %sub3A_381, %while3A_383 : i32
            %while3A_385 = arith.addi %while3A_383, %while3A_384 : i32
            %while3A_386 = arith.constant 1 : i32
            %while3A_387 = arith.divsi %while3A_384, %while3A_386 : i32
            %while3A_388 = arith.muli %while3A_387, %while3A_386 : i32
            %while3A_389 = arith.addi %while3A_383, %while3A_388 : i32
            %while3A_390 = arith.constant 1 : i32
            scf.for %while3A_396 = %while3A_383 to %while3A_389 step %while3A_390  : i32 {
              %add3A_397 = arith.constant 128 : i32
              %add3A_398 = arith.addi %add3A_397, %while3A_396 : i32
              %get3A_399 = arith.index_cast %add3A_398 : i32 to index
              %get3A_400 = arith.constant 0 : index
              %get3A_401 = tpu.vector_load %arg15[%get3A_399, %get3A_400] {strides = array<i32>} : memref<144x128xf32, #tpu.memory_space<vmem>>, vector<16xf32>,
              %swap3A_402 = arith.index_cast %while3A_396 : i32 to index
              %swap3A_403 = arith.constant 0 : index
              %swap3A_404 = tpu.vector_load %arg15[%swap3A_402, %swap3A_403] {strides = array<i32>} : memref<144x128xf32, #tpu.memory_space<vmem>>, vector<16xf32>,
              tpu.vector_store %arg15[%swap3A_402, %swap3A_403], %get3A_401 {strides = array<i32>} : memref<144x128xf32, #tpu.memory_space<vmem>>, vector<16xf32>,
              %add3A_405 = arith.constant 128 : i32
              %add3A_406 = arith.addi %add3A_405, %while3A_396 : i32
              %get3A_407 = arith.index_cast %add3A_406 : i32 to index
              %get3A_408 = arith.constant 16 : index
              %get3A_409 = tpu.vector_load %arg15[%get3A_407, %get3A_408] {strides = array<i32>} : memref<144x128xf32, #tpu.memory_space<vmem>>, vector<16xf32>,
              %swap3A_410 = arith.index_cast %while3A_396 : i32 to index
              %swap3A_411 = arith.constant 16 : index
              %swap3A_412 = tpu.vector_load %arg15[%swap3A_410, %swap3A_411] {strides = array<i32>} : memref<144x128xf32, #tpu.memory_space<vmem>>, vector<16xf32>,
              tpu.vector_store %arg15[%swap3A_410, %swap3A_411], %get3A_409 {strides = array<i32>} : memref<144x128xf32, #tpu.memory_space<vmem>>, vector<16xf32>,
              %add3A_413 = arith.constant 128 : i32
              %add3A_414 = arith.addi %add3A_413, %while3A_396 : i32
              %get3A_415 = arith.index_cast %add3A_414 : i32 to index
              %get3A_416 = arith.constant 32 : index
              %get3A_417 = tpu.vector_load %arg15[%get3A_415, %get3A_416] {strides = array<i32>} : memref<144x128xf32, #tpu.memory_space<vmem>>, vector<16xf32>,
              %swap3A_418 = arith.index_cast %while3A_396 : i32 to index
              %swap3A_419 = arith.constant 32 : index
              %swap3A_420 = tpu.vector_load %arg15[%swap3A_418, %swap3A_419] {strides = array<i32>} : memref<144x128xf32, #tpu.memory_space<vmem>>, vector<16xf32>,
              tpu.vector_store %arg15[%swap3A_418, %swap3A_419], %get3A_417 {strides = array<i32>} : memref<144x128xf32, #tpu.memory_space<vmem>>, vector<16xf32>,
              %add3A_421 = arith.constant 128 : i32
              %add3A_422 = arith.addi %add3A_421, %while3A_396 : i32
              %get3A_423 = arith.index_cast %add3A_422 : i32 to index
              %get3A_424 = arith.constant 48 : index
              %get3A_425 = tpu.vector_load %arg15[%get3A_423, %get3A_424] {strides = array<i32>} : memref<144x128xf32, #tpu.memory_space<vmem>>, vector<16xf32>,
              %swap3A_426 = arith.index_cast %while3A_396 : i32 to index
              %swap3A_427 = arith.constant 48 : index
              %swap3A_428 = tpu.vector_load %arg15[%swap3A_426, %swap3A_427] {strides = array<i32>} : memref<144x128xf32, #tpu.memory_space<vmem>>, vector<16xf32>,
              tpu.vector_store %arg15[%swap3A_426, %swap3A_427], %get3A_425 {strides = array<i32>} : memref<144x128xf32, #tpu.memory_space<vmem>>, vector<16xf32>,
              %add3A_429 = arith.constant 128 : i32
              %add3A_430 = arith.addi %add3A_429, %while3A_396 : i32
              %get3A_431 = arith.index_cast %add3A_430 : i32 to index
              %get3A_432 = arith.constant 64 : index
              %get3A_433 = tpu.vector_load %arg15[%get3A_431, %get3A_432] {strides = array<i32>} : memref<144x128xf32, #tpu.memory_space<vmem>>, vector<16xf32>,
              %swap3A_434 = arith.index_cast %while3A_396 : i32 to index
              %swap3A_435 = arith.constant 64 : index
              %swap3A_436 = tpu.vector_load %arg15[%swap3A_434, %swap3A_435] {strides = array<i32>} : memref<144x128xf32, #tpu.memory_space<vmem>>, vector<16xf32>,
              tpu.vector_store %arg15[%swap3A_434, %swap3A_435], %get3A_433 {strides = array<i32>} : memref<144x128xf32, #tpu.memory_space<vmem>>, vector<16xf32>,
              %add3A_437 = arith.constant 128 : i32
              %add3A_438 = arith.addi %add3A_437, %while3A_396 : i32
              %get3A_439 = arith.index_cast %add3A_438 : i32 to index
              %get3A_440 = arith.constant 80 : index
              %get3A_441 = tpu.vector_load %arg15[%get3A_439, %get3A_440] {strides = array<i32>} : memref<144x128xf32, #tpu.memory_space<vmem>>, vector<16xf32>,
              %swap3A_442 = arith.index_cast %while3A_396 : i32 to index
              %swap3A_443 = arith.constant 80 : index
              %swap3A_444 = tpu.vector_load %arg15[%swap3A_442, %swap3A_443] {strides = array<i32>} : memref<144x128xf32, #tpu.memory_space<vmem>>, vector<16xf32>,
              tpu.vector_store %arg15[%swap3A_442, %swap3A_443], %get3A_441 {strides = array<i32>} : memref<144x128xf32, #tpu.memory_space<vmem>>, vector<16xf32>,
              %add3A_445 = arith.constant 128 : i32
              %add3A_446 = arith.addi %add3A_445, %while3A_396 : i32
              %get3A_447 = arith.index_cast %add3A_446 : i32 to index
              %get3A_448 = arith.constant 96 : index
              %get3A_449 = tpu.vector_load %arg15[%get3A_447, %get3A_448] {strides = array<i32>} : memref<144x128xf32, #tpu.memory_space<vmem>>, vector<16xf32>,
              %swap3A_450 = arith.index_cast %while3A_396 : i32 to index
              %swap3A_451 = arith.constant 96 : index
              %swap3A_452 = tpu.vector_load %arg15[%swap3A_450, %swap3A_451] {strides = array<i32>} : memref<144x128xf32, #tpu.memory_space<vmem>>, vector<16xf32>,
              tpu.vector_store %arg15[%swap3A_450, %swap3A_451], %get3A_449 {strides = array<i32>} : memref<144x128xf32, #tpu.memory_space<vmem>>, vector<16xf32>,
              %add3A_453 = arith.constant 128 : i32
              %add3A_454 = arith.addi %add3A_453, %while3A_396 : i32
              %get3A_455 = arith.index_cast %add3A_454 : i32 to index
              %get3A_456 = arith.constant 112 : index
              %get3A_457 = tpu.vector_load %arg15[%get3A_455, %get3A_456] {strides = array<i32>} : memref<144x128xf32, #tpu.memory_space<vmem>>, vector<16xf32>,
              %swap3A_458 = arith.index_cast %while3A_396 : i32 to index
              %swap3A_459 = arith.constant 112 : index
              %swap3A_460 = tpu.vector_load %arg15[%swap3A_458, %swap3A_459] {strides = array<i32>} : memref<144x128xf32, #tpu.memory_space<vmem>>, vector<16xf32>,
              tpu.vector_store %arg15[%swap3A_458, %swap3A_459], %get3A_457 {strides = array<i32>} : memref<144x128xf32, #tpu.memory_space<vmem>>, vector<16xf32>,
            }
            %while3A_391 = arith.constant 1 : i32
            scf.for %while3A_396 = %while3A_389 to %while3A_385 step %while3A_391  : i32 {
              %add3A_397 = arith.constant 128 : i32
              %add3A_398 = arith.addi %add3A_397, %while3A_396 : i32
              %get3A_399 = arith.index_cast %add3A_398 : i32 to index
              %get3A_400 = arith.constant 0 : index
              %get3A_401 = tpu.vector_load %arg15[%get3A_399, %get3A_400] {strides = array<i32>} : memref<144x128xf32, #tpu.memory_space<vmem>>, vector<16xf32>,
              %swap3A_402 = arith.index_cast %while3A_396 : i32 to index
              %swap3A_403 = arith.constant 0 : index
              %swap3A_404 = tpu.vector_load %arg15[%swap3A_402, %swap3A_403] {strides = array<i32>} : memref<144x128xf32, #tpu.memory_space<vmem>>, vector<16xf32>,
              tpu.vector_store %arg15[%swap3A_402, %swap3A_403], %get3A_401 {strides = array<i32>} : memref<144x128xf32, #tpu.memory_space<vmem>>, vector<16xf32>,
              %add3A_405 = arith.constant 128 : i32
              %add3A_406 = arith.addi %add3A_405, %while3A_396 : i32
              %get3A_407 = arith.index_cast %add3A_406 : i32 to index
              %get3A_408 = arith.constant 16 : index
              %get3A_409 = tpu.vector_load %arg15[%get3A_407, %get3A_408] {strides = array<i32>} : memref<144x128xf32, #tpu.memory_space<vmem>>, vector<16xf32>,
              %swap3A_410 = arith.index_cast %while3A_396 : i32 to index
              %swap3A_411 = arith.constant 16 : index
              %swap3A_412 = tpu.vector_load %arg15[%swap3A_410, %swap3A_411] {strides = array<i32>} : memref<144x128xf32, #tpu.memory_space<vmem>>, vector<16xf32>,
              tpu.vector_store %arg15[%swap3A_410, %swap3A_411], %get3A_409 {strides = array<i32>} : memref<144x128xf32, #tpu.memory_space<vmem>>, vector<16xf32>,
              %add3A_413 = arith.constant 128 : i32
              %add3A_414 = arith.addi %add3A_413, %while3A_396 : i32
              %get3A_415 = arith.index_cast %add3A_414 : i32 to index
              %get3A_416 = arith.constant 32 : index
              %get3A_417 = tpu.vector_load %arg15[%get3A_415, %get3A_416] {strides = array<i32>} : memref<144x128xf32, #tpu.memory_space<vmem>>, vector<16xf32>,
              %swap3A_418 = arith.index_cast %while3A_396 : i32 to index
              %swap3A_419 = arith.constant 32 : index
              %swap3A_420 = tpu.vector_load %arg15[%swap3A_418, %swap3A_419] {strides = array<i32>} : memref<144x128xf32, #tpu.memory_space<vmem>>, vector<16xf32>,
              tpu.vector_store %arg15[%swap3A_418, %swap3A_419], %get3A_417 {strides = array<i32>} : memref<144x128xf32, #tpu.memory_space<vmem>>, vector<16xf32>,
              %add3A_421 = arith.constant 128 : i32
              %add3A_422 = arith.addi %add3A_421, %while3A_396 : i32
              %get3A_423 = arith.index_cast %add3A_422 : i32 to index
              %get3A_424 = arith.constant 48 : index
              %get3A_425 = tpu.vector_load %arg15[%get3A_423, %get3A_424] {strides = array<i32>} : memref<144x128xf32, #tpu.memory_space<vmem>>, vector<16xf32>,
              %swap3A_426 = arith.index_cast %while3A_396 : i32 to index
              %swap3A_427 = arith.constant 48 : index
              %swap3A_428 = tpu.vector_load %arg15[%swap3A_426, %swap3A_427] {strides = array<i32>} : memref<144x128xf32, #tpu.memory_space<vmem>>, vector<16xf32>,
              tpu.vector_store %arg15[%swap3A_426, %swap3A_427], %get3A_425 {strides = array<i32>} : memref<144x128xf32, #tpu.memory_space<vmem>>, vector<16xf32>,
              %add3A_429 = arith.constant 128 : i32
              %add3A_430 = arith.addi %add3A_429, %while3A_396 : i32
              %get3A_431 = arith.index_cast %add3A_430 : i32 to index
              %get3A_432 = arith.constant 64 : index
              %get3A_433 = tpu.vector_load %arg15[%get3A_431, %get3A_432] {strides = array<i32>} : memref<144x128xf32, #tpu.memory_space<vmem>>, vector<16xf32>,
              %swap3A_434 = arith.index_cast %while3A_396 : i32 to index
              %swap3A_435 = arith.constant 64 : index
              %swap3A_436 = tpu.vector_load %arg15[%swap3A_434, %swap3A_435] {strides = array<i32>} : memref<144x128xf32, #tpu.memory_space<vmem>>, vector<16xf32>,
              tpu.vector_store %arg15[%swap3A_434, %swap3A_435], %get3A_433 {strides = array<i32>} : memref<144x128xf32, #tpu.memory_space<vmem>>, vector<16xf32>,
              %add3A_437 = arith.constant 128 : i32
              %add3A_438 = arith.addi %add3A_437, %while3A_396 : i32
              %get3A_439 = arith.index_cast %add3A_438 : i32 to index
              %get3A_440 = arith.constant 80 : index
              %get3A_441 = tpu.vector_load %arg15[%get3A_439, %get3A_440] {strides = array<i32>} : memref<144x128xf32, #tpu.memory_space<vmem>>, vector<16xf32>,
              %swap3A_442 = arith.index_cast %while3A_396 : i32 to index
              %swap3A_443 = arith.constant 80 : index
              %swap3A_444 = tpu.vector_load %arg15[%swap3A_442, %swap3A_443] {strides = array<i32>} : memref<144x128xf32, #tpu.memory_space<vmem>>, vector<16xf32>,
              tpu.vector_store %arg15[%swap3A_442, %swap3A_443], %get3A_441 {strides = array<i32>} : memref<144x128xf32, #tpu.memory_space<vmem>>, vector<16xf32>,
              %add3A_445 = arith.constant 128 : i32
              %add3A_446 = arith.addi %add3A_445, %while3A_396 : i32
              %get3A_447 = arith.index_cast %add3A_446 : i32 to index
              %get3A_448 = arith.constant 96 : index
              %get3A_449 = tpu.vector_load %arg15[%get3A_447, %get3A_448] {strides = array<i32>} : memref<144x128xf32, #tpu.memory_space<vmem>>, vector<16xf32>,
              %swap3A_450 = arith.index_cast %while3A_396 : i32 to index
              %swap3A_451 = arith.constant 96 : index
              %swap3A_452 = tpu.vector_load %arg15[%swap3A_450, %swap3A_451] {strides = array<i32>} : memref<144x128xf32, #tpu.memory_space<vmem>>, vector<16xf32>,
              tpu.vector_store %arg15[%swap3A_450, %swap3A_451], %get3A_449 {strides = array<i32>} : memref<144x128xf32, #tpu.memory_space<vmem>>, vector<16xf32>,
              %add3A_453 = arith.constant 128 : i32
              %add3A_454 = arith.addi %add3A_453, %while3A_396 : i32
              %get3A_455 = arith.index_cast %add3A_454 : i32 to index
              %get3A_456 = arith.constant 112 : index
              %get3A_457 = tpu.vector_load %arg15[%get3A_455, %get3A_456] {strides = array<i32>} : memref<144x128xf32, #tpu.memory_space<vmem>>, vector<16xf32>,
              %swap3A_458 = arith.index_cast %while3A_396 : i32 to index
              %swap3A_459 = arith.constant 112 : index
              %swap3A_460 = tpu.vector_load %arg15[%swap3A_458, %swap3A_459] {strides = array<i32>} : memref<144x128xf32, #tpu.memory_space<vmem>>, vector<16xf32>,
              tpu.vector_store %arg15[%swap3A_458, %swap3A_459], %get3A_457 {strides = array<i32>} : memref<144x128xf32, #tpu.memory_space<vmem>>, vector<16xf32>,
            }
            %get3A_392 = arith.constant 128 : index
            %get3A_393 = tpu.vector_load %arg16[%get3A_392] {strides = array<i32>} : memref<144xi32, #tpu.memory_space<vmem>>, vector<16xi32>,
            %swap3A_394 = arith.constant 0 : index
            %swap3A_395 = tpu.vector_load %arg16[%swap3A_394] {strides = array<i32>} : memref<144xi32, #tpu.memory_space<vmem>>, vector<16xi32>,
            tpu.vector_store %arg16[%swap3A_394], %get3A_393 {strides = array<i32>} : memref<144xi32, #tpu.memory_space<vmem>>, vector<16xi32>,
          } else {
          }
          %sub3A_308 = arith.constant 128 : i32
          %sub3A_309 = vector.broadcast %sub3A_308 : i32 to vector<16xi32>
          %sub3A_310 = arith.subi %add3A_301, %sub3A_309 : vector<16xi32>
          %select_n3A_311 = arith.select %ge3A_304, %sub3A_310, %add3A_301 : vector<16xi32>
          scf.yield %select_n3A_311 : vector<16xi32>
        }
        %while3A_259 = arith.constant 1 : i32
        %while3A_260 = scf.for %while3A_261 = %while3A_256 to %while3A_252 step %while3A_259 iter_args(%while3A_262 = %while3A_258) -> (vector<16xi32>)  : i32 {
          %mul3A_263 = arith.constant 16 : i32
          %mul3A_264 = arith.muli %while3A_261, %mul3A_263 : i32
          %get3A = arith.index_cast %mul3A_264 : i32 to index
          %get3A_265 = tpu.vector_load %arg12[%get3A] {strides = array<i32>} : memref<2080xi32, #tpu.memory_space<vmem>>, vector<16xi32>,
          %mul3A_266 = arith.constant 16 : i32
          %mul3A_267 = arith.muli %while3A_261, %mul3A_266 : i32
          %get3A_268 = arith.index_cast %mul3A_267 : i32 to index
          %get3A_269 = tpu.vector_load %arg13[%get3A_268] {strides = array<i32>} : memref<2080xi32, #tpu.memory_space<vmem>>, vector<16xi32>,
          %mul3A_270 = arith.constant 16 : i32
          %mul3A_271 = arith.muli %while3A_261, %mul3A_270 : i32
          %add3A_272 = vector.broadcast %mul3A_271 : i32 to vector<16xi32>
          %add3A_273 = arith.addi %add3A_272, %iota3A : vector<16xi32>
          %lt3A_274 = vector.broadcast %squeeze3A_245 : i32 to vector<16xi32>
          %lt3A_275 = arith.cmpi slt, %add3A_273, %lt3A_274 : vector<16xi32>
          %shift_right_logical3A = arith.constant 7 : i32
          %shift_right_logical3A_276 = vector.broadcast %shift_right_logical3A : i32 to vector<16xi32>
          %shift_right_logical3A_277 = arith.shrui %get3A_269, %shift_right_logical3A_276 : vector<16xi32>
          %sub3A_278 = vector.broadcast %add3A_60 : i32 to vector<16xi32>
          %sub3A_279 = arith.subi %shift_right_logical3A_277, %sub3A_278 : vector<16xi32>
          %jit3A = arith.constant 0 : i32
          %broadcast_in_dim3A_280 = vector.broadcast %jit3A : i32 to vector<16xi32>
          %select_n3A = arith.select %lt3A_275, %sub3A_279, %broadcast_in_dim3A_280 : vector<16xi1>, vector<16xi32>
          %and3A_281 = arith.constant 127 : i32
          %and3A_282 = vector.broadcast %and3A_281 : i32 to vector<16xi32>
          %and3A_283 = arith.andi %get3A_269, %and3A_282 : vector<16xi32>
          %select_n3A_284 = arith.select %lt3A_275, %get3A_265, %add3A_16 : vector<16xi1>, vector<16xi32>
          %mul3A_285 = arith.constant 64 : i32
          %mul3A_286 = vector.broadcast %mul3A_285 : i32 to vector<16xi32>
          %mul3A_287 = arith.muli %select_n3A, %mul3A_286 : vector<16xi32>
          %slice3A_288 = vector.extract_strided_slice %while3A_262 {offsets = [0], sizes = [1], strides = [1]} : vector<16xi32> to vector<1xi32>
          %squeeze3A_289 = vector.extract %slice3A_288[0] : i32 from vector<1xi32>
          %add3A_290 = vector.broadcast %squeeze3A_289 : i32 to vector<16xi32>
          %add3A_291 = arith.addi %add3A_290, %iota3A : vector<16xi32>
          %scan3A_292 = arith.constant 0 : i32
          %scan3A_293 = arith.constant 0 : i32
          %scan3A_294 = arith.constant 16 : i32
          %scan3A_295 = arith.addi %scan3A_293, %scan3A_294 : i32
          %scan3A_296 = arith.constant 1 : i32
          scf.for %scan3A_312 = %scan3A_293 to %scan3A_295 step %scan3A_296  : i32 {
            %mul3A_313 = arith.constant 4 : i32
            %mul3A_314 = arith.muli %scan3A_312, %mul3A_313 : i32
            %add3A_315 = arith.constant 0 : i32
            %add3A_316 = arith.addi %mul3A_314, %add3A_315 : i32
            %add3A_317 = vector.broadcast %add3A_316 : i32 to vector<16xi32>
            %add3A_318 = arith.addi %mul3A_287, %add3A_317 : vector<16xi32>
            %gather3A = tpu.vector_load_idx %arg14[%add3A_318, %and3A_283] : memref<512x128xf32, #tpu.memory_space<vmem>>[vector<16xi32>, vector<16xi32>], vector<16xf32>,
            %broadcast_in_dim3A_319 = arith.constant 0 : i32
            %broadcast_in_dim3A_320 = vector.broadcast %broadcast_in_dim3A_319 : i32 to vector<16xi32>
            %add3A_321 = vector.broadcast %add3A_316 : i32 to vector<16xi32>
            %add3A_322 = arith.addi %broadcast_in_dim3A_320, %add3A_321 : vector<16xi32>
            tpu.vector_store_idx %arg15[%add3A_291, %add3A_322], %gather3A : memref<144x128xf32, #tpu.memory_space<vmem>>[vector<16xi32>, vector<16xi32>], vector<16xf32>,
            %mul3A_323 = arith.constant 4 : i32
            %mul3A_324 = arith.muli %scan3A_312, %mul3A_323 : i32
            %add3A_325 = arith.constant 1 : i32
            %add3A_326 = arith.addi %mul3A_324, %add3A_325 : i32
            %add3A_327 = vector.broadcast %add3A_326 : i32 to vector<16xi32>
            %add3A_328 = arith.addi %mul3A_287, %add3A_327 : vector<16xi32>
            %gather3A_329 = tpu.vector_load_idx %arg14[%add3A_328, %and3A_283] : memref<512x128xf32, #tpu.memory_space<vmem>>[vector<16xi32>, vector<16xi32>], vector<16xf32>,
            %broadcast_in_dim3A_330 = arith.constant 0 : i32
            %broadcast_in_dim3A_331 = vector.broadcast %broadcast_in_dim3A_330 : i32 to vector<16xi32>
            %add3A_332 = vector.broadcast %add3A_326 : i32 to vector<16xi32>
            %add3A_333 = arith.addi %broadcast_in_dim3A_331, %add3A_332 : vector<16xi32>
            tpu.vector_store_idx %arg15[%add3A_291, %add3A_333], %gather3A_329 : memref<144x128xf32, #tpu.memory_space<vmem>>[vector<16xi32>, vector<16xi32>], vector<16xf32>,
            %mul3A_334 = arith.constant 4 : i32
            %mul3A_335 = arith.muli %scan3A_312, %mul3A_334 : i32
            %add3A_336 = arith.constant 2 : i32
            %add3A_337 = arith.addi %mul3A_335, %add3A_336 : i32
            %add3A_338 = vector.broadcast %add3A_337 : i32 to vector<16xi32>
            %add3A_339 = arith.addi %mul3A_287, %add3A_338 : vector<16xi32>
            %gather3A_340 = tpu.vector_load_idx %arg14[%add3A_339, %and3A_283] : memref<512x128xf32, #tpu.memory_space<vmem>>[vector<16xi32>, vector<16xi32>], vector<16xf32>,
            %broadcast_in_dim3A_341 = arith.constant 0 : i32
            %broadcast_in_dim3A_342 = vector.broadcast %broadcast_in_dim3A_341 : i32 to vector<16xi32>
            %add3A_343 = vector.broadcast %add3A_337 : i32 to vector<16xi32>
            %add3A_344 = arith.addi %broadcast_in_dim3A_342, %add3A_343 : vector<16xi32>
            tpu.vector_store_idx %arg15[%add3A_291, %add3A_344], %gather3A_340 : memref<144x128xf32, #tpu.memory_space<vmem>>[vector<16xi32>, vector<16xi32>], vector<16xf32>,
            %mul3A_345 = arith.constant 4 : i32
            %mul3A_346 = arith.muli %scan3A_312, %mul3A_345 : i32
            %add3A_347 = arith.constant 3 : i32
            %add3A_348 = arith.addi %mul3A_346, %add3A_347 : i32
            %add3A_349 = vector.broadcast %add3A_348 : i32 to vector<16xi32>
            %add3A_350 = arith.addi %mul3A_287, %add3A_349 : vector<16xi32>
            %gather3A_351 = tpu.vector_load_idx %arg14[%add3A_350, %and3A_283] : memref<512x128xf32, #tpu.memory_space<vmem>>[vector<16xi32>, vector<16xi32>], vector<16xf32>,
            %broadcast_in_dim3A_352 = arith.constant 0 : i32
            %broadcast_in_dim3A_353 = vector.broadcast %broadcast_in_dim3A_352 : i32 to vector<16xi32>
            %add3A_354 = vector.broadcast %add3A_348 : i32 to vector<16xi32>
            %add3A_355 = arith.addi %broadcast_in_dim3A_353, %add3A_354 : vector<16xi32>
            tpu.vector_store_idx %arg15[%add3A_291, %add3A_355], %gather3A_351 : memref<144x128xf32, #tpu.memory_space<vmem>>[vector<16xi32>, vector<16xi32>], vector<16xf32>,
          }
          %scan3A_297 = arith.constant 16 : i32
          %swap3A = arith.index_cast %squeeze3A_289 : i32 to index
          %swap3A_298 = tpu.vector_load %arg16[%swap3A] {strides = array<i32>} : memref<144xi32, #tpu.memory_space<vmem>>, vector<16xi32>,
          tpu.vector_store %arg16[%swap3A], %select_n3A_284 {strides = array<i32>} : memref<144xi32, #tpu.memory_space<vmem>>, vector<16xi32>,
          %add3A_299 = arith.constant 16 : i32
          %add3A_300 = vector.broadcast %add3A_299 : i32 to vector<16xi32>
          %add3A_301 = arith.addi %while3A_262, %add3A_300 : vector<16xi32>
          %slice3A_302 = vector.extract_strided_slice %add3A_301 {offsets = [0], sizes = [1], strides = [1]} : vector<16xi32> to vector<1xi32>
          %squeeze3A_303 = vector.extract %slice3A_302[0] : i32 from vector<1xi32>
          %ge3A = arith.constant 128 : i32
          %ge3A_304 = arith.cmpi sge, %squeeze3A_303, %ge3A : i32
          %convert_element_type3A_305 = arith.extui %ge3A_304 : i1 to i32
          %cond3A_306 = arith.constant 0 : i32
          %cond3A_307 = arith.cmpi ne, %convert_element_type3A_305, %cond3A_306 : i32
          scf.if %cond3A_307 {
            %get3A_312 = arith.constant 0 : index
            %get3A_313 = tpu.vector_load %arg16[%get3A_312] {strides = array<i32>} : memref<144xi32, #tpu.memory_space<vmem>>, vector<16xi32>,
            %swap3A_314 = arith.constant 0 : i32
            %swap3A_315 = arith.index_cast %swap3A_314 : i32 to index
            %swap3A_316 = arith.constant 0 : index
            %swap3A_317 = tpu.vector_load %arg17[%swap3A_315, %swap3A_316] {strides = array<i32>} : memref<1x128xi32, #tpu.memory_space<vmem>>, vector<16xi32>,
            tpu.vector_store %arg17[%swap3A_315, %swap3A_316], %get3A_313 {strides = array<i32>} : memref<1x128xi32, #tpu.memory_space<vmem>>, vector<16xi32>,
            %get3A_318 = arith.constant 16 : index
            %get3A_319 = tpu.vector_load %arg16[%get3A_318] {strides = array<i32>} : memref<144xi32, #tpu.memory_space<vmem>>, vector<16xi32>,
            %swap3A_320 = arith.constant 0 : i32
            %swap3A_321 = arith.index_cast %swap3A_320 : i32 to index
            %swap3A_322 = arith.constant 16 : index
            %swap3A_323 = tpu.vector_load %arg17[%swap3A_321, %swap3A_322] {strides = array<i32>} : memref<1x128xi32, #tpu.memory_space<vmem>>, vector<16xi32>,
            tpu.vector_store %arg17[%swap3A_321, %swap3A_322], %get3A_319 {strides = array<i32>} : memref<1x128xi32, #tpu.memory_space<vmem>>, vector<16xi32>,
            %get3A_324 = arith.constant 32 : index
            %get3A_325 = tpu.vector_load %arg16[%get3A_324] {strides = array<i32>} : memref<144xi32, #tpu.memory_space<vmem>>, vector<16xi32>,
            %swap3A_326 = arith.constant 0 : i32
            %swap3A_327 = arith.index_cast %swap3A_326 : i32 to index
            %swap3A_328 = arith.constant 32 : index
            %swap3A_329 = tpu.vector_load %arg17[%swap3A_327, %swap3A_328] {strides = array<i32>} : memref<1x128xi32, #tpu.memory_space<vmem>>, vector<16xi32>,
            tpu.vector_store %arg17[%swap3A_327, %swap3A_328], %get3A_325 {strides = array<i32>} : memref<1x128xi32, #tpu.memory_space<vmem>>, vector<16xi32>,
            %get3A_330 = arith.constant 48 : index
            %get3A_331 = tpu.vector_load %arg16[%get3A_330] {strides = array<i32>} : memref<144xi32, #tpu.memory_space<vmem>>, vector<16xi32>,
            %swap3A_332 = arith.constant 0 : i32
            %swap3A_333 = arith.index_cast %swap3A_332 : i32 to index
            %swap3A_334 = arith.constant 48 : index
            %swap3A_335 = tpu.vector_load %arg17[%swap3A_333, %swap3A_334] {strides = array<i32>} : memref<1x128xi32, #tpu.memory_space<vmem>>, vector<16xi32>,
            tpu.vector_store %arg17[%swap3A_333, %swap3A_334], %get3A_331 {strides = array<i32>} : memref<1x128xi32, #tpu.memory_space<vmem>>, vector<16xi32>,
            %get3A_336 = arith.constant 64 : index
            %get3A_337 = tpu.vector_load %arg16[%get3A_336] {strides = array<i32>} : memref<144xi32, #tpu.memory_space<vmem>>, vector<16xi32>,
            %swap3A_338 = arith.constant 0 : i32
            %swap3A_339 = arith.index_cast %swap3A_338 : i32 to index
            %swap3A_340 = arith.constant 64 : index
            %swap3A_341 = tpu.vector_load %arg17[%swap3A_339, %swap3A_340] {strides = array<i32>} : memref<1x128xi32, #tpu.memory_space<vmem>>, vector<16xi32>,
            tpu.vector_store %arg17[%swap3A_339, %swap3A_340], %get3A_337 {strides = array<i32>} : memref<1x128xi32, #tpu.memory_space<vmem>>, vector<16xi32>,
            %get3A_342 = arith.constant 80 : index
            %get3A_343 = tpu.vector_load %arg16[%get3A_342] {strides = array<i32>} : memref<144xi32, #tpu.memory_space<vmem>>, vector<16xi32>,
            %swap3A_344 = arith.constant 0 : i32
            %swap3A_345 = arith.index_cast %swap3A_344 : i32 to index
            %swap3A_346 = arith.constant 80 : index
            %swap3A_347 = tpu.vector_load %arg17[%swap3A_345, %swap3A_346] {strides = array<i32>} : memref<1x128xi32, #tpu.memory_space<vmem>>, vector<16xi32>,
            tpu.vector_store %arg17[%swap3A_345, %swap3A_346], %get3A_343 {strides = array<i32>} : memref<1x128xi32, #tpu.memory_space<vmem>>, vector<16xi32>,
            %get3A_348 = arith.constant 96 : index
            %get3A_349 = tpu.vector_load %arg16[%get3A_348] {strides = array<i32>} : memref<144xi32, #tpu.memory_space<vmem>>, vector<16xi32>,
            %swap3A_350 = arith.constant 0 : i32
            %swap3A_351 = arith.index_cast %swap3A_350 : i32 to index
            %swap3A_352 = arith.constant 96 : index
            %swap3A_353 = tpu.vector_load %arg17[%swap3A_351, %swap3A_352] {strides = array<i32>} : memref<1x128xi32, #tpu.memory_space<vmem>>, vector<16xi32>,
            tpu.vector_store %arg17[%swap3A_351, %swap3A_352], %get3A_349 {strides = array<i32>} : memref<1x128xi32, #tpu.memory_space<vmem>>, vector<16xi32>,
            %get3A_354 = arith.constant 112 : index
            %get3A_355 = tpu.vector_load %arg16[%get3A_354] {strides = array<i32>} : memref<144xi32, #tpu.memory_space<vmem>>, vector<16xi32>,
            %swap3A_356 = arith.constant 0 : i32
            %swap3A_357 = arith.index_cast %swap3A_356 : i32 to index
            %swap3A_358 = arith.constant 112 : index
            %swap3A_359 = tpu.vector_load %arg17[%swap3A_357, %swap3A_358] {strides = array<i32>} : memref<1x128xi32, #tpu.memory_space<vmem>>, vector<16xi32>,
            tpu.vector_store %arg17[%swap3A_357, %swap3A_358], %get3A_355 {strides = array<i32>} : memref<1x128xi32, #tpu.memory_space<vmem>>, vector<16xi32>,
            %dma_start3A = arith.constant 0 : i32
            %dma_start3A_360 = arith.constant 0 : i32
            %dma_start3A_361 = arith.constant 0 : i32
            %dma_start3A_362 = tpu.memref_slice %arg15[%dma_start3A_360, %dma_start3A_361] : memref<144x128xf32, #tpu.memory_space<vmem>> -> memref<128x128xf32, #tpu.memory_space<vmem>>
            %dma_start3A_363 = arith.constant 0 : i32
            %dma_start3A_364 = tpu.memref_slice %arg17[%dma_start3A, %dma_start3A_363] : memref<1x128xi32, #tpu.memory_space<vmem>> -> memref<1x128xi32, #tpu.memory_space<vmem>>
            %dma_start3A_365 = tpu.memref_squeeze %dma_start3A_364 : memref<1x128xi32, #tpu.memory_space<vmem>> -> memref<128xi32, #tpu.memory_space<vmem>>
            %dma_start3A_366 = arith.constant 0 : i32
            %dma_start3A_367 = arith.constant 0 : i32
            %dma_start3A_368 = tpu.memref_slice %arg5[%dma_start3A_366, %dma_start3A_367] : memref<66048x128xf32, #tpu.memory_space<hbm>> -> memref<66048x128xf32, #tpu.memory_space<hbm>>
            tpu.enqueue_indirect_dma source(%dma_start3A_362 : memref<128x128xf32, #tpu.memory_space<vmem>>) target(%dma_start3A_368 : memref<66048x128xf32, #tpu.memory_space<hbm>>) offsets(%dma_start3A_365 : memref<128xi32, #tpu.memory_space<vmem>>) semaphore(%arg19 : memref<!tpu.dma_semaphore, #tpu.memory_space<semaphore_mem>>)
            %dma_wait3A = arith.constant 0 : i32
            %dma_wait3A_369 = arith.constant 0 : i32
            %dma_wait3A_370 = arith.constant 0 : i32
            %dma_wait3A_371 = tpu.memref_slice %arg15[%dma_wait3A_369, %dma_wait3A_370] : memref<144x128xf32, #tpu.memory_space<vmem>> -> memref<128x128xf32, #tpu.memory_space<vmem>>
            %dma_wait3A_372 = arith.constant 0 : i32
            %dma_wait3A_373 = tpu.memref_slice %arg17[%dma_wait3A, %dma_wait3A_372] : memref<1x128xi32, #tpu.memory_space<vmem>> -> memref<1x128xi32, #tpu.memory_space<vmem>>
            %dma_wait3A_374 = tpu.memref_squeeze %dma_wait3A_373 : memref<1x128xi32, #tpu.memory_space<vmem>> -> memref<128xi32, #tpu.memory_space<vmem>>
            %dma_wait3A_375 = arith.constant 0 : i32
            %dma_wait3A_376 = arith.constant 0 : i32
            %dma_wait3A_377 = tpu.memref_slice %arg5[%dma_wait3A_375, %dma_wait3A_376] : memref<66048x128xf32, #tpu.memory_space<hbm>> -> memref<66048x128xf32, #tpu.memory_space<hbm>>
            tpu.wait_indirect_dma semaphore(%arg19 : memref<!tpu.dma_semaphore, #tpu.memory_space<semaphore_mem>>) src(%dma_wait3A_371 : memref<128x128xf32, #tpu.memory_space<vmem>>) dst(%dma_wait3A_377 : memref<66048x128xf32, #tpu.memory_space<hbm>>)
            %slice3A_378 = vector.extract_strided_slice %add3A_301 {offsets = [0], sizes = [1], strides = [1]} : vector<16xi32> to vector<1xi32>
            %squeeze3A_379 = vector.extract %slice3A_378[0] : i32 from vector<1xi32>
            %sub3A_380 = arith.constant 128 : i32
            %sub3A_381 = arith.subi %squeeze3A_379, %sub3A_380 : i32
            %while3A_382 = arith.constant 0 : i32
            %while3A_383 = arith.constant 0 : i32
            %while3A_384 = arith.subi %sub3A_381, %while3A_383 : i32
            %while3A_385 = arith.addi %while3A_383, %while3A_384 : i32
            %while3A_386 = arith.constant 1 : i32
            %while3A_387 = arith.divsi %while3A_384, %while3A_386 : i32
            %while3A_388 = arith.muli %while3A_387, %while3A_386 : i32
            %while3A_389 = arith.addi %while3A_383, %while3A_388 : i32
            %while3A_390 = arith.constant 1 : i32
            scf.for %while3A_396 = %while3A_383 to %while3A_389 step %while3A_390  : i32 {
              %add3A_397 = arith.constant 128 : i32
              %add3A_398 = arith.addi %add3A_397, %while3A_396 : i32
              %get3A_399 = arith.index_cast %add3A_398 : i32 to index
              %get3A_400 = arith.constant 0 : index
              %get3A_401 = tpu.vector_load %arg15[%get3A_399, %get3A_400] {strides = array<i32>} : memref<144x128xf32, #tpu.memory_space<vmem>>, vector<16xf32>,
              %swap3A_402 = arith.index_cast %while3A_396 : i32 to index
              %swap3A_403 = arith.constant 0 : index
              %swap3A_404 = tpu.vector_load %arg15[%swap3A_402, %swap3A_403] {strides = array<i32>} : memref<144x128xf32, #tpu.memory_space<vmem>>, vector<16xf32>,
              tpu.vector_store %arg15[%swap3A_402, %swap3A_403], %get3A_401 {strides = array<i32>} : memref<144x128xf32, #tpu.memory_space<vmem>>, vector<16xf32>,
              %add3A_405 = arith.constant 128 : i32
              %add3A_406 = arith.addi %add3A_405, %while3A_396 : i32
              %get3A_407 = arith.index_cast %add3A_406 : i32 to index
              %get3A_408 = arith.constant 16 : index
              %get3A_409 = tpu.vector_load %arg15[%get3A_407, %get3A_408] {strides = array<i32>} : memref<144x128xf32, #tpu.memory_space<vmem>>, vector<16xf32>,
              %swap3A_410 = arith.index_cast %while3A_396 : i32 to index
              %swap3A_411 = arith.constant 16 : index
              %swap3A_412 = tpu.vector_load %arg15[%swap3A_410, %swap3A_411] {strides = array<i32>} : memref<144x128xf32, #tpu.memory_space<vmem>>, vector<16xf32>,
              tpu.vector_store %arg15[%swap3A_410, %swap3A_411], %get3A_409 {strides = array<i32>} : memref<144x128xf32, #tpu.memory_space<vmem>>, vector<16xf32>,
              %add3A_413 = arith.constant 128 : i32
              %add3A_414 = arith.addi %add3A_413, %while3A_396 : i32
              %get3A_415 = arith.index_cast %add3A_414 : i32 to index
              %get3A_416 = arith.constant 32 : index
              %get3A_417 = tpu.vector_load %arg15[%get3A_415, %get3A_416] {strides = array<i32>} : memref<144x128xf32, #tpu.memory_space<vmem>>, vector<16xf32>,
              %swap3A_418 = arith.index_cast %while3A_396 : i32 to index
              %swap3A_419 = arith.constant 32 : index
              %swap3A_420 = tpu.vector_load %arg15[%swap3A_418, %swap3A_419] {strides = array<i32>} : memref<144x128xf32, #tpu.memory_space<vmem>>, vector<16xf32>,
              tpu.vector_store %arg15[%swap3A_418, %swap3A_419], %get3A_417 {strides = array<i32>} : memref<144x128xf32, #tpu.memory_space<vmem>>, vector<16xf32>,
              %add3A_421 = arith.constant 128 : i32
              %add3A_422 = arith.addi %add3A_421, %while3A_396 : i32
              %get3A_423 = arith.index_cast %add3A_422 : i32 to index
              %get3A_424 = arith.constant 48 : index
              %get3A_425 = tpu.vector_load %arg15[%get3A_423, %get3A_424] {strides = array<i32>} : memref<144x128xf32, #tpu.memory_space<vmem>>, vector<16xf32>,
              %swap3A_426 = arith.index_cast %while3A_396 : i32 to index
              %swap3A_427 = arith.constant 48 : index
              %swap3A_428 = tpu.vector_load %arg15[%swap3A_426, %swap3A_427] {strides = array<i32>} : memref<144x128xf32, #tpu.memory_space<vmem>>, vector<16xf32>,
              tpu.vector_store %arg15[%swap3A_426, %swap3A_427], %get3A_425 {strides = array<i32>} : memref<144x128xf32, #tpu.memory_space<vmem>>, vector<16xf32>,
              %add3A_429 = arith.constant 128 : i32
              %add3A_430 = arith.addi %add3A_429, %while3A_396 : i32
              %get3A_431 = arith.index_cast %add3A_430 : i32 to index
              %get3A_432 = arith.constant 64 : index
              %get3A_433 = tpu.vector_load %arg15[%get3A_431, %get3A_432] {strides = array<i32>} : memref<144x128xf32, #tpu.memory_space<vmem>>, vector<16xf32>,
              %swap3A_434 = arith.index_cast %while3A_396 : i32 to index
              %swap3A_435 = arith.constant 64 : index
              %swap3A_436 = tpu.vector_load %arg15[%swap3A_434, %swap3A_435] {strides = array<i32>} : memref<144x128xf32, #tpu.memory_space<vmem>>, vector<16xf32>,
              tpu.vector_store %arg15[%swap3A_434, %swap3A_435], %get3A_433 {strides = array<i32>} : memref<144x128xf32, #tpu.memory_space<vmem>>, vector<16xf32>,
              %add3A_437 = arith.constant 128 : i32
              %add3A_438 = arith.addi %add3A_437, %while3A_396 : i32
              %get3A_439 = arith.index_cast %add3A_438 : i32 to index
              %get3A_440 = arith.constant 80 : index
              %get3A_441 = tpu.vector_load %arg15[%get3A_439, %get3A_440] {strides = array<i32>} : memref<144x128xf32, #tpu.memory_space<vmem>>, vector<16xf32>,
              %swap3A_442 = arith.index_cast %while3A_396 : i32 to index
              %swap3A_443 = arith.constant 80 : index
              %swap3A_444 = tpu.vector_load %arg15[%swap3A_442, %swap3A_443] {strides = array<i32>} : memref<144x128xf32, #tpu.memory_space<vmem>>, vector<16xf32>,
              tpu.vector_store %arg15[%swap3A_442, %swap3A_443], %get3A_441 {strides = array<i32>} : memref<144x128xf32, #tpu.memory_space<vmem>>, vector<16xf32>,
              %add3A_445 = arith.constant 128 : i32
              %add3A_446 = arith.addi %add3A_445, %while3A_396 : i32
              %get3A_447 = arith.index_cast %add3A_446 : i32 to index
              %get3A_448 = arith.constant 96 : index
              %get3A_449 = tpu.vector_load %arg15[%get3A_447, %get3A_448] {strides = array<i32>} : memref<144x128xf32, #tpu.memory_space<vmem>>, vector<16xf32>,
              %swap3A_450 = arith.index_cast %while3A_396 : i32 to index
              %swap3A_451 = arith.constant 96 : index
              %swap3A_452 = tpu.vector_load %arg15[%swap3A_450, %swap3A_451] {strides = array<i32>} : memref<144x128xf32, #tpu.memory_space<vmem>>, vector<16xf32>,
              tpu.vector_store %arg15[%swap3A_450, %swap3A_451], %get3A_449 {strides = array<i32>} : memref<144x128xf32, #tpu.memory_space<vmem>>, vector<16xf32>,
              %add3A_453 = arith.constant 128 : i32
              %add3A_454 = arith.addi %add3A_453, %while3A_396 : i32
              %get3A_455 = arith.index_cast %add3A_454 : i32 to index
              %get3A_456 = arith.constant 112 : index
              %get3A_457 = tpu.vector_load %arg15[%get3A_455, %get3A_456] {strides = array<i32>} : memref<144x128xf32, #tpu.memory_space<vmem>>, vector<16xf32>,
              %swap3A_458 = arith.index_cast %while3A_396 : i32 to index
              %swap3A_459 = arith.constant 112 : index
              %swap3A_460 = tpu.vector_load %arg15[%swap3A_458, %swap3A_459] {strides = array<i32>} : memref<144x128xf32, #tpu.memory_space<vmem>>, vector<16xf32>,
              tpu.vector_store %arg15[%swap3A_458, %swap3A_459], %get3A_457 {strides = array<i32>} : memref<144x128xf32, #tpu.memory_space<vmem>>, vector<16xf32>,
            }
            %while3A_391 = arith.constant 1 : i32
            scf.for %while3A_396 = %while3A_389 to %while3A_385 step %while3A_391  : i32 {
              %add3A_397 = arith.constant 128 : i32
              %add3A_398 = arith.addi %add3A_397, %while3A_396 : i32
              %get3A_399 = arith.index_cast %add3A_398 : i32 to index
              %get3A_400 = arith.constant 0 : index
              %get3A_401 = tpu.vector_load %arg15[%get3A_399, %get3A_400] {strides = array<i32>} : memref<144x128xf32, #tpu.memory_space<vmem>>, vector<16xf32>,
              %swap3A_402 = arith.index_cast %while3A_396 : i32 to index
              %swap3A_403 = arith.constant 0 : index
              %swap3A_404 = tpu.vector_load %arg15[%swap3A_402, %swap3A_403] {strides = array<i32>} : memref<144x128xf32, #tpu.memory_space<vmem>>, vector<16xf32>,
              tpu.vector_store %arg15[%swap3A_402, %swap3A_403], %get3A_401 {strides = array<i32>} : memref<144x128xf32, #tpu.memory_space<vmem>>, vector<16xf32>,
              %add3A_405 = arith.constant 128 : i32
              %add3A_406 = arith.addi %add3A_405, %while3A_396 : i32
              %get3A_407 = arith.index_cast %add3A_406 : i32 to index
              %get3A_408 = arith.constant 16 : index
              %get3A_409 = tpu.vector_load %arg15[%get3A_407, %get3A_408] {strides = array<i32>} : memref<144x128xf32, #tpu.memory_space<vmem>>, vector<16xf32>,
              %swap3A_410 = arith.index_cast %while3A_396 : i32 to index
              %swap3A_411 = arith.constant 16 : index
              %swap3A_412 = tpu.vector_load %arg15[%swap3A_410, %swap3A_411] {strides = array<i32>} : memref<144x128xf32, #tpu.memory_space<vmem>>, vector<16xf32>,
              tpu.vector_store %arg15[%swap3A_410, %swap3A_411], %get3A_409 {strides = array<i32>} : memref<144x128xf32, #tpu.memory_space<vmem>>, vector<16xf32>,
              %add3A_413 = arith.constant 128 : i32
              %add3A_414 = arith.addi %add3A_413, %while3A_396 : i32
              %get3A_415 = arith.index_cast %add3A_414 : i32 to index
              %get3A_416 = arith.constant 32 : index
              %get3A_417 = tpu.vector_load %arg15[%get3A_415, %get3A_416] {strides = array<i32>} : memref<144x128xf32, #tpu.memory_space<vmem>>, vector<16xf32>,
              %swap3A_418 = arith.index_cast %while3A_396 : i32 to index
              %swap3A_419 = arith.constant 32 : index
              %swap3A_420 = tpu.vector_load %arg15[%swap3A_418, %swap3A_419] {strides = array<i32>} : memref<144x128xf32, #tpu.memory_space<vmem>>, vector<16xf32>,
              tpu.vector_store %arg15[%swap3A_418, %swap3A_419], %get3A_417 {strides = array<i32>} : memref<144x128xf32, #tpu.memory_space<vmem>>, vector<16xf32>,
              %add3A_421 = arith.constant 128 : i32
              %add3A_422 = arith.addi %add3A_421, %while3A_396 : i32
              %get3A_423 = arith.index_cast %add3A_422 : i32 to index
              %get3A_424 = arith.constant 48 : index
              %get3A_425 = tpu.vector_load %arg15[%get3A_423, %get3A_424] {strides = array<i32>} : memref<144x128xf32, #tpu.memory_space<vmem>>, vector<16xf32>,
              %swap3A_426 = arith.index_cast %while3A_396 : i32 to index
              %swap3A_427 = arith.constant 48 : index
              %swap3A_428 = tpu.vector_load %arg15[%swap3A_426, %swap3A_427] {strides = array<i32>} : memref<144x128xf32, #tpu.memory_space<vmem>>, vector<16xf32>,
              tpu.vector_store %arg15[%swap3A_426, %swap3A_427], %get3A_425 {strides = array<i32>} : memref<144x128xf32, #tpu.memory_space<vmem>>, vector<16xf32>,
              %add3A_429 = arith.constant 128 : i32
              %add3A_430 = arith.addi %add3A_429, %while3A_396 : i32
              %get3A_431 = arith.index_cast %add3A_430 : i32 to index
              %get3A_432 = arith.constant 64 : index
              %get3A_433 = tpu.vector_load %arg15[%get3A_431, %get3A_432] {strides = array<i32>} : memref<144x128xf32, #tpu.memory_space<vmem>>, vector<16xf32>,
              %swap3A_434 = arith.index_cast %while3A_396 : i32 to index
              %swap3A_435 = arith.constant 64 : index
              %swap3A_436 = tpu.vector_load %arg15[%swap3A_434, %swap3A_435] {strides = array<i32>} : memref<144x128xf32, #tpu.memory_space<vmem>>, vector<16xf32>,
              tpu.vector_store %arg15[%swap3A_434, %swap3A_435], %get3A_433 {strides = array<i32>} : memref<144x128xf32, #tpu.memory_space<vmem>>, vector<16xf32>,
              %add3A_437 = arith.constant 128 : i32
              %add3A_438 = arith.addi %add3A_437, %while3A_396 : i32
              %get3A_439 = arith.index_cast %add3A_438 : i32 to index
              %get3A_440 = arith.constant 80 : index
              %get3A_441 = tpu.vector_load %arg15[%get3A_439, %get3A_440] {strides = array<i32>} : memref<144x128xf32, #tpu.memory_space<vmem>>, vector<16xf32>,
              %swap3A_442 = arith.index_cast %while3A_396 : i32 to index
              %swap3A_443 = arith.constant 80 : index
              %swap3A_444 = tpu.vector_load %arg15[%swap3A_442, %swap3A_443] {strides = array<i32>} : memref<144x128xf32, #tpu.memory_space<vmem>>, vector<16xf32>,
              tpu.vector_store %arg15[%swap3A_442, %swap3A_443], %get3A_441 {strides = array<i32>} : memref<144x128xf32, #tpu.memory_space<vmem>>, vector<16xf32>,
              %add3A_445 = arith.constant 128 : i32
              %add3A_446 = arith.addi %add3A_445, %while3A_396 : i32
              %get3A_447 = arith.index_cast %add3A_446 : i32 to index
              %get3A_448 = arith.constant 96 : index
              %get3A_449 = tpu.vector_load %arg15[%get3A_447, %get3A_448] {strides = array<i32>} : memref<144x128xf32, #tpu.memory_space<vmem>>, vector<16xf32>,
              %swap3A_450 = arith.index_cast %while3A_396 : i32 to index
              %swap3A_451 = arith.constant 96 : index
              %swap3A_452 = tpu.vector_load %arg15[%swap3A_450, %swap3A_451] {strides = array<i32>} : memref<144x128xf32, #tpu.memory_space<vmem>>, vector<16xf32>,
              tpu.vector_store %arg15[%swap3A_450, %swap3A_451], %get3A_449 {strides = array<i32>} : memref<144x128xf32, #tpu.memory_space<vmem>>, vector<16xf32>,
              %add3A_453 = arith.constant 128 : i32
              %add3A_454 = arith.addi %add3A_453, %while3A_396 : i32
              %get3A_455 = arith.index_cast %add3A_454 : i32 to index
              %get3A_456 = arith.constant 112 : index
              %get3A_457 = tpu.vector_load %arg15[%get3A_455, %get3A_456] {strides = array<i32>} : memref<144x128xf32, #tpu.memory_space<vmem>>, vector<16xf32>,
              %swap3A_458 = arith.index_cast %while3A_396 : i32 to index
              %swap3A_459 = arith.constant 112 : index
              %swap3A_460 = tpu.vector_load %arg15[%swap3A_458, %swap3A_459] {strides = array<i32>} : memref<144x128xf32, #tpu.memory_space<vmem>>, vector<16xf32>,
              tpu.vector_store %arg15[%swap3A_458, %swap3A_459], %get3A_457 {strides = array<i32>} : memref<144x128xf32, #tpu.memory_space<vmem>>, vector<16xf32>,
            }
            %get3A_392 = arith.constant 128 : index
            %get3A_393 = tpu.vector_load %arg16[%get3A_392] {strides = array<i32>} : memref<144xi32, #tpu.memory_space<vmem>>, vector<16xi32>,
            %swap3A_394 = arith.constant 0 : index
            %swap3A_395 = tpu.vector_load %arg16[%swap3A_394] {strides = array<i32>} : memref<144xi32, #tpu.memory_space<vmem>>, vector<16xi32>,
            tpu.vector_store %arg16[%swap3A_394], %get3A_393 {strides = array<i32>} : memref<144xi32, #tpu.memory_space<vmem>>, vector<16xi32>,
          } else {
          }
          %sub3A_308 = arith.constant 128 : i32
          %sub3A_309 = vector.broadcast %sub3A_308 : i32 to vector<16xi32>
          %sub3A_310 = arith.subi %add3A_301, %sub3A_309 : vector<16xi32>
          %select_n3A_311 = arith.select %ge3A_304, %sub3A_310, %add3A_301 : vector<16xi32>
          scf.yield %select_n3A_311 : vector<16xi32>
        }
        scf.yield %while3A_260 : vector<16xi32>
      }
      scf.yield %while3A_228 : vector<16xi32>
    }
    %slice3A_49 = vector.extract_strided_slice %while3A_48 {offsets = [0], sizes = [1], strides = [1]} : vector<16xi32> to vector<1xi32>
    %squeeze3A_50 = vector.extract %slice3A_49[0] : i32 from vector<1xi32>
    %gt3A_51 = arith.constant 0 : i32
    %gt3A_52 = arith.cmpi sgt, %squeeze3A_50, %gt3A_51 : i32
    %convert_element_type3A_53 = arith.extui %gt3A_52 : i1 to i32
    %cond3A_54 = arith.constant 0 : i32
    %cond3A_55 = arith.cmpi ne, %convert_element_type3A_53, %cond3A_54 : i32
    scf.if %cond3A_55 {
      %slice3A_56 = vector.extract_strided_slice %while3A_48 {offsets = [0], sizes = [1], strides = [1]} : vector<16xi32> to vector<1xi32>
      %squeeze3A_57 = vector.extract %slice3A_56[0] : i32 from vector<1xi32>
      %sub3A_58 = arith.constant 128 : i32
      %sub3A_59 = arith.subi %sub3A_58, %squeeze3A_57 : i32
      %shift_right_arithmetic3A_60 = arith.constant 4 : i32
      %shift_right_arithmetic3A_61 = arith.shrsi %sub3A_59, %shift_right_arithmetic3A_60 : i32
      %while3A_62 = arith.constant 0 : i32
      %while3A_63 = arith.constant 0 : i32
      %while3A_64 = arith.subi %shift_right_arithmetic3A_61, %while3A_63 : i32
      %while3A_65 = arith.addi %while3A_63, %while3A_64 : i32
      %while3A_66 = arith.constant 1 : i32
      %while3A_67 = arith.divsi %while3A_64, %while3A_66 : i32
      %while3A_68 = arith.muli %while3A_67, %while3A_66 : i32
      %while3A_69 = arith.addi %while3A_63, %while3A_68 : i32
      %while3A_70 = arith.constant 1 : i32
      scf.for %while3A_136 = %while3A_63 to %while3A_69 step %while3A_70  : i32 {
        %slice3A_137 = vector.extract_strided_slice %while3A_48 {offsets = [0], sizes = [1], strides = [1]} : vector<16xi32> to vector<1xi32>
        %squeeze3A_138 = vector.extract %slice3A_137[0] : i32 from vector<1xi32>
        %mul3A_139 = arith.constant 16 : i32
        %mul3A_140 = arith.muli %while3A_136, %mul3A_139 : i32
        %add3A_141 = arith.addi %squeeze3A_138, %mul3A_140 : i32
        %swap3A_142 = arith.index_cast %add3A_141 : i32 to index
        %swap3A_143 = tpu.vector_load %arg16[%swap3A_142] {strides = array<i32>} : memref<144xi32, #tpu.memory_space<vmem>>, vector<16xi32>,
        tpu.vector_store %arg16[%swap3A_142], %add3A_16 {strides = array<i32>} : memref<144xi32, #tpu.memory_space<vmem>>, vector<16xi32>,
      }
      %while3A_71 = arith.constant 1 : i32
      scf.for %while3A_136 = %while3A_69 to %while3A_65 step %while3A_71  : i32 {
        %slice3A_137 = vector.extract_strided_slice %while3A_48 {offsets = [0], sizes = [1], strides = [1]} : vector<16xi32> to vector<1xi32>
        %squeeze3A_138 = vector.extract %slice3A_137[0] : i32 from vector<1xi32>
        %mul3A_139 = arith.constant 16 : i32
        %mul3A_140 = arith.muli %while3A_136, %mul3A_139 : i32
        %add3A_141 = arith.addi %squeeze3A_138, %mul3A_140 : i32
        %swap3A_142 = arith.index_cast %add3A_141 : i32 to index
        %swap3A_143 = tpu.vector_load %arg16[%swap3A_142] {strides = array<i32>} : memref<144xi32, #tpu.memory_space<vmem>>, vector<16xi32>,
        tpu.vector_store %arg16[%swap3A_142], %add3A_16 {strides = array<i32>} : memref<144xi32, #tpu.memory_space<vmem>>, vector<16xi32>,
      }
      %get3A = arith.constant 0 : index
      %get3A_72 = tpu.vector_load %arg16[%get3A] {strides = array<i32>} : memref<144xi32, #tpu.memory_space<vmem>>, vector<16xi32>,
      %swap3A = arith.constant 0 : i32
      %swap3A_73 = arith.index_cast %swap3A : i32 to index
      %swap3A_74 = arith.constant 0 : index
      %swap3A_75 = tpu.vector_load %arg17[%swap3A_73, %swap3A_74] {strides = array<i32>} : memref<1x128xi32, #tpu.memory_space<vmem>>, vector<16xi32>,
      tpu.vector_store %arg17[%swap3A_73, %swap3A_74], %get3A_72 {strides = array<i32>} : memref<1x128xi32, #tpu.memory_space<vmem>>, vector<16xi32>,
      %get3A_76 = arith.constant 16 : index
      %get3A_77 = tpu.vector_load %arg16[%get3A_76] {strides = array<i32>} : memref<144xi32, #tpu.memory_space<vmem>>, vector<16xi32>,
      %swap3A_78 = arith.constant 0 : i32
      %swap3A_79 = arith.index_cast %swap3A_78 : i32 to index
      %swap3A_80 = arith.constant 16 : index
      %swap3A_81 = tpu.vector_load %arg17[%swap3A_79, %swap3A_80] {strides = array<i32>} : memref<1x128xi32, #tpu.memory_space<vmem>>, vector<16xi32>,
      tpu.vector_store %arg17[%swap3A_79, %swap3A_80], %get3A_77 {strides = array<i32>} : memref<1x128xi32, #tpu.memory_space<vmem>>, vector<16xi32>,
      %get3A_82 = arith.constant 32 : index
      %get3A_83 = tpu.vector_load %arg16[%get3A_82] {strides = array<i32>} : memref<144xi32, #tpu.memory_space<vmem>>, vector<16xi32>,
      %swap3A_84 = arith.constant 0 : i32
      %swap3A_85 = arith.index_cast %swap3A_84 : i32 to index
      %swap3A_86 = arith.constant 32 : index
      %swap3A_87 = tpu.vector_load %arg17[%swap3A_85, %swap3A_86] {strides = array<i32>} : memref<1x128xi32, #tpu.memory_space<vmem>>, vector<16xi32>,
      tpu.vector_store %arg17[%swap3A_85, %swap3A_86], %get3A_83 {strides = array<i32>} : memref<1x128xi32, #tpu.memory_space<vmem>>, vector<16xi32>,
      %get3A_88 = arith.constant 48 : index
      %get3A_89 = tpu.vector_load %arg16[%get3A_88] {strides = array<i32>} : memref<144xi32, #tpu.memory_space<vmem>>, vector<16xi32>,
      %swap3A_90 = arith.constant 0 : i32
      %swap3A_91 = arith.index_cast %swap3A_90 : i32 to index
      %swap3A_92 = arith.constant 48 : index
      %swap3A_93 = tpu.vector_load %arg17[%swap3A_91, %swap3A_92] {strides = array<i32>} : memref<1x128xi32, #tpu.memory_space<vmem>>, vector<16xi32>,
      tpu.vector_store %arg17[%swap3A_91, %swap3A_92], %get3A_89 {strides = array<i32>} : memref<1x128xi32, #tpu.memory_space<vmem>>, vector<16xi32>,
      %get3A_94 = arith.constant 64 : index
      %get3A_95 = tpu.vector_load %arg16[%get3A_94] {strides = array<i32>} : memref<144xi32, #tpu.memory_space<vmem>>, vector<16xi32>,
      %swap3A_96 = arith.constant 0 : i32
      %swap3A_97 = arith.index_cast %swap3A_96 : i32 to index
      %swap3A_98 = arith.constant 64 : index
      %swap3A_99 = tpu.vector_load %arg17[%swap3A_97, %swap3A_98] {strides = array<i32>} : memref<1x128xi32, #tpu.memory_space<vmem>>, vector<16xi32>,
      tpu.vector_store %arg17[%swap3A_97, %swap3A_98], %get3A_95 {strides = array<i32>} : memref<1x128xi32, #tpu.memory_space<vmem>>, vector<16xi32>,
      %get3A_100 = arith.constant 80 : index
      %get3A_101 = tpu.vector_load %arg16[%get3A_100] {strides = array<i32>} : memref<144xi32, #tpu.memory_space<vmem>>, vector<16xi32>,
      %swap3A_102 = arith.constant 0 : i32
      %swap3A_103 = arith.index_cast %swap3A_102 : i32 to index
      %swap3A_104 = arith.constant 80 : index
      %swap3A_105 = tpu.vector_load %arg17[%swap3A_103, %swap3A_104] {strides = array<i32>} : memref<1x128xi32, #tpu.memory_space<vmem>>, vector<16xi32>,
      tpu.vector_store %arg17[%swap3A_103, %swap3A_104], %get3A_101 {strides = array<i32>} : memref<1x128xi32, #tpu.memory_space<vmem>>, vector<16xi32>,
      %get3A_106 = arith.constant 96 : index
      %get3A_107 = tpu.vector_load %arg16[%get3A_106] {strides = array<i32>} : memref<144xi32, #tpu.memory_space<vmem>>, vector<16xi32>,
      %swap3A_108 = arith.constant 0 : i32
      %swap3A_109 = arith.index_cast %swap3A_108 : i32 to index
      %swap3A_110 = arith.constant 96 : index
      %swap3A_111 = tpu.vector_load %arg17[%swap3A_109, %swap3A_110] {strides = array<i32>} : memref<1x128xi32, #tpu.memory_space<vmem>>, vector<16xi32>,
      tpu.vector_store %arg17[%swap3A_109, %swap3A_110], %get3A_107 {strides = array<i32>} : memref<1x128xi32, #tpu.memory_space<vmem>>, vector<16xi32>,
      %get3A_112 = arith.constant 112 : index
      %get3A_113 = tpu.vector_load %arg16[%get3A_112] {strides = array<i32>} : memref<144xi32, #tpu.memory_space<vmem>>, vector<16xi32>,
      %swap3A_114 = arith.constant 0 : i32
      %swap3A_115 = arith.index_cast %swap3A_114 : i32 to index
      %swap3A_116 = arith.constant 112 : index
      %swap3A_117 = tpu.vector_load %arg17[%swap3A_115, %swap3A_116] {strides = array<i32>} : memref<1x128xi32, #tpu.memory_space<vmem>>, vector<16xi32>,
      tpu.vector_store %arg17[%swap3A_115, %swap3A_116], %get3A_113 {strides = array<i32>} : memref<1x128xi32, #tpu.memory_space<vmem>>, vector<16xi32>,
      %dma_start3A = arith.constant 0 : i32
      %dma_start3A_118 = arith.constant 0 : i32
      %dma_start3A_119 = arith.constant 0 : i32
      %dma_start3A_120 = tpu.memref_slice %arg15[%dma_start3A_118, %dma_start3A_119] : memref<144x128xf32, #tpu.memory_space<vmem>> -> memref<128x128xf32, #tpu.memory_space<vmem>>
      %dma_start3A_121 = arith.constant 0 : i32
      %dma_start3A_122 = tpu.memref_slice %arg17[%dma_start3A, %dma_start3A_121] : memref<1x128xi32, #tpu.memory_space<vmem>> -> memref<1x128xi32, #tpu.memory_space<vmem>>
      %dma_start3A_123 = tpu.memref_squeeze %dma_start3A_122 : memref<1x128xi32, #tpu.memory_space<vmem>> -> memref<128xi32, #tpu.memory_space<vmem>>
      %dma_start3A_124 = arith.constant 0 : i32
      %dma_start3A_125 = arith.constant 0 : i32
      %dma_start3A_126 = tpu.memref_slice %arg5[%dma_start3A_124, %dma_start3A_125] : memref<66048x128xf32, #tpu.memory_space<hbm>> -> memref<66048x128xf32, #tpu.memory_space<hbm>>
      tpu.enqueue_indirect_dma source(%dma_start3A_120 : memref<128x128xf32, #tpu.memory_space<vmem>>) target(%dma_start3A_126 : memref<66048x128xf32, #tpu.memory_space<hbm>>) offsets(%dma_start3A_123 : memref<128xi32, #tpu.memory_space<vmem>>) semaphore(%arg19 : memref<!tpu.dma_semaphore, #tpu.memory_space<semaphore_mem>>)
      %dma_wait3A = arith.constant 0 : i32
      %dma_wait3A_127 = arith.constant 0 : i32
      %dma_wait3A_128 = arith.constant 0 : i32
      %dma_wait3A_129 = tpu.memref_slice %arg15[%dma_wait3A_127, %dma_wait3A_128] : memref<144x128xf32, #tpu.memory_space<vmem>> -> memref<128x128xf32, #tpu.memory_space<vmem>>
      %dma_wait3A_130 = arith.constant 0 : i32
      %dma_wait3A_131 = tpu.memref_slice %arg17[%dma_wait3A, %dma_wait3A_130] : memref<1x128xi32, #tpu.memory_space<vmem>> -> memref<1x128xi32, #tpu.memory_space<vmem>>
      %dma_wait3A_132 = tpu.memref_squeeze %dma_wait3A_131 : memref<1x128xi32, #tpu.memory_space<vmem>> -> memref<128xi32, #tpu.memory_space<vmem>>
      %dma_wait3A_133 = arith.constant 0 : i32
      %dma_wait3A_134 = arith.constant 0 : i32
      %dma_wait3A_135 = tpu.memref_slice %arg5[%dma_wait3A_133, %dma_wait3A_134] : memref<66048x128xf32, #tpu.memory_space<hbm>> -> memref<66048x128xf32, #tpu.memory_space<hbm>>
      tpu.wait_indirect_dma semaphore(%arg19 : memref<!tpu.dma_semaphore, #tpu.memory_space<semaphore_mem>>) src(%dma_wait3A_129 : memref<128x128xf32, #tpu.memory_space<vmem>>) dst(%dma_wait3A_135 : memref<66048x128xf32, #tpu.memory_space<hbm>>)
    } else {
    }
    return
  }
}

</mosaic_0001>

<sc_bundles>
// kernel: _emb_gather.3.cloned.1.call-start
scs
__scs_entry_jumppad:
0x0: {  	(pc) =	sbr.rel $0x88, $3  }
0x1: {  	(tag) =	ssettag $0x0;
	lr =	simm.s32 $0x1  }
0x2: {  	[smem:$0x3F9E] =	sst lr;
	_ =	strace $0xD0000000  }
0x3: {  	_ = 	snop  }
0x4: {  	_ = 	snop  }
0x5: {  	_ = 	snop  }
0x6: {  	_ = 	snop  }
0x7: {  	_ = 	snop  }
__scs_overlays_trampoline_lowered:
0x8: {  	[smem:$0x3FAD] =	sst s0  }
0x9: {  	[smem:$0x3FAE] =	sst s1  }
0xa: {  	[smem:$0x3FAF] =	sst s2  }
0xb: {  	[smem:$0x3FB0] =	sst s3  }
0xc: {  	[smem:$0x3FB1] =	sst s4  }
0xd: {  	[smem:$0x3FB2] =	sst s5  }
0xe: {  	[smem:$0x3FB3] =	sst s6  }
0xf: {  	[smem:$0x3FB4] =	sst s7  }
0x10: {  	[smem:$0x3FB5] =	sst s8  }
0x11: {  	[smem:$0x3FB6] =	sst s9;
	s0 =	simm.s32 @!p0 $0x0  }
0x12: {  	s1 =	sld [smem:$0x3F9C];
	s0 =	simm.s32 @p0 $0x1  }
0x13: {  	[smem:$0x3FB7] =	sst s0;
	s0 =	simm.s32 @!p1 $0x0  }
0x14: {  	s2 =	sld [smem:$0x3F9B];
	s0 =	simm.s32 @p1 $0x1  }
0x15: {  	[smem:$0x3FB8] =	sst s0;
	s0 =	simm.s32 @!p2 $0x0  }
0x16: {  	s3 =	sld [smem:$0x3FDB];
	s0 =	simm.s32 @p2 $0x1  }
0x17: {  	s4 =	simm.s32 $0x1BF5;
	[smem:$0x3FBA] =	sst s0  }
0x18: {  	s0 =	sld [smem:$0x3F9D];
	_ =	swait.ge [sflag:s4], $0x0  }
0x19: {  	s7 =	sld [smem:$0x3F9E]  }
0x1a: {  	s8 =	sadd.s32 $0xFFFFE003, lr  }
0x1b: {  	s9 =	sadd.s32 $0xFFFFFEF7, lr;
	s5 =	simm.s32 $0xFFFFFFFF;
	p2 =	slt.u32 s8, $0xFFFFF086  }
0x1c: {  	p1 =	slt.u32 s9, $0xF7A;
	s5 =	simm.s32 @!p2 $0x0  }
0x1d: {  	s5 =	simm.s32 @p1 $0x1;
	p0 =	seq.s32 s7, s2  }
0x1e: {  	s7 =	smul.u32 @!p0 $0xF7A, s2;
	p2 =	seq.s32 @!p0 s5, $0x0  }
0x1f: {  	s9 =	smul.u32 $0xF7A, s1;
	s8 =	simm.s32 @!p0 $0x1BF5;
	p2 =	por !p2, p0  }
0x20: {  	[sflag:s8] =	ssyncset.s32 @!p0 $0xFFFFF086;
	s6 =	sadd.s32 @!p0 s3, s7;
	s7 =	simm.s32 @!p0 $0x108  }
0x21: {  	s3 =	sadd.s32 s3, s9;
	s6 =	sadd.s32 @!p0 $0x88, s6;
	s7 =	simm.s32 @p2 $0x1082  }
0x22: {  	[simem:s7], [sflag:s8] =	dma.local @!p0 [hbm:s6], $0xF7A  }
0x23: {  	s9 =	sor.u32 $0xD0000000, s2;
	s6 =	simm.s32 $0x108;
	_ =	swait.ge @!p0 [sflag:s8], $0x0  }
0x24: {  	s3 =	sadd.s32 $0x88, s3;
	s6 =	simm.s32 @!p1 $0x1082;
	[sflag:s4] =	ssyncset.s32 $0xFFFFF086  }
0x25: {  	[simem:s6], [sflag:s4] =	dma.local [hbm:s3], $0xF7A  }
0x26: {  	[smem:$0x3F9E] =	sst s1;
	(tag) =	ssettag s2;
	_ =	strace s9  }
0x27: {  	s1 =	sld [smem:$0x3FAE]  }
0x28: {  	s2 =	sld [smem:$0x3FAF]  }
0x29: {  	s4 =	sld [smem:$0x3FB1]  }
0x2a: {  	p0 =	seq.s32 s5, $0x0;
	s5 =	sld [smem:$0x3FB2]  }
0x2b: {  	s6 =	sld [smem:$0x3FB3]  }
0x2c: {  	s7 =	sld [smem:$0x3FB4]  }
0x2d: {  	s3 =	simm.s32 $0x108;
	s8 =	sld [smem:$0x3FB5]  }
0x2e: {  	s3 =	simm.s32 @!p0 $0x1082;
	s9 =	sld [smem:$0x3FB6]  }
0x2f: {  	lr =	sadd.s32 s0, s3;
	s0 =	sld [smem:$0x3FAD]  }
0x30: {  	s3 =	sld [smem:$0x3FB0]  }
0x31: {  	[smem:$0x3FB9] =	sst s10  }
0x32: {  	s10 =	sld [smem:$0x3FB7];
	_ =	sdelay $0x3  }
0x33: {  	p0 =	seq.s32 s10, $0x1;
	s10 =	sld [smem:$0x3FB9];
	_ =	sdelay $0x3  }
0x34: {  	[smem:$0x3FB9] =	sst s10  }
0x35: {  	s10 =	sld [smem:$0x3FB8];
	_ =	sdelay $0x3  }
0x36: {  	p1 =	seq.s32 s10, $0x1;
	s10 =	sld [smem:$0x3FB9];
	_ =	sdelay $0x3  }
0x37: {  	[smem:$0x3FB9] =	sst s10  }
0x38: {  	s10 =	sld [smem:$0x3FBA]  }
0x39: {  	_ = 	snop;
	(pc) =	sbr.ind lr, $3  }
0x3a: {  	_ = 	snop  }
0x3b: {  	_ = 	snop  }
0x3c: {  	p2 =	seq.s32 s10, $0x1;
	s10 =	sld [smem:$0x3FB9]  }
0x3d: {  	_ =	shalt  }
0x3e: {  	_ =	shalt  }
0x3f: {  	_ =	shalt  }
0x40: {  	_ =	shalt  }
0x41: {  	_ =	shalt  }
0x42: {  	_ =	shalt  }
0x43: {  	_ =	shalt  }
0x44: {  	_ =	shalt  }
0x45: {  	_ =	shalt  }
0x46: {  	_ =	shalt  }
0x47: {  	_ =	shalt  }
0x48: {  	_ =	shalt  }
0x49: {  	_ =	shalt  }
0x4a: {  	_ =	shalt  }
0x4b: {  	_ =	shalt  }
0x4c: {  	_ =	shalt  }
0x4d: {  	_ =	shalt  }
0x4e: {  	_ =	shalt  }
0x4f: {  	_ =	shalt  }
0x50: {  	_ =	shalt  }
0x51: {  	_ =	shalt  }
0x52: {  	_ =	shalt  }
0x53: {  	_ =	shalt  }
0x54: {  	_ =	shalt  }
0x55: {  	_ =	shalt  }
0x56: {  	_ =	shalt  }
0x57: {  	_ =	shalt  }
0x58: {  	_ =	shalt  }
0x59: {  	_ =	shalt  }
0x5a: {  	_ =	shalt  }
0x5b: {  	_ =	shalt  }
0x5c: {  	_ =	shalt  }
0x5d: {  	_ =	shalt  }
0x5e: {  	_ =	shalt  }
0x5f: {  	_ =	shalt  }
0x60: {  	_ =	shalt  }
0x61: {  	_ =	shalt  }
0x62: {  	_ =	shalt  }
0x63: {  	_ =	shalt  }
0x64: {  	_ =	shalt  }
0x65: {  	_ =	shalt  }
0x66: {  	_ =	shalt  }
0x67: {  	_ =	shalt  }
0x68: {  	_ =	shalt  }
0x69: {  	_ =	shalt  }
0x6a: {  	_ =	shalt  }
0x6b: {  	_ =	shalt  }
0x6c: {  	_ =	shalt  }
0x6d: {  	_ =	shalt  }
0x6e: {  	_ =	shalt  }
0x6f: {  	_ =	shalt  }
0x70: {  	_ =	shalt  }
0x71: {  	_ =	shalt  }
0x72: {  	_ =	shalt  }
0x73: {  	_ =	shalt  }
0x74: {  	_ =	shalt  }
0x75: {  	_ =	shalt  }
0x76: {  	_ =	shalt  }
0x77: {  	_ =	shalt  }
0x78: {  	_ =	shalt  }
0x79: {  	_ =	shalt  }
0x7a: {  	_ =	shalt  }
0x7b: {  	_ =	shalt  }
0x7c: {  	_ =	shalt  }
0x7d: {  	_ =	shalt  }
0x7e: {  	_ =	shalt  }
0x7f: {  	_ =	shalt  }
0x80: {  	_ =	shalt  }
0x81: {  	_ =	shalt  }
0x82: {  	_ =	shalt  }
0x83: {  	_ =	shalt  }
0x84: {  	_ =	shalt  }
0x85: {  	_ =	shalt  }
0x86: {  	_ =	shalt  }
0x87: {  	_ =	shalt  }
.Lfunc_end0:
.L_simem_size_0:
called_computation_lowered:
.L_overlay_start_0:
0x88: {  	s2 =	sld [smem:$0x3FD9]  }
0x89: {  	s3 =	sld [smem:$0x3FFE];
	_ =	sdelay $0x1  }
0x8a: {  	s1 =	srdreg.scid  }
0x8b: {  	s0 =	sand.u32 $0x1, s1  }
0x8c: {  	s17 =	sshll.u32 s0, $0xA;
	s2 =	sadd.s32 s3, s2  }
0x8d: {  	s2 =	sadd.s32 s2, s17  }
0x8e: {  	[smem:$0x3FC5] =	sst s2  }
0x8f: {  	_ = 	snop  }
0x90: {  	s2 =	sld [smem:$0x3FC9]  }
0x91: {  	s18 =	sld [smem:$0x3FC8]  }
0x92: {  	s4 =	sld [smem:$0x3FC7]  }
0x93: {  	s5 =	sld [smem:$0x3FD0];
	(tm) =	ssettm $0x1  }
0x94: {  	s6 =	sld [smem:$0x3FFB];
	_ =	sdelay $0x3  }
0x95: {  	_ =	strace s6  }
0x96: {  	s6 =	sld [smem:$0x3FFC];
	_ =	sdelay $0x3  }
0x97: {  	_ =	strace s6  }
0x98: {  	s6 =	sld [smem:$0x3FFD];
	_ =	sdelay $0x3  }
0x99: {  	_ =	strace s6  }
0x9a: {  	_ =	strace $0x8FFFFFFF  }
0x9b: {  	s19 =	sld [smem:$0x3FDB];
	_ =	sdelay $0x1  }
0x9c: {  	s7 =	simm.s32 $_scs_section_size  }
0x9d: {  	s8 =	simm.s32 $_size__tile_overlayer_lowered;
	s9 =	simm.s32 $_tile_overlayer_lowered  }
0x9e: {  	s22 =	simm.s32 $0x1BFF;
	s21 =	sshll.u32 s9, $0x1;
	s6 =	sadd.s32 s7, s19  }
0x9f: {  	s10 =	simm.s32 $0x0;
	s20 =	sshll.u32 s8, $0x1;
	s8 =	sadd.s32 s21, s6  }
0xa0: {  	[timem:s10], [sflag:s22] =	dma.local [hbm:s8], s20  }
0xa1: {  	_ =	swait.ge [sflag:s22], s20  }
0xa2: {  	s7 =	ssub.s32 $0x0, s20;
	[sflag:s22] =	ssyncset.done $0x0  }
0xa3: {  	[sflag:s22] =	ssyncadd.s32 s7;
	_ =	sdelay $0x1  }
0xa4: {  	s23 =	simm.s32 $0x1B8B  }
0xa5: {  	_ =	swait.ge [sflag:s23], $0x1  }
0xa6: {  	[sflag:s23] =	ssyncset.done $0x0  }
0xa7: {  	s25 =	simm.s32 $0x1B8E;
	s24 =	sld [smem:$0x3FFE];
	[sflag:s23] =	ssyncadd.s32 $0xFFFFFFFF  }
0xa8: {  	s26 =	simm.s32 $execute0_lowered;
	[smem:$0x3FD2] =	sst s25  }
0xa9: {  	s8 =	sshll.u32 s26, $0x1;
	_ =	strace $0x80000046;
	[dreg:$0x1] =	wrdreg $0xFFFFFFFF  }
0xaa: {  	s28 =	simm.s32 $_size_execute0_lowered;
	s6 =	sadd.s32 s6, s8;
	[dreg:$0x0] =	wrdreg $0x0  }
0xab: {  	s8 =	sshll.u32 s28, $0x1;
	[dreg:$0x2] =	wrdreg s6  }
0xac: {  	[dreg:$0x3] =	wrdreg s8  }
0xad: {  	[dreg:$0x4] =	wrdreg $0xC0  }
0xae: {  	_ =	task [dreg:s10], $0x5FFFF  }
0xaf: {  	[dreg:$0x1] =	wrdreg $0xFFFFFFFF  }
0xb0: {  	[dreg:$0x0] =	wrdreg $0x60  }
0xb1: {  	[dreg:$0x2] =	wrdreg s2  }
0xb2: {  	[dreg:$0x3] =	wrdreg s18  }
0xb3: {  	[dreg:$0x4] =	wrdreg s4  }
0xb4: {  	[dreg:$0x5] =	wrdreg s5  }
0xb5: {  	[dreg:$0x6] =	wrdreg s24  }
0xb6: {  	[dreg:$0x7] =	wrdreg $0x9  }
0xb7: {  	_ =	task.clear_ibuf [dreg:s10], $0x8FFFF;
	_ =	strace $0x90000046  }
0xb8: {  	s29 =	simm.s32 $0x9;
	_ =	strace $0x80000048  }
0xb9: {  	_ =	swait.ge [sflag:s29], $0x1  }
0xba: {  	[sflag:s29] =	ssyncadd.s32 $0xFFFFFFFF  }
0xbb: {  	_ =	strace $0x90000048  }
0xbc: {  	_ =	sfence  }
0xbd: {  	s30 =	sld [smem:$0x0];
	_ =	sdelay $0x2  }
0xbe: {  	s31 =	sshll.u32 s1, $0xD;
	s1 =	sshrl.u32 s1, $0x2  }
0xbf: {  	s3 =	sand.u32 $0x4000, s31;
	s1 =	sadd.s32 s1, s30  }
0xc0: {  	s0 =	sor.u32 s3, s0;
	s1 =	sshll.u32 s1, $0x11  }
0xc1: {  	s0 =	sor.u32 s1, s0  }
0xc2: {  	s0 =	sadd.s32 $0x8F2B, s0  }
0xc3: {  	[sflag:s0] =	ssyncadd.remote.s32 $0x1  }
0xc4: {  	_ =	sfence.sel $0xFFFF  }
0xc5: {  	[dreg:$0x0] =	wrdreg $0xFFFFFFFF;
	(pc) =	sbr.abs _section_cstart, $3  }
0xc6: {  	[dreg:$0x1] =	wrdreg $0xFFFFFFFF  }
0xc7: {  	_ =	task.clear_ibuf [dreg:s10], $0x2FFFF;
	_ =	strace $0x9FFFFFFF  }
0xc8: {  	(tm) =	ssettm $0x7FFFFFFF  }
0xc9: {  	_ =	shalt  }
tec
execute0_lowered:
.L_overlay_start_1:
0x0: {  	(tag) =	ssettag $0x1  }
0x1: {  	s5 =	rddreg [dreg:$0x3]  }
0x2: {  	s0 =	rddreg [dreg:$0x4];
	s1 =	srdreg.scid  }
0x3: {  	s2 =	stileid.u32;
	s6 =	simm.s32 $0x0;
	s16 =	simm.s32 $0x3  }
0x4: {  	s17 =	simm.s32 $0x1000;
	s18 =	simm.s32 $0x1900;
	s19 =	simm.s32 $0x80  }
0x5: {  	s20 =	simm.s32 $0x400;
	s21 =	simm.s32 $0x800;
	s22 =	simm.s32 $0x7A1400  }
0x6: {  	s23 =	simm.s32 $0x3300;
	s13 =	simm.s32 $0x13300;
	s14 =	simm.s32 $0x17C00  }
0x7: {  	s15 =	simm.s32 $0x2;
	s31 =	simm.s32 $0x0;
	s1 =	sand.u32 $0x1, s1  }
0x8: {  	s3 =	sshll.u32 s2, $0x1;
	[smem:$0x7FF] =	sst s6;
	s7 =	sadd.s32 $0x800, s0  }
0x9: {  	s8 =	sadd.s32 $0x40800, s0;
	s11 =	sshll.u32 s2, $0x11;
	s3 =	sor.u32 s1, s3  }
0xa: {  	s2 =	simm.s32 $0x0;
	s1 =	ssub.s32 $0x2, s1;
	s4 =	smul.u32 $0x1E85, s3  }
0xb: {  	_ =	strace $0x80000047;
	s25 =	sshrl.u32 s1, $0x1;
	s12 =	sshll.u32 s3, $0x7  }
0xc: {  	s28 =	sor.u32 s12, s11;
	s0 =	ssub.s32 s1, s25;
	s9 =	sadd.s32 $0x1E85, s4  }
0xd: {  	s26 =	sshrl.u32 s4, $0x5;
	s0 =	smax.u32 s0, $0x1;
	s10 =	sshrl.u32 s9, $0x5  }
0xe: {  	s11 =	sand.u32 $0x180380, s28;
	[dreg:$0xa] =	wrdreg s0;
	s29 =	ssub.s32 s10, s26  }
0xf: {  	s4 =	sshrl.u32 s11, $0x3;
	[dreg:$0x6] =	wrdreg s26;
	s1 =	sadd.s32 $0x7, s29  }
.Ltmp0:
0x10: {  	s30 =	sadd.s32 s7, s4;
	s1 =	sshra.s32 s1, $0x3;
	(pc) =	sbr.rel .LBB2_1-.Ltmp0, $4  }
0x11: {  	s4 =	sadd.s32 s8, s4;
	[dreg:$0x8] =	wrdreg s30;
	p0 =	slt.s32 s1, $0x1  }
0x12: {  	v0 =	vlaneseq.u32;
	s3 =	sshll.u32 s3, $0x4;
	[dreg:$0x9] =	wrdreg s4;
	s0 =	simm.s32 @!p0 $0x0  }
0x13: {  	v4 =	vimm.s32 $0x0;
	v5 =	vor.u32 $0x880, v0;
	v6 =	vor.u32 $0x810, v0;
	s3 =	sor.u32 $0x10000, s3;
	[dreg:$0x7] =	wrdreg s1;
	s0 =	simm.s32 @p0 $0x1  }
0x14: {  	v1 =	vor.u32 s3, v0;
	v2 =	vmov s26;
	v3 =	vmov s10;
	s4 =	simm.s32 $0x2A80;
	[smem:$0x7FD] =	sst s0;
	s0 =	simm.s32 $0x2200  }
.LBB2_55:
0x15: {  	v7 =	vld [tilespmem:$0x17B00]  }
0x16: {  	v8 =	vld [tilespmem:$0x17B10]  }
0x17: {  	v9 =	vld [tilespmem:$0x17B20]  }
0x18: {  	v10 =	vld [tilespmem:$0x17B30]  }
0x19: {  	v11 =	vld [tilespmem:$0x17B40]  }
0x1a: {  	v63 =	vld [tilespmem:$0x17B70];
	[tilespmem:$0x17C00] =	vst v7  }
0x1b: {  	v7 =	vld [tilespmem:$0x17B50];
	[tilespmem:$0x17C10] =	vst v8  }
0x1c: {  	v8 =	vld [tilespmem:$0x17B60];
	[tilespmem:$0x17C20] =	vst v9  }
0x1d: {  	[tilespmem:$0x17C30] =	vst v10  }
0x1e: {  	[tilespmem:$0x17C40] =	vst v11  }
0x1f: {  	[tilespmem:$0x17C70] =	vst v63  }
0x20: {  	[tilespmem:$0x17C50] =	vst v7  }
0x21: {  	[tilespmem:$0x17C60] =	vst v8  }
0x22: {  	[hbm4b:s5+s19] =	stream.indirect.scatter [tilespmem:s13], [sflag:$0x2], $0x80, s14, s19, $0xb8;
	[tilespmem:$0x17C80] =	vst v63  }
0x23: {  	_ =	swait.ge [sflag:s15], $0x4000  }
0x24: {  	[sflag:s15] =	ssyncset.done $0x0  }
0x25: {  	s2 =	rddreg [dreg:$0xb];
	[sflag:s15] =	ssyncadd.s32 $0xFFFFC000  }
.LBB2_56:
0x26: {  	s2 =	sadd.s32 $0x1, s2;
	s1 =	rddreg [dreg:$0xa]  }
0x27: {  	p0 =	sne.s32 s2, s1  }
.Ltmp1:
0x28: {  	_ = 	snop;
	(pc) =	sbr.rel @!p0 .LBB2_57-.Ltmp1, $1  }
0x29: {  	_ =	sdelay $0x3  }
.LBB2_1:
0x2a: {  	[dreg:$0xb] =	wrdreg s2;
	s24 =	simm.s32 $0x0;
	v7 =	vimm.s32 $0x0;
	v8 =	vimm.s32 $0x0;
	s25 =	simm.s32 $0x0  }
.LBB2_2:
0x2b: {  	s1 =	sshll.u32 s25, $0x8;
	s2 =	rddreg [dreg:$0x0]  }
0x2c: {  	s26 =	simm.s32 $0x0;
	s1 =	sadd.s32 s2, s1  }
0x2d: {  	[tilespmem:s26], [sflag:$0x3] =	stream.linear.gather [hbm4b:s1+s26], $0x800, $0x38;
	[tilespmem:$0x17C80] =	vst v63  }
0x2e: {  	_ =	swait.ge [sflag:s16], $0x800  }
0x2f: {  	[sflag:s16] =	ssyncset.done $0x0  }
0x30: {  	s28 =	simm.s32 $0x40;
	[sflag:s16] =	ssyncadd.s32 $0xFFFFF800  }
.LBB2_3:
0x31: {  	v9 =	vld [tilespmem:s28+$0xFFFFFFC0];
	_ =	sdelay $0x4  }
0x32: {  	v10 =	vshrl.u32 v9, $0x7  }
0x33: {  	vm0 =	vge.u32 v10, v2;
	vm1 =	vlt.u32 v10, v3  }
0x34: {  	vm0 =	vmand vm0, vm1  }
0x35: {  	v10 =	vsel vm0, $0x1, v4  }
0x36: {  	(xrf0) =	vadd.scan.msk.s32 $0xffff, v10;
	_ =	sdelay $0x5  }
0x37: {  	v10, _, _ =	vpop (xrf0)  }
0x38: {  	v10 =	vadd.s32 v10, v8  }
0x39: {  	v10 =	vadd.s32 $0xFFFFFFFF, v10  }
0x3a: {  	v10 =	vsel vm0, v10, v5;
	_ =	sdelay $0x2  }
0x3b: {  	s29 =	sadd.s32 s26, s24  }
0x3c: {  	v11 =	vor.u32 s29, v0  }
0x3d: {  	[tilespmem:v10+s17+$0x0] =	vst.idx.msk $0xffff, v11  }
0x3e: {  	[tilespmem:v10+s18+$0x0] =	vst.idx.msk $0xffff, v9  }
0x3f: {  	v9 =	vld [tilespmem:s28+$0xFFFFFFD0];
	_ =	sdelay $0x4  }
0x40: {  	v10 =	vshrl.u32 v9, $0x7  }
0x41: {  	vm14 =	vge.u32 v10, v2;
	vm2 =	vlt.u32 v10, v3  }
0x42: {  	vm1 =	vmand vm14, vm2  }
0x43: {  	v10 =	vsel vm1, $0x1, v4  }
0x44: {  	(xrf0) =	vadd.scan.msk.s32 $0xffff, v10;
	_ =	sdelay $0x1  }
0x45: {  	v10 =	vmpcnt.ones.xlane vm0;
	_ =	sdelay $0x3  }
0x46: {  	v8 =	vadd.s32 v8, v10;
	v10, _, _ =	vpop (xrf0)  }
0x47: {  	v10 =	vadd.s32 v10, v8  }
0x48: {  	v10 =	vadd.s32 $0xFFFFFFFF, v10  }
0x49: {  	v10 =	vsel vm1, v10, v5;
	_ =	sdelay $0x2  }
0x4a: {  	s1 =	sadd.s32 $0x10, s29  }
0x4b: {  	v11 =	vor.u32 s1, v0  }
0x4c: {  	[tilespmem:v10+s17+$0x0] =	vst.idx.msk $0xffff, v11  }
0x4d: {  	[tilespmem:v10+s18+$0x0] =	vst.idx.msk $0xffff, v9  }
0x4e: {  	v9 =	vld [tilespmem:s28+$0xFFFFFFE0];
	_ =	sdelay $0x4  }
0x4f: {  	v10 =	vshrl.u32 v9, $0x7  }
0x50: {  	vm15 =	vge.u32 v10, v2;
	vm4 =	vlt.u32 v10, v3  }
0x51: {  	vm0 =	vmand vm15, vm4  }
0x52: {  	v10 =	vsel vm0, $0x1, v4  }
0x53: {  	(xrf0) =	vadd.scan.msk.s32 $0xffff, v10;
	_ =	sdelay $0x1  }
0x54: {  	v10 =	vmpcnt.ones.xlane vm1;
	_ =	sdelay $0x3  }
0x55: {  	v8 =	vadd.s32 v8, v10;
	v10, _, _ =	vpop (xrf0)  }
0x56: {  	v10 =	vadd.s32 v10, v8  }
0x57: {  	v10 =	vadd.s32 $0xFFFFFFFF, v10  }
0x58: {  	v10 =	vsel vm0, v10, v5;
	_ =	sdelay $0x2  }
0x59: {  	s2 =	sadd.s32 $0x20, s29  }
0x5a: {  	v11 =	vor.u32 s2, v0  }
0x5b: {  	[tilespmem:v10+s17+$0x0] =	vst.idx.msk $0xffff, v11  }
0x5c: {  	[tilespmem:v10+s18+$0x0] =	vst.idx.msk $0xffff, v9  }
0x5d: {  	v9 =	vld [tilespmem:s28+$0xFFFFFFF0];
	_ =	sdelay $0x4  }
0x5e: {  	v10 =	vshrl.u32 v9, $0x7  }
0x5f: {  	vm5 =	vge.u32 v10, v2;
	vm6 =	vlt.u32 v10, v3  }
0x60: {  	vm1 =	vmand vm5, vm6  }
0x61: {  	v10 =	vsel vm1, $0x1, v4  }
0x62: {  	(xrf0) =	vadd.scan.msk.s32 $0xffff, v10;
	_ =	sdelay $0x1  }
0x63: {  	v10 =	vmpcnt.ones.xlane vm0;
	_ =	sdelay $0x3  }
0x64: {  	v8 =	vadd.s32 v8, v10;
	v10, _, _ =	vpop (xrf0)  }
0x65: {  	v10 =	vadd.s32 v10, v8  }
0x66: {  	v10 =	vadd.s32 $0xFFFFFFFF, v10  }
0x67: {  	v10 =	vsel vm1, v10, v5;
	_ =	sdelay $0x2  }
0x68: {  	s3 =	sadd.s32 $0x30, s29  }
0x69: {  	v11 =	vor.u32 s3, v0  }
0x6a: {  	[tilespmem:v10+s17+$0x0] =	vst.idx.msk $0xffff, v11  }
0x6b: {  	[tilespmem:v10+s18+$0x0] =	vst.idx.msk $0xffff, v9  }
0x6c: {  	v9 =	vld [tilespmem:s28+$0x0];
	_ =	sdelay $0x4  }
0x6d: {  	v10 =	vshrl.u32 v9, $0x7  }
0x6e: {  	vm7 =	vge.u32 v10, v2;
	vm8 =	vlt.u32 v10, v3  }
0x6f: {  	vm0 =	vmand vm7, vm8  }
0x70: {  	v10 =	vsel vm0, $0x1, v4  }
0x71: {  	(xrf0) =	vadd.scan.msk.s32 $0xffff, v10;
	_ =	sdelay $0x1  }
0x72: {  	v10 =	vmpcnt.ones.xlane vm1;
	_ =	sdelay $0x3  }
0x73: {  	v8 =	vadd.s32 v8, v10;
	v10, _, _ =	vpop (xrf0)  }
0x74: {  	v10 =	vadd.s32 v10, v8  }
0x75: {  	v10 =	vadd.s32 $0xFFFFFFFF, v10  }
0x76: {  	v10 =	vsel vm0, v10, v5;
	_ =	sdelay $0x2  }
0x77: {  	s9 =	sadd.s32 $0x40, s29  }
0x78: {  	v11 =	vor.u32 s9, v0  }
0x79: {  	[tilespmem:v10+s17+$0x0] =	vst.idx.msk $0xffff, v11  }
0x7a: {  	[tilespmem:v10+s18+$0x0] =	vst.idx.msk $0xffff, v9  }
0x7b: {  	v9 =	vld [tilespmem:s28+$0x10];
	_ =	sdelay $0x4  }
0x7c: {  	v10 =	vshrl.u32 v9, $0x7  }
0x7d: {  	vm9 =	vge.u32 v10, v2;
	vm10 =	vlt.u32 v10, v3  }
0x7e: {  	vm1 =	vmand vm9, vm10  }
0x7f: {  	v10 =	vsel vm1, $0x1, v4  }
0x80: {  	(xrf0) =	vadd.scan.msk.s32 $0xffff, v10;
	_ =	sdelay $0x1  }
0x81: {  	v10 =	vmpcnt.ones.xlane vm0;
	_ =	sdelay $0x3  }
0x82: {  	v8 =	vadd.s32 v8, v10;
	v10, _, _ =	vpop (xrf0)  }
0x83: {  	v10 =	vadd.s32 v10, v8  }
0x84: {  	v10 =	vadd.s32 $0xFFFFFFFF, v10  }
0x85: {  	v10 =	vsel vm1, v10, v5;
	_ =	sdelay $0x2  }
0x86: {  	s12 =	sadd.s32 $0x50, s29  }
0x87: {  	v11 =	vor.u32 s12, v0  }
0x88: {  	[tilespmem:v10+s17+$0x0] =	vst.idx.msk $0xffff, v11  }
0x89: {  	[tilespmem:v10+s18+$0x0] =	vst.idx.msk $0xffff, v9  }
0x8a: {  	v9 =	vld [tilespmem:s28+$0x20];
	_ =	sdelay $0x4  }
0x8b: {  	v10 =	vshrl.u32 v9, $0x7  }
0x8c: {  	vm11 =	vge.u32 v10, v2;
	vm12 =	vlt.u32 v10, v3  }
0x8d: {  	vm0 =	vmand vm11, vm12  }
0x8e: {  	v10 =	vsel vm0, $0x1, v4  }
0x8f: {  	(xrf0) =	vadd.scan.msk.s32 $0xffff, v10;
	_ =	sdelay $0x1  }
0x90: {  	v10 =	vmpcnt.ones.xlane vm1;
	_ =	sdelay $0x3  }
0x91: {  	v8 =	vadd.s32 v8, v10;
	v10, _, _ =	vpop (xrf0)  }
0x92: {  	v10 =	vadd.s32 v10, v8  }
0x93: {  	v10 =	vadd.s32 $0xFFFFFFFF, v10  }
0x94: {  	v10 =	vsel vm0, v10, v5;
	_ =	sdelay $0x2  }
0x95: {  	s30 =	sadd.s32 $0x60, s29  }
0x96: {  	v11 =	vor.u32 s30, v0  }
0x97: {  	[tilespmem:v10+s17+$0x0] =	vst.idx.msk $0xffff, v11  }
0x98: {  	[tilespmem:v10+s18+$0x0] =	vst.idx.msk $0xffff, v9  }
0x99: {  	v9 =	vld [tilespmem:s28+$0x30];
	_ =	sdelay $0x4  }
0x9a: {  	v10 =	vshrl.u32 v9, $0x7  }
0x9b: {  	vm13 =	vge.u32 v10, v2;
	vm14 =	vlt.u32 v10, v3  }
0x9c: {  	v10 =	vmpcnt.ones.xlane vm0;
	vm15 =	vmand vm13, vm14  }
0x9d: {  	v11 =	vmpcnt.ones.xlane vm15  }
0x9e: {  	v8 =	vadd.s32 v8, v10  }
0x9f: {  	v10 =	vadd.s32 v8, v11  }
0xa0: {  	(v2sf) =	vpush v10, $0x0;
	_ =	sdelay $0xe  }
0xa1: {  	s2 =	spop (v2sf)  }
0xa2: {  	p0 =	slt.s32 s2, $0x800  }
0xa3: {  	(v2sf) =	vpush @!p0 v7, $0x0;
	_ =	sdelay $0x2  }
0xa4: {  	v11 =	vsel vm15, $0x1, v4  }
0xa5: {  	(xrf0) =	vadd.scan.msk.s32 $0xffff, v11;
	_ =	sdelay $0x5  }
0xa6: {  	v11, _, _ =	vpop (xrf0)  }
0xa7: {  	v8 =	vadd.s32 v11, v8  }
0xa8: {  	v8 =	vadd.s32 $0xFFFFFFFF, v8  }
0xa9: {  	v8 =	vsel vm15, v8, v5;
	_ =	sdelay $0x1  }
0xaa: {  	s3 =	spop @!p0 (v2sf)  }
0xab: {  	s9 =	sadd.s32 $0x70, s29;
	s3 =	sshll.u32 @!p0 s3, $0xE  }
0xac: {  	v11 =	vor.u32 s9, v0;
	s3 =	sadd.s32 @!p0 s11, s3  }
0xad: {  	[tilespmem:v8+s17+$0x0] =	vst.idx.msk $0xffff, v11;
	s12 =	simm.s32 @!p0 $0x80;
	s3 =	sshrl.u32 @!p0 s3, $0x3  }
0xae: {  	[tilespmem:v8+s18+$0x0] =	vst.idx.msk $0xffff, v9;
	s29 =	simm.s32 @!p0 $0x400;
	s30 =	simm.s32 @!p0 $0x1000;
	s9 =	sadd.s32 @!p0 s7, s3  }
0xaf: {  	[hbm4b:s9+s12] =	stream.strided.scatter @!p0 [tilespmem:s30], [sflag:$0x3], $0x800, s29, s12, $0x38;
	[tilespmem:$0x17C80] =	vst v63  }
0xb0: {  	s9 =	simm.s32 @!p0 $0x3  }
0xb1: {  	_ =	swait.ge @!p0 [sflag:s9], $0x800  }
0xb2: {  	[sflag:s9] =	ssyncset.done @!p0 $0x0  }
0xb3: {  	s3 =	sadd.s32 @!p0 s8, s3;
	s30 =	simm.s32 @!p0 $0x1900;
	[sflag:s9] =	ssyncadd.s32 @!p0 $0xFFFFF800  }
0xb4: {  	[hbm4b:s3+s12] =	stream.strided.scatter @!p0 [tilespmem:s30], [sflag:$0x3], $0x800, s29, s12, $0x38;
	[tilespmem:$0x17C80] =	vst v63  }
0xb5: {  	_ =	swait.ge @!p0 [sflag:s9], $0x800  }
0xb6: {  	[sflag:s9] =	ssyncset.done @!p0 $0x0  }
0xb7: {  	[sflag:s9] =	ssyncadd.s32 @!p0 $0xFFFFF800  }
0xb8: {  	v8 =	vld @!p0 [tilespmem:$0x1800]  }
0xb9: {  	v9 =	vld @!p0 [tilespmem:$0x2100]  }
0xba: {  	v11 =	vld @!p0 [tilespmem:$0x1810]  }
0xbb: {  	v12 =	vld @!p0 [tilespmem:$0x2110]  }
0xbc: {  	v13 =	vld @!p0 [tilespmem:$0x1820]  }
0xbd: {  	[tilespmem:$0x1000] =	vst @!p0 v8;
	v8 =	vld @!p0 [tilespmem:$0x2120]  }
0xbe: {  	[tilespmem:$0x1900] =	vst @!p0 v9;
	v9 =	vld @!p0 [tilespmem:$0x1830]  }
0xbf: {  	[tilespmem:$0x1010] =	vst @!p0 v11;
	v11 =	vld @!p0 [tilespmem:$0x2130]  }
0xc0: {  	[tilespmem:$0x1910] =	vst @!p0 v12;
	v12 =	vld @!p0 [tilespmem:$0x1840]  }
0xc1: {  	[tilespmem:$0x1020] =	vst @!p0 v13;
	v13 =	vld @!p0 [tilespmem:$0x2140]  }
0xc2: {  	[tilespmem:$0x1920] =	vst @!p0 v8;
	v8 =	vld @!p0 [tilespmem:$0x1850]  }
0xc3: {  	[tilespmem:$0x1030] =	vst @!p0 v9;
	v9 =	vld @!p0 [tilespmem:$0x2150]  }
0xc4: {  	[tilespmem:$0x1930] =	vst @!p0 v11;
	v11 =	vld @!p0 [tilespmem:$0x1860]  }
0xc5: {  	[tilespmem:$0x1040] =	vst @!p0 v12;
	v12 =	vld @!p0 [tilespmem:$0x2160]  }
0xc6: {  	s26 =	sadd.s32 $0x80, s26;
	[tilespmem:$0x1940] =	vst @!p0 v13;
	v13 =	vld @!p0 [tilespmem:$0x1870]  }
0xc7: {  	p2 =	sne.s32 s26, $0x800;
	[tilespmem:$0x1050] =	vst @!p0 v8;
	v8 =	vld @!p0 [tilespmem:$0x2170]  }
.Ltmp2:
0xc8: {  	[tilespmem:$0x1950] =	vst @!p0 v9;
	(pc) =	sbr.rel @p2 .LBB2_3-.Ltmp2, $4  }
0xc9: {  	[tilespmem:$0x1060] =	vst @!p0 v11  }
0xca: {  	[tilespmem:$0x1960] =	vst @!p0 v12;
	v9 =	vimm.s32 @!p0 $0x1  }
0xcb: {  	p1 =	sgt.s32 s2, $0x7FF;
	[tilespmem:$0x1070] =	vst @!p0 v13;
	v11 =	vadd.s32 $0xFFFFF800, v10;
	v9 =	vpsel p0, $0x0, v9  }
0xcc: {  	s28 =	sadd.s32 $0x80, s28;
	v7 =	vadd.s32 v7, v9;
	[tilespmem:$0x1970] =	vst @!p0 v8;
	v8 =	vpsel p1, v11, v10  }
0xcd: {  	s25 =	sadd.s32 $0x1, s25  }
0xce: {  	p0 =	sne.s32 s25, $0x20  }
.Ltmp3:
0xcf: {  	_ = 	snop;
	(pc) =	sbr.rel @p0 .LBB2_2-.Ltmp3, $2  }
0xd0: {  	_ =	sdelay $0x2  }
0xd1: {  	s24 =	sadd.s32 $0x800, s24  }
0xd2: {  	(v2sf) =	vpush v8, $0x0  }
0xd3: {  	(v2sf) =	vpush v7, $0x0;
	_ =	sdelay $0xd  }
0xd4: {  	s1 =	spop (v2sf)  }
0xd5: {  	p0 =	slt.s32 s1, $0x1;
	s3 =	spop (v2sf)  }
0xd6: {  	s9 =	sshll.u32 @!p0 s3, $0xE  }
0xd7: {  	s9 =	sadd.s32 @!p0 s11, s9  }
0xd8: {  	s24 =	simm.s32 @!p0 $0x80;
	s9 =	sshrl.u32 @!p0 s9, $0x3  }
0xd9: {  	s25 =	simm.s32 @!p0 $0x400;
	s26 =	simm.s32 @!p0 $0x1000;
	s12 =	sadd.s32 @!p0 s7, s9  }
0xda: {  	[hbm4b:s12+s24] =	stream.strided.scatter @!p0 [tilespmem:s26], [sflag:$0x3], $0x800, s25, s24, $0x38;
	[tilespmem:$0x17C80] =	vst v63  }
0xdb: {  	s12 =	simm.s32 @!p0 $0x3  }
0xdc: {  	_ =	swait.ge @!p0 [sflag:s12], $0x800  }
0xdd: {  	[sflag:s12] =	ssyncset.done @!p0 $0x0  }
0xde: {  	s9 =	sadd.s32 @!p0 s8, s9;
	s26 =	simm.s32 @!p0 $0x1900;
	[sflag:s12] =	ssyncadd.s32 @!p0 $0xFFFFF800  }
0xdf: {  	[hbm4b:s9+s24] =	stream.strided.scatter @!p0 [tilespmem:s26], [sflag:$0x3], $0x800, s25, s24, $0x38;
	[tilespmem:$0x17C80] =	vst v63  }
0xe0: {  	_ =	swait.ge @!p0 [sflag:s12], $0x800  }
0xe1: {  	[sflag:s12] =	ssyncset.done @!p0 $0x0  }
0xe2: {  	s2 =	rddreg [dreg:$0x8];
	[sflag:s12] =	ssyncadd.s32 @!p0 $0xFFFFF800  }
0xe3: {  	[tilespmem:s6], [sflag:$0x3] =	stream.strided.gather [hbm4b:s2+s19], $0x800, s20, s19, $0x38;
	[tilespmem:$0x17C80] =	vst v63  }
0xe4: {  	_ =	swait.ge [sflag:s16], $0x800  }
0xe5: {  	[sflag:s16] =	ssyncset.done $0x0  }
0xe6: {  	s29 =	rddreg [dreg:$0x9];
	[sflag:s16] =	ssyncadd.s32 $0xFFFFF800  }
0xe7: {  	[tilespmem:s21], [sflag:$0x3] =	stream.strided.gather [hbm4b:s29+s19], $0x800, s20, s19, $0x38;
	[tilespmem:$0x17C80] =	vst v63  }
0xe8: {  	_ =	swait.ge [sflag:s16], $0x800  }
0xe9: {  	s30 =	sld [smem:$0x7FD];
	_ =	sdelay $0x2  }
0xea: {  	p0 =	seq.s32 s30, $0x1  }
.Ltmp4:
0xeb: {  	_ = 	snop;
	(pc) =	sbr.rel @p0 .LBB2_6-.Ltmp4, $3  }
0xec: {  	_ =	sdelay $0x1  }
0xed: {  	[sflag:s16] =	ssyncset.done $0x0  }
0xee: {  	[sflag:s16] =	ssyncadd.s32 $0xFFFFF800  }
0xef: {  	s3 =	sshll.u32 s3, $0xB  }
0xf0: {  	s1 =	sadd.s32 s1, s3  }
0xf1: {  	s3 =	sadd.s32 $0x7FF, s1  }
.Ltmp5:
0xf2: {  	s25 =	sshra.s32 s3, $0xB;
	(pc) =	sbr.rel .LBB2_8-.Ltmp5, $4  }
0xf3: {  	p0 =	slt.s32 s25, $0x1  }
0xf4: {  	s2 =	rddreg [dreg:$0x1];
	v7 =	vmov s1;
	s1 =	simm.s32 @!p0 $0x0  }
0xf5: {  	s9 =	rddreg [dreg:$0x2];
	s1 =	simm.s32 @p0 $0x1  }
0xf6: {  	s26 =	simm.s32 $0x0;
	v8 =	vimm.s32 $0x0;
	p2 =	sgt.s32 s25, $0x1;
	[smem:$0x7FC] =	sst s1  }
.LBB2_50:
0xf7: {  	s26 =	sadd.s32 $0x1, s26;
	s1 =	rddreg [dreg:$0x7]  }
0xf8: {  	p0 =	sne.s32 s26, s1  }
.Ltmp6:
0xf9: {  	_ = 	snop;
	(pc) =	sbr.rel @!p0 .LBB2_51-.Ltmp6, $3  }
0xfa: {  	_ =	sdelay $0x1  }
0xfb: {  	s2 =	rddreg [dreg:$0x1]  }
0xfc: {  	s9 =	rddreg [dreg:$0x2]  }
.LBB2_8:
0xfd: {  	s1 =	sshll.u32 s26, $0x3;
	s3 =	rddreg [dreg:$0x6]  }
0xfe: {  	s24 =	sadd.s32 s3, s1  }
0xff: {  	p1 =	sge.u32 s24, s10  }
0x100: {  	p0 =	seq.s32 @!p1 s24, $0x1E84  }
0x101: {  	p0 =	por p1, p0  }
.Ltmp7:
0x102: {  	_ = 	snop;
	(pc) =	sbr.rel @p0 .LBB2_10-.Ltmp7, $4  }
0x103: {  	_ = 	snop  }
0x104: {  	s1 =	simm.s32 @!p1 $0x0  }
0x105: {  	s1 =	simm.s32 @p1 $0x1  }
0x106: {  	[smem:$0x7FB] =	sst s1  }
.Ltmp8:
0x107: {  	(pc) =	sbr.rel .LBB2_11-.Ltmp8, $4  }
0x108: {  	s1 =	sshll.u32 s24, $0x7  }
0x109: {  	s1 =	sand.u32 $0x1FFFFF80, s1  }
0x10a: {  	s1 =	sadd.s32 s2, s1  }
0x10b: {  	[tilespmem:s23], [sflag:$0x1] =	stream.strided.gather [hbm4b:s1+s20], $0x2000, s22, s20, $0x38;
	[tilespmem:$0x17C80] =	vst v63  }
.LBB2_10:
0x10c: {  	p0 =	sne.s32 s24, $0x1E84  }
0x10d: {  	s1 =	simm.s32 @!p0 $0x0;
	s3 =	simm.s32 @!p0 $0x3300  }
0x10e: {  	[tilespmem:s3], [sflag:$0x1] =	stream.linear.gather @!p0 [hbm4b:s9+s1], $0x2000, $0x38;
	[tilespmem:$0x17C80] =	vst v63  }
.LBB2_11:
0x10f: {  	s1 =	sadd.s32 $0x1, s24  }
0x110: {  	p1 =	sge.u32 s1, s10  }
0x111: {  	p0 =	seq.s32 @!p1 s1, $0x1E84  }
0x112: {  	p0 =	por p1, p0  }
.Ltmp9:
0x113: {  	_ = 	snop;
	(pc) =	sbr.rel @p0 .LBB2_13-.Ltmp9, $4  }
0x114: {  	_ = 	snop  }
0x115: {  	s3 =	simm.s32 @!p1 $0x0  }
0x116: {  	s3 =	simm.s32 @p1 $0x1  }
0x117: {  	[smem:$0x7FA] =	sst s3  }
.Ltmp10:
0x118: {  	(pc) =	sbr.rel .LBB2_14-.Ltmp10, $4  }
0x119: {  	s1 =	sshll.u32 s1, $0x7  }
0x11a: {  	s1 =	sand.u32 $0x1FFFFF80, s1  }
0x11b: {  	s3 =	simm.s32 $0x5300;
	s1 =	sadd.s32 s2, s1  }
0x11c: {  	[tilespmem:s3], [sflag:$0x1] =	stream.strided.gather [hbm4b:s1+s20], $0x2000, s22, s20, $0x38;
	[tilespmem:$0x17C80] =	vst v63  }
.LBB2_13:
0x11d: {  	p0 =	sne.s32 s1, $0x1E84  }
0x11e: {  	s1 =	simm.s32 @!p0 $0x0;
	s3 =	simm.s32 @!p0 $0x5300  }
0x11f: {  	[tilespmem:s3], [sflag:$0x1] =	stream.linear.gather @!p0 [hbm4b:s9+s1], $0x2000, $0x38;
	[tilespmem:$0x17C80] =	vst v63  }
.LBB2_14:
0x120: {  	s1 =	sadd.s32 $0x2, s24  }
0x121: {  	p1 =	sge.u32 s1, s10  }
0x122: {  	p0 =	seq.s32 @!p1 s1, $0x1E84  }
0x123: {  	p0 =	por p1, p0  }
.Ltmp11:
0x124: {  	_ = 	snop;
	(pc) =	sbr.rel @p0 .LBB2_16-.Ltmp11, $4  }
0x125: {  	_ = 	snop  }
0x126: {  	s3 =	simm.s32 @!p1 $0x0  }
0x127: {  	s3 =	simm.s32 @p1 $0x1  }
0x128: {  	[smem:$0x7F9] =	sst s3  }
.Ltmp12:
0x129: {  	(pc) =	sbr.rel .LBB2_17-.Ltmp12, $4  }
0x12a: {  	s1 =	sshll.u32 s1, $0x7  }
0x12b: {  	s1 =	sand.u32 $0x1FFFFF80, s1  }
0x12c: {  	s3 =	simm.s32 $0x7300;
	s1 =	sadd.s32 s2, s1  }
0x12d: {  	[tilespmem:s3], [sflag:$0x1] =	stream.strided.gather [hbm4b:s1+s20], $0x2000, s22, s20, $0x38;
	[tilespmem:$0x17C80] =	vst v63  }
.LBB2_16:
0x12e: {  	p0 =	sne.s32 s1, $0x1E84  }
0x12f: {  	s1 =	simm.s32 @!p0 $0x0;
	s3 =	simm.s32 @!p0 $0x7300  }
0x130: {  	[tilespmem:s3], [sflag:$0x1] =	stream.linear.gather @!p0 [hbm4b:s9+s1], $0x2000, $0x38;
	[tilespmem:$0x17C80] =	vst v63  }
.LBB2_17:
0x131: {  	s1 =	sadd.s32 $0x3, s24  }
0x132: {  	p6 =	sge.u32 s1, s10  }
0x133: {  	p0 =	seq.s32 @!p6 s1, $0x1E84  }
0x134: {  	p0 =	por p6, p0  }
.Ltmp13:
0x135: {  	_ = 	snop;
	(pc) =	sbr.rel @p0 .LBB2_19-.Ltmp13, $1  }
0x136: {  	_ =	sdelay $0x3  }
.Ltmp14:
0x137: {  	(pc) =	sbr.rel .LBB2_20-.Ltmp14, $4  }
0x138: {  	s1 =	sshll.u32 s1, $0x7  }
0x139: {  	s1 =	sand.u32 $0x1FFFFF80, s1  }
0x13a: {  	s3 =	simm.s32 $0x9300;
	s1 =	sadd.s32 s2, s1  }
0x13b: {  	[tilespmem:s3], [sflag:$0x1] =	stream.strided.gather [hbm4b:s1+s20], $0x2000, s22, s20, $0x38;
	[tilespmem:$0x17C80] =	vst v63  }
.LBB2_19:
0x13c: {  	p0 =	sne.s32 s1, $0x1E84  }
0x13d: {  	s1 =	simm.s32 @!p0 $0x0;
	s3 =	simm.s32 @!p0 $0x9300  }
0x13e: {  	[tilespmem:s3], [sflag:$0x1] =	stream.linear.gather @!p0 [hbm4b:s9+s1], $0x2000, $0x38;
	[tilespmem:$0x17C80] =	vst v63  }
.LBB2_20:
0x13f: {  	s1 =	sadd.s32 $0x4, s24  }
0x140: {  	p0 =	sge.u32 s1, s10  }
0x141: {  	p1 =	seq.s32 @!p0 s1, $0x1E84  }
0x142: {  	p1 =	por p0, p1  }
.Ltmp15:
0x143: {  	_ = 	snop;
	(pc) =	sbr.rel @p1 .LBB2_22-.Ltmp15, $1  }
0x144: {  	_ =	sdelay $0x3  }
.Ltmp16:
0x145: {  	(pc) =	sbr.rel .LBB2_23-.Ltmp16, $4  }
0x146: {  	s1 =	sshll.u32 s1, $0x7  }
0x147: {  	s1 =	sand.u32 $0x1FFFFF80, s1  }
0x148: {  	s3 =	simm.s32 $0xB300;
	s1 =	sadd.s32 s2, s1  }
0x149: {  	[tilespmem:s3], [sflag:$0x1] =	stream.strided.gather [hbm4b:s1+s20], $0x2000, s22, s20, $0x38;
	[tilespmem:$0x17C80] =	vst v63  }
.LBB2_22:
0x14a: {  	p1 =	sne.s32 s1, $0x1E84  }
0x14b: {  	s1 =	simm.s32 @!p1 $0x0;
	s3 =	simm.s32 @!p1 $0xB300  }
0x14c: {  	[tilespmem:s3], [sflag:$0x1] =	stream.linear.gather @!p1 [hbm4b:s9+s1], $0x2000, $0x38;
	[tilespmem:$0x17C80] =	vst v63  }
.LBB2_23:
0x14d: {  	s1 =	sadd.s32 $0x5, s24  }
0x14e: {  	p1 =	sge.u32 s1, s10  }
0x14f: {  	p3 =	seq.s32 @!p1 s1, $0x1E84  }
0x150: {  	p3 =	por p1, p3  }
.Ltmp17:
0x151: {  	_ = 	snop;
	(pc) =	sbr.rel @p3 .LBB2_25-.Ltmp17, $1  }
0x152: {  	_ =	sdelay $0x3  }
.Ltmp18:
0x153: {  	(pc) =	sbr.rel .LBB2_26-.Ltmp18, $4  }
0x154: {  	s1 =	sshll.u32 s1, $0x7  }
0x155: {  	s1 =	sand.u32 $0x1FFFFF80, s1  }
0x156: {  	s3 =	simm.s32 $0xD300;
	s1 =	sadd.s32 s2, s1  }
0x157: {  	[tilespmem:s3], [sflag:$0x1] =	stream.strided.gather [hbm4b:s1+s20], $0x2000, s22, s20, $0x38;
	[tilespmem:$0x17C80] =	vst v63  }
.LBB2_25:
0x158: {  	p3 =	sne.s32 s1, $0x1E84  }
0x159: {  	s1 =	simm.s32 @!p3 $0x0;
	s3 =	simm.s32 @!p3 $0xD300  }
0x15a: {  	[tilespmem:s3], [sflag:$0x1] =	stream.linear.gather @!p3 [hbm4b:s9+s1], $0x2000, $0x38;
	[tilespmem:$0x17C80] =	vst v63  }
.LBB2_26:
0x15b: {  	s1 =	sadd.s32 $0x6, s24  }
0x15c: {  	p3 =	sge.u32 s1, s10  }
0x15d: {  	p4 =	seq.s32 @!p3 s1, $0x1E84  }
0x15e: {  	p4 =	por p3, p4  }
.Ltmp19:
0x15f: {  	_ = 	snop;
	(pc) =	sbr.rel @p4 .LBB2_28-.Ltmp19, $1  }
0x160: {  	_ =	sdelay $0x3  }
.Ltmp20:
0x161: {  	(pc) =	sbr.rel .LBB2_29-.Ltmp20, $4  }
0x162: {  	s1 =	sshll.u32 s1, $0x7  }
0x163: {  	s1 =	sand.u32 $0x1FFFFF80, s1  }
0x164: {  	s3 =	simm.s32 $0xF300;
	s1 =	sadd.s32 s2, s1  }
0x165: {  	[tilespmem:s3], [sflag:$0x1] =	stream.strided.gather [hbm4b:s1+s20], $0x2000, s22, s20, $0x38;
	[tilespmem:$0x17C80] =	vst v63  }
.LBB2_28:
0x166: {  	p4 =	sne.s32 s1, $0x1E84  }
0x167: {  	s1 =	simm.s32 @!p4 $0x0;
	s3 =	simm.s32 @!p4 $0xF300  }
0x168: {  	[tilespmem:s3], [sflag:$0x1] =	stream.linear.gather @!p4 [hbm4b:s9+s1], $0x2000, $0x38;
	[tilespmem:$0x17C80] =	vst v63  }
.LBB2_29:
0x169: {  	s1 =	sadd.s32 $0x7, s24  }
0x16a: {  	p4 =	sge.u32 s1, s10  }
0x16b: {  	p5 =	seq.s32 @!p4 s1, $0x1E84  }
0x16c: {  	p5 =	por p4, p5  }
.Ltmp21:
0x16d: {  	_ = 	snop;
	(pc) =	sbr.rel @p5 .LBB2_31-.Ltmp21, $1  }
0x16e: {  	_ =	sdelay $0x3  }
.Ltmp22:
0x16f: {  	(pc) =	sbr.rel .LBB2_32-.Ltmp22, $4  }
0x170: {  	s1 =	sshll.u32 s1, $0x7  }
0x171: {  	s1 =	sand.u32 $0x1FFFFF80, s1  }
0x172: {  	s30 =	simm.s32 $0x11300;
	s1 =	sadd.s32 s2, s1  }
0x173: {  	[tilespmem:s30], [sflag:$0x1] =	stream.strided.gather [hbm4b:s1+s20], $0x2000, s22, s20, $0x38;
	[tilespmem:$0x17C80] =	vst v63  }
.LBB2_31:
0x174: {  	p5 =	sne.s32 s1, $0x1E84  }
0x175: {  	s1 =	simm.s32 @!p5 $0x0;
	s3 =	simm.s32 @!p5 $0x11300  }
0x176: {  	[tilespmem:s3], [sflag:$0x1] =	stream.linear.gather @!p5 [hbm4b:s9+s1], $0x2000, $0x38;
	[tilespmem:$0x17C80] =	vst v63  }
.LBB2_32:
0x177: {  	s1 =	sld [smem:$0x7FB];
	_ =	sdelay $0x2  }
0x178: {  	p5 =	seq.s32 s1, $0x1  }
0x179: {  	s1 =	simm.s32 @!p5 $0x1  }
0x17a: {  	_ =	swait.ge @!p5 [sflag:s1], $0x2000  }
0x17b: {  	s28 =	sld [smem:$0x7FA];
	_ =	sdelay $0x1  }
0x17c: {  	[sflag:s1] =	ssyncset.done @!p5 $0x0  }
0x17d: {  	[sflag:s1] =	ssyncadd.s32 @!p5 $0xFFFFE000;
	p5 =	seq.s32 s28, $0x1  }
0x17e: {  	s1 =	simm.s32 @!p5 $0x1  }
0x17f: {  	_ =	swait.ge @!p5 [sflag:s1], $0x2000  }
0x180: {  	s29 =	sld [smem:$0x7F9];
	_ =	sdelay $0x1  }
0x181: {  	[sflag:s1] =	ssyncset.done @!p5 $0x0  }
0x182: {  	[sflag:s1] =	ssyncadd.s32 @!p5 $0xFFFFE000;
	p5 =	seq.s32 s29, $0x1  }
0x183: {  	s1 =	simm.s32 @!p5 $0x1  }
0x184: {  	_ =	swait.ge @!p5 [sflag:s1], $0x2000  }
0x185: {  	[sflag:s1] =	ssyncset.done @!p5 $0x0  }
0x186: {  	[sflag:s1] =	ssyncadd.s32 @!p5 $0xFFFFE000;
	s1 =	simm.s32 @!p6 $0x1  }
0x187: {  	_ =	swait.ge @!p6 [sflag:s1], $0x2000  }
0x188: {  	[sflag:s1] =	ssyncset.done @!p6 $0x0  }
0x189: {  	[sflag:s1] =	ssyncadd.s32 @!p6 $0xFFFFE000;
	s1 =	simm.s32 @!p0 $0x1  }
0x18a: {  	_ =	swait.ge @!p0 [sflag:s1], $0x2000  }
0x18b: {  	[sflag:s1] =	ssyncset.done @!p0 $0x0  }
0x18c: {  	[sflag:s1] =	ssyncadd.s32 @!p0 $0xFFFFE000;
	s1 =	simm.s32 @!p1 $0x1  }
0x18d: {  	_ =	swait.ge @!p1 [sflag:s1], $0x2000  }
0x18e: {  	[sflag:s1] =	ssyncset.done @!p1 $0x0  }
0x18f: {  	[sflag:s1] =	ssyncadd.s32 @!p1 $0xFFFFE000;
	s1 =	simm.s32 @!p3 $0x1  }
0x190: {  	_ =	swait.ge @!p3 [sflag:s1], $0x2000  }
0x191: {  	[sflag:s1] =	ssyncset.done @!p3 $0x0  }
0x192: {  	[sflag:s1] =	ssyncadd.s32 @!p3 $0xFFFFE000;
	s1 =	simm.s32 @!p4 $0x1  }
0x193: {  	_ =	swait.ge @!p4 [sflag:s1], $0x2000  }
0x194: {  	s30 =	sld [smem:$0x7FC];
	_ =	sdelay $0x2  }
0x195: {  	p0 =	seq.s32 s30, $0x1  }
.Ltmp23:
0x196: {  	_ = 	snop;
	(pc) =	sbr.rel @p0 .LBB2_50-.Ltmp23, $3  }
0x197: {  	_ =	sdelay $0x1  }
0x198: {  	[sflag:s1] =	ssyncset.done @!p4 $0x0  }
0x199: {  	[sflag:s1] =	ssyncadd.s32 @!p4 $0xFFFFE000  }
.Ltmp24:
0x19a: {  	(pc) =	sbr.rel .LBB2_34-.Ltmp24, $3  }
0x19b: {  	_ =	sdelay $0x1  }
0x19c: {  	s1 =	sadd.s32 $0x8, s24  }
0x19d: {  	v9 =	vmov s24;
	s28 =	simm.s32 $0x0;
	s29 =	simm.s32 $0x0;
	v10 =	vmov s1  }
.LBB2_49:
0x19e: {  	s29 =	sadd.s32 $0x1, s29  }
0x19f: {  	p0 =	sne.s32 s29, s25  }
.Ltmp25:
0x1a0: {  	_ = 	snop;
	(pc) =	sbr.rel @!p0 .LBB2_50-.Ltmp25, $2  }
0x1a1: {  	_ =	sdelay $0x2  }
0x1a2: {  	s28 =	sadd.s32 $0x800, s28  }
.LBB2_34:
0x1a3: {  	p0 =	seq.s32 @!p2 s29, $0x0  }
0x1a4: {  	p0 =	por p2, !p0  }
0x1a5: {  	s1 =	sshll.u32 @p0 s29, $0xE  }
0x1a6: {  	s1 =	sadd.s32 @p0 s11, s1  }
0x1a7: {  	s1 =	sshrl.u32 @p0 s1, $0x3  }
0x1a8: {  	s3 =	sadd.s32 @p0 s7, s1  }
0x1a9: {  	[tilespmem:s6], [sflag:$0x3] =	stream.strided.gather @p0 [hbm4b:s3+s19], $0x800, s20, s19, $0x38;
	[tilespmem:$0x17C80] =	vst v63  }
0x1aa: {  	_ =	swait.ge @p0 [sflag:s16], $0x800  }
0x1ab: {  	[sflag:s16] =	ssyncset.done @p0 $0x0  }
0x1ac: {  	s1 =	sadd.s32 @p0 s8, s1;
	[sflag:s16] =	ssyncadd.s32 @p0 $0xFFFFF800  }
0x1ad: {  	[tilespmem:s21], [sflag:$0x3] =	stream.strided.gather @p0 [hbm4b:s1+s19], $0x800, s20, s19, $0x38;
	[tilespmem:$0x17C80] =	vst v63  }
0x1ae: {  	_ =	swait.ge @p0 [sflag:s16], $0x800  }
0x1af: {  	[sflag:s16] =	ssyncset.done @p0 $0x0  }
0x1b0: {  	s30 =	simm.s32 $0x0;
	[sflag:s16] =	ssyncadd.s32 @p0 $0xFFFFF800  }
0x1b1: {  	v11 =	vld [tilespmem:s30+$0x800];
	_ =	sdelay $0x4  }
0x1b2: {  	v13 =	vor.u32 s28, v0;
	v12 =	vshrl.u32 v11, $0x7  }
0x1b3: {  	vm0 =	vlt.s32 v13, v7;
	vm1 =	vlt.s32 v12, v10  }
0x1b4: {  	vm2 =	vge.s32 v12, v9;
	vm0 =	vmand vm1, vm0  }
0x1b5: {  	vm0 =	vmand vm0, vm2  }
0x1b6: {  	v12 =	vsel vm0, $0x1, v4  }
0x1b7: {  	(xrf0) =	vadd.scan.msk.s32 $0xffff, v12;
	_ =	sdelay $0x5  }
0x1b8: {  	v12 =	vimm.s32 $0x0;
	v13, _, _ =	vpop (xrf0)  }
0x1b9: {  	v13 =	vadd.s32 v13, v12  }
0x1ba: {  	v13 =	vadd.s32 $0xFFFFFFFF, v13  }
0x1bb: {  	v14 =	vld [tilespmem:s30+$0x0];
	v13 =	vsel vm0, v13, v6;
	_ =	sdelay $0x3  }
0x1bc: {  	v15 =	vmpcnt.ones.xlane vm0  }
0x1bd: {  	[tilespmem:v13+s0+$0x0] =	vst.idx.msk $0xffff, v14  }
0x1be: {  	s1 =	simm.s32 $0x10;
	v12 =	vadd.s32 v12, v15;
	[tilespmem:v13+s4+$0x0] =	vst.idx.msk $0xffff, v11  }
0x1bf: {  	s12 =	simm.s32 $0x80;
	s9 =	smov.u32 s28;
	v13 =	vmov v12;
	v11 =	vld [tilespmem:s1+$0x800]  }
.LBB2_35:
0x1c0: {  	p0 =	sne.s32 s12, $0x1FC0;
	_ =	sdelay $0x2  }
0x1c1: {  	s9 =	sadd.s32 $0x10, s9  }
0x1c2: {  	v15 =	vor.u32 s9, v0;
	v14 =	vshrl.u32 v11, $0x7  }
0x1c3: {  	vm0 =	vlt.s32 v15, v7;
	vm1 =	vlt.s32 v14, v10  }
0x1c4: {  	vm2 =	vge.s32 v14, v9;
	vm0 =	vmand vm1, vm0  }
0x1c5: {  	vm0 =	vmand vm0, vm2  }
0x1c6: {  	v14 =	vsel vm0, $0x1, v4;
	v15 =	vmpcnt.ones.xlane vm0  }
0x1c7: {  	(xrf0) =	vadd.scan.msk.s32 $0xffff, v14  }
0x1c8: {  	v12 =	vadd.s32 v12, v15;
	_ =	sdelay $0x4  }
0x1c9: {  	v14, _, _ =	vpop (xrf0)  }
0x1ca: {  	v14 =	vadd.s32 v14, v13;
	v13 =	vmov v12  }
0x1cb: {  	v14 =	vadd.s32 $0xFFFFFFFF, v14  }
0x1cc: {  	v15 =	vld [tilespmem:s1+$0x0];
	v14 =	vsel vm0, v14, v6;
	_ =	sdelay $0x2  }
.Ltmp26:
0x1cd: {  	(pc) =	sbr.rel @p0 .LBB2_35-.Ltmp26, $4  }
0x1ce: {  	_ = 	snop  }
0x1cf: {  	[tilespmem:v14+s0+$0x0] =	vst.idx.msk $0xffff, v15  }
0x1d0: {  	s1 =	sshra.s32 s12, $0x2;
	[tilespmem:v14+s4+$0x0] =	vst.idx.msk $0xffff, v11  }
0x1d1: {  	s12 =	sadd.s32 $0x40, s12;
	v11 =	vld [tilespmem:s1+$0x800]  }
0x1d2: {  	_ =	sdelay $0x2  }
0x1d3: {  	s3 =	sadd.s32 $0x10, s9  }
0x1d4: {  	v15 =	vor.u32 s3, v0;
	v14 =	vshrl.u32 v11, $0x7  }
0x1d5: {  	vm0 =	vlt.s32 v15, v7;
	vm1 =	vlt.s32 v14, v10  }
0x1d6: {  	vm2 =	vge.s32 v14, v9;
	vm0 =	vmand vm1, vm0  }
0x1d7: {  	vm0 =	vmand vm0, vm2  }
0x1d8: {  	v14 =	vmpcnt.ones.xlane vm0;
	_ =	sdelay $0x1  }
0x1d9: {  	v12 =	vadd.s32 v12, v14  }
0x1da: {  	(v2sf) =	vpush v12, $0x0;
	_ =	sdelay $0x6  }
0x1db: {  	v14 =	vsel vm0, $0x1, v4  }
0x1dc: {  	(xrf0) =	vadd.scan.msk.s32 $0xffff, v14;
	_ =	sdelay $0x5  }
0x1dd: {  	v14, _, _ =	vpop (xrf0)  }
0x1de: {  	v13 =	vadd.s32 v14, v13;
	s24 =	spop (v2sf)  }
0x1df: {  	v14 =	vld [tilespmem:s1+$0x0];
	v13 =	vadd.s32 $0xFFFFFFFF, v13;
	s1 =	sadd.s32 $0xF, s24  }
0x1e0: {  	v13 =	vsel vm0, v13, v6;
	s30 =	sshra.s32 s1, $0x4  }
0x1e1: {  	p0 =	slt.s32 s30, $0x1  }
.Ltmp27:
0x1e2: {  	_ = 	snop;
	(pc) =	sbr.rel @p0 .LBB2_49-.Ltmp27, $3  }
0x1e3: {  	_ =	sdelay $0x1  }
0x1e4: {  	[tilespmem:v13+s0+$0x0] =	vst.idx.msk $0xffff, v14  }
0x1e5: {  	[tilespmem:v13+s4+$0x0] =	vst.idx.msk $0xffff, v11  }
.Ltmp28:
0x1e6: {  	(pc) =	sbr.rel .LBB2_38-.Ltmp28, $2  }
0x1e7: {  	_ =	sdelay $0x2  }
0x1e8: {  	v11 =	vbroadcast v12, $0x0;
	s24 =	simm.s32 $0x0  }
.LBB2_43:
0x1e9: {  	s12 =	simm.s32 $0x17300  }
.LBB2_46:
0x1ea: {  	v18 =	vld [tilespmem:s12+$0x10];
	[tilespmem:s9+$0xFFFFC040] =	vst @p0 v14  }
0x1eb: {  	v14 =	vld [tilespmem:s12+$0x20];
	[tilespmem:s9+$0xFFFFC050] =	vst @p0 v15  }
0x1ec: {  	v15 =	vld [tilespmem:s12+$0x30];
	[tilespmem:s9+$0xFFFFC060] =	vst @p0 v16  }
0x1ed: {  	v61 =	vld [tilespmem:s12+$0x40];
	[tilespmem:s9+$0xFFFFC000] =	vst @p0 v17  }
0x1ee: {  	v62 =	vld [tilespmem:s12+$0x50];
	[tilespmem:s12+$0xFFFFC070] =	vst v13  }
0x1ef: {  	v63 =	vld [tilespmem:s12+$0x0];
	[tilespmem:s12+$0xFFFFC010] =	vst v18  }
0x1f0: {  	v13 =	vld [tilespmem:s12+$0x60];
	[tilespmem:s12+$0xFFFFC020] =	vst v14  }
0x1f1: {  	[tilespmem:s12+$0xFFFFC030] =	vst v15  }
0x1f2: {  	[tilespmem:s12+$0xFFFFC040] =	vst v61  }
0x1f3: {  	[tilespmem:s12+$0xFFFFC050] =	vst v62  }
0x1f4: {  	[tilespmem:s12+$0xFFFFC000] =	vst v63  }
0x1f5: {  	[tilespmem:s12+$0xFFFFC060] =	vst v13  }
.LBB2_47:
0x1f6: {  	v13 =	vld [tilespmem:$0x17B80];
	_ =	sdelay $0x4  }
0x1f7: {  	[tilespmem:$0x17B00] =	vst v13  }
.LBB2_48:
0x1f8: {  	s24 =	sadd.s32 $0x1, s24  }
0x1f9: {  	p1 =	sne.s32 s24, s30  }
.Ltmp29:
0x1fa: {  	_ = 	snop;
	(pc) =	sbr.rel @!p1 .LBB2_49-.Ltmp29, $3  }
0x1fb: {  	_ =	sdelay $0x1  }
0x1fc: {  	p0 =	sgt.s32 s1, $0x7F;
	v8 =	vadd.s32 $0xFFFFFF90, v8  }
0x1fd: {  	v8 =	vpsel p0, v8, v12  }
.LBB2_38:
0x1fe: {  	s1 =	sshll.u32 s24, $0x4  }
0x1ff: {  	v12 =	vld [tilespmem:s1+$0x2A80];
	_ =	sdelay $0x4  }
0x200: {  	v13 =	vshrl.u32 v12, $0x7  }
0x201: {  	v14 =	vor.u32 s1, v0;
	v13 =	vsub.s32 v13, v9  }
0x202: {  	vm0 =	vlt.s32 v14, v11;
	v13 =	vshll.u32 v13, $0x6  }
0x203: {  	v14 =	vnsel vm0, $0x0, v13  }
0x204: {  	v15 =	vadd.s32 s31, v14  }
0x205: {  	v13 =	vand.u32 $0x7F, v12;
	v12 =	vshll.u32 v15, $0x7  }
0x206: {  	v12 =	vor.u32 v13, v12  }
0x207: {  	v15 =	vshll.u32 v8, $0x7  }
0x208: {  	v16 =	vmul.u32 $0x80, v0;
	v15 =	vbroadcast v15, $0x0  }
0x209: {  	s3 =	simm.s32 $0x1  }
0x20a: {  	v15 =	vadd.s32 v16, v15;
	v16 =	vadd.s32 s3, v14  }
0x20b: {  	v17 =	vor.u32 s31, v15;
	v16 =	vshll.u32 v16, $0x7;
	v12 =	vld.idx.msk [tilespmem:v12+s23+$0x0], $0xffff  }
0x20c: {  	v18 =	vor.u32 v13, v16;
	_ =	sdelay $0x2  }
0x20d: {  	s9 =	simm.s32 $0x2  }
0x20e: {  	v16 =	vld [tilespmem:s1+$0x2200];
	[tilespmem:v17+s13+$0x0] =	vst.idx.msk $0xffff, v12;
	v12 =	vadd.s32 s9, v14  }
0x20f: {  	v17 =	vld.idx.msk [tilespmem:v18+s23+$0x0], $0xffff;
	v18 =	vor.u32 s3, v15;
	v12 =	vshll.u32 v12, $0x7  }
0x210: {  	v12 =	vor.u32 v13, v12;
	_ =	sdelay $0x2  }
0x211: {  	s12 =	simm.s32 $0x3  }
0x212: {  	[tilespmem:v18+s13+$0x0] =	vst.idx.msk $0xffff, v17;
	v17 =	vadd.s32 s12, v14  }
0x213: {  	v18 =	vor.u32 s9, v15;
	v12 =	vld.idx.msk [tilespmem:v12+s23+$0x0], $0xffff;
	v17 =	vshll.u32 v17, $0x7  }
0x214: {  	v19 =	vor.u32 v13, v17;
	_ =	sdelay $0x3  }
0x215: {  	s1 =	simm.s32 $0x4;
	[tilespmem:v18+s13+$0x0] =	vst.idx.msk $0xffff, v12  }
0x216: {  	s9 =	simm.s32 $0x8;
	v17 =	vadd.s32 s1, v14;
	v12 =	vld.idx.msk [tilespmem:v19+s23+$0x0], $0xffff  }
.LBB2_39:
0x217: {  	p0 =	sne.s32 s9, $0x3C;
	v17 =	vshll.u32 v17, $0x7;
	v18 =	vor.u32 s12, v15  }
0x218: {  	v17 =	vor.u32 v13, v17;
	_ =	sdelay $0x3  }
0x219: {  	s3 =	sadd.s32 $0x1, s1;
	[tilespmem:v18+s13+$0x0] =	vst.idx.msk $0xffff, v12  }
0x21a: {  	v12 =	vld.idx.msk [tilespmem:v17+s23+$0x0], $0xffff;
	v17 =	vadd.s32 s3, v14  }
0x21b: {  	v18 =	vor.u32 s1, v15;
	v17 =	vshll.u32 v17, $0x7  }
0x21c: {  	v17 =	vor.u32 v13, v17;
	_ =	sdelay $0x3  }
0x21d: {  	s2 =	sadd.s32 $0x2, s1;
	[tilespmem:v18+s13+$0x0] =	vst.idx.msk $0xffff, v12  }
0x21e: {  	v12 =	vld.idx.msk [tilespmem:v17+s23+$0x0], $0xffff;
	v17 =	vadd.s32 s2, v14  }
0x21f: {  	v18 =	vor.u32 s3, v15;
	v17 =	vshll.u32 v17, $0x7  }
0x220: {  	v17 =	vor.u32 v13, v17;
	_ =	sdelay $0x3  }
0x221: {  	s12 =	sadd.s32 $0x3, s1;
	s1 =	smov.u32 s9;
	[tilespmem:v18+s13+$0x0] =	vst.idx.msk $0xffff, v12  }
0x222: {  	v12 =	vld.idx.msk [tilespmem:v17+s23+$0x0], $0xffff;
	v17 =	vadd.s32 s12, v14  }
0x223: {  	v18 =	vor.u32 s2, v15;
	v17 =	vshll.u32 v17, $0x7  }
0x224: {  	v19 =	vor.u32 v13, v17  }
.Ltmp30:
0x225: {  	(pc) =	sbr.rel @p0 .LBB2_39-.Ltmp30, $3  }
0x226: {  	_ =	sdelay $0x1  }
0x227: {  	[tilespmem:v18+s13+$0x0] =	vst.idx.msk $0xffff, v12  }
0x228: {  	s9 =	sadd.s32 $0x4, s9;
	v17 =	vadd.s32 s1, v14;
	v12 =	vld.idx.msk [tilespmem:v19+s23+$0x0], $0xffff  }
0x229: {  	v17 =	vshll.u32 v17, $0x7;
	v18 =	vor.u32 s12, v15  }
0x22a: {  	v17 =	vor.u32 v13, v17;
	_ =	sdelay $0x2  }
0x22b: {  	s2 =	sadd.s32 $0x1, s1  }
0x22c: {  	[tilespmem:v18+s13+$0x0] =	vst.idx.msk $0xffff, v12;
	v12 =	vadd.s32 s2, v14  }
0x22d: {  	v60 =	vor.u32 s1, v15;
	v17 =	vld.idx.msk [tilespmem:v17+s23+$0x0], $0xffff;
	v12 =	vshll.u32 v12, $0x7  }
0x22e: {  	v12 =	vor.u32 v13, v12;
	_ =	sdelay $0x3  }
0x22f: {  	[tilespmem:v60+s13+$0x0] =	vst.idx.msk $0xffff, v17  }
0x230: {  	(v2sf) =	vpush v8, $0x0;
	v19 =	vld.idx.msk [tilespmem:v12+s23+$0x0], $0xffff;
	v12 =	vadd.s32 $0x10, v8  }
0x231: {  	(v2sf) =	vpush v12, $0x0  }
0x232: {  	s3 =	sadd.s32 $0x2, s1  }
0x233: {  	v61 =	vadd.s32 s3, v14  }
0x234: {  	v62 =	vor.u32 s2, v15;
	v17 =	vshll.u32 v61, $0x7  }
0x235: {  	v17 =	vor.u32 v13, v17;
	_ =	sdelay $0x2  }
0x236: {  	s9 =	sadd.s32 $0x3, s1  }
0x237: {  	v14 =	vadd.s32 s9, v14;
	[tilespmem:v62+s13+$0x0] =	vst.idx.msk $0xffff, v19  }
0x238: {  	v63 =	vor.u32 s3, v15;
	v14 =	vshll.u32 v14, $0x7;
	v17 =	vld.idx.msk [tilespmem:v17+s23+$0x0], $0xffff  }
0x239: {  	v13 =	vor.u32 v13, v14;
	_ =	sdelay $0x3  }
0x23a: {  	s12 =	spop (v2sf);
	[tilespmem:v63+s13+$0x0] =	vst.idx.msk $0xffff, v17  }
0x23b: {  	v14 =	vor.u32 s9, v15;
	v13 =	vld.idx.msk [tilespmem:v13+s23+$0x0], $0xffff;
	s1 =	spop (v2sf)  }
0x23c: {  	p0 =	slt.s32 s1, $0x80  }
.Ltmp31:
0x23d: {  	_ = 	snop;
	(pc) =	sbr.rel @p0 .LBB2_48-.Ltmp31, $3  }
0x23e: {  	_ =	sdelay $0x1  }
0x23f: {  	[tilespmem:v14+s13+$0x0] =	vst.idx.msk $0xffff, v13;
	v13 =	vsel vm0, v16, v1  }
0x240: {  	[tilespmem:s12+$0x17B00] =	vst v13  }
0x241: {  	v13 =	vld [tilespmem:$0x17B00]  }
0x242: {  	v14 =	vld [tilespmem:$0x17B10]  }
0x243: {  	v15 =	vld [tilespmem:$0x17B20]  }
0x244: {  	v16 =	vld [tilespmem:$0x17B30]  }
0x245: {  	v17 =	vld [tilespmem:$0x17B40]  }
0x246: {  	[tilespmem:$0x17C00] =	vst v13;
	v13 =	vld [tilespmem:$0x17B50]  }
0x247: {  	[tilespmem:$0x17C10] =	vst v14;
	v14 =	vld [tilespmem:$0x17B60]  }
0x248: {  	[tilespmem:$0x17C20] =	vst v15;
	v15 =	vld [tilespmem:$0x17B70]  }
0x249: {  	[tilespmem:$0x17C30] =	vst v16  }
0x24a: {  	[tilespmem:$0x17C40] =	vst v17  }
0x24b: {  	[tilespmem:$0x17C50] =	vst v13  }
0x24c: {  	p0 =	seq.s32 s1, $0x80;
	[tilespmem:$0x17C60] =	vst v14  }
.Ltmp32:
0x24d: {  	[tilespmem:$0x17C70] =	vst v15;
	(pc) =	sbr.rel @p0 .LBB2_47-.Ltmp32, $4  }
0x24e: {  	[hbm4b:s5+s19] =	stream.indirect.scatter [tilespmem:s13], [sflag:$0x2], $0x80, s14, s19, $0xb8;
	[tilespmem:$0x17C80] =	vst v63  }
0x24f: {  	_ =	swait.ge [sflag:s15], $0x4000  }
0x250: {  	[sflag:s15] =	ssyncset.done $0x0  }
0x251: {  	[sflag:s15] =	ssyncadd.s32 $0xFFFFC000  }
0x252: {  	s2 =	sadd.s32 $0xFFFFFF80, s1  }
0x253: {  	p1 =	sne.s32 s2, $0x1  }
.Ltmp33:
0x254: {  	_ = 	snop;
	(pc) =	sbr.rel @!p1 .LBB2_43-.Ltmp33, $3  }
0x255: {  	_ =	sdelay $0x1  }
0x256: {  	s9 =	simm.s32 $0x17300  }
0x257: {  	p0 =	por $0x0, $0x0;
	v13 =	vld [tilespmem:s9+$0x70];
	s3 =	sadd.s32 $0xFFFFFFFF, s2  }
0x258: {  	v16 =	vld [tilespmem:s9+$0x10]  }
0x259: {  	v18 =	vld [tilespmem:s9+$0x20]  }
0x25a: {  	v19 =	vld [tilespmem:s9+$0x30];
	p1 =	sne.s32 s3, $0x1  }
.Ltmp34:
0x25b: {  	v14 =	vld [tilespmem:s9+$0x40];
	(pc) =	sbr.rel @!p1 .LBB2_46-.Ltmp34, $4  }
0x25c: {  	v15 =	vld [tilespmem:s9+$0x50];
	[tilespmem:s9+$0xFFFFC070] =	vst v13  }
0x25d: {  	[tilespmem:s9+$0xFFFFC010] =	vst v16;
	v16 =	vld [tilespmem:s9+$0x60]  }
0x25e: {  	v17 =	vld [tilespmem:s9+$0x0];
	s12 =	simm.s32 $0x17380;
	[tilespmem:s9+$0xFFFFC020] =	vst v18  }
0x25f: {  	s3 =	sadd.s32 $0xFFFFFFFF, s3;
	p0 =	por $0x1, $0x1;
	v13 =	vld [tilespmem:s12+$0x70];
	[tilespmem:s9+$0xFFFFC030] =	vst v19  }
.LBB2_45:
0x260: {  	p1 =	sne.s32 s3, $0x1;
	v18 =	vld [tilespmem:s12+$0x10];
	[tilespmem:s9+$0xFFFFC040] =	vst v14  }
0x261: {  	v19 =	vld [tilespmem:s12+$0x20];
	[tilespmem:s9+$0xFFFFC050] =	vst v15  }
0x262: {  	v20 =	vld [tilespmem:s12+$0x30];
	[tilespmem:s9+$0xFFFFC060] =	vst v16  }
.Ltmp35:
0x263: {  	v14 =	vld [tilespmem:s12+$0x40];
	[tilespmem:s9+$0xFFFFC000] =	vst v17;
	s9 =	smov.u32 s12;
	(pc) =	sbr.rel @p1 .LBB2_45-.Ltmp35, $4  }
0x264: {  	v15 =	vld [tilespmem:s12+$0x50];
	[tilespmem:s12+$0xFFFFC070] =	vst v13  }
0x265: {  	[tilespmem:s12+$0xFFFFC010] =	vst v18;
	v16 =	vld [tilespmem:s12+$0x60]  }
0x266: {  	s12 =	sadd.s32 $0x80, s12;
	v17 =	vld [tilespmem:s9+$0x0];
	[tilespmem:s9+$0xFFFFC020] =	vst v19  }
0x267: {  	s3 =	sadd.s32 $0xFFFFFFFF, s3;
	v13 =	vld [tilespmem:s12+$0x70];
	[tilespmem:s9+$0xFFFFC030] =	vst v20  }
.Ltmp36:
0x268: {  	_ = 	snop;
	(pc) =	sbr.rel .LBB2_46-.Ltmp36, $1  }
0x269: {  	_ =	sdelay $0x3  }
.LBB2_6:
0x26a: {  	v8 =	vimm.s32 $0x0  }
.LBB2_51:
0x26b: {  	(v2sf) =	vpush v8, $0x0;
	_ =	sdelay $0xe  }
0x26c: {  	s1 =	spop (v2sf)  }
0x26d: {  	p0 =	slt.s32 s1, $0x1  }
.Ltmp37:
0x26e: {  	_ = 	snop;
	(pc) =	sbr.rel @p0 .LBB2_56-.Ltmp37, $2  }
0x26f: {  	_ =	sdelay $0x2  }
0x270: {  	s2 =	rddreg [dreg:$0xb]  }
0x271: {  	s2 =	ssub.s32 $0x80, s1  }
0x272: {  	s3 =	sshra.s32 s2, $0x4  }
0x273: {  	p0 =	slt.s32 s3, $0x1  }
.Ltmp38:
0x274: {  	_ = 	snop;
	(pc) =	sbr.rel @p0 .LBB2_55-.Ltmp38, $1  }
0x275: {  	_ =	sdelay $0x3  }
0x276: {  	p0 =	sne.s32 s3, $0x1  }
.Ltmp39:
0x277: {  	_ = 	snop;
	(pc) =	sbr.rel @!p0 .LBB2_55-.Ltmp39, $3  }
0x278: {  	_ =	sdelay $0x1  }
0x279: {  	s1 =	sadd.s32 $0x17B00, s1  }
0x27a: {  	s3 =	sadd.s32 $0xFFFFFFFF, s3;
	[tilespmem:s1+$0x0] =	vst v1  }
.LBB2_54:
0x27b: {  	p0 =	sne.s32 s3, $0x1  }
.Ltmp40:
0x27c: {  	_ = 	snop;
	(pc) =	sbr.rel @p0 .LBB2_54-.Ltmp40, $3  }
0x27d: {  	_ =	sdelay $0x1  }
0x27e: {  	s3 =	sadd.s32 $0xFFFFFFFF, s3;
	s1 =	sadd.s32 $0x10, s1  }
0x27f: {  	[tilespmem:s1+$0x0] =	vst v1  }
.Ltmp41:
0x280: {  	_ = 	snop;
	(pc) =	sbr.rel .LBB2_55-.Ltmp41, $1  }
0x281: {  	_ =	sdelay $0x3  }
.LBB2_57:
0x282: {  	_ =	sfence.sel $0x180000  }
0x283: {  	[bflag:$0x0] =	sbarrier.arrive $0xFFFF  }
0x284: {  	_ =	strace $0x90000047  }
0x285: {  	s0 =	stileid.u32;
	[bflag:$0x2] =	sbarrier.arrive $0xFFFF  }
0x286: {  	p0 =	sne.s32 s0, $0x0;
	s0 =	rddreg [dreg:$0x5]  }
0x287: {  	s0 =	sadd.s32 @!p0 $0x100000, s0  }
0x288: {  	[sflag:s0] =	ssyncadd.tile.s32 @!p0 $0x1;
	_ =	shalt  }
.Lfunc_end2:
_tile_overlayer_lowered:
.L_overlay_start_2:
0x289: {  	(tag) =	ssettag $0x2  }
0x28a: {  	s0 =	rddreg [dreg:$0x0];
	s2 =	stileid.u32  }
0x28b: {  	s1 =	rddreg [dreg:$0x1];
	p0 =	sne.s32 s2, $0x0  }
0x28c: {  	s3 =	rddreg [dreg:$0x2];
	[bflag:$0x3] =	sbarrier.arrive $0xFFFF;
	s2 =	simm.s32 @!p0 $0x1C03  }
0x28d: {  	[timem:s3], [sflag:s2] =	dma.local @!p0 [hbm:s0], s1  }
0x28e: {  	s0 =	simm.s32 @!p0 $0x3  }
0x28f: {  	_ =	swait.ge @!p0 [sflag:s0], s1  }
0x290: {  	s1 =	ssub.s32 @!p0 $0x0, s1;
	[sflag:s0] =	ssyncset.done @!p0 $0x0  }
0x291: {  	[sflag:s0] =	ssyncadd.s32 @!p0 s1  }
0x292: {  	[bflag:$0x3] =	sbarrier.arrive $0xFFFF  }
0x293: {  	_ =	shalt  }

</sc_bundles>
